<compile_context>
chip_gen: v7x
topology: tpu7x:2x2x1
jax: 0.10.2.dev20260603
libtpu: 0.0.44.dev20260713+nightly
codegen_flags: <defaults>
</compile_context>

<pallas_src>
import functools

import jax
import jax.numpy as jnp
from jax import lax
from jax.experimental import pallas as pl
from jax.experimental.pallas import tpu as pltpu
from jax.experimental.pallas import tpu_sc as plsc

B, N, D, L, V, PAD, R = 8, 512, 128, 4, 32, 0, 6.0
BN = B * N
NT = 32
RPT = BN // NT
CAP = 8192

_HI = jax.lax.Precision.HIGHEST


def _mm(a, b):
    return jax.lax.dot_general(a, b, (((1,), (0,)), ((), ())), precision=_HI)



def _tc0_body(oh_ref, cpad_ref, tok_ref, cx_ref, cy_ref, cz_ref, embed_ref,
              w1_ref, b1_ref, be_ref, we_ref,
              md_ref, x0_ref, y0_ref, deg_ref, u_ref):
    oh = oh_ref[...]
    C = cpad_ref[...]
    ones = jnp.ones((N, D), jnp.float32)
    cxr, cyr, czr = cx_ref[0], cy_ref[0], cz_ref[0]
    cxc, cyc, czc = C[:, 0:1], C[:, 1:2], C[:, 2:3]
    sqi = cxc * cxc + cyc * cyc + czc * czc
    sqj = cxr * cxr + cyr * cyr + czr * czr
    dots = jax.lax.dot_general(C, C, (((1,), (1,)), ((), ())),
                               precision=jax.lax.Precision.DEFAULT)
    d2 = sqi + sqj - 2.0 * dots
    ri = jax.lax.broadcasted_iota(jnp.int32, (N, N), 0)
    rj = jax.lax.broadcasted_iota(jnp.int32, (N, N), 1)
    vi = oh[:, 0:1] < 0.5
    vj = tok_ref[0] != PAD
    adj = (d2 < R * R) & (ri != rj) & vi & vj
    ddx = cxc - cxr
    ddy = cyc - cyr
    ddz = czc - czr
    dist = jnp.sqrt(ddx * ddx + ddy * ddy + ddz * ddz)
    md_ref[...] = jnp.where(adj, dist, -1.0)
    adjf = adj.astype(jnp.float32)
    deg_ref[...] = _mm(adjf, ones)
    x0 = _mm(oh, embed_ref[...])
    x0_ref[...] = x0
    A = w1_ref[0:D, :]
    Bm = w1_ref[D:2 * D, :]
    cvec = _mm(be_ref[...], Bm) + b1_ref[...]
    y0_ref[...] = _mm(x0, A) + cvec
    u_ref[...] = _mm(we_ref[...], Bm)


def _tc0(oh, cpad, tok, cx, cy, cz, embed, w1, b1, be, we):
    blk = lambda shape, imap: pl.BlockSpec(shape, imap)
    return pl.pallas_call(
        _tc0_body,
        grid=(B,),
        in_specs=[
            blk((N, V), lambda b: (b, 0)),
            blk((N, D), lambda b: (b, 0)),
            blk((1, 1, N), lambda b: (b, 0, 0)),
            blk((1, 1, N), lambda b: (b, 0, 0)),
            blk((1, 1, N), lambda b: (b, 0, 0)),
            blk((1, 1, N), lambda b: (b, 0, 0)),
            blk((V, D), lambda b: (0, 0)),
            blk((2 * D, D), lambda b: (0, 0)),
            blk((1, D), lambda b: (0, 0)),
            blk((1, D), lambda b: (0, 0)),
            blk((1, D), lambda b: (0, 0)),
        ],
        out_specs=[
            blk((N, N), lambda b: (b, 0)),
            blk((N, D), lambda b: (b, 0)),
            blk((N, D), lambda b: (b, 0)),
            blk((N, D), lambda b: (b, 0)),
            blk((1, D), lambda b: (0, 0)),
        ],
        out_shape=[
            jax.ShapeDtypeStruct((BN, N), jnp.float32),
            jax.ShapeDtypeStruct((BN, D), jnp.float32),
            jax.ShapeDtypeStruct((BN, D), jnp.float32),
            jax.ShapeDtypeStruct((BN, D), jnp.float32),
            jax.ShapeDtypeStruct((1, D), jnp.float32),
        ],
    )(oh, cpad, tok, cx, cy, cz, embed, w1, b1, be, we)


def _tc_mid_body(x_ref, h_ref, deg_ref, w2_ref, b2_ref, w1_ref, b1_ref,
                 be_ref, we_ref, xn_ref, y_ref, u_ref):
    xn = x_ref[...] + _mm(h_ref[...], w2_ref[...]) + deg_ref[...] * b2_ref[...]
    xn_ref[...] = xn
    A = w1_ref[0:D, :]
    Bm = w1_ref[D:2 * D, :]
    cvec = _mm(be_ref[...], Bm) + b1_ref[...]
    y_ref[...] = _mm(xn, A) + cvec
    u_ref[...] = _mm(we_ref[...], Bm)


def _tc_mid(x, h, deg, w2, b2, w1, b1, be, we):
    blk = lambda shape, imap: pl.BlockSpec(shape, imap)
    return pl.pallas_call(
        _tc_mid_body,
        grid=(B,),
        in_specs=[
            blk((N, D), lambda b: (b, 0)),
            blk((N, D), lambda b: (b, 0)),
            blk((N, D), lambda b: (b, 0)),
            blk((D, D), lambda b: (0, 0)),
            blk((1, D), lambda b: (0, 0)),
            blk((2 * D, D), lambda b: (0, 0)),
            blk((1, D), lambda b: (0, 0)),
            blk((1, D), lambda b: (0, 0)),
            blk((1, D), lambda b: (0, 0)),
        ],
        out_specs=[
            blk((N, D), lambda b: (b, 0)),
            blk((N, D), lambda b: (b, 0)),
            blk((1, D), lambda b: (0, 0)),
        ],
        out_shape=[
            jax.ShapeDtypeStruct((BN, D), jnp.float32),
            jax.ShapeDtypeStruct((BN, D), jnp.float32),
            jax.ShapeDtypeStruct((1, D), jnp.float32),
        ],
    )(x, h, deg, w2, b2, w1, b1, be, we)


def _tc_fin_body(x_ref, h_ref, deg_ref, w2_ref, b2_ref, oh_ref, out_ref):
    xn = x_ref[...] + _mm(h_ref[...], w2_ref[...]) + deg_ref[...] * b2_ref[...]
    vi = oh_ref[:, 0:1] < 0.5
    out_ref[...] = jnp.where(vi, xn, 0.0)


def _tc_fin(x, h, deg, w2, b2, oh):
    blk = lambda shape, imap: pl.BlockSpec(shape, imap)
    return pl.pallas_call(
        _tc_fin_body,
        grid=(B,),
        in_specs=[
            blk((N, D), lambda b: (b, 0)),
            blk((N, D), lambda b: (b, 0)),
            blk((N, D), lambda b: (b, 0)),
            blk((D, D), lambda b: (0, 0)),
            blk((1, D), lambda b: (0, 0)),
            blk((N, V), lambda b: (b, 0)),
        ],
        out_specs=[blk((N, D), lambda b: (b, 0))],
        out_shape=[jax.ShapeDtypeStruct((BN, D), jnp.float32)],
    )(x, h, deg, w2, b2, oh)[0]



_MESH = plsc.VectorSubcoreMesh(core_axis_name="c", subcore_axis_name="s")


def _iota16():
    return jax.lax.broadcasted_iota(jnp.int32, (16,), 0)


@functools.partial(
    pl.kernel,
    out_type=[
        jax.ShapeDtypeStruct((NT, CAP), jnp.int32),
        jax.ShapeDtypeStruct((NT, CAP), jnp.int32),
        jax.ShapeDtypeStruct((NT, CAP), jnp.float32),
        jax.ShapeDtypeStruct((NT, 16), jnp.int32),
    ],
    mesh=_MESH,
    compiler_params=pltpu.CompilerParams(needs_layout_passes=False),
    scratch_types=[
        pltpu.VMEM((RPT, N), jnp.float32),
        pltpu.VMEM((CAP,), jnp.int32),
        pltpu.VMEM((CAP,), jnp.int32),
        pltpu.VMEM((CAP,), jnp.float32),
        pltpu.VMEM((16,), jnp.int32),
    ],
)
def _sc_compact(md_hbm, cols_hbm, rows_hbm, dists_hbm, counts_hbm,
                mdv, colv, rowv, distv, cntv):
    c = lax.axis_index("c")
    s = lax.axis_index("s")
    t = c * 16 + s
    it16 = _iota16()
    pltpu.sync_copy(md_hbm.at[pl.ds(t * RPT, RPT)], mdv)

    def row_body(i, ptr):
        isp = jnp.full((16,), i, jnp.int32)

        @plsc.parallel_loop(0, N // 16, carry=ptr, unroll=8)
        def grp_body(g, ptr):
            jloc = g * 16 + it16
            v = plsc.load_gather(mdv, [isp, jloc])
            m = v >= 0.0
            pos = ptr + jnp.cumsum(m.astype(jnp.int32)) - 1
            mm = m & (pos < CAP)
            plsc.store_scatter(colv, [pos], jloc, mask=mm)
            plsc.store_scatter(rowv, [pos], isp, mask=mm)
            plsc.store_scatter(distv, [pos], v, mask=mm)
            return ptr + plsc.all_reduce_population_count(m)
        return grp_body

    ptr = lax.fori_loop(0, RPT, row_body, jnp.zeros((16,), jnp.int32))
    cntv[...] = jnp.minimum(ptr, CAP)
    pltpu.sync_copy(colv, cols_hbm.at[t])
    pltpu.sync_copy(rowv, rows_hbm.at[t])
    pltpu.sync_copy(distv, dists_hbm.at[t])
    pltpu.sync_copy(cntv, counts_hbm.at[t])


@functools.partial(
    pl.kernel,
    out_type=jax.ShapeDtypeStruct((BN, D), jnp.float32),
    mesh=_MESH,
    compiler_params=pltpu.CompilerParams(needs_layout_passes=False),
    scratch_types=[
        pltpu.VMEM((N, D), jnp.float32),
        pltpu.VMEM((RPT, D), jnp.float32),
        pltpu.VMEM((CAP,), jnp.int32),
        pltpu.VMEM((CAP,), jnp.int32),
        pltpu.VMEM((CAP,), jnp.float32),
        pltpu.VMEM((16,), jnp.int32),
        pltpu.VMEM((1, D), jnp.float32),
    ],
)
def _sc_edge(y_hbm, u_hbm, cols_hbm, rows_hbm, dists_hbm, counts_hbm,
             h_hbm, yv, hloc, cbuf, rbuf, dbuf, cntv, uv):
    c = lax.axis_index("c")
    s = lax.axis_index("s")
    t = c * 16 + s
    b = t >> 2
    it16 = _iota16()
    z16 = jnp.zeros((16,), jnp.int32)
    z16f = jnp.zeros((16,), jnp.float32)
    pltpu.sync_copy(y_hbm.at[pl.ds(b * N, N)], yv)
    pltpu.sync_copy(u_hbm, uv)
    pltpu.sync_copy(cols_hbm.at[t], cbuf)
    pltpu.sync_copy(rows_hbm.at[t], rbuf)
    pltpu.sync_copy(dists_hbm.at[t], dbuf)
    pltpu.sync_copy(counts_hbm.at[t], cntv)
    count = jnp.max(cntv[...])

    uks = [plsc.load_gather(uv, [z16, k * 16 + it16])
           for k in range(D // 16)]
    fks = [k * 16 + it16 for k in range(D // 16)]

    @plsc.parallel_loop(0, RPT)
    def zero_body(r):
        rsp = jnp.full((16,), r, jnp.int32)
        for k in range(D // 16):
            plsc.store_scatter(hloc, [rsp, fks[k]], z16f)

    @plsc.parallel_loop(0, count, unroll=2)
    def e_body(e):
        esp = jnp.full((16,), e, jnp.int32)
        colsp = plsc.load_gather(cbuf, [esp])
        rowsp = plsc.load_gather(rbuf, [esp])
        dsp = plsc.load_gather(dbuf, [esp])
        for k in range(D // 16):
            yk = plsc.load_gather(yv, [colsp, fks[k]])
            hk = jnp.maximum(yk + dsp * uks[k], 0.0)
            plsc.addupdate_scatter(hloc, [rowsp, fks[k]], hk)

    pltpu.sync_copy(hloc, h_hbm.at[pl.ds(t * RPT, RPT)])



def kernel(src_tokens, padded_coordinates, src_distance, src_edge_type,
           embed_tokens, params):
    del src_distance, src_edge_type
    tok = src_tokens.astype(jnp.int32)
    coord = padded_coordinates.astype(jnp.float32).reshape(BN, 3)
    cpad = jnp.pad(coord, ((0, 0), (0, D - 3)))
    oh = (tok.reshape(BN, 1) == jnp.arange(V, dtype=jnp.int32)[None, :]
          ).astype(jnp.float32)
    embed = embed_tokens.astype(jnp.float32)

    def prep(p):
        return (p["W1"], p["b1"].reshape(1, D), p["be"].reshape(1, D),
                p["We"].reshape(1, D), p["W2"], p["b2"].reshape(1, D))

    w1_0, b1_0, be_0, we_0, _, _ = prep(params[0])
    c3 = coord.reshape(B, 1, N, 3)
    md, x, y, deg, u = _tc0(oh, cpad, tok.reshape(B, 1, N),
                            c3[..., 0], c3[..., 1], c3[..., 2], embed,
                            w1_0, b1_0, be_0, we_0)
    cols, rows, dists, counts = _sc_compact(md)

    for l in range(L):
        h = _sc_edge(y, u, cols, rows, dists, counts)
        _, _, _, _, w2, b2 = prep(params[l])
        if l + 1 < L:
            w1n, b1n, ben, wen, _, _ = prep(params[l + 1])
            x, y, u = _tc_mid(x, h, deg, w2, b2, w1n, b1n, ben, wen)
        else:
            out = _tc_fin(x, h, deg, w2, b2, oh)

    encoder_rep = out.reshape(B, N, D)
    padding_mask = src_tokens == PAD
    return (encoder_rep, padding_mask)

# --- scband reference (transcript-rebuilt; emitter-appended) ---
"""Pipeline reference for scband-simple-gear-net-model-37220186587486 (READ-ONLY COPY).

The authoritative reference and input builder live on the scoring server;
editing this copy changes nothing except your own understanding.
"""

import jax, jax.numpy as jnp
import numpy as np

B, N, D, L, V, PAD, R = 8, 512, 128, 4, 32, 0, 6.0
COORD_SCALE = 12.0

MAX_E = B * N * (N - 1)


def _radius_graph(coord, batch, r, valid):
    n = coord.shape[0]
    sq = jnp.sum(coord * coord, axis=-1)
    d2 = sq[:, None] + sq[None, :] - 2.0 * (coord @ coord.T)
    adj = (d2 < r * r) & (batch[:, None] == batch[None, :]) & (~jnp.eye(n, dtype=bool))
    adj = adj & valid[:, None] & valid[None, :]
    row, col = jnp.nonzero(adj, size=MAX_E, fill_value=n)
    return jnp.stack([row, col], axis=0)


def setup_inputs(seed: int = 0) -> dict:
    key = jax.random.key(seed)
    ks = jax.random.split(key, 6 + L)
    src_tokens = jax.random.randint(ks[0], (B, N), 0, V)
    padded_coordinates = jax.random.normal(ks[1], (B, N, 3), dtype=jnp.float32) * COORD_SCALE
    src_distance = jax.random.normal(ks[2], (B, N, N), dtype=jnp.float32)
    src_edge_type = jax.random.randint(ks[3], (B, N, N), 0, 16)
    embed_tokens = (jax.random.normal(ks[4], (V, D), dtype=jnp.float32) * 0.02).at[PAD].set(0.0)
    params = []
    for i in range(L):
        k = jax.random.split(ks[5 + i], 3)
        params.append({
            'We': jax.random.normal(k[0], (1, D), dtype=jnp.float32) * 0.1,
            'be': jnp.zeros((D,), jnp.float32),
            'W1': jax.random.normal(k[1], (2 * D, D), dtype=jnp.float32) / np.sqrt(2.0 * D),
            'b1': jnp.zeros((D,), jnp.float32),
            'W2': jax.random.normal(k[2], (D, D), dtype=jnp.float32) / np.sqrt(1.0 * D),
            'b2': jnp.zeros((D,), jnp.float32),
        })
    return {'src_tokens': src_tokens, 'padded_coordinates': padded_coordinates,
            'src_distance': src_distance, 'src_edge_type': src_edge_type,
            'embed_tokens': embed_tokens, 'params': params}


def reference(src_tokens, padded_coordinates, src_distance, src_edge_type, embed_tokens, params):
    padding_mask = src_tokens == PAD
    x = embed_tokens[src_tokens].reshape(B * N, D)
    coord = padded_coordinates.reshape(B * N, 3)
    batch = jnp.repeat(jnp.arange(B), N)
    mask = ~padding_mask.reshape(-1)
    edge_index = _radius_graph(coord, batch, R, mask)
    row, col = edge_index[0], edge_index[1]
    for p in params:
        dx = coord[row] - coord[col]
        dist = jnp.linalg.norm(dx, axis=-1, keepdims=True)
        edge_attr = dist @ p['We'] + p['be']
        edge_msg = jnp.concatenate([x[col], edge_attr], axis=-1)
        h = jax.nn.relu(edge_msg @ p['W1'] + p['b1'])
        msg = h @ p['W2'] + p['b2']
        agg = jnp.zeros_like(x).at[row].add(msg)
        x = x + agg
    out = jnp.where(mask[:, None], x, jnp.zeros((B * N, D), dtype=x.dtype))
    encoder_rep = out.reshape(B, N, D)
    return (encoder_rep, padding_mask)

if __name__ == "__main__":
    import jax
    _d = setup_inputs()
    print(jax.jit(kernel)(*tuple(_d.values())))

</pallas_src>

<mosaic_0001>
#map = affine_map<(d0, d1) -> (0, 0)>
module attributes {stable_mosaic.version = 14 : i64} {
  func.func @_sc_edge(%arg0: i32, %arg1: i32, %arg2: memref<4096x128xf32, #tpu.memory_space<hbm>>, %arg3: memref<1x128xf32, #tpu.memory_space<hbm>>, %arg4: memref<32x8192xi32, #tpu.memory_space<hbm>>, %arg5: memref<32x8192xi32, #tpu.memory_space<hbm>>, %arg6: memref<32x8192xf32, #tpu.memory_space<hbm>>, %arg7: memref<32x16xi32, #tpu.memory_space<hbm>>, %arg8: memref<4096x128xf32, #tpu.memory_space<hbm>>, %arg9: memref<512x128xf32, #tpu.memory_space<vmem>>, %arg10: memref<128x128xf32, #tpu.memory_space<vmem>>, %arg11: memref<8192xi32, #tpu.memory_space<vmem>>, %arg12: memref<8192xi32, #tpu.memory_space<vmem>>, %arg13: memref<8192xf32, #tpu.memory_space<vmem>>, %arg14: memref<16xi32, #tpu.memory_space<vmem>>, %arg15: memref<1x128xf32, #tpu.memory_space<vmem>>) attributes {dimension_semantics = [#tpu.dimension_semantics<core_parallel>, #tpu.dimension_semantics<subcore_parallel>], iteration_bounds = array<i64: 2, 16>, scalar_prefetch = 0 : i64, scratch_operands = 7 : i64, tpu.core_type = #tpu.core_type<sc_vector_subcore>, window_params = [{transform_indices = #map}, {transform_indices = #map}, {transform_indices = #map}, {transform_indices = #map}, {transform_indices = #map}, {transform_indices = #map}, {transform_indices = #map}]} {
    %mul3A = arith.constant 16 : i32
    %mul3A_0 = arith.muli %arg0, %mul3A : i32
    %add3A = arith.addi %mul3A_0, %arg1 : i32
    %shift_right_arithmetic3A = arith.constant 2 : i32
    %shift_right_arithmetic3A_1 = arith.shrsi %add3A, %shift_right_arithmetic3A : i32
    %iota3A = tpu.iota {dimensions = array<i32: 0>} : vector<16xi32>
    %broadcast_in_dim3A = arith.constant 0 : i32
    %broadcast_in_dim3A_2 = vector.broadcast %broadcast_in_dim3A : i32 to vector<16xi32>
    %broadcast_in_dim3A_3 = arith.constant 0.000000e+00 : f32
    %broadcast_in_dim3A_4 = vector.broadcast %broadcast_in_dim3A_3 : f32 to vector<16xf32>
    %mul3A_5 = arith.constant 512 : i32
    %mul3A_6 = arith.muli %shift_right_arithmetic3A_1, %mul3A_5 : i32
    "tpu.region"() ({
      %run_scoped3A = tpu.sem_alloc : memref<!tpu.dma_semaphore, #tpu.memory_space<semaphore_mem>>
      %dma_start3A = arith.constant 0 : i32
      %dma_start3A_76 = tpu.memref_slice %arg2[%mul3A_6, %dma_start3A] : memref<4096x128xf32, #tpu.memory_space<hbm>> -> memref<512x128xf32, #tpu.memory_space<hbm>>
      %dma_start3A_77 = arith.constant 0 : i32
      %dma_start3A_78 = tpu.memref_slice %arg2[%mul3A_6, %dma_start3A_77] : memref<4096x128xf32, #tpu.memory_space<hbm>> -> memref<512x128xf32, #tpu.memory_space<hbm>>
      tpu.enqueue_dma source(%dma_start3A_78 : memref<512x128xf32, #tpu.memory_space<hbm>>) target(%arg9 : memref<512x128xf32, #tpu.memory_space<vmem>>) target_semaphore(%run_scoped3A : memref<!tpu.dma_semaphore, #tpu.memory_space<semaphore_mem>>)
      %dma_wait3A = arith.constant 0 : i32
      %dma_wait3A_79 = tpu.memref_slice %arg2[%mul3A_6, %dma_wait3A] : memref<4096x128xf32, #tpu.memory_space<hbm>> -> memref<512x128xf32, #tpu.memory_space<hbm>>
      %dma_wait3A_80 = arith.constant 0 : i32
      %dma_wait3A_81 = tpu.memref_slice %arg2[%mul3A_6, %dma_wait3A_80] : memref<4096x128xf32, #tpu.memory_space<hbm>> -> memref<512x128xf32, #tpu.memory_space<hbm>>
      tpu.wait_dma2 semaphore(%run_scoped3A : memref<!tpu.dma_semaphore, #tpu.memory_space<semaphore_mem>>) src(%dma_wait3A_81 : memref<512x128xf32, #tpu.memory_space<hbm>>) dst(%arg9 : memref<512x128xf32, #tpu.memory_space<vmem>>)
      tpu.yield
    }) : () -> ()
    "tpu.region"() ({
      %run_scoped3A = tpu.sem_alloc : memref<!tpu.dma_semaphore, #tpu.memory_space<semaphore_mem>>
      tpu.enqueue_dma source(%arg3 : memref<1x128xf32, #tpu.memory_space<hbm>>) target(%arg15 : memref<1x128xf32, #tpu.memory_space<vmem>>) target_semaphore(%run_scoped3A : memref<!tpu.dma_semaphore, #tpu.memory_space<semaphore_mem>>)
      tpu.wait_dma2 semaphore(%run_scoped3A : memref<!tpu.dma_semaphore, #tpu.memory_space<semaphore_mem>>) src(%arg3 : memref<1x128xf32, #tpu.memory_space<hbm>>) dst(%arg15 : memref<1x128xf32, #tpu.memory_space<vmem>>)
      tpu.yield
    }) : () -> ()
    "tpu.region"() ({
      %run_scoped3A = tpu.sem_alloc : memref<!tpu.dma_semaphore, #tpu.memory_space<semaphore_mem>>
      %dma_start3A = arith.constant 0 : i32
      %dma_start3A_76 = tpu.memref_slice %arg4[%add3A, %dma_start3A] : memref<32x8192xi32, #tpu.memory_space<hbm>> -> memref<1x8192xi32, #tpu.memory_space<hbm>>
      %dma_start3A_77 = tpu.memref_squeeze %dma_start3A_76 : memref<1x8192xi32, #tpu.memory_space<hbm>> -> memref<8192xi32, #tpu.memory_space<hbm>>
      %dma_start3A_78 = arith.constant 0 : i32
      %dma_start3A_79 = tpu.memref_slice %arg4[%add3A, %dma_start3A_78] : memref<32x8192xi32, #tpu.memory_space<hbm>> -> memref<1x8192xi32, #tpu.memory_space<hbm>>
      %dma_start3A_80 = tpu.memref_squeeze %dma_start3A_79 : memref<1x8192xi32, #tpu.memory_space<hbm>> -> memref<8192xi32, #tpu.memory_space<hbm>>
      tpu.enqueue_dma source(%dma_start3A_80 : memref<8192xi32, #tpu.memory_space<hbm>>) target(%arg11 : memref<8192xi32, #tpu.memory_space<vmem>>) target_semaphore(%run_scoped3A : memref<!tpu.dma_semaphore, #tpu.memory_space<semaphore_mem>>)
      %dma_wait3A = arith.constant 0 : i32
      %dma_wait3A_81 = tpu.memref_slice %arg4[%add3A, %dma_wait3A] : memref<32x8192xi32, #tpu.memory_space<hbm>> -> memref<1x8192xi32, #tpu.memory_space<hbm>>
      %dma_wait3A_82 = tpu.memref_squeeze %dma_wait3A_81 : memref<1x8192xi32, #tpu.memory_space<hbm>> -> memref<8192xi32, #tpu.memory_space<hbm>>
      %dma_wait3A_83 = arith.constant 0 : i32
      %dma_wait3A_84 = tpu.memref_slice %arg4[%add3A, %dma_wait3A_83] : memref<32x8192xi32, #tpu.memory_space<hbm>> -> memref<1x8192xi32, #tpu.memory_space<hbm>>
      %dma_wait3A_85 = tpu.memref_squeeze %dma_wait3A_84 : memref<1x8192xi32, #tpu.memory_space<hbm>> -> memref<8192xi32, #tpu.memory_space<hbm>>
      tpu.wait_dma2 semaphore(%run_scoped3A : memref<!tpu.dma_semaphore, #tpu.memory_space<semaphore_mem>>) src(%dma_wait3A_85 : memref<8192xi32, #tpu.memory_space<hbm>>) dst(%arg11 : memref<8192xi32, #tpu.memory_space<vmem>>)
      tpu.yield
    }) : () -> ()
    "tpu.region"() ({
      %run_scoped3A = tpu.sem_alloc : memref<!tpu.dma_semaphore, #tpu.memory_space<semaphore_mem>>
      %dma_start3A = arith.constant 0 : i32
      %dma_start3A_76 = tpu.memref_slice %arg5[%add3A, %dma_start3A] : memref<32x8192xi32, #tpu.memory_space<hbm>> -> memref<1x8192xi32, #tpu.memory_space<hbm>>
      %dma_start3A_77 = tpu.memref_squeeze %dma_start3A_76 : memref<1x8192xi32, #tpu.memory_space<hbm>> -> memref<8192xi32, #tpu.memory_space<hbm>>
      %dma_start3A_78 = arith.constant 0 : i32
      %dma_start3A_79 = tpu.memref_slice %arg5[%add3A, %dma_start3A_78] : memref<32x8192xi32, #tpu.memory_space<hbm>> -> memref<1x8192xi32, #tpu.memory_space<hbm>>
      %dma_start3A_80 = tpu.memref_squeeze %dma_start3A_79 : memref<1x8192xi32, #tpu.memory_space<hbm>> -> memref<8192xi32, #tpu.memory_space<hbm>>
      tpu.enqueue_dma source(%dma_start3A_80 : memref<8192xi32, #tpu.memory_space<hbm>>) target(%arg12 : memref<8192xi32, #tpu.memory_space<vmem>>) target_semaphore(%run_scoped3A : memref<!tpu.dma_semaphore, #tpu.memory_space<semaphore_mem>>)
      %dma_wait3A = arith.constant 0 : i32
      %dma_wait3A_81 = tpu.memref_slice %arg5[%add3A, %dma_wait3A] : memref<32x8192xi32, #tpu.memory_space<hbm>> -> memref<1x8192xi32, #tpu.memory_space<hbm>>
      %dma_wait3A_82 = tpu.memref_squeeze %dma_wait3A_81 : memref<1x8192xi32, #tpu.memory_space<hbm>> -> memref<8192xi32, #tpu.memory_space<hbm>>
      %dma_wait3A_83 = arith.constant 0 : i32
      %dma_wait3A_84 = tpu.memref_slice %arg5[%add3A, %dma_wait3A_83] : memref<32x8192xi32, #tpu.memory_space<hbm>> -> memref<1x8192xi32, #tpu.memory_space<hbm>>
      %dma_wait3A_85 = tpu.memref_squeeze %dma_wait3A_84 : memref<1x8192xi32, #tpu.memory_space<hbm>> -> memref<8192xi32, #tpu.memory_space<hbm>>
      tpu.wait_dma2 semaphore(%run_scoped3A : memref<!tpu.dma_semaphore, #tpu.memory_space<semaphore_mem>>) src(%dma_wait3A_85 : memref<8192xi32, #tpu.memory_space<hbm>>) dst(%arg12 : memref<8192xi32, #tpu.memory_space<vmem>>)
      tpu.yield
    }) : () -> ()
    "tpu.region"() ({
      %run_scoped3A = tpu.sem_alloc : memref<!tpu.dma_semaphore, #tpu.memory_space<semaphore_mem>>
      %dma_start3A = arith.constant 0 : i32
      %dma_start3A_76 = tpu.memref_slice %arg6[%add3A, %dma_start3A] : memref<32x8192xf32, #tpu.memory_space<hbm>> -> memref<1x8192xf32, #tpu.memory_space<hbm>>
      %dma_start3A_77 = tpu.memref_squeeze %dma_start3A_76 : memref<1x8192xf32, #tpu.memory_space<hbm>> -> memref<8192xf32, #tpu.memory_space<hbm>>
      %dma_start3A_78 = arith.constant 0 : i32
      %dma_start3A_79 = tpu.memref_slice %arg6[%add3A, %dma_start3A_78] : memref<32x8192xf32, #tpu.memory_space<hbm>> -> memref<1x8192xf32, #tpu.memory_space<hbm>>
      %dma_start3A_80 = tpu.memref_squeeze %dma_start3A_79 : memref<1x8192xf32, #tpu.memory_space<hbm>> -> memref<8192xf32, #tpu.memory_space<hbm>>
      tpu.enqueue_dma source(%dma_start3A_80 : memref<8192xf32, #tpu.memory_space<hbm>>) target(%arg13 : memref<8192xf32, #tpu.memory_space<vmem>>) target_semaphore(%run_scoped3A : memref<!tpu.dma_semaphore, #tpu.memory_space<semaphore_mem>>)
      %dma_wait3A = arith.constant 0 : i32
      %dma_wait3A_81 = tpu.memref_slice %arg6[%add3A, %dma_wait3A] : memref<32x8192xf32, #tpu.memory_space<hbm>> -> memref<1x8192xf32, #tpu.memory_space<hbm>>
      %dma_wait3A_82 = tpu.memref_squeeze %dma_wait3A_81 : memref<1x8192xf32, #tpu.memory_space<hbm>> -> memref<8192xf32, #tpu.memory_space<hbm>>
      %dma_wait3A_83 = arith.constant 0 : i32
      %dma_wait3A_84 = tpu.memref_slice %arg6[%add3A, %dma_wait3A_83] : memref<32x8192xf32, #tpu.memory_space<hbm>> -> memref<1x8192xf32, #tpu.memory_space<hbm>>
      %dma_wait3A_85 = tpu.memref_squeeze %dma_wait3A_84 : memref<1x8192xf32, #tpu.memory_space<hbm>> -> memref<8192xf32, #tpu.memory_space<hbm>>
      tpu.wait_dma2 semaphore(%run_scoped3A : memref<!tpu.dma_semaphore, #tpu.memory_space<semaphore_mem>>) src(%dma_wait3A_85 : memref<8192xf32, #tpu.memory_space<hbm>>) dst(%arg13 : memref<8192xf32, #tpu.memory_space<vmem>>)
      tpu.yield
    }) : () -> ()
    "tpu.region"() ({
      %run_scoped3A = tpu.sem_alloc : memref<!tpu.dma_semaphore, #tpu.memory_space<semaphore_mem>>
      %dma_start3A = arith.constant 0 : i32
      %dma_start3A_76 = tpu.memref_slice %arg7[%add3A, %dma_start3A] : memref<32x16xi32, #tpu.memory_space<hbm>> -> memref<1x16xi32, #tpu.memory_space<hbm>>
      %dma_start3A_77 = tpu.memref_squeeze %dma_start3A_76 : memref<1x16xi32, #tpu.memory_space<hbm>> -> memref<16xi32, #tpu.memory_space<hbm>>
      %dma_start3A_78 = arith.constant 0 : i32
      %dma_start3A_79 = tpu.memref_slice %arg7[%add3A, %dma_start3A_78] : memref<32x16xi32, #tpu.memory_space<hbm>> -> memref<1x16xi32, #tpu.memory_space<hbm>>
      %dma_start3A_80 = tpu.memref_squeeze %dma_start3A_79 : memref<1x16xi32, #tpu.memory_space<hbm>> -> memref<16xi32, #tpu.memory_space<hbm>>
      tpu.enqueue_dma source(%dma_start3A_80 : memref<16xi32, #tpu.memory_space<hbm>>) target(%arg14 : memref<16xi32, #tpu.memory_space<vmem>>) target_semaphore(%run_scoped3A : memref<!tpu.dma_semaphore, #tpu.memory_space<semaphore_mem>>)
      %dma_wait3A = arith.constant 0 : i32
      %dma_wait3A_81 = tpu.memref_slice %arg7[%add3A, %dma_wait3A] : memref<32x16xi32, #tpu.memory_space<hbm>> -> memref<1x16xi32, #tpu.memory_space<hbm>>
      %dma_wait3A_82 = tpu.memref_squeeze %dma_wait3A_81 : memref<1x16xi32, #tpu.memory_space<hbm>> -> memref<16xi32, #tpu.memory_space<hbm>>
      %dma_wait3A_83 = arith.constant 0 : i32
      %dma_wait3A_84 = tpu.memref_slice %arg7[%add3A, %dma_wait3A_83] : memref<32x16xi32, #tpu.memory_space<hbm>> -> memref<1x16xi32, #tpu.memory_space<hbm>>
      %dma_wait3A_85 = tpu.memref_squeeze %dma_wait3A_84 : memref<1x16xi32, #tpu.memory_space<hbm>> -> memref<16xi32, #tpu.memory_space<hbm>>
      tpu.wait_dma2 semaphore(%run_scoped3A : memref<!tpu.dma_semaphore, #tpu.memory_space<semaphore_mem>>) src(%dma_wait3A_85 : memref<16xi32, #tpu.memory_space<hbm>>) dst(%arg14 : memref<16xi32, #tpu.memory_space<vmem>>)
      tpu.yield
    }) : () -> ()
    %get3A = arith.constant 0 : index
    %get3A_7 = tpu.vector_load %arg14[%get3A] {strides = array<i32>} : memref<16xi32, #tpu.memory_space<vmem>>, vector<16xi32>,
    %reduce_max3A = arith.constant true
    %reduce_max3A_8 = vector.broadcast %reduce_max3A : i1 to vector<16xi1>
    %reduce_max3A_9 = arith.constant -2147483648 : i32
    %reduce_max3A_10 = vector.broadcast %reduce_max3A_9 : i32 to vector<16xi32>
    %reduce_max3A_11 = arith.xori %get3A_7, %reduce_max3A_10 : vector<16xi32>
    %reduce_max3A_12 = tpu.scan <max>, %reduce_max3A_11 masked %reduce_max3A_8 : vector<16xi32>, vector<16xi1> -> vector<16xi32>
    %reduce_max3A_13 = arith.xori %reduce_max3A_12, %reduce_max3A_10 : vector<16xi32>
    %reduce_max3A_14 = vector.extract %reduce_max3A_13[15] : i32 from vector<16xi32>
    %add3A_15 = arith.constant 0 : i32
    %add3A_16 = vector.broadcast %add3A_15 : i32 to vector<16xi32>
    %add3A_17 = arith.addi %add3A_16, %iota3A : vector<16xi32>
    %gather3A = tpu.vector_load_idx %arg15[%broadcast_in_dim3A_2, %add3A_17] : memref<1x128xf32, #tpu.memory_space<vmem>>[vector<16xi32>, vector<16xi32>], vector<16xf32>,
    %add3A_18 = arith.constant 16 : i32
    %add3A_19 = vector.broadcast %add3A_18 : i32 to vector<16xi32>
    %add3A_20 = arith.addi %add3A_19, %iota3A : vector<16xi32>
    %gather3A_21 = tpu.vector_load_idx %arg15[%broadcast_in_dim3A_2, %add3A_20] : memref<1x128xf32, #tpu.memory_space<vmem>>[vector<16xi32>, vector<16xi32>], vector<16xf32>,
    %add3A_22 = arith.constant 32 : i32
    %add3A_23 = vector.broadcast %add3A_22 : i32 to vector<16xi32>
    %add3A_24 = arith.addi %add3A_23, %iota3A : vector<16xi32>
    %gather3A_25 = tpu.vector_load_idx %arg15[%broadcast_in_dim3A_2, %add3A_24] : memref<1x128xf32, #tpu.memory_space<vmem>>[vector<16xi32>, vector<16xi32>], vector<16xf32>,
    %add3A_26 = arith.constant 48 : i32
    %add3A_27 = vector.broadcast %add3A_26 : i32 to vector<16xi32>
    %add3A_28 = arith.addi %add3A_27, %iota3A : vector<16xi32>
    %gather3A_29 = tpu.vector_load_idx %arg15[%broadcast_in_dim3A_2, %add3A_28] : memref<1x128xf32, #tpu.memory_space<vmem>>[vector<16xi32>, vector<16xi32>], vector<16xf32>,
    %add3A_30 = arith.constant 64 : i32
    %add3A_31 = vector.broadcast %add3A_30 : i32 to vector<16xi32>
    %add3A_32 = arith.addi %add3A_31, %iota3A : vector<16xi32>
    %gather3A_33 = tpu.vector_load_idx %arg15[%broadcast_in_dim3A_2, %add3A_32] : memref<1x128xf32, #tpu.memory_space<vmem>>[vector<16xi32>, vector<16xi32>], vector<16xf32>,
    %add3A_34 = arith.constant 80 : i32
    %add3A_35 = vector.broadcast %add3A_34 : i32 to vector<16xi32>
    %add3A_36 = arith.addi %add3A_35, %iota3A : vector<16xi32>
    %gather3A_37 = tpu.vector_load_idx %arg15[%broadcast_in_dim3A_2, %add3A_36] : memref<1x128xf32, #tpu.memory_space<vmem>>[vector<16xi32>, vector<16xi32>], vector<16xf32>,
    %add3A_38 = arith.constant 96 : i32
    %add3A_39 = vector.broadcast %add3A_38 : i32 to vector<16xi32>
    %add3A_40 = arith.addi %add3A_39, %iota3A : vector<16xi32>
    %gather3A_41 = tpu.vector_load_idx %arg15[%broadcast_in_dim3A_2, %add3A_40] : memref<1x128xf32, #tpu.memory_space<vmem>>[vector<16xi32>, vector<16xi32>], vector<16xf32>,
    %add3A_42 = arith.constant 112 : i32
    %add3A_43 = vector.broadcast %add3A_42 : i32 to vector<16xi32>
    %add3A_44 = arith.addi %add3A_43, %iota3A : vector<16xi32>
    %gather3A_45 = tpu.vector_load_idx %arg15[%broadcast_in_dim3A_2, %add3A_44] : memref<1x128xf32, #tpu.memory_space<vmem>>[vector<16xi32>, vector<16xi32>], vector<16xf32>,
    %add3A_46 = arith.constant 0 : i32
    %add3A_47 = vector.broadcast %add3A_46 : i32 to vector<16xi32>
    %add3A_48 = arith.addi %add3A_47, %iota3A : vector<16xi32>
    %add3A_49 = arith.constant 16 : i32
    %add3A_50 = vector.broadcast %add3A_49 : i32 to vector<16xi32>
    %add3A_51 = arith.addi %add3A_50, %iota3A : vector<16xi32>
    %add3A_52 = arith.constant 32 : i32
    %add3A_53 = vector.broadcast %add3A_52 : i32 to vector<16xi32>
    %add3A_54 = arith.addi %add3A_53, %iota3A : vector<16xi32>
    %add3A_55 = arith.constant 48 : i32
    %add3A_56 = vector.broadcast %add3A_55 : i32 to vector<16xi32>
    %add3A_57 = arith.addi %add3A_56, %iota3A : vector<16xi32>
    %add3A_58 = arith.constant 64 : i32
    %add3A_59 = vector.broadcast %add3A_58 : i32 to vector<16xi32>
    %add3A_60 = arith.addi %add3A_59, %iota3A : vector<16xi32>
    %add3A_61 = arith.constant 80 : i32
    %add3A_62 = vector.broadcast %add3A_61 : i32 to vector<16xi32>
    %add3A_63 = arith.addi %add3A_62, %iota3A : vector<16xi32>
    %add3A_64 = arith.constant 96 : i32
    %add3A_65 = vector.broadcast %add3A_64 : i32 to vector<16xi32>
    %add3A_66 = arith.addi %add3A_65, %iota3A : vector<16xi32>
    %add3A_67 = arith.constant 112 : i32
    %add3A_68 = vector.broadcast %add3A_67 : i32 to vector<16xi32>
    %add3A_69 = arith.addi %add3A_68, %iota3A : vector<16xi32>
    %parallel_loop3A = arith.constant 0 : i32
    %parallel_loop3A_70 = arith.constant 128 : i32
    %parallel_loop3A_71 = arith.constant 1 : i32
    scf.for %parallel_loop3A_76 = %parallel_loop3A to %parallel_loop3A_70 step %parallel_loop3A_71  : i32 {
      %parallel_loop3A_77 = vector.broadcast %parallel_loop3A_76 : i32 to vector<16xi32>
      tpu.vector_store_idx %arg10[%parallel_loop3A_77, %add3A_48], %broadcast_in_dim3A_4 : memref<128x128xf32, #tpu.memory_space<vmem>>[vector<16xi32>, vector<16xi32>], vector<16xf32>,
      tpu.vector_store_idx %arg10[%parallel_loop3A_77, %add3A_51], %broadcast_in_dim3A_4 : memref<128x128xf32, #tpu.memory_space<vmem>>[vector<16xi32>, vector<16xi32>], vector<16xf32>,
      tpu.vector_store_idx %arg10[%parallel_loop3A_77, %add3A_54], %broadcast_in_dim3A_4 : memref<128x128xf32, #tpu.memory_space<vmem>>[vector<16xi32>, vector<16xi32>], vector<16xf32>,
      tpu.vector_store_idx %arg10[%parallel_loop3A_77, %add3A_57], %broadcast_in_dim3A_4 : memref<128x128xf32, #tpu.memory_space<vmem>>[vector<16xi32>, vector<16xi32>], vector<16xf32>,
      tpu.vector_store_idx %arg10[%parallel_loop3A_77, %add3A_60], %broadcast_in_dim3A_4 : memref<128x128xf32, #tpu.memory_space<vmem>>[vector<16xi32>, vector<16xi32>], vector<16xf32>,
      tpu.vector_store_idx %arg10[%parallel_loop3A_77, %add3A_63], %broadcast_in_dim3A_4 : memref<128x128xf32, #tpu.memory_space<vmem>>[vector<16xi32>, vector<16xi32>], vector<16xf32>,
      tpu.vector_store_idx %arg10[%parallel_loop3A_77, %add3A_66], %broadcast_in_dim3A_4 : memref<128x128xf32, #tpu.memory_space<vmem>>[vector<16xi32>, vector<16xi32>], vector<16xf32>,
      tpu.vector_store_idx %arg10[%parallel_loop3A_77, %add3A_69], %broadcast_in_dim3A_4 : memref<128x128xf32, #tpu.memory_space<vmem>>[vector<16xi32>, vector<16xi32>], vector<16xf32>,
    } {sc.loop_unroll_factor = 1 : i64, sc.parallel_access}
    %parallel_loop3A_72 = arith.constant 0 : i32
    %parallel_loop3A_73 = arith.constant 1 : i32
    scf.for %parallel_loop3A_76 = %parallel_loop3A_72 to %reduce_max3A_14 step %parallel_loop3A_73  : i32 {
      %parallel_loop3A_77 = vector.broadcast %parallel_loop3A_76 : i32 to vector<16xi32>
      %parallel_loop3A_78 = tpu.vector_load_idx %arg11[%parallel_loop3A_77] : memref<8192xi32, #tpu.memory_space<vmem>>[vector<16xi32>], vector<16xi32>,
      %parallel_loop3A_79 = tpu.vector_load_idx %arg12[%parallel_loop3A_77] : memref<8192xi32, #tpu.memory_space<vmem>>[vector<16xi32>], vector<16xi32>,
      %parallel_loop3A_80 = tpu.vector_load_idx %arg13[%parallel_loop3A_77] : memref<8192xf32, #tpu.memory_space<vmem>>[vector<16xi32>], vector<16xf32>,
      %parallel_loop3A_81 = tpu.vector_load_idx %arg9[%parallel_loop3A_78, %add3A_48] : memref<512x128xf32, #tpu.memory_space<vmem>>[vector<16xi32>, vector<16xi32>], vector<16xf32>,
      %parallel_loop3A_82 = arith.mulf %parallel_loop3A_80, %gather3A : vector<16xf32>
      %parallel_loop3A_83 = arith.addf %parallel_loop3A_81, %parallel_loop3A_82 : vector<16xf32>
      %parallel_loop3A_84 = arith.constant 0.000000e+00 : f32
      %parallel_loop3A_85 = vector.broadcast %parallel_loop3A_84 : f32 to vector<16xf32>
      %parallel_loop3A_86 = arith.maximumf %parallel_loop3A_83, %parallel_loop3A_85 : vector<16xf32>
      tpu.vector_store_idx %arg10[%parallel_loop3A_79, %add3A_48], %parallel_loop3A_86 {add = true} : memref<128x128xf32, #tpu.memory_space<vmem>>[vector<16xi32>, vector<16xi32>], vector<16xf32>,
      %parallel_loop3A_87 = tpu.vector_load_idx %arg9[%parallel_loop3A_78, %add3A_51] : memref<512x128xf32, #tpu.memory_space<vmem>>[vector<16xi32>, vector<16xi32>], vector<16xf32>,
      %parallel_loop3A_88 = arith.mulf %parallel_loop3A_80, %gather3A_21 : vector<16xf32>
      %parallel_loop3A_89 = arith.addf %parallel_loop3A_87, %parallel_loop3A_88 : vector<16xf32>
      %parallel_loop3A_90 = arith.constant 0.000000e+00 : f32
      %parallel_loop3A_91 = vector.broadcast %parallel_loop3A_90 : f32 to vector<16xf32>
      %parallel_loop3A_92 = arith.maximumf %parallel_loop3A_89, %parallel_loop3A_91 : vector<16xf32>
      tpu.vector_store_idx %arg10[%parallel_loop3A_79, %add3A_51], %parallel_loop3A_92 {add = true} : memref<128x128xf32, #tpu.memory_space<vmem>>[vector<16xi32>, vector<16xi32>], vector<16xf32>,
      %parallel_loop3A_93 = tpu.vector_load_idx %arg9[%parallel_loop3A_78, %add3A_54] : memref<512x128xf32, #tpu.memory_space<vmem>>[vector<16xi32>, vector<16xi32>], vector<16xf32>,
      %parallel_loop3A_94 = arith.mulf %parallel_loop3A_80, %gather3A_25 : vector<16xf32>
      %parallel_loop3A_95 = arith.addf %parallel_loop3A_93, %parallel_loop3A_94 : vector<16xf32>
      %parallel_loop3A_96 = arith.constant 0.000000e+00 : f32
      %parallel_loop3A_97 = vector.broadcast %parallel_loop3A_96 : f32 to vector<16xf32>
      %parallel_loop3A_98 = arith.maximumf %parallel_loop3A_95, %parallel_loop3A_97 : vector<16xf32>
      tpu.vector_store_idx %arg10[%parallel_loop3A_79, %add3A_54], %parallel_loop3A_98 {add = true} : memref<128x128xf32, #tpu.memory_space<vmem>>[vector<16xi32>, vector<16xi32>], vector<16xf32>,
      %parallel_loop3A_99 = tpu.vector_load_idx %arg9[%parallel_loop3A_78, %add3A_57] : memref<512x128xf32, #tpu.memory_space<vmem>>[vector<16xi32>, vector<16xi32>], vector<16xf32>,
      %parallel_loop3A_100 = arith.mulf %parallel_loop3A_80, %gather3A_29 : vector<16xf32>
      %parallel_loop3A_101 = arith.addf %parallel_loop3A_99, %parallel_loop3A_100 : vector<16xf32>
      %parallel_loop3A_102 = arith.constant 0.000000e+00 : f32
      %parallel_loop3A_103 = vector.broadcast %parallel_loop3A_102 : f32 to vector<16xf32>
      %parallel_loop3A_104 = arith.maximumf %parallel_loop3A_101, %parallel_loop3A_103 : vector<16xf32>
      tpu.vector_store_idx %arg10[%parallel_loop3A_79, %add3A_57], %parallel_loop3A_104 {add = true} : memref<128x128xf32, #tpu.memory_space<vmem>>[vector<16xi32>, vector<16xi32>], vector<16xf32>,
      %parallel_loop3A_105 = tpu.vector_load_idx %arg9[%parallel_loop3A_78, %add3A_60] : memref<512x128xf32, #tpu.memory_space<vmem>>[vector<16xi32>, vector<16xi32>], vector<16xf32>,
      %parallel_loop3A_106 = arith.mulf %parallel_loop3A_80, %gather3A_33 : vector<16xf32>
      %parallel_loop3A_107 = arith.addf %parallel_loop3A_105, %parallel_loop3A_106 : vector<16xf32>
      %parallel_loop3A_108 = arith.constant 0.000000e+00 : f32
      %parallel_loop3A_109 = vector.broadcast %parallel_loop3A_108 : f32 to vector<16xf32>
      %parallel_loop3A_110 = arith.maximumf %parallel_loop3A_107, %parallel_loop3A_109 : vector<16xf32>
      tpu.vector_store_idx %arg10[%parallel_loop3A_79, %add3A_60], %parallel_loop3A_110 {add = true} : memref<128x128xf32, #tpu.memory_space<vmem>>[vector<16xi32>, vector<16xi32>], vector<16xf32>,
      %parallel_loop3A_111 = tpu.vector_load_idx %arg9[%parallel_loop3A_78, %add3A_63] : memref<512x128xf32, #tpu.memory_space<vmem>>[vector<16xi32>, vector<16xi32>], vector<16xf32>,
      %parallel_loop3A_112 = arith.mulf %parallel_loop3A_80, %gather3A_37 : vector<16xf32>
      %parallel_loop3A_113 = arith.addf %parallel_loop3A_111, %parallel_loop3A_112 : vector<16xf32>
      %parallel_loop3A_114 = arith.constant 0.000000e+00 : f32
      %parallel_loop3A_115 = vector.broadcast %parallel_loop3A_114 : f32 to vector<16xf32>
      %parallel_loop3A_116 = arith.maximumf %parallel_loop3A_113, %parallel_loop3A_115 : vector<16xf32>
      tpu.vector_store_idx %arg10[%parallel_loop3A_79, %add3A_63], %parallel_loop3A_116 {add = true} : memref<128x128xf32, #tpu.memory_space<vmem>>[vector<16xi32>, vector<16xi32>], vector<16xf32>,
      %parallel_loop3A_117 = tpu.vector_load_idx %arg9[%parallel_loop3A_78, %add3A_66] : memref<512x128xf32, #tpu.memory_space<vmem>>[vector<16xi32>, vector<16xi32>], vector<16xf32>,
      %parallel_loop3A_118 = arith.mulf %parallel_loop3A_80, %gather3A_41 : vector<16xf32>
      %parallel_loop3A_119 = arith.addf %parallel_loop3A_117, %parallel_loop3A_118 : vector<16xf32>
      %parallel_loop3A_120 = arith.constant 0.000000e+00 : f32
      %parallel_loop3A_121 = vector.broadcast %parallel_loop3A_120 : f32 to vector<16xf32>
      %parallel_loop3A_122 = arith.maximumf %parallel_loop3A_119, %parallel_loop3A_121 : vector<16xf32>
      tpu.vector_store_idx %arg10[%parallel_loop3A_79, %add3A_66], %parallel_loop3A_122 {add = true} : memref<128x128xf32, #tpu.memory_space<vmem>>[vector<16xi32>, vector<16xi32>], vector<16xf32>,
      %parallel_loop3A_123 = tpu.vector_load_idx %arg9[%parallel_loop3A_78, %add3A_69] : memref<512x128xf32, #tpu.memory_space<vmem>>[vector<16xi32>, vector<16xi32>], vector<16xf32>,
      %parallel_loop3A_124 = arith.mulf %parallel_loop3A_80, %gather3A_45 : vector<16xf32>
      %parallel_loop3A_125 = arith.addf %parallel_loop3A_123, %parallel_loop3A_124 : vector<16xf32>
      %parallel_loop3A_126 = arith.constant 0.000000e+00 : f32
      %parallel_loop3A_127 = vector.broadcast %parallel_loop3A_126 : f32 to vector<16xf32>
      %parallel_loop3A_128 = arith.maximumf %parallel_loop3A_125, %parallel_loop3A_127 : vector<16xf32>
      tpu.vector_store_idx %arg10[%parallel_loop3A_79, %add3A_69], %parallel_loop3A_128 {add = true} : memref<128x128xf32, #tpu.memory_space<vmem>>[vector<16xi32>, vector<16xi32>], vector<16xf32>,
    } {sc.loop_unroll_factor = 2 : i64, sc.parallel_access}
    %mul3A_74 = arith.constant 128 : i32
    %mul3A_75 = arith.muli %add3A, %mul3A_74 : i32
    "tpu.region"() ({
      %run_scoped3A = tpu.sem_alloc : memref<!tpu.dma_semaphore, #tpu.memory_space<semaphore_mem>>
      %dma_start3A = arith.constant 0 : i32
      %dma_start3A_76 = tpu.memref_slice %arg8[%mul3A_75, %dma_start3A] : memref<4096x128xf32, #tpu.memory_space<hbm>> -> memref<128x128xf32, #tpu.memory_space<hbm>>
      %dma_start3A_77 = arith.constant 0 : i32
      %dma_start3A_78 = tpu.memref_slice %arg8[%mul3A_75, %dma_start3A_77] : memref<4096x128xf32, #tpu.memory_space<hbm>> -> memref<128x128xf32, #tpu.memory_space<hbm>>
      tpu.enqueue_dma source(%arg10 : memref<128x128xf32, #tpu.memory_space<vmem>>) target(%dma_start3A_78 : memref<128x128xf32, #tpu.memory_space<hbm>>) target_semaphore(%run_scoped3A : memref<!tpu.dma_semaphore, #tpu.memory_space<semaphore_mem>>)
      %dma_wait3A = arith.constant 0 : i32
      %dma_wait3A_79 = tpu.memref_slice %arg8[%mul3A_75, %dma_wait3A] : memref<4096x128xf32, #tpu.memory_space<hbm>> -> memref<128x128xf32, #tpu.memory_space<hbm>>
      %dma_wait3A_80 = arith.constant 0 : i32
      %dma_wait3A_81 = tpu.memref_slice %arg8[%mul3A_75, %dma_wait3A_80] : memref<4096x128xf32, #tpu.memory_space<hbm>> -> memref<128x128xf32, #tpu.memory_space<hbm>>
      tpu.wait_dma2 semaphore(%run_scoped3A : memref<!tpu.dma_semaphore, #tpu.memory_space<semaphore_mem>>) src(%arg10 : memref<128x128xf32, #tpu.memory_space<vmem>>) dst(%dma_wait3A_81 : memref<128x128xf32, #tpu.memory_space<hbm>>)
      tpu.yield
    }) : () -> ()
    return
  }
}

#map = affine_map<(d0, d1) -> (0, 0)>
module attributes {stable_mosaic.version = 14 : i64} {
  func.func @_sc_compact(%arg0: i32, %arg1: i32, %arg2: memref<4096x512xf32, #tpu.memory_space<hbm>>, %arg3: memref<32x8192xi32, #tpu.memory_space<hbm>>, %arg4: memref<32x8192xi32, #tpu.memory_space<hbm>>, %arg5: memref<32x8192xf32, #tpu.memory_space<hbm>>, %arg6: memref<32x16xi32, #tpu.memory_space<hbm>>, %arg7: memref<128x512xf32, #tpu.memory_space<vmem>>, %arg8: memref<8192xi32, #tpu.memory_space<vmem>>, %arg9: memref<8192xi32, #tpu.memory_space<vmem>>, %arg10: memref<8192xf32, #tpu.memory_space<vmem>>, %arg11: memref<16xi32, #tpu.memory_space<vmem>>) attributes {dimension_semantics = [#tpu.dimension_semantics<core_parallel>, #tpu.dimension_semantics<subcore_parallel>], iteration_bounds = array<i64: 2, 16>, scalar_prefetch = 0 : i64, scratch_operands = 5 : i64, tpu.core_type = #tpu.core_type<sc_vector_subcore>, window_params = [{transform_indices = #map}, {transform_indices = #map}, {transform_indices = #map}, {transform_indices = #map}, {transform_indices = #map}]} {
    %mul3A = arith.constant 16 : i32
    %mul3A_0 = arith.muli %arg0, %mul3A : i32
    %add3A = arith.addi %mul3A_0, %arg1 : i32
    %iota3A = tpu.iota {dimensions = array<i32: 0>} : vector<16xi32>
    %mul3A_1 = arith.constant 128 : i32
    %mul3A_2 = arith.muli %add3A, %mul3A_1 : i32
    "tpu.region"() ({
      %run_scoped3A = tpu.sem_alloc : memref<!tpu.dma_semaphore, #tpu.memory_space<semaphore_mem>>
      %dma_start3A = arith.constant 0 : i32
      %dma_start3A_12 = tpu.memref_slice %arg2[%mul3A_2, %dma_start3A] : memref<4096x512xf32, #tpu.memory_space<hbm>> -> memref<128x512xf32, #tpu.memory_space<hbm>>
      %dma_start3A_13 = arith.constant 0 : i32
      %dma_start3A_14 = tpu.memref_slice %arg2[%mul3A_2, %dma_start3A_13] : memref<4096x512xf32, #tpu.memory_space<hbm>> -> memref<128x512xf32, #tpu.memory_space<hbm>>
      tpu.enqueue_dma source(%dma_start3A_14 : memref<128x512xf32, #tpu.memory_space<hbm>>) target(%arg7 : memref<128x512xf32, #tpu.memory_space<vmem>>) target_semaphore(%run_scoped3A : memref<!tpu.dma_semaphore, #tpu.memory_space<semaphore_mem>>)
      %dma_wait3A = arith.constant 0 : i32
      %dma_wait3A_15 = tpu.memref_slice %arg2[%mul3A_2, %dma_wait3A] : memref<4096x512xf32, #tpu.memory_space<hbm>> -> memref<128x512xf32, #tpu.memory_space<hbm>>
      %dma_wait3A_16 = arith.constant 0 : i32
      %dma_wait3A_17 = tpu.memref_slice %arg2[%mul3A_2, %dma_wait3A_16] : memref<4096x512xf32, #tpu.memory_space<hbm>> -> memref<128x512xf32, #tpu.memory_space<hbm>>
      tpu.wait_dma2 semaphore(%run_scoped3A : memref<!tpu.dma_semaphore, #tpu.memory_space<semaphore_mem>>) src(%dma_wait3A_17 : memref<128x512xf32, #tpu.memory_space<hbm>>) dst(%arg7 : memref<128x512xf32, #tpu.memory_space<vmem>>)
      tpu.yield
    }) : () -> ()
    %broadcast_in_dim3A = arith.constant 0 : i32
    %broadcast_in_dim3A_3 = vector.broadcast %broadcast_in_dim3A : i32 to vector<16xi32>
    %scan3A = arith.constant 0 : i32
    %scan3A_4 = arith.constant 128 : i32
    %scan3A_5 = arith.addi %scan3A, %scan3A_4 : i32
    %scan3A_6 = arith.constant 1 : i32
    %scan3A_7 = scf.for %scan3A_12 = %scan3A to %scan3A_5 step %scan3A_6 iter_args(%scan3A_13 = %broadcast_in_dim3A_3) -> (vector<16xi32>)  : i32 {
      %broadcast_in_dim3A_14 = vector.broadcast %scan3A_12 : i32 to vector<16xi32>
      %parallel_loop3A = arith.constant 0 : i32
      %parallel_loop3A_15 = arith.constant 32 : i32
      %parallel_loop3A_16 = arith.constant 1 : i32
      %parallel_loop3A_17 = scf.for %parallel_loop3A_18 = %parallel_loop3A to %parallel_loop3A_15 step %parallel_loop3A_16 iter_args(%parallel_loop3A_19 = %scan3A_13) -> (vector<16xi32>)  : i32 {
        %parallel_loop3A_20 = arith.constant 16 : i32
        %parallel_loop3A_21 = arith.muli %parallel_loop3A_18, %parallel_loop3A_20 : i32
        %parallel_loop3A_22 = vector.broadcast %parallel_loop3A_21 : i32 to vector<16xi32>
        %parallel_loop3A_23 = arith.addi %parallel_loop3A_22, %iota3A : vector<16xi32>
        %parallel_loop3A_24 = tpu.vector_load_idx %arg7[%broadcast_in_dim3A_14, %parallel_loop3A_23] : memref<128x512xf32, #tpu.memory_space<vmem>>[vector<16xi32>, vector<16xi32>], vector<16xf32>,
        %parallel_loop3A_25 = arith.constant 0.000000e+00 : f32
        %parallel_loop3A_26 = vector.broadcast %parallel_loop3A_25 : f32 to vector<16xf32>
        %parallel_loop3A_27 = arith.cmpf oge, %parallel_loop3A_24, %parallel_loop3A_26 : vector<16xf32>
        %parallel_loop3A_28 = arith.extui %parallel_loop3A_27 : vector<16xi1> to vector<16xi32>
        %parallel_loop3A_29 = arith.constant true
        %parallel_loop3A_30 = vector.broadcast %parallel_loop3A_29 : i1 to vector<16xi1>
        %parallel_loop3A_31 = tpu.scan <sum>, %parallel_loop3A_28 masked %parallel_loop3A_30 : vector<16xi32>, vector<16xi1> -> vector<16xi32>
        %parallel_loop3A_32 = arith.addi %parallel_loop3A_19, %parallel_loop3A_31 : vector<16xi32>
        %parallel_loop3A_33 = arith.constant 1 : i32
        %parallel_loop3A_34 = vector.broadcast %parallel_loop3A_33 : i32 to vector<16xi32>
        %parallel_loop3A_35 = arith.subi %parallel_loop3A_32, %parallel_loop3A_34 : vector<16xi32>
        %parallel_loop3A_36 = arith.constant 8192 : i32
        %parallel_loop3A_37 = vector.broadcast %parallel_loop3A_36 : i32 to vector<16xi32>
        %parallel_loop3A_38 = arith.cmpi slt, %parallel_loop3A_35, %parallel_loop3A_37 : vector<16xi32>
        %parallel_loop3A_39 = arith.andi %parallel_loop3A_27, %parallel_loop3A_38 : vector<16xi1>
        tpu.vector_store_idx %arg8[%parallel_loop3A_35], %parallel_loop3A_23 masked %parallel_loop3A_39 : memref<8192xi32, #tpu.memory_space<vmem>>[vector<16xi32>], vector<16xi32>, vector<16xi1>
        tpu.vector_store_idx %arg9[%parallel_loop3A_35], %broadcast_in_dim3A_14 masked %parallel_loop3A_39 : memref<8192xi32, #tpu.memory_space<vmem>>[vector<16xi32>], vector<16xi32>, vector<16xi1>
        tpu.vector_store_idx %arg10[%parallel_loop3A_35], %parallel_loop3A_24 masked %parallel_loop3A_39 : memref<8192xf32, #tpu.memory_space<vmem>>[vector<16xi32>], vector<16xf32>, vector<16xi1>
        %parallel_loop3A_40 = tpu.all_reduce %parallel_loop3A_27 {dim = 0 : i64, kind = #tpu.reduction_kind<sum>} : vector<16xi1> -> vector<16xi32>
        %parallel_loop3A_41 = arith.addi %parallel_loop3A_19, %parallel_loop3A_40 : vector<16xi32>
        scf.yield %parallel_loop3A_41 : vector<16xi32>
      } {sc.loop_unroll_factor = 8 : i64, sc.parallel_access}
      scf.yield %parallel_loop3A_17 : vector<16xi32>
    }
    %scan3A_8 = arith.constant 128 : i32
    %min3A = arith.constant 8192 : i32
    %min3A_9 = vector.broadcast %min3A : i32 to vector<16xi32>
    %min3A_10 = arith.minsi %scan3A_7, %min3A_9 : vector<16xi32>
    %swap3A = arith.constant 0 : index
    %swap3A_11 = tpu.vector_load %arg11[%swap3A] {strides = array<i32>} : memref<16xi32, #tpu.memory_space<vmem>>, vector<16xi32>,
    tpu.vector_store %arg11[%swap3A], %min3A_10 {strides = array<i32>} : memref<16xi32, #tpu.memory_space<vmem>>, vector<16xi32>,
    "tpu.region"() ({
      %run_scoped3A = tpu.sem_alloc : memref<!tpu.dma_semaphore, #tpu.memory_space<semaphore_mem>>
      %dma_start3A = arith.constant 0 : i32
      %dma_start3A_12 = tpu.memref_slice %arg3[%add3A, %dma_start3A] : memref<32x8192xi32, #tpu.memory_space<hbm>> -> memref<1x8192xi32, #tpu.memory_space<hbm>>
      %dma_start3A_13 = tpu.memref_squeeze %dma_start3A_12 : memref<1x8192xi32, #tpu.memory_space<hbm>> -> memref<8192xi32, #tpu.memory_space<hbm>>
      %dma_start3A_14 = arith.constant 0 : i32
      %dma_start3A_15 = tpu.memref_slice %arg3[%add3A, %dma_start3A_14] : memref<32x8192xi32, #tpu.memory_space<hbm>> -> memref<1x8192xi32, #tpu.memory_space<hbm>>
      %dma_start3A_16 = tpu.memref_squeeze %dma_start3A_15 : memref<1x8192xi32, #tpu.memory_space<hbm>> -> memref<8192xi32, #tpu.memory_space<hbm>>
      tpu.enqueue_dma source(%arg8 : memref<8192xi32, #tpu.memory_space<vmem>>) target(%dma_start3A_16 : memref<8192xi32, #tpu.memory_space<hbm>>) target_semaphore(%run_scoped3A : memref<!tpu.dma_semaphore, #tpu.memory_space<semaphore_mem>>)
      %dma_wait3A = arith.constant 0 : i32
      %dma_wait3A_17 = tpu.memref_slice %arg3[%add3A, %dma_wait3A] : memref<32x8192xi32, #tpu.memory_space<hbm>> -> memref<1x8192xi32, #tpu.memory_space<hbm>>
      %dma_wait3A_18 = tpu.memref_squeeze %dma_wait3A_17 : memref<1x8192xi32, #tpu.memory_space<hbm>> -> memref<8192xi32, #tpu.memory_space<hbm>>
      %dma_wait3A_19 = arith.constant 0 : i32
      %dma_wait3A_20 = tpu.memref_slice %arg3[%add3A, %dma_wait3A_19] : memref<32x8192xi32, #tpu.memory_space<hbm>> -> memref<1x8192xi32, #tpu.memory_space<hbm>>
      %dma_wait3A_21 = tpu.memref_squeeze %dma_wait3A_20 : memref<1x8192xi32, #tpu.memory_space<hbm>> -> memref<8192xi32, #tpu.memory_space<hbm>>
      tpu.wait_dma2 semaphore(%run_scoped3A : memref<!tpu.dma_semaphore, #tpu.memory_space<semaphore_mem>>) src(%arg8 : memref<8192xi32, #tpu.memory_space<vmem>>) dst(%dma_wait3A_21 : memref<8192xi32, #tpu.memory_space<hbm>>)
      tpu.yield
    }) : () -> ()
    "tpu.region"() ({
      %run_scoped3A = tpu.sem_alloc : memref<!tpu.dma_semaphore, #tpu.memory_space<semaphore_mem>>
      %dma_start3A = arith.constant 0 : i32
      %dma_start3A_12 = tpu.memref_slice %arg4[%add3A, %dma_start3A] : memref<32x8192xi32, #tpu.memory_space<hbm>> -> memref<1x8192xi32, #tpu.memory_space<hbm>>
      %dma_start3A_13 = tpu.memref_squeeze %dma_start3A_12 : memref<1x8192xi32, #tpu.memory_space<hbm>> -> memref<8192xi32, #tpu.memory_space<hbm>>
      %dma_start3A_14 = arith.constant 0 : i32
      %dma_start3A_15 = tpu.memref_slice %arg4[%add3A, %dma_start3A_14] : memref<32x8192xi32, #tpu.memory_space<hbm>> -> memref<1x8192xi32, #tpu.memory_space<hbm>>
      %dma_start3A_16 = tpu.memref_squeeze %dma_start3A_15 : memref<1x8192xi32, #tpu.memory_space<hbm>> -> memref<8192xi32, #tpu.memory_space<hbm>>
      tpu.enqueue_dma source(%arg9 : memref<8192xi32, #tpu.memory_space<vmem>>) target(%dma_start3A_16 : memref<8192xi32, #tpu.memory_space<hbm>>) target_semaphore(%run_scoped3A : memref<!tpu.dma_semaphore, #tpu.memory_space<semaphore_mem>>)
      %dma_wait3A = arith.constant 0 : i32
      %dma_wait3A_17 = tpu.memref_slice %arg4[%add3A, %dma_wait3A] : memref<32x8192xi32, #tpu.memory_space<hbm>> -> memref<1x8192xi32, #tpu.memory_space<hbm>>
      %dma_wait3A_18 = tpu.memref_squeeze %dma_wait3A_17 : memref<1x8192xi32, #tpu.memory_space<hbm>> -> memref<8192xi32, #tpu.memory_space<hbm>>
      %dma_wait3A_19 = arith.constant 0 : i32
      %dma_wait3A_20 = tpu.memref_slice %arg4[%add3A, %dma_wait3A_19] : memref<32x8192xi32, #tpu.memory_space<hbm>> -> memref<1x8192xi32, #tpu.memory_space<hbm>>
      %dma_wait3A_21 = tpu.memref_squeeze %dma_wait3A_20 : memref<1x8192xi32, #tpu.memory_space<hbm>> -> memref<8192xi32, #tpu.memory_space<hbm>>
      tpu.wait_dma2 semaphore(%run_scoped3A : memref<!tpu.dma_semaphore, #tpu.memory_space<semaphore_mem>>) src(%arg9 : memref<8192xi32, #tpu.memory_space<vmem>>) dst(%dma_wait3A_21 : memref<8192xi32, #tpu.memory_space<hbm>>)
      tpu.yield
    }) : () -> ()
    "tpu.region"() ({
      %run_scoped3A = tpu.sem_alloc : memref<!tpu.dma_semaphore, #tpu.memory_space<semaphore_mem>>
      %dma_start3A = arith.constant 0 : i32
      %dma_start3A_12 = tpu.memref_slice %arg5[%add3A, %dma_start3A] : memref<32x8192xf32, #tpu.memory_space<hbm>> -> memref<1x8192xf32, #tpu.memory_space<hbm>>
      %dma_start3A_13 = tpu.memref_squeeze %dma_start3A_12 : memref<1x8192xf32, #tpu.memory_space<hbm>> -> memref<8192xf32, #tpu.memory_space<hbm>>
      %dma_start3A_14 = arith.constant 0 : i32
      %dma_start3A_15 = tpu.memref_slice %arg5[%add3A, %dma_start3A_14] : memref<32x8192xf32, #tpu.memory_space<hbm>> -> memref<1x8192xf32, #tpu.memory_space<hbm>>
      %dma_start3A_16 = tpu.memref_squeeze %dma_start3A_15 : memref<1x8192xf32, #tpu.memory_space<hbm>> -> memref<8192xf32, #tpu.memory_space<hbm>>
      tpu.enqueue_dma source(%arg10 : memref<8192xf32, #tpu.memory_space<vmem>>) target(%dma_start3A_16 : memref<8192xf32, #tpu.memory_space<hbm>>) target_semaphore(%run_scoped3A : memref<!tpu.dma_semaphore, #tpu.memory_space<semaphore_mem>>)
      %dma_wait3A = arith.constant 0 : i32
      %dma_wait3A_17 = tpu.memref_slice %arg5[%add3A, %dma_wait3A] : memref<32x8192xf32, #tpu.memory_space<hbm>> -> memref<1x8192xf32, #tpu.memory_space<hbm>>
      %dma_wait3A_18 = tpu.memref_squeeze %dma_wait3A_17 : memref<1x8192xf32, #tpu.memory_space<hbm>> -> memref<8192xf32, #tpu.memory_space<hbm>>
      %dma_wait3A_19 = arith.constant 0 : i32
      %dma_wait3A_20 = tpu.memref_slice %arg5[%add3A, %dma_wait3A_19] : memref<32x8192xf32, #tpu.memory_space<hbm>> -> memref<1x8192xf32, #tpu.memory_space<hbm>>
      %dma_wait3A_21 = tpu.memref_squeeze %dma_wait3A_20 : memref<1x8192xf32, #tpu.memory_space<hbm>> -> memref<8192xf32, #tpu.memory_space<hbm>>
      tpu.wait_dma2 semaphore(%run_scoped3A : memref<!tpu.dma_semaphore, #tpu.memory_space<semaphore_mem>>) src(%arg10 : memref<8192xf32, #tpu.memory_space<vmem>>) dst(%dma_wait3A_21 : memref<8192xf32, #tpu.memory_space<hbm>>)
      tpu.yield
    }) : () -> ()
    "tpu.region"() ({
      %run_scoped3A = tpu.sem_alloc : memref<!tpu.dma_semaphore, #tpu.memory_space<semaphore_mem>>
      %dma_start3A = arith.constant 0 : i32
      %dma_start3A_12 = tpu.memref_slice %arg6[%add3A, %dma_start3A] : memref<32x16xi32, #tpu.memory_space<hbm>> -> memref<1x16xi32, #tpu.memory_space<hbm>>
      %dma_start3A_13 = tpu.memref_squeeze %dma_start3A_12 : memref<1x16xi32, #tpu.memory_space<hbm>> -> memref<16xi32, #tpu.memory_space<hbm>>
      %dma_start3A_14 = arith.constant 0 : i32
      %dma_start3A_15 = tpu.memref_slice %arg6[%add3A, %dma_start3A_14] : memref<32x16xi32, #tpu.memory_space<hbm>> -> memref<1x16xi32, #tpu.memory_space<hbm>>
      %dma_start3A_16 = tpu.memref_squeeze %dma_start3A_15 : memref<1x16xi32, #tpu.memory_space<hbm>> -> memref<16xi32, #tpu.memory_space<hbm>>
      tpu.enqueue_dma source(%arg11 : memref<16xi32, #tpu.memory_space<vmem>>) target(%dma_start3A_16 : memref<16xi32, #tpu.memory_space<hbm>>) target_semaphore(%run_scoped3A : memref<!tpu.dma_semaphore, #tpu.memory_space<semaphore_mem>>)
      %dma_wait3A = arith.constant 0 : i32
      %dma_wait3A_17 = tpu.memref_slice %arg6[%add3A, %dma_wait3A] : memref<32x16xi32, #tpu.memory_space<hbm>> -> memref<1x16xi32, #tpu.memory_space<hbm>>
      %dma_wait3A_18 = tpu.memref_squeeze %dma_wait3A_17 : memref<1x16xi32, #tpu.memory_space<hbm>> -> memref<16xi32, #tpu.memory_space<hbm>>
      %dma_wait3A_19 = arith.constant 0 : i32
      %dma_wait3A_20 = tpu.memref_slice %arg6[%add3A, %dma_wait3A_19] : memref<32x16xi32, #tpu.memory_space<hbm>> -> memref<1x16xi32, #tpu.memory_space<hbm>>
      %dma_wait3A_21 = tpu.memref_squeeze %dma_wait3A_20 : memref<1x16xi32, #tpu.memory_space<hbm>> -> memref<16xi32, #tpu.memory_space<hbm>>
      tpu.wait_dma2 semaphore(%run_scoped3A : memref<!tpu.dma_semaphore, #tpu.memory_space<semaphore_mem>>) src(%arg11 : memref<16xi32, #tpu.memory_space<vmem>>) dst(%dma_wait3A_21 : memref<16xi32, #tpu.memory_space<hbm>>)
      tpu.yield
    }) : () -> ()
    return
  }
}

#map = affine_map<(d0, d1) -> (0, 0)>
module attributes {stable_mosaic.version = 14 : i64} {
  func.func @_sc_edge(%arg0: i32, %arg1: i32, %arg2: memref<4096x128xf32, #tpu.memory_space<hbm>>, %arg3: memref<1x128xf32, #tpu.memory_space<hbm>>, %arg4: memref<32x8192xi32, #tpu.memory_space<hbm>>, %arg5: memref<32x8192xi32, #tpu.memory_space<hbm>>, %arg6: memref<32x8192xf32, #tpu.memory_space<hbm>>, %arg7: memref<32x16xi32, #tpu.memory_space<hbm>>, %arg8: memref<4096x128xf32, #tpu.memory_space<hbm>>, %arg9: memref<512x128xf32, #tpu.memory_space<vmem>>, %arg10: memref<128x128xf32, #tpu.memory_space<vmem>>, %arg11: memref<8192xi32, #tpu.memory_space<vmem>>, %arg12: memref<8192xi32, #tpu.memory_space<vmem>>, %arg13: memref<8192xf32, #tpu.memory_space<vmem>>, %arg14: memref<16xi32, #tpu.memory_space<vmem>>, %arg15: memref<1x128xf32, #tpu.memory_space<vmem>>) attributes {dimension_semantics = [#tpu.dimension_semantics<core_parallel>, #tpu.dimension_semantics<subcore_parallel>], iteration_bounds = array<i64: 2, 16>, scalar_prefetch = 0 : i64, scratch_operands = 7 : i64, tpu.core_type = #tpu.core_type<sc_vector_subcore>, window_params = [{transform_indices = #map}, {transform_indices = #map}, {transform_indices = #map}, {transform_indices = #map}, {transform_indices = #map}, {transform_indices = #map}, {transform_indices = #map}]} {
    %mul3A = arith.constant 16 : i32
    %mul3A_0 = arith.muli %arg0, %mul3A : i32
    %add3A = arith.addi %mul3A_0, %arg1 : i32
    %shift_right_arithmetic3A = arith.constant 2 : i32
    %shift_right_arithmetic3A_1 = arith.shrsi %add3A, %shift_right_arithmetic3A : i32
    %iota3A = tpu.iota {dimensions = array<i32: 0>} : vector<16xi32>
    %broadcast_in_dim3A = arith.constant 0 : i32
    %broadcast_in_dim3A_2 = vector.broadcast %broadcast_in_dim3A : i32 to vector<16xi32>
    %broadcast_in_dim3A_3 = arith.constant 0.000000e+00 : f32
    %broadcast_in_dim3A_4 = vector.broadcast %broadcast_in_dim3A_3 : f32 to vector<16xf32>
    %mul3A_5 = arith.constant 512 : i32
    %mul3A_6 = arith.muli %shift_right_arithmetic3A_1, %mul3A_5 : i32
    "tpu.region"() ({
      %run_scoped3A = tpu.sem_alloc : memref<!tpu.dma_semaphore, #tpu.memory_space<semaphore_mem>>
      %dma_start3A = arith.constant 0 : i32
      %dma_start3A_76 = tpu.memref_slice %arg2[%mul3A_6, %dma_start3A] : memref<4096x128xf32, #tpu.memory_space<hbm>> -> memref<512x128xf32, #tpu.memory_space<hbm>>
      %dma_start3A_77 = arith.constant 0 : i32
      %dma_start3A_78 = tpu.memref_slice %arg2[%mul3A_6, %dma_start3A_77] : memref<4096x128xf32, #tpu.memory_space<hbm>> -> memref<512x128xf32, #tpu.memory_space<hbm>>
      tpu.enqueue_dma source(%dma_start3A_78 : memref<512x128xf32, #tpu.memory_space<hbm>>) target(%arg9 : memref<512x128xf32, #tpu.memory_space<vmem>>) target_semaphore(%run_scoped3A : memref<!tpu.dma_semaphore, #tpu.memory_space<semaphore_mem>>)
      %dma_wait3A = arith.constant 0 : i32
      %dma_wait3A_79 = tpu.memref_slice %arg2[%mul3A_6, %dma_wait3A] : memref<4096x128xf32, #tpu.memory_space<hbm>> -> memref<512x128xf32, #tpu.memory_space<hbm>>
      %dma_wait3A_80 = arith.constant 0 : i32
      %dma_wait3A_81 = tpu.memref_slice %arg2[%mul3A_6, %dma_wait3A_80] : memref<4096x128xf32, #tpu.memory_space<hbm>> -> memref<512x128xf32, #tpu.memory_space<hbm>>
      tpu.wait_dma2 semaphore(%run_scoped3A : memref<!tpu.dma_semaphore, #tpu.memory_space<semaphore_mem>>) src(%dma_wait3A_81 : memref<512x128xf32, #tpu.memory_space<hbm>>) dst(%arg9 : memref<512x128xf32, #tpu.memory_space<vmem>>)
      tpu.yield
    }) : () -> ()
    "tpu.region"() ({
      %run_scoped3A = tpu.sem_alloc : memref<!tpu.dma_semaphore, #tpu.memory_space<semaphore_mem>>
      tpu.enqueue_dma source(%arg3 : memref<1x128xf32, #tpu.memory_space<hbm>>) target(%arg15 : memref<1x128xf32, #tpu.memory_space<vmem>>) target_semaphore(%run_scoped3A : memref<!tpu.dma_semaphore, #tpu.memory_space<semaphore_mem>>)
      tpu.wait_dma2 semaphore(%run_scoped3A : memref<!tpu.dma_semaphore, #tpu.memory_space<semaphore_mem>>) src(%arg3 : memref<1x128xf32, #tpu.memory_space<hbm>>) dst(%arg15 : memref<1x128xf32, #tpu.memory_space<vmem>>)
      tpu.yield
    }) : () -> ()
    "tpu.region"() ({
      %run_scoped3A = tpu.sem_alloc : memref<!tpu.dma_semaphore, #tpu.memory_space<semaphore_mem>>
      %dma_start3A = arith.constant 0 : i32
      %dma_start3A_76 = tpu.memref_slice %arg4[%add3A, %dma_start3A] : memref<32x8192xi32, #tpu.memory_space<hbm>> -> memref<1x8192xi32, #tpu.memory_space<hbm>>
      %dma_start3A_77 = tpu.memref_squeeze %dma_start3A_76 : memref<1x8192xi32, #tpu.memory_space<hbm>> -> memref<8192xi32, #tpu.memory_space<hbm>>
      %dma_start3A_78 = arith.constant 0 : i32
      %dma_start3A_79 = tpu.memref_slice %arg4[%add3A, %dma_start3A_78] : memref<32x8192xi32, #tpu.memory_space<hbm>> -> memref<1x8192xi32, #tpu.memory_space<hbm>>
      %dma_start3A_80 = tpu.memref_squeeze %dma_start3A_79 : memref<1x8192xi32, #tpu.memory_space<hbm>> -> memref<8192xi32, #tpu.memory_space<hbm>>
      tpu.enqueue_dma source(%dma_start3A_80 : memref<8192xi32, #tpu.memory_space<hbm>>) target(%arg11 : memref<8192xi32, #tpu.memory_space<vmem>>) target_semaphore(%run_scoped3A : memref<!tpu.dma_semaphore, #tpu.memory_space<semaphore_mem>>)
      %dma_wait3A = arith.constant 0 : i32
      %dma_wait3A_81 = tpu.memref_slice %arg4[%add3A, %dma_wait3A] : memref<32x8192xi32, #tpu.memory_space<hbm>> -> memref<1x8192xi32, #tpu.memory_space<hbm>>
      %dma_wait3A_82 = tpu.memref_squeeze %dma_wait3A_81 : memref<1x8192xi32, #tpu.memory_space<hbm>> -> memref<8192xi32, #tpu.memory_space<hbm>>
      %dma_wait3A_83 = arith.constant 0 : i32
      %dma_wait3A_84 = tpu.memref_slice %arg4[%add3A, %dma_wait3A_83] : memref<32x8192xi32, #tpu.memory_space<hbm>> -> memref<1x8192xi32, #tpu.memory_space<hbm>>
      %dma_wait3A_85 = tpu.memref_squeeze %dma_wait3A_84 : memref<1x8192xi32, #tpu.memory_space<hbm>> -> memref<8192xi32, #tpu.memory_space<hbm>>
      tpu.wait_dma2 semaphore(%run_scoped3A : memref<!tpu.dma_semaphore, #tpu.memory_space<semaphore_mem>>) src(%dma_wait3A_85 : memref<8192xi32, #tpu.memory_space<hbm>>) dst(%arg11 : memref<8192xi32, #tpu.memory_space<vmem>>)
      tpu.yield
    }) : () -> ()
    "tpu.region"() ({
      %run_scoped3A = tpu.sem_alloc : memref<!tpu.dma_semaphore, #tpu.memory_space<semaphore_mem>>
      %dma_start3A = arith.constant 0 : i32
      %dma_start3A_76 = tpu.memref_slice %arg5[%add3A, %dma_start3A] : memref<32x8192xi32, #tpu.memory_space<hbm>> -> memref<1x8192xi32, #tpu.memory_space<hbm>>
      %dma_start3A_77 = tpu.memref_squeeze %dma_start3A_76 : memref<1x8192xi32, #tpu.memory_space<hbm>> -> memref<8192xi32, #tpu.memory_space<hbm>>
      %dma_start3A_78 = arith.constant 0 : i32
      %dma_start3A_79 = tpu.memref_slice %arg5[%add3A, %dma_start3A_78] : memref<32x8192xi32, #tpu.memory_space<hbm>> -> memref<1x8192xi32, #tpu.memory_space<hbm>>
      %dma_start3A_80 = tpu.memref_squeeze %dma_start3A_79 : memref<1x8192xi32, #tpu.memory_space<hbm>> -> memref<8192xi32, #tpu.memory_space<hbm>>
      tpu.enqueue_dma source(%dma_start3A_80 : memref<8192xi32, #tpu.memory_space<hbm>>) target(%arg12 : memref<8192xi32, #tpu.memory_space<vmem>>) target_semaphore(%run_scoped3A : memref<!tpu.dma_semaphore, #tpu.memory_space<semaphore_mem>>)
      %dma_wait3A = arith.constant 0 : i32
      %dma_wait3A_81 = tpu.memref_slice %arg5[%add3A, %dma_wait3A] : memref<32x8192xi32, #tpu.memory_space<hbm>> -> memref<1x8192xi32, #tpu.memory_space<hbm>>
      %dma_wait3A_82 = tpu.memref_squeeze %dma_wait3A_81 : memref<1x8192xi32, #tpu.memory_space<hbm>> -> memref<8192xi32, #tpu.memory_space<hbm>>
      %dma_wait3A_83 = arith.constant 0 : i32
      %dma_wait3A_84 = tpu.memref_slice %arg5[%add3A, %dma_wait3A_83] : memref<32x8192xi32, #tpu.memory_space<hbm>> -> memref<1x8192xi32, #tpu.memory_space<hbm>>
      %dma_wait3A_85 = tpu.memref_squeeze %dma_wait3A_84 : memref<1x8192xi32, #tpu.memory_space<hbm>> -> memref<8192xi32, #tpu.memory_space<hbm>>
      tpu.wait_dma2 semaphore(%run_scoped3A : memref<!tpu.dma_semaphore, #tpu.memory_space<semaphore_mem>>) src(%dma_wait3A_85 : memref<8192xi32, #tpu.memory_space<hbm>>) dst(%arg12 : memref<8192xi32, #tpu.memory_space<vmem>>)
      tpu.yield
    }) : () -> ()
    "tpu.region"() ({
      %run_scoped3A = tpu.sem_alloc : memref<!tpu.dma_semaphore, #tpu.memory_space<semaphore_mem>>
      %dma_start3A = arith.constant 0 : i32
      %dma_start3A_76 = tpu.memref_slice %arg6[%add3A, %dma_start3A] : memref<32x8192xf32, #tpu.memory_space<hbm>> -> memref<1x8192xf32, #tpu.memory_space<hbm>>
      %dma_start3A_77 = tpu.memref_squeeze %dma_start3A_76 : memref<1x8192xf32, #tpu.memory_space<hbm>> -> memref<8192xf32, #tpu.memory_space<hbm>>
      %dma_start3A_78 = arith.constant 0 : i32
      %dma_start3A_79 = tpu.memref_slice %arg6[%add3A, %dma_start3A_78] : memref<32x8192xf32, #tpu.memory_space<hbm>> -> memref<1x8192xf32, #tpu.memory_space<hbm>>
      %dma_start3A_80 = tpu.memref_squeeze %dma_start3A_79 : memref<1x8192xf32, #tpu.memory_space<hbm>> -> memref<8192xf32, #tpu.memory_space<hbm>>
      tpu.enqueue_dma source(%dma_start3A_80 : memref<8192xf32, #tpu.memory_space<hbm>>) target(%arg13 : memref<8192xf32, #tpu.memory_space<vmem>>) target_semaphore(%run_scoped3A : memref<!tpu.dma_semaphore, #tpu.memory_space<semaphore_mem>>)
      %dma_wait3A = arith.constant 0 : i32
      %dma_wait3A_81 = tpu.memref_slice %arg6[%add3A, %dma_wait3A] : memref<32x8192xf32, #tpu.memory_space<hbm>> -> memref<1x8192xf32, #tpu.memory_space<hbm>>
      %dma_wait3A_82 = tpu.memref_squeeze %dma_wait3A_81 : memref<1x8192xf32, #tpu.memory_space<hbm>> -> memref<8192xf32, #tpu.memory_space<hbm>>
      %dma_wait3A_83 = arith.constant 0 : i32
      %dma_wait3A_84 = tpu.memref_slice %arg6[%add3A, %dma_wait3A_83] : memref<32x8192xf32, #tpu.memory_space<hbm>> -> memref<1x8192xf32, #tpu.memory_space<hbm>>
      %dma_wait3A_85 = tpu.memref_squeeze %dma_wait3A_84 : memref<1x8192xf32, #tpu.memory_space<hbm>> -> memref<8192xf32, #tpu.memory_space<hbm>>
      tpu.wait_dma2 semaphore(%run_scoped3A : memref<!tpu.dma_semaphore, #tpu.memory_space<semaphore_mem>>) src(%dma_wait3A_85 : memref<8192xf32, #tpu.memory_space<hbm>>) dst(%arg13 : memref<8192xf32, #tpu.memory_space<vmem>>)
      tpu.yield
    }) : () -> ()
    "tpu.region"() ({
      %run_scoped3A = tpu.sem_alloc : memref<!tpu.dma_semaphore, #tpu.memory_space<semaphore_mem>>
      %dma_start3A = arith.constant 0 : i32
      %dma_start3A_76 = tpu.memref_slice %arg7[%add3A, %dma_start3A] : memref<32x16xi32, #tpu.memory_space<hbm>> -> memref<1x16xi32, #tpu.memory_space<hbm>>
      %dma_start3A_77 = tpu.memref_squeeze %dma_start3A_76 : memref<1x16xi32, #tpu.memory_space<hbm>> -> memref<16xi32, #tpu.memory_space<hbm>>
      %dma_start3A_78 = arith.constant 0 : i32
      %dma_start3A_79 = tpu.memref_slice %arg7[%add3A, %dma_start3A_78] : memref<32x16xi32, #tpu.memory_space<hbm>> -> memref<1x16xi32, #tpu.memory_space<hbm>>
      %dma_start3A_80 = tpu.memref_squeeze %dma_start3A_79 : memref<1x16xi32, #tpu.memory_space<hbm>> -> memref<16xi32, #tpu.memory_space<hbm>>
      tpu.enqueue_dma source(%dma_start3A_80 : memref<16xi32, #tpu.memory_space<hbm>>) target(%arg14 : memref<16xi32, #tpu.memory_space<vmem>>) target_semaphore(%run_scoped3A : memref<!tpu.dma_semaphore, #tpu.memory_space<semaphore_mem>>)
      %dma_wait3A = arith.constant 0 : i32
      %dma_wait3A_81 = tpu.memref_slice %arg7[%add3A, %dma_wait3A] : memref<32x16xi32, #tpu.memory_space<hbm>> -> memref<1x16xi32, #tpu.memory_space<hbm>>
      %dma_wait3A_82 = tpu.memref_squeeze %dma_wait3A_81 : memref<1x16xi32, #tpu.memory_space<hbm>> -> memref<16xi32, #tpu.memory_space<hbm>>
      %dma_wait3A_83 = arith.constant 0 : i32
      %dma_wait3A_84 = tpu.memref_slice %arg7[%add3A, %dma_wait3A_83] : memref<32x16xi32, #tpu.memory_space<hbm>> -> memref<1x16xi32, #tpu.memory_space<hbm>>
      %dma_wait3A_85 = tpu.memref_squeeze %dma_wait3A_84 : memref<1x16xi32, #tpu.memory_space<hbm>> -> memref<16xi32, #tpu.memory_space<hbm>>
      tpu.wait_dma2 semaphore(%run_scoped3A : memref<!tpu.dma_semaphore, #tpu.memory_space<semaphore_mem>>) src(%dma_wait3A_85 : memref<16xi32, #tpu.memory_space<hbm>>) dst(%arg14 : memref<16xi32, #tpu.memory_space<vmem>>)
      tpu.yield
    }) : () -> ()
    %get3A = arith.constant 0 : index
    %get3A_7 = tpu.vector_load %arg14[%get3A] {strides = array<i32>} : memref<16xi32, #tpu.memory_space<vmem>>, vector<16xi32>,
    %reduce_max3A = arith.constant true
    %reduce_max3A_8 = vector.broadcast %reduce_max3A : i1 to vector<16xi1>
    %reduce_max3A_9 = arith.constant -2147483648 : i32
    %reduce_max3A_10 = vector.broadcast %reduce_max3A_9 : i32 to vector<16xi32>
    %reduce_max3A_11 = arith.xori %get3A_7, %reduce_max3A_10 : vector<16xi32>
    %reduce_max3A_12 = tpu.scan <max>, %reduce_max3A_11 masked %reduce_max3A_8 : vector<16xi32>, vector<16xi1> -> vector<16xi32>
    %reduce_max3A_13 = arith.xori %reduce_max3A_12, %reduce_max3A_10 : vector<16xi32>
    %reduce_max3A_14 = vector.extract %reduce_max3A_13[15] : i32 from vector<16xi32>
    %add3A_15 = arith.constant 0 : i32
    %add3A_16 = vector.broadcast %add3A_15 : i32 to vector<16xi32>
    %add3A_17 = arith.addi %add3A_16, %iota3A : vector<16xi32>
    %gather3A = tpu.vector_load_idx %arg15[%broadcast_in_dim3A_2, %add3A_17] : memref<1x128xf32, #tpu.memory_space<vmem>>[vector<16xi32>, vector<16xi32>], vector<16xf32>,
    %add3A_18 = arith.constant 16 : i32
    %add3A_19 = vector.broadcast %add3A_18 : i32 to vector<16xi32>
    %add3A_20 = arith.addi %add3A_19, %iota3A : vector<16xi32>
    %gather3A_21 = tpu.vector_load_idx %arg15[%broadcast_in_dim3A_2, %add3A_20] : memref<1x128xf32, #tpu.memory_space<vmem>>[vector<16xi32>, vector<16xi32>], vector<16xf32>,
    %add3A_22 = arith.constant 32 : i32
    %add3A_23 = vector.broadcast %add3A_22 : i32 to vector<16xi32>
    %add3A_24 = arith.addi %add3A_23, %iota3A : vector<16xi32>
    %gather3A_25 = tpu.vector_load_idx %arg15[%broadcast_in_dim3A_2, %add3A_24] : memref<1x128xf32, #tpu.memory_space<vmem>>[vector<16xi32>, vector<16xi32>], vector<16xf32>,
    %add3A_26 = arith.constant 48 : i32
    %add3A_27 = vector.broadcast %add3A_26 : i32 to vector<16xi32>
    %add3A_28 = arith.addi %add3A_27, %iota3A : vector<16xi32>
    %gather3A_29 = tpu.vector_load_idx %arg15[%broadcast_in_dim3A_2, %add3A_28] : memref<1x128xf32, #tpu.memory_space<vmem>>[vector<16xi32>, vector<16xi32>], vector<16xf32>,
    %add3A_30 = arith.constant 64 : i32
    %add3A_31 = vector.broadcast %add3A_30 : i32 to vector<16xi32>
    %add3A_32 = arith.addi %add3A_31, %iota3A : vector<16xi32>
    %gather3A_33 = tpu.vector_load_idx %arg15[%broadcast_in_dim3A_2, %add3A_32] : memref<1x128xf32, #tpu.memory_space<vmem>>[vector<16xi32>, vector<16xi32>], vector<16xf32>,
    %add3A_34 = arith.constant 80 : i32
    %add3A_35 = vector.broadcast %add3A_34 : i32 to vector<16xi32>
    %add3A_36 = arith.addi %add3A_35, %iota3A : vector<16xi32>
    %gather3A_37 = tpu.vector_load_idx %arg15[%broadcast_in_dim3A_2, %add3A_36] : memref<1x128xf32, #tpu.memory_space<vmem>>[vector<16xi32>, vector<16xi32>], vector<16xf32>,
    %add3A_38 = arith.constant 96 : i32
    %add3A_39 = vector.broadcast %add3A_38 : i32 to vector<16xi32>
    %add3A_40 = arith.addi %add3A_39, %iota3A : vector<16xi32>
    %gather3A_41 = tpu.vector_load_idx %arg15[%broadcast_in_dim3A_2, %add3A_40] : memref<1x128xf32, #tpu.memory_space<vmem>>[vector<16xi32>, vector<16xi32>], vector<16xf32>,
    %add3A_42 = arith.constant 112 : i32
    %add3A_43 = vector.broadcast %add3A_42 : i32 to vector<16xi32>
    %add3A_44 = arith.addi %add3A_43, %iota3A : vector<16xi32>
    %gather3A_45 = tpu.vector_load_idx %arg15[%broadcast_in_dim3A_2, %add3A_44] : memref<1x128xf32, #tpu.memory_space<vmem>>[vector<16xi32>, vector<16xi32>], vector<16xf32>,
    %add3A_46 = arith.constant 0 : i32
    %add3A_47 = vector.broadcast %add3A_46 : i32 to vector<16xi32>
    %add3A_48 = arith.addi %add3A_47, %iota3A : vector<16xi32>
    %add3A_49 = arith.constant 16 : i32
    %add3A_50 = vector.broadcast %add3A_49 : i32 to vector<16xi32>
    %add3A_51 = arith.addi %add3A_50, %iota3A : vector<16xi32>
    %add3A_52 = arith.constant 32 : i32
    %add3A_53 = vector.broadcast %add3A_52 : i32 to vector<16xi32>
    %add3A_54 = arith.addi %add3A_53, %iota3A : vector<16xi32>
    %add3A_55 = arith.constant 48 : i32
    %add3A_56 = vector.broadcast %add3A_55 : i32 to vector<16xi32>
    %add3A_57 = arith.addi %add3A_56, %iota3A : vector<16xi32>
    %add3A_58 = arith.constant 64 : i32
    %add3A_59 = vector.broadcast %add3A_58 : i32 to vector<16xi32>
    %add3A_60 = arith.addi %add3A_59, %iota3A : vector<16xi32>
    %add3A_61 = arith.constant 80 : i32
    %add3A_62 = vector.broadcast %add3A_61 : i32 to vector<16xi32>
    %add3A_63 = arith.addi %add3A_62, %iota3A : vector<16xi32>
    %add3A_64 = arith.constant 96 : i32
    %add3A_65 = vector.broadcast %add3A_64 : i32 to vector<16xi32>
    %add3A_66 = arith.addi %add3A_65, %iota3A : vector<16xi32>
    %add3A_67 = arith.constant 112 : i32
    %add3A_68 = vector.broadcast %add3A_67 : i32 to vector<16xi32>
    %add3A_69 = arith.addi %add3A_68, %iota3A : vector<16xi32>
    %parallel_loop3A = arith.constant 0 : i32
    %parallel_loop3A_70 = arith.constant 128 : i32
    %parallel_loop3A_71 = arith.constant 1 : i32
    scf.for %parallel_loop3A_76 = %parallel_loop3A to %parallel_loop3A_70 step %parallel_loop3A_71  : i32 {
      %parallel_loop3A_77 = vector.broadcast %parallel_loop3A_76 : i32 to vector<16xi32>
      tpu.vector_store_idx %arg10[%parallel_loop3A_77, %add3A_48], %broadcast_in_dim3A_4 : memref<128x128xf32, #tpu.memory_space<vmem>>[vector<16xi32>, vector<16xi32>], vector<16xf32>,
      tpu.vector_store_idx %arg10[%parallel_loop3A_77, %add3A_51], %broadcast_in_dim3A_4 : memref<128x128xf32, #tpu.memory_space<vmem>>[vector<16xi32>, vector<16xi32>], vector<16xf32>,
      tpu.vector_store_idx %arg10[%parallel_loop3A_77, %add3A_54], %broadcast_in_dim3A_4 : memref<128x128xf32, #tpu.memory_space<vmem>>[vector<16xi32>, vector<16xi32>], vector<16xf32>,
      tpu.vector_store_idx %arg10[%parallel_loop3A_77, %add3A_57], %broadcast_in_dim3A_4 : memref<128x128xf32, #tpu.memory_space<vmem>>[vector<16xi32>, vector<16xi32>], vector<16xf32>,
      tpu.vector_store_idx %arg10[%parallel_loop3A_77, %add3A_60], %broadcast_in_dim3A_4 : memref<128x128xf32, #tpu.memory_space<vmem>>[vector<16xi32>, vector<16xi32>], vector<16xf32>,
      tpu.vector_store_idx %arg10[%parallel_loop3A_77, %add3A_63], %broadcast_in_dim3A_4 : memref<128x128xf32, #tpu.memory_space<vmem>>[vector<16xi32>, vector<16xi32>], vector<16xf32>,
      tpu.vector_store_idx %arg10[%parallel_loop3A_77, %add3A_66], %broadcast_in_dim3A_4 : memref<128x128xf32, #tpu.memory_space<vmem>>[vector<16xi32>, vector<16xi32>], vector<16xf32>,
      tpu.vector_store_idx %arg10[%parallel_loop3A_77, %add3A_69], %broadcast_in_dim3A_4 : memref<128x128xf32, #tpu.memory_space<vmem>>[vector<16xi32>, vector<16xi32>], vector<16xf32>,
    } {sc.loop_unroll_factor = 1 : i64, sc.parallel_access}
    %parallel_loop3A_72 = arith.constant 0 : i32
    %parallel_loop3A_73 = arith.constant 1 : i32
    scf.for %parallel_loop3A_76 = %parallel_loop3A_72 to %reduce_max3A_14 step %parallel_loop3A_73  : i32 {
      %parallel_loop3A_77 = vector.broadcast %parallel_loop3A_76 : i32 to vector<16xi32>
      %parallel_loop3A_78 = tpu.vector_load_idx %arg11[%parallel_loop3A_77] : memref<8192xi32, #tpu.memory_space<vmem>>[vector<16xi32>], vector<16xi32>,
      %parallel_loop3A_79 = tpu.vector_load_idx %arg12[%parallel_loop3A_77] : memref<8192xi32, #tpu.memory_space<vmem>>[vector<16xi32>], vector<16xi32>,
      %parallel_loop3A_80 = tpu.vector_load_idx %arg13[%parallel_loop3A_77] : memref<8192xf32, #tpu.memory_space<vmem>>[vector<16xi32>], vector<16xf32>,
      %parallel_loop3A_81 = tpu.vector_load_idx %arg9[%parallel_loop3A_78, %add3A_48] : memref<512x128xf32, #tpu.memory_space<vmem>>[vector<16xi32>, vector<16xi32>], vector<16xf32>,
      %parallel_loop3A_82 = arith.mulf %parallel_loop3A_80, %gather3A : vector<16xf32>
      %parallel_loop3A_83 = arith.addf %parallel_loop3A_81, %parallel_loop3A_82 : vector<16xf32>
      %parallel_loop3A_84 = arith.constant 0.000000e+00 : f32
      %parallel_loop3A_85 = vector.broadcast %parallel_loop3A_84 : f32 to vector<16xf32>
      %parallel_loop3A_86 = arith.maximumf %parallel_loop3A_83, %parallel_loop3A_85 : vector<16xf32>
      tpu.vector_store_idx %arg10[%parallel_loop3A_79, %add3A_48], %parallel_loop3A_86 {add = true} : memref<128x128xf32, #tpu.memory_space<vmem>>[vector<16xi32>, vector<16xi32>], vector<16xf32>,
      %parallel_loop3A_87 = tpu.vector_load_idx %arg9[%parallel_loop3A_78, %add3A_51] : memref<512x128xf32, #tpu.memory_space<vmem>>[vector<16xi32>, vector<16xi32>], vector<16xf32>,
      %parallel_loop3A_88 = arith.mulf %parallel_loop3A_80, %gather3A_21 : vector<16xf32>
      %parallel_loop3A_89 = arith.addf %parallel_loop3A_87, %parallel_loop3A_88 : vector<16xf32>
      %parallel_loop3A_90 = arith.constant 0.000000e+00 : f32
      %parallel_loop3A_91 = vector.broadcast %parallel_loop3A_90 : f32 to vector<16xf32>
      %parallel_loop3A_92 = arith.maximumf %parallel_loop3A_89, %parallel_loop3A_91 : vector<16xf32>
      tpu.vector_store_idx %arg10[%parallel_loop3A_79, %add3A_51], %parallel_loop3A_92 {add = true} : memref<128x128xf32, #tpu.memory_space<vmem>>[vector<16xi32>, vector<16xi32>], vector<16xf32>,
      %parallel_loop3A_93 = tpu.vector_load_idx %arg9[%parallel_loop3A_78, %add3A_54] : memref<512x128xf32, #tpu.memory_space<vmem>>[vector<16xi32>, vector<16xi32>], vector<16xf32>,
      %parallel_loop3A_94 = arith.mulf %parallel_loop3A_80, %gather3A_25 : vector<16xf32>
      %parallel_loop3A_95 = arith.addf %parallel_loop3A_93, %parallel_loop3A_94 : vector<16xf32>
      %parallel_loop3A_96 = arith.constant 0.000000e+00 : f32
      %parallel_loop3A_97 = vector.broadcast %parallel_loop3A_96 : f32 to vector<16xf32>
      %parallel_loop3A_98 = arith.maximumf %parallel_loop3A_95, %parallel_loop3A_97 : vector<16xf32>
      tpu.vector_store_idx %arg10[%parallel_loop3A_79, %add3A_54], %parallel_loop3A_98 {add = true} : memref<128x128xf32, #tpu.memory_space<vmem>>[vector<16xi32>, vector<16xi32>], vector<16xf32>,
      %parallel_loop3A_99 = tpu.vector_load_idx %arg9[%parallel_loop3A_78, %add3A_57] : memref<512x128xf32, #tpu.memory_space<vmem>>[vector<16xi32>, vector<16xi32>], vector<16xf32>,
      %parallel_loop3A_100 = arith.mulf %parallel_loop3A_80, %gather3A_29 : vector<16xf32>
      %parallel_loop3A_101 = arith.addf %parallel_loop3A_99, %parallel_loop3A_100 : vector<16xf32>
      %parallel_loop3A_102 = arith.constant 0.000000e+00 : f32
      %parallel_loop3A_103 = vector.broadcast %parallel_loop3A_102 : f32 to vector<16xf32>
      %parallel_loop3A_104 = arith.maximumf %parallel_loop3A_101, %parallel_loop3A_103 : vector<16xf32>
      tpu.vector_store_idx %arg10[%parallel_loop3A_79, %add3A_57], %parallel_loop3A_104 {add = true} : memref<128x128xf32, #tpu.memory_space<vmem>>[vector<16xi32>, vector<16xi32>], vector<16xf32>,
      %parallel_loop3A_105 = tpu.vector_load_idx %arg9[%parallel_loop3A_78, %add3A_60] : memref<512x128xf32, #tpu.memory_space<vmem>>[vector<16xi32>, vector<16xi32>], vector<16xf32>,
      %parallel_loop3A_106 = arith.mulf %parallel_loop3A_80, %gather3A_33 : vector<16xf32>
      %parallel_loop3A_107 = arith.addf %parallel_loop3A_105, %parallel_loop3A_106 : vector<16xf32>
      %parallel_loop3A_108 = arith.constant 0.000000e+00 : f32
      %parallel_loop3A_109 = vector.broadcast %parallel_loop3A_108 : f32 to vector<16xf32>
      %parallel_loop3A_110 = arith.maximumf %parallel_loop3A_107, %parallel_loop3A_109 : vector<16xf32>
      tpu.vector_store_idx %arg10[%parallel_loop3A_79, %add3A_60], %parallel_loop3A_110 {add = true} : memref<128x128xf32, #tpu.memory_space<vmem>>[vector<16xi32>, vector<16xi32>], vector<16xf32>,
      %parallel_loop3A_111 = tpu.vector_load_idx %arg9[%parallel_loop3A_78, %add3A_63] : memref<512x128xf32, #tpu.memory_space<vmem>>[vector<16xi32>, vector<16xi32>], vector<16xf32>,
      %parallel_loop3A_112 = arith.mulf %parallel_loop3A_80, %gather3A_37 : vector<16xf32>
      %parallel_loop3A_113 = arith.addf %parallel_loop3A_111, %parallel_loop3A_112 : vector<16xf32>
      %parallel_loop3A_114 = arith.constant 0.000000e+00 : f32
      %parallel_loop3A_115 = vector.broadcast %parallel_loop3A_114 : f32 to vector<16xf32>
      %parallel_loop3A_116 = arith.maximumf %parallel_loop3A_113, %parallel_loop3A_115 : vector<16xf32>
      tpu.vector_store_idx %arg10[%parallel_loop3A_79, %add3A_63], %parallel_loop3A_116 {add = true} : memref<128x128xf32, #tpu.memory_space<vmem>>[vector<16xi32>, vector<16xi32>], vector<16xf32>,
      %parallel_loop3A_117 = tpu.vector_load_idx %arg9[%parallel_loop3A_78, %add3A_66] : memref<512x128xf32, #tpu.memory_space<vmem>>[vector<16xi32>, vector<16xi32>], vector<16xf32>,
      %parallel_loop3A_118 = arith.mulf %parallel_loop3A_80, %gather3A_41 : vector<16xf32>
      %parallel_loop3A_119 = arith.addf %parallel_loop3A_117, %parallel_loop3A_118 : vector<16xf32>
      %parallel_loop3A_120 = arith.constant 0.000000e+00 : f32
      %parallel_loop3A_121 = vector.broadcast %parallel_loop3A_120 : f32 to vector<16xf32>
      %parallel_loop3A_122 = arith.maximumf %parallel_loop3A_119, %parallel_loop3A_121 : vector<16xf32>
      tpu.vector_store_idx %arg10[%parallel_loop3A_79, %add3A_66], %parallel_loop3A_122 {add = true} : memref<128x128xf32, #tpu.memory_space<vmem>>[vector<16xi32>, vector<16xi32>], vector<16xf32>,
      %parallel_loop3A_123 = tpu.vector_load_idx %arg9[%parallel_loop3A_78, %add3A_69] : memref<512x128xf32, #tpu.memory_space<vmem>>[vector<16xi32>, vector<16xi32>], vector<16xf32>,
      %parallel_loop3A_124 = arith.mulf %parallel_loop3A_80, %gather3A_45 : vector<16xf32>
      %parallel_loop3A_125 = arith.addf %parallel_loop3A_123, %parallel_loop3A_124 : vector<16xf32>
      %parallel_loop3A_126 = arith.constant 0.000000e+00 : f32
      %parallel_loop3A_127 = vector.broadcast %parallel_loop3A_126 : f32 to vector<16xf32>
      %parallel_loop3A_128 = arith.maximumf %parallel_loop3A_125, %parallel_loop3A_127 : vector<16xf32>
      tpu.vector_store_idx %arg10[%parallel_loop3A_79, %add3A_69], %parallel_loop3A_128 {add = true} : memref<128x128xf32, #tpu.memory_space<vmem>>[vector<16xi32>, vector<16xi32>], vector<16xf32>,
    } {sc.loop_unroll_factor = 2 : i64, sc.parallel_access}
    %mul3A_74 = arith.constant 128 : i32
    %mul3A_75 = arith.muli %add3A, %mul3A_74 : i32
    "tpu.region"() ({
      %run_scoped3A = tpu.sem_alloc : memref<!tpu.dma_semaphore, #tpu.memory_space<semaphore_mem>>
      %dma_start3A = arith.constant 0 : i32
      %dma_start3A_76 = tpu.memref_slice %arg8[%mul3A_75, %dma_start3A] : memref<4096x128xf32, #tpu.memory_space<hbm>> -> memref<128x128xf32, #tpu.memory_space<hbm>>
      %dma_start3A_77 = arith.constant 0 : i32
      %dma_start3A_78 = tpu.memref_slice %arg8[%mul3A_75, %dma_start3A_77] : memref<4096x128xf32, #tpu.memory_space<hbm>> -> memref<128x128xf32, #tpu.memory_space<hbm>>
      tpu.enqueue_dma source(%arg10 : memref<128x128xf32, #tpu.memory_space<vmem>>) target(%dma_start3A_78 : memref<128x128xf32, #tpu.memory_space<hbm>>) target_semaphore(%run_scoped3A : memref<!tpu.dma_semaphore, #tpu.memory_space<semaphore_mem>>)
      %dma_wait3A = arith.constant 0 : i32
      %dma_wait3A_79 = tpu.memref_slice %arg8[%mul3A_75, %dma_wait3A] : memref<4096x128xf32, #tpu.memory_space<hbm>> -> memref<128x128xf32, #tpu.memory_space<hbm>>
      %dma_wait3A_80 = arith.constant 0 : i32
      %dma_wait3A_81 = tpu.memref_slice %arg8[%mul3A_75, %dma_wait3A_80] : memref<4096x128xf32, #tpu.memory_space<hbm>> -> memref<128x128xf32, #tpu.memory_space<hbm>>
      tpu.wait_dma2 semaphore(%run_scoped3A : memref<!tpu.dma_semaphore, #tpu.memory_space<semaphore_mem>>) src(%arg10 : memref<128x128xf32, #tpu.memory_space<vmem>>) dst(%dma_wait3A_81 : memref<128x128xf32, #tpu.memory_space<hbm>>)
      tpu.yield
    }) : () -> ()
    return
  }
}

#map = affine_map<(d0, d1) -> (0, 0)>
module attributes {stable_mosaic.version = 14 : i64} {
  func.func @_sc_edge(%arg0: i32, %arg1: i32, %arg2: memref<4096x128xf32, #tpu.memory_space<hbm>>, %arg3: memref<1x128xf32, #tpu.memory_space<hbm>>, %arg4: memref<32x8192xi32, #tpu.memory_space<hbm>>, %arg5: memref<32x8192xi32, #tpu.memory_space<hbm>>, %arg6: memref<32x8192xf32, #tpu.memory_space<hbm>>, %arg7: memref<32x16xi32, #tpu.memory_space<hbm>>, %arg8: memref<4096x128xf32, #tpu.memory_space<hbm>>, %arg9: memref<512x128xf32, #tpu.memory_space<vmem>>, %arg10: memref<128x128xf32, #tpu.memory_space<vmem>>, %arg11: memref<8192xi32, #tpu.memory_space<vmem>>, %arg12: memref<8192xi32, #tpu.memory_space<vmem>>, %arg13: memref<8192xf32, #tpu.memory_space<vmem>>, %arg14: memref<16xi32, #tpu.memory_space<vmem>>, %arg15: memref<1x128xf32, #tpu.memory_space<vmem>>) attributes {dimension_semantics = [#tpu.dimension_semantics<core_parallel>, #tpu.dimension_semantics<subcore_parallel>], iteration_bounds = array<i64: 2, 16>, scalar_prefetch = 0 : i64, scratch_operands = 7 : i64, tpu.core_type = #tpu.core_type<sc_vector_subcore>, window_params = [{transform_indices = #map}, {transform_indices = #map}, {transform_indices = #map}, {transform_indices = #map}, {transform_indices = #map}, {transform_indices = #map}, {transform_indices = #map}]} {
    %mul3A = arith.constant 16 : i32
    %mul3A_0 = arith.muli %arg0, %mul3A : i32
    %add3A = arith.addi %mul3A_0, %arg1 : i32
    %shift_right_arithmetic3A = arith.constant 2 : i32
    %shift_right_arithmetic3A_1 = arith.shrsi %add3A, %shift_right_arithmetic3A : i32
    %iota3A = tpu.iota {dimensions = array<i32: 0>} : vector<16xi32>
    %broadcast_in_dim3A = arith.constant 0 : i32
    %broadcast_in_dim3A_2 = vector.broadcast %broadcast_in_dim3A : i32 to vector<16xi32>
    %broadcast_in_dim3A_3 = arith.constant 0.000000e+00 : f32
    %broadcast_in_dim3A_4 = vector.broadcast %broadcast_in_dim3A_3 : f32 to vector<16xf32>
    %mul3A_5 = arith.constant 512 : i32
    %mul3A_6 = arith.muli %shift_right_arithmetic3A_1, %mul3A_5 : i32
    "tpu.region"() ({
      %run_scoped3A = tpu.sem_alloc : memref<!tpu.dma_semaphore, #tpu.memory_space<semaphore_mem>>
      %dma_start3A = arith.constant 0 : i32
      %dma_start3A_76 = tpu.memref_slice %arg2[%mul3A_6, %dma_start3A] : memref<4096x128xf32, #tpu.memory_space<hbm>> -> memref<512x128xf32, #tpu.memory_space<hbm>>
      %dma_start3A_77 = arith.constant 0 : i32
      %dma_start3A_78 = tpu.memref_slice %arg2[%mul3A_6, %dma_start3A_77] : memref<4096x128xf32, #tpu.memory_space<hbm>> -> memref<512x128xf32, #tpu.memory_space<hbm>>
      tpu.enqueue_dma source(%dma_start3A_78 : memref<512x128xf32, #tpu.memory_space<hbm>>) target(%arg9 : memref<512x128xf32, #tpu.memory_space<vmem>>) target_semaphore(%run_scoped3A : memref<!tpu.dma_semaphore, #tpu.memory_space<semaphore_mem>>)
      %dma_wait3A = arith.constant 0 : i32
      %dma_wait3A_79 = tpu.memref_slice %arg2[%mul3A_6, %dma_wait3A] : memref<4096x128xf32, #tpu.memory_space<hbm>> -> memref<512x128xf32, #tpu.memory_space<hbm>>
      %dma_wait3A_80 = arith.constant 0 : i32
      %dma_wait3A_81 = tpu.memref_slice %arg2[%mul3A_6, %dma_wait3A_80] : memref<4096x128xf32, #tpu.memory_space<hbm>> -> memref<512x128xf32, #tpu.memory_space<hbm>>
      tpu.wait_dma2 semaphore(%run_scoped3A : memref<!tpu.dma_semaphore, #tpu.memory_space<semaphore_mem>>) src(%dma_wait3A_81 : memref<512x128xf32, #tpu.memory_space<hbm>>) dst(%arg9 : memref<512x128xf32, #tpu.memory_space<vmem>>)
      tpu.yield
    }) : () -> ()
    "tpu.region"() ({
      %run_scoped3A = tpu.sem_alloc : memref<!tpu.dma_semaphore, #tpu.memory_space<semaphore_mem>>
      tpu.enqueue_dma source(%arg3 : memref<1x128xf32, #tpu.memory_space<hbm>>) target(%arg15 : memref<1x128xf32, #tpu.memory_space<vmem>>) target_semaphore(%run_scoped3A : memref<!tpu.dma_semaphore, #tpu.memory_space<semaphore_mem>>)
      tpu.wait_dma2 semaphore(%run_scoped3A : memref<!tpu.dma_semaphore, #tpu.memory_space<semaphore_mem>>) src(%arg3 : memref<1x128xf32, #tpu.memory_space<hbm>>) dst(%arg15 : memref<1x128xf32, #tpu.memory_space<vmem>>)
      tpu.yield
    }) : () -> ()
    "tpu.region"() ({
      %run_scoped3A = tpu.sem_alloc : memref<!tpu.dma_semaphore, #tpu.memory_space<semaphore_mem>>
      %dma_start3A = arith.constant 0 : i32
      %dma_start3A_76 = tpu.memref_slice %arg4[%add3A, %dma_start3A] : memref<32x8192xi32, #tpu.memory_space<hbm>> -> memref<1x8192xi32, #tpu.memory_space<hbm>>
      %dma_start3A_77 = tpu.memref_squeeze %dma_start3A_76 : memref<1x8192xi32, #tpu.memory_space<hbm>> -> memref<8192xi32, #tpu.memory_space<hbm>>
      %dma_start3A_78 = arith.constant 0 : i32
      %dma_start3A_79 = tpu.memref_slice %arg4[%add3A, %dma_start3A_78] : memref<32x8192xi32, #tpu.memory_space<hbm>> -> memref<1x8192xi32, #tpu.memory_space<hbm>>
      %dma_start3A_80 = tpu.memref_squeeze %dma_start3A_79 : memref<1x8192xi32, #tpu.memory_space<hbm>> -> memref<8192xi32, #tpu.memory_space<hbm>>
      tpu.enqueue_dma source(%dma_start3A_80 : memref<8192xi32, #tpu.memory_space<hbm>>) target(%arg11 : memref<8192xi32, #tpu.memory_space<vmem>>) target_semaphore(%run_scoped3A : memref<!tpu.dma_semaphore, #tpu.memory_space<semaphore_mem>>)
      %dma_wait3A = arith.constant 0 : i32
      %dma_wait3A_81 = tpu.memref_slice %arg4[%add3A, %dma_wait3A] : memref<32x8192xi32, #tpu.memory_space<hbm>> -> memref<1x8192xi32, #tpu.memory_space<hbm>>
      %dma_wait3A_82 = tpu.memref_squeeze %dma_wait3A_81 : memref<1x8192xi32, #tpu.memory_space<hbm>> -> memref<8192xi32, #tpu.memory_space<hbm>>
      %dma_wait3A_83 = arith.constant 0 : i32
      %dma_wait3A_84 = tpu.memref_slice %arg4[%add3A, %dma_wait3A_83] : memref<32x8192xi32, #tpu.memory_space<hbm>> -> memref<1x8192xi32, #tpu.memory_space<hbm>>
      %dma_wait3A_85 = tpu.memref_squeeze %dma_wait3A_84 : memref<1x8192xi32, #tpu.memory_space<hbm>> -> memref<8192xi32, #tpu.memory_space<hbm>>
      tpu.wait_dma2 semaphore(%run_scoped3A : memref<!tpu.dma_semaphore, #tpu.memory_space<semaphore_mem>>) src(%dma_wait3A_85 : memref<8192xi32, #tpu.memory_space<hbm>>) dst(%arg11 : memref<8192xi32, #tpu.memory_space<vmem>>)
      tpu.yield
    }) : () -> ()
    "tpu.region"() ({
      %run_scoped3A = tpu.sem_alloc : memref<!tpu.dma_semaphore, #tpu.memory_space<semaphore_mem>>
      %dma_start3A = arith.constant 0 : i32
      %dma_start3A_76 = tpu.memref_slice %arg5[%add3A, %dma_start3A] : memref<32x8192xi32, #tpu.memory_space<hbm>> -> memref<1x8192xi32, #tpu.memory_space<hbm>>
      %dma_start3A_77 = tpu.memref_squeeze %dma_start3A_76 : memref<1x8192xi32, #tpu.memory_space<hbm>> -> memref<8192xi32, #tpu.memory_space<hbm>>
      %dma_start3A_78 = arith.constant 0 : i32
      %dma_start3A_79 = tpu.memref_slice %arg5[%add3A, %dma_start3A_78] : memref<32x8192xi32, #tpu.memory_space<hbm>> -> memref<1x8192xi32, #tpu.memory_space<hbm>>
      %dma_start3A_80 = tpu.memref_squeeze %dma_start3A_79 : memref<1x8192xi32, #tpu.memory_space<hbm>> -> memref<8192xi32, #tpu.memory_space<hbm>>
      tpu.enqueue_dma source(%dma_start3A_80 : memref<8192xi32, #tpu.memory_space<hbm>>) target(%arg12 : memref<8192xi32, #tpu.memory_space<vmem>>) target_semaphore(%run_scoped3A : memref<!tpu.dma_semaphore, #tpu.memory_space<semaphore_mem>>)
      %dma_wait3A = arith.constant 0 : i32
      %dma_wait3A_81 = tpu.memref_slice %arg5[%add3A, %dma_wait3A] : memref<32x8192xi32, #tpu.memory_space<hbm>> -> memref<1x8192xi32, #tpu.memory_space<hbm>>
      %dma_wait3A_82 = tpu.memref_squeeze %dma_wait3A_81 : memref<1x8192xi32, #tpu.memory_space<hbm>> -> memref<8192xi32, #tpu.memory_space<hbm>>
      %dma_wait3A_83 = arith.constant 0 : i32
      %dma_wait3A_84 = tpu.memref_slice %arg5[%add3A, %dma_wait3A_83] : memref<32x8192xi32, #tpu.memory_space<hbm>> -> memref<1x8192xi32, #tpu.memory_space<hbm>>
      %dma_wait3A_85 = tpu.memref_squeeze %dma_wait3A_84 : memref<1x8192xi32, #tpu.memory_space<hbm>> -> memref<8192xi32, #tpu.memory_space<hbm>>
      tpu.wait_dma2 semaphore(%run_scoped3A : memref<!tpu.dma_semaphore, #tpu.memory_space<semaphore_mem>>) src(%dma_wait3A_85 : memref<8192xi32, #tpu.memory_space<hbm>>) dst(%arg12 : memref<8192xi32, #tpu.memory_space<vmem>>)
      tpu.yield
    }) : () -> ()
    "tpu.region"() ({
      %run_scoped3A = tpu.sem_alloc : memref<!tpu.dma_semaphore, #tpu.memory_space<semaphore_mem>>
      %dma_start3A = arith.constant 0 : i32
      %dma_start3A_76 = tpu.memref_slice %arg6[%add3A, %dma_start3A] : memref<32x8192xf32, #tpu.memory_space<hbm>> -> memref<1x8192xf32, #tpu.memory_space<hbm>>
      %dma_start3A_77 = tpu.memref_squeeze %dma_start3A_76 : memref<1x8192xf32, #tpu.memory_space<hbm>> -> memref<8192xf32, #tpu.memory_space<hbm>>
      %dma_start3A_78 = arith.constant 0 : i32
      %dma_start3A_79 = tpu.memref_slice %arg6[%add3A, %dma_start3A_78] : memref<32x8192xf32, #tpu.memory_space<hbm>> -> memref<1x8192xf32, #tpu.memory_space<hbm>>
      %dma_start3A_80 = tpu.memref_squeeze %dma_start3A_79 : memref<1x8192xf32, #tpu.memory_space<hbm>> -> memref<8192xf32, #tpu.memory_space<hbm>>
      tpu.enqueue_dma source(%dma_start3A_80 : memref<8192xf32, #tpu.memory_space<hbm>>) target(%arg13 : memref<8192xf32, #tpu.memory_space<vmem>>) target_semaphore(%run_scoped3A : memref<!tpu.dma_semaphore, #tpu.memory_space<semaphore_mem>>)
      %dma_wait3A = arith.constant 0 : i32
      %dma_wait3A_81 = tpu.memref_slice %arg6[%add3A, %dma_wait3A] : memref<32x8192xf32, #tpu.memory_space<hbm>> -> memref<1x8192xf32, #tpu.memory_space<hbm>>
      %dma_wait3A_82 = tpu.memref_squeeze %dma_wait3A_81 : memref<1x8192xf32, #tpu.memory_space<hbm>> -> memref<8192xf32, #tpu.memory_space<hbm>>
      %dma_wait3A_83 = arith.constant 0 : i32
      %dma_wait3A_84 = tpu.memref_slice %arg6[%add3A, %dma_wait3A_83] : memref<32x8192xf32, #tpu.memory_space<hbm>> -> memref<1x8192xf32, #tpu.memory_space<hbm>>
      %dma_wait3A_85 = tpu.memref_squeeze %dma_wait3A_84 : memref<1x8192xf32, #tpu.memory_space<hbm>> -> memref<8192xf32, #tpu.memory_space<hbm>>
      tpu.wait_dma2 semaphore(%run_scoped3A : memref<!tpu.dma_semaphore, #tpu.memory_space<semaphore_mem>>) src(%dma_wait3A_85 : memref<8192xf32, #tpu.memory_space<hbm>>) dst(%arg13 : memref<8192xf32, #tpu.memory_space<vmem>>)
      tpu.yield
    }) : () -> ()
    "tpu.region"() ({
      %run_scoped3A = tpu.sem_alloc : memref<!tpu.dma_semaphore, #tpu.memory_space<semaphore_mem>>
      %dma_start3A = arith.constant 0 : i32
      %dma_start3A_76 = tpu.memref_slice %arg7[%add3A, %dma_start3A] : memref<32x16xi32, #tpu.memory_space<hbm>> -> memref<1x16xi32, #tpu.memory_space<hbm>>
      %dma_start3A_77 = tpu.memref_squeeze %dma_start3A_76 : memref<1x16xi32, #tpu.memory_space<hbm>> -> memref<16xi32, #tpu.memory_space<hbm>>
      %dma_start3A_78 = arith.constant 0 : i32
      %dma_start3A_79 = tpu.memref_slice %arg7[%add3A, %dma_start3A_78] : memref<32x16xi32, #tpu.memory_space<hbm>> -> memref<1x16xi32, #tpu.memory_space<hbm>>
      %dma_start3A_80 = tpu.memref_squeeze %dma_start3A_79 : memref<1x16xi32, #tpu.memory_space<hbm>> -> memref<16xi32, #tpu.memory_space<hbm>>
      tpu.enqueue_dma source(%dma_start3A_80 : memref<16xi32, #tpu.memory_space<hbm>>) target(%arg14 : memref<16xi32, #tpu.memory_space<vmem>>) target_semaphore(%run_scoped3A : memref<!tpu.dma_semaphore, #tpu.memory_space<semaphore_mem>>)
      %dma_wait3A = arith.constant 0 : i32
      %dma_wait3A_81 = tpu.memref_slice %arg7[%add3A, %dma_wait3A] : memref<32x16xi32, #tpu.memory_space<hbm>> -> memref<1x16xi32, #tpu.memory_space<hbm>>
      %dma_wait3A_82 = tpu.memref_squeeze %dma_wait3A_81 : memref<1x16xi32, #tpu.memory_space<hbm>> -> memref<16xi32, #tpu.memory_space<hbm>>
      %dma_wait3A_83 = arith.constant 0 : i32
      %dma_wait3A_84 = tpu.memref_slice %arg7[%add3A, %dma_wait3A_83] : memref<32x16xi32, #tpu.memory_space<hbm>> -> memref<1x16xi32, #tpu.memory_space<hbm>>
      %dma_wait3A_85 = tpu.memref_squeeze %dma_wait3A_84 : memref<1x16xi32, #tpu.memory_space<hbm>> -> memref<16xi32, #tpu.memory_space<hbm>>
      tpu.wait_dma2 semaphore(%run_scoped3A : memref<!tpu.dma_semaphore, #tpu.memory_space<semaphore_mem>>) src(%dma_wait3A_85 : memref<16xi32, #tpu.memory_space<hbm>>) dst(%arg14 : memref<16xi32, #tpu.memory_space<vmem>>)
      tpu.yield
    }) : () -> ()
    %get3A = arith.constant 0 : index
    %get3A_7 = tpu.vector_load %arg14[%get3A] {strides = array<i32>} : memref<16xi32, #tpu.memory_space<vmem>>, vector<16xi32>,
    %reduce_max3A = arith.constant true
    %reduce_max3A_8 = vector.broadcast %reduce_max3A : i1 to vector<16xi1>
    %reduce_max3A_9 = arith.constant -2147483648 : i32
    %reduce_max3A_10 = vector.broadcast %reduce_max3A_9 : i32 to vector<16xi32>
    %reduce_max3A_11 = arith.xori %get3A_7, %reduce_max3A_10 : vector<16xi32>
    %reduce_max3A_12 = tpu.scan <max>, %reduce_max3A_11 masked %reduce_max3A_8 : vector<16xi32>, vector<16xi1> -> vector<16xi32>
    %reduce_max3A_13 = arith.xori %reduce_max3A_12, %reduce_max3A_10 : vector<16xi32>
    %reduce_max3A_14 = vector.extract %reduce_max3A_13[15] : i32 from vector<16xi32>
    %add3A_15 = arith.constant 0 : i32
    %add3A_16 = vector.broadcast %add3A_15 : i32 to vector<16xi32>
    %add3A_17 = arith.addi %add3A_16, %iota3A : vector<16xi32>
    %gather3A = tpu.vector_load_idx %arg15[%broadcast_in_dim3A_2, %add3A_17] : memref<1x128xf32, #tpu.memory_space<vmem>>[vector<16xi32>, vector<16xi32>], vector<16xf32>,
    %add3A_18 = arith.constant 16 : i32
    %add3A_19 = vector.broadcast %add3A_18 : i32 to vector<16xi32>
    %add3A_20 = arith.addi %add3A_19, %iota3A : vector<16xi32>
    %gather3A_21 = tpu.vector_load_idx %arg15[%broadcast_in_dim3A_2, %add3A_20] : memref<1x128xf32, #tpu.memory_space<vmem>>[vector<16xi32>, vector<16xi32>], vector<16xf32>,
    %add3A_22 = arith.constant 32 : i32
    %add3A_23 = vector.broadcast %add3A_22 : i32 to vector<16xi32>
    %add3A_24 = arith.addi %add3A_23, %iota3A : vector<16xi32>
    %gather3A_25 = tpu.vector_load_idx %arg15[%broadcast_in_dim3A_2, %add3A_24] : memref<1x128xf32, #tpu.memory_space<vmem>>[vector<16xi32>, vector<16xi32>], vector<16xf32>,
    %add3A_26 = arith.constant 48 : i32
    %add3A_27 = vector.broadcast %add3A_26 : i32 to vector<16xi32>
    %add3A_28 = arith.addi %add3A_27, %iota3A : vector<16xi32>
    %gather3A_29 = tpu.vector_load_idx %arg15[%broadcast_in_dim3A_2, %add3A_28] : memref<1x128xf32, #tpu.memory_space<vmem>>[vector<16xi32>, vector<16xi32>], vector<16xf32>,
    %add3A_30 = arith.constant 64 : i32
    %add3A_31 = vector.broadcast %add3A_30 : i32 to vector<16xi32>
    %add3A_32 = arith.addi %add3A_31, %iota3A : vector<16xi32>
    %gather3A_33 = tpu.vector_load_idx %arg15[%broadcast_in_dim3A_2, %add3A_32] : memref<1x128xf32, #tpu.memory_space<vmem>>[vector<16xi32>, vector<16xi32>], vector<16xf32>,
    %add3A_34 = arith.constant 80 : i32
    %add3A_35 = vector.broadcast %add3A_34 : i32 to vector<16xi32>
    %add3A_36 = arith.addi %add3A_35, %iota3A : vector<16xi32>
    %gather3A_37 = tpu.vector_load_idx %arg15[%broadcast_in_dim3A_2, %add3A_36] : memref<1x128xf32, #tpu.memory_space<vmem>>[vector<16xi32>, vector<16xi32>], vector<16xf32>,
    %add3A_38 = arith.constant 96 : i32
    %add3A_39 = vector.broadcast %add3A_38 : i32 to vector<16xi32>
    %add3A_40 = arith.addi %add3A_39, %iota3A : vector<16xi32>
    %gather3A_41 = tpu.vector_load_idx %arg15[%broadcast_in_dim3A_2, %add3A_40] : memref<1x128xf32, #tpu.memory_space<vmem>>[vector<16xi32>, vector<16xi32>], vector<16xf32>,
    %add3A_42 = arith.constant 112 : i32
    %add3A_43 = vector.broadcast %add3A_42 : i32 to vector<16xi32>
    %add3A_44 = arith.addi %add3A_43, %iota3A : vector<16xi32>
    %gather3A_45 = tpu.vector_load_idx %arg15[%broadcast_in_dim3A_2, %add3A_44] : memref<1x128xf32, #tpu.memory_space<vmem>>[vector<16xi32>, vector<16xi32>], vector<16xf32>,
    %add3A_46 = arith.constant 0 : i32
    %add3A_47 = vector.broadcast %add3A_46 : i32 to vector<16xi32>
    %add3A_48 = arith.addi %add3A_47, %iota3A : vector<16xi32>
    %add3A_49 = arith.constant 16 : i32
    %add3A_50 = vector.broadcast %add3A_49 : i32 to vector<16xi32>
    %add3A_51 = arith.addi %add3A_50, %iota3A : vector<16xi32>
    %add3A_52 = arith.constant 32 : i32
    %add3A_53 = vector.broadcast %add3A_52 : i32 to vector<16xi32>
    %add3A_54 = arith.addi %add3A_53, %iota3A : vector<16xi32>
    %add3A_55 = arith.constant 48 : i32
    %add3A_56 = vector.broadcast %add3A_55 : i32 to vector<16xi32>
    %add3A_57 = arith.addi %add3A_56, %iota3A : vector<16xi32>
    %add3A_58 = arith.constant 64 : i32
    %add3A_59 = vector.broadcast %add3A_58 : i32 to vector<16xi32>
    %add3A_60 = arith.addi %add3A_59, %iota3A : vector<16xi32>
    %add3A_61 = arith.constant 80 : i32
    %add3A_62 = vector.broadcast %add3A_61 : i32 to vector<16xi32>
    %add3A_63 = arith.addi %add3A_62, %iota3A : vector<16xi32>
    %add3A_64 = arith.constant 96 : i32
    %add3A_65 = vector.broadcast %add3A_64 : i32 to vector<16xi32>
    %add3A_66 = arith.addi %add3A_65, %iota3A : vector<16xi32>
    %add3A_67 = arith.constant 112 : i32
    %add3A_68 = vector.broadcast %add3A_67 : i32 to vector<16xi32>
    %add3A_69 = arith.addi %add3A_68, %iota3A : vector<16xi32>
    %parallel_loop3A = arith.constant 0 : i32
    %parallel_loop3A_70 = arith.constant 128 : i32
    %parallel_loop3A_71 = arith.constant 1 : i32
    scf.for %parallel_loop3A_76 = %parallel_loop3A to %parallel_loop3A_70 step %parallel_loop3A_71  : i32 {
      %parallel_loop3A_77 = vector.broadcast %parallel_loop3A_76 : i32 to vector<16xi32>
      tpu.vector_store_idx %arg10[%parallel_loop3A_77, %add3A_48], %broadcast_in_dim3A_4 : memref<128x128xf32, #tpu.memory_space<vmem>>[vector<16xi32>, vector<16xi32>], vector<16xf32>,
      tpu.vector_store_idx %arg10[%parallel_loop3A_77, %add3A_51], %broadcast_in_dim3A_4 : memref<128x128xf32, #tpu.memory_space<vmem>>[vector<16xi32>, vector<16xi32>], vector<16xf32>,
      tpu.vector_store_idx %arg10[%parallel_loop3A_77, %add3A_54], %broadcast_in_dim3A_4 : memref<128x128xf32, #tpu.memory_space<vmem>>[vector<16xi32>, vector<16xi32>], vector<16xf32>,
      tpu.vector_store_idx %arg10[%parallel_loop3A_77, %add3A_57], %broadcast_in_dim3A_4 : memref<128x128xf32, #tpu.memory_space<vmem>>[vector<16xi32>, vector<16xi32>], vector<16xf32>,
      tpu.vector_store_idx %arg10[%parallel_loop3A_77, %add3A_60], %broadcast_in_dim3A_4 : memref<128x128xf32, #tpu.memory_space<vmem>>[vector<16xi32>, vector<16xi32>], vector<16xf32>,
      tpu.vector_store_idx %arg10[%parallel_loop3A_77, %add3A_63], %broadcast_in_dim3A_4 : memref<128x128xf32, #tpu.memory_space<vmem>>[vector<16xi32>, vector<16xi32>], vector<16xf32>,
      tpu.vector_store_idx %arg10[%parallel_loop3A_77, %add3A_66], %broadcast_in_dim3A_4 : memref<128x128xf32, #tpu.memory_space<vmem>>[vector<16xi32>, vector<16xi32>], vector<16xf32>,
      tpu.vector_store_idx %arg10[%parallel_loop3A_77, %add3A_69], %broadcast_in_dim3A_4 : memref<128x128xf32, #tpu.memory_space<vmem>>[vector<16xi32>, vector<16xi32>], vector<16xf32>,
    } {sc.loop_unroll_factor = 1 : i64, sc.parallel_access}
    %parallel_loop3A_72 = arith.constant 0 : i32
    %parallel_loop3A_73 = arith.constant 1 : i32
    scf.for %parallel_loop3A_76 = %parallel_loop3A_72 to %reduce_max3A_14 step %parallel_loop3A_73  : i32 {
      %parallel_loop3A_77 = vector.broadcast %parallel_loop3A_76 : i32 to vector<16xi32>
      %parallel_loop3A_78 = tpu.vector_load_idx %arg11[%parallel_loop3A_77] : memref<8192xi32, #tpu.memory_space<vmem>>[vector<16xi32>], vector<16xi32>,
      %parallel_loop3A_79 = tpu.vector_load_idx %arg12[%parallel_loop3A_77] : memref<8192xi32, #tpu.memory_space<vmem>>[vector<16xi32>], vector<16xi32>,
      %parallel_loop3A_80 = tpu.vector_load_idx %arg13[%parallel_loop3A_77] : memref<8192xf32, #tpu.memory_space<vmem>>[vector<16xi32>], vector<16xf32>,
      %parallel_loop3A_81 = tpu.vector_load_idx %arg9[%parallel_loop3A_78, %add3A_48] : memref<512x128xf32, #tpu.memory_space<vmem>>[vector<16xi32>, vector<16xi32>], vector<16xf32>,
      %parallel_loop3A_82 = arith.mulf %parallel_loop3A_80, %gather3A : vector<16xf32>
      %parallel_loop3A_83 = arith.addf %parallel_loop3A_81, %parallel_loop3A_82 : vector<16xf32>
      %parallel_loop3A_84 = arith.constant 0.000000e+00 : f32
      %parallel_loop3A_85 = vector.broadcast %parallel_loop3A_84 : f32 to vector<16xf32>
      %parallel_loop3A_86 = arith.maximumf %parallel_loop3A_83, %parallel_loop3A_85 : vector<16xf32>
      tpu.vector_store_idx %arg10[%parallel_loop3A_79, %add3A_48], %parallel_loop3A_86 {add = true} : memref<128x128xf32, #tpu.memory_space<vmem>>[vector<16xi32>, vector<16xi32>], vector<16xf32>,
      %parallel_loop3A_87 = tpu.vector_load_idx %arg9[%parallel_loop3A_78, %add3A_51] : memref<512x128xf32, #tpu.memory_space<vmem>>[vector<16xi32>, vector<16xi32>], vector<16xf32>,
      %parallel_loop3A_88 = arith.mulf %parallel_loop3A_80, %gather3A_21 : vector<16xf32>
      %parallel_loop3A_89 = arith.addf %parallel_loop3A_87, %parallel_loop3A_88 : vector<16xf32>
      %parallel_loop3A_90 = arith.constant 0.000000e+00 : f32
      %parallel_loop3A_91 = vector.broadcast %parallel_loop3A_90 : f32 to vector<16xf32>
      %parallel_loop3A_92 = arith.maximumf %parallel_loop3A_89, %parallel_loop3A_91 : vector<16xf32>
      tpu.vector_store_idx %arg10[%parallel_loop3A_79, %add3A_51], %parallel_loop3A_92 {add = true} : memref<128x128xf32, #tpu.memory_space<vmem>>[vector<16xi32>, vector<16xi32>], vector<16xf32>,
      %parallel_loop3A_93 = tpu.vector_load_idx %arg9[%parallel_loop3A_78, %add3A_54] : memref<512x128xf32, #tpu.memory_space<vmem>>[vector<16xi32>, vector<16xi32>], vector<16xf32>,
      %parallel_loop3A_94 = arith.mulf %parallel_loop3A_80, %gather3A_25 : vector<16xf32>
      %parallel_loop3A_95 = arith.addf %parallel_loop3A_93, %parallel_loop3A_94 : vector<16xf32>
      %parallel_loop3A_96 = arith.constant 0.000000e+00 : f32
      %parallel_loop3A_97 = vector.broadcast %parallel_loop3A_96 : f32 to vector<16xf32>
      %parallel_loop3A_98 = arith.maximumf %parallel_loop3A_95, %parallel_loop3A_97 : vector<16xf32>
      tpu.vector_store_idx %arg10[%parallel_loop3A_79, %add3A_54], %parallel_loop3A_98 {add = true} : memref<128x128xf32, #tpu.memory_space<vmem>>[vector<16xi32>, vector<16xi32>], vector<16xf32>,
      %parallel_loop3A_99 = tpu.vector_load_idx %arg9[%parallel_loop3A_78, %add3A_57] : memref<512x128xf32, #tpu.memory_space<vmem>>[vector<16xi32>, vector<16xi32>], vector<16xf32>,
      %parallel_loop3A_100 = arith.mulf %parallel_loop3A_80, %gather3A_29 : vector<16xf32>
      %parallel_loop3A_101 = arith.addf %parallel_loop3A_99, %parallel_loop3A_100 : vector<16xf32>
      %parallel_loop3A_102 = arith.constant 0.000000e+00 : f32
      %parallel_loop3A_103 = vector.broadcast %parallel_loop3A_102 : f32 to vector<16xf32>
      %parallel_loop3A_104 = arith.maximumf %parallel_loop3A_101, %parallel_loop3A_103 : vector<16xf32>
      tpu.vector_store_idx %arg10[%parallel_loop3A_79, %add3A_57], %parallel_loop3A_104 {add = true} : memref<128x128xf32, #tpu.memory_space<vmem>>[vector<16xi32>, vector<16xi32>], vector<16xf32>,
      %parallel_loop3A_105 = tpu.vector_load_idx %arg9[%parallel_loop3A_78, %add3A_60] : memref<512x128xf32, #tpu.memory_space<vmem>>[vector<16xi32>, vector<16xi32>], vector<16xf32>,
      %parallel_loop3A_106 = arith.mulf %parallel_loop3A_80, %gather3A_33 : vector<16xf32>
      %parallel_loop3A_107 = arith.addf %parallel_loop3A_105, %parallel_loop3A_106 : vector<16xf32>
      %parallel_loop3A_108 = arith.constant 0.000000e+00 : f32
      %parallel_loop3A_109 = vector.broadcast %parallel_loop3A_108 : f32 to vector<16xf32>
      %parallel_loop3A_110 = arith.maximumf %parallel_loop3A_107, %parallel_loop3A_109 : vector<16xf32>
      tpu.vector_store_idx %arg10[%parallel_loop3A_79, %add3A_60], %parallel_loop3A_110 {add = true} : memref<128x128xf32, #tpu.memory_space<vmem>>[vector<16xi32>, vector<16xi32>], vector<16xf32>,
      %parallel_loop3A_111 = tpu.vector_load_idx %arg9[%parallel_loop3A_78, %add3A_63] : memref<512x128xf32, #tpu.memory_space<vmem>>[vector<16xi32>, vector<16xi32>], vector<16xf32>,
      %parallel_loop3A_112 = arith.mulf %parallel_loop3A_80, %gather3A_37 : vector<16xf32>
      %parallel_loop3A_113 = arith.addf %parallel_loop3A_111, %parallel_loop3A_112 : vector<16xf32>
      %parallel_loop3A_114 = arith.constant 0.000000e+00 : f32
      %parallel_loop3A_115 = vector.broadcast %parallel_loop3A_114 : f32 to vector<16xf32>
      %parallel_loop3A_116 = arith.maximumf %parallel_loop3A_113, %parallel_loop3A_115 : vector<16xf32>
      tpu.vector_store_idx %arg10[%parallel_loop3A_79, %add3A_63], %parallel_loop3A_116 {add = true} : memref<128x128xf32, #tpu.memory_space<vmem>>[vector<16xi32>, vector<16xi32>], vector<16xf32>,
      %parallel_loop3A_117 = tpu.vector_load_idx %arg9[%parallel_loop3A_78, %add3A_66] : memref<512x128xf32, #tpu.memory_space<vmem>>[vector<16xi32>, vector<16xi32>], vector<16xf32>,
      %parallel_loop3A_118 = arith.mulf %parallel_loop3A_80, %gather3A_41 : vector<16xf32>
      %parallel_loop3A_119 = arith.addf %parallel_loop3A_117, %parallel_loop3A_118 : vector<16xf32>
      %parallel_loop3A_120 = arith.constant 0.000000e+00 : f32
      %parallel_loop3A_121 = vector.broadcast %parallel_loop3A_120 : f32 to vector<16xf32>
      %parallel_loop3A_122 = arith.maximumf %parallel_loop3A_119, %parallel_loop3A_121 : vector<16xf32>
      tpu.vector_store_idx %arg10[%parallel_loop3A_79, %add3A_66], %parallel_loop3A_122 {add = true} : memref<128x128xf32, #tpu.memory_space<vmem>>[vector<16xi32>, vector<16xi32>], vector<16xf32>,
      %parallel_loop3A_123 = tpu.vector_load_idx %arg9[%parallel_loop3A_78, %add3A_69] : memref<512x128xf32, #tpu.memory_space<vmem>>[vector<16xi32>, vector<16xi32>], vector<16xf32>,
      %parallel_loop3A_124 = arith.mulf %parallel_loop3A_80, %gather3A_45 : vector<16xf32>
      %parallel_loop3A_125 = arith.addf %parallel_loop3A_123, %parallel_loop3A_124 : vector<16xf32>
      %parallel_loop3A_126 = arith.constant 0.000000e+00 : f32
      %parallel_loop3A_127 = vector.broadcast %parallel_loop3A_126 : f32 to vector<16xf32>
      %parallel_loop3A_128 = arith.maximumf %parallel_loop3A_125, %parallel_loop3A_127 : vector<16xf32>
      tpu.vector_store_idx %arg10[%parallel_loop3A_79, %add3A_69], %parallel_loop3A_128 {add = true} : memref<128x128xf32, #tpu.memory_space<vmem>>[vector<16xi32>, vector<16xi32>], vector<16xf32>,
    } {sc.loop_unroll_factor = 2 : i64, sc.parallel_access}
    %mul3A_74 = arith.constant 128 : i32
    %mul3A_75 = arith.muli %add3A, %mul3A_74 : i32
    "tpu.region"() ({
      %run_scoped3A = tpu.sem_alloc : memref<!tpu.dma_semaphore, #tpu.memory_space<semaphore_mem>>
      %dma_start3A = arith.constant 0 : i32
      %dma_start3A_76 = tpu.memref_slice %arg8[%mul3A_75, %dma_start3A] : memref<4096x128xf32, #tpu.memory_space<hbm>> -> memref<128x128xf32, #tpu.memory_space<hbm>>
      %dma_start3A_77 = arith.constant 0 : i32
      %dma_start3A_78 = tpu.memref_slice %arg8[%mul3A_75, %dma_start3A_77] : memref<4096x128xf32, #tpu.memory_space<hbm>> -> memref<128x128xf32, #tpu.memory_space<hbm>>
      tpu.enqueue_dma source(%arg10 : memref<128x128xf32, #tpu.memory_space<vmem>>) target(%dma_start3A_78 : memref<128x128xf32, #tpu.memory_space<hbm>>) target_semaphore(%run_scoped3A : memref<!tpu.dma_semaphore, #tpu.memory_space<semaphore_mem>>)
      %dma_wait3A = arith.constant 0 : i32
      %dma_wait3A_79 = tpu.memref_slice %arg8[%mul3A_75, %dma_wait3A] : memref<4096x128xf32, #tpu.memory_space<hbm>> -> memref<128x128xf32, #tpu.memory_space<hbm>>
      %dma_wait3A_80 = arith.constant 0 : i32
      %dma_wait3A_81 = tpu.memref_slice %arg8[%mul3A_75, %dma_wait3A_80] : memref<4096x128xf32, #tpu.memory_space<hbm>> -> memref<128x128xf32, #tpu.memory_space<hbm>>
      tpu.wait_dma2 semaphore(%run_scoped3A : memref<!tpu.dma_semaphore, #tpu.memory_space<semaphore_mem>>) src(%arg10 : memref<128x128xf32, #tpu.memory_space<vmem>>) dst(%dma_wait3A_81 : memref<128x128xf32, #tpu.memory_space<hbm>>)
      tpu.yield
    }) : () -> ()
    return
  }
}

#map = affine_map<(d0, d1) -> (0, 0)>
module attributes {stable_mosaic.version = 14 : i64} {
  func.func @_sc_edge(%arg0: i32, %arg1: i32, %arg2: memref<4096x128xf32, #tpu.memory_space<hbm>>, %arg3: memref<1x128xf32, #tpu.memory_space<hbm>>, %arg4: memref<32x8192xi32, #tpu.memory_space<hbm>>, %arg5: memref<32x8192xi32, #tpu.memory_space<hbm>>, %arg6: memref<32x8192xf32, #tpu.memory_space<hbm>>, %arg7: memref<32x16xi32, #tpu.memory_space<hbm>>, %arg8: memref<4096x128xf32, #tpu.memory_space<hbm>>, %arg9: memref<512x128xf32, #tpu.memory_space<vmem>>, %arg10: memref<128x128xf32, #tpu.memory_space<vmem>>, %arg11: memref<8192xi32, #tpu.memory_space<vmem>>, %arg12: memref<8192xi32, #tpu.memory_space<vmem>>, %arg13: memref<8192xf32, #tpu.memory_space<vmem>>, %arg14: memref<16xi32, #tpu.memory_space<vmem>>, %arg15: memref<1x128xf32, #tpu.memory_space<vmem>>) attributes {dimension_semantics = [#tpu.dimension_semantics<core_parallel>, #tpu.dimension_semantics<subcore_parallel>], iteration_bounds = array<i64: 2, 16>, scalar_prefetch = 0 : i64, scratch_operands = 7 : i64, tpu.core_type = #tpu.core_type<sc_vector_subcore>, window_params = [{transform_indices = #map}, {transform_indices = #map}, {transform_indices = #map}, {transform_indices = #map}, {transform_indices = #map}, {transform_indices = #map}, {transform_indices = #map}]} {
    %mul3A = arith.constant 16 : i32
    %mul3A_0 = arith.muli %arg0, %mul3A : i32
    %add3A = arith.addi %mul3A_0, %arg1 : i32
    %shift_right_arithmetic3A = arith.constant 2 : i32
    %shift_right_arithmetic3A_1 = arith.shrsi %add3A, %shift_right_arithmetic3A : i32
    %iota3A = tpu.iota {dimensions = array<i32: 0>} : vector<16xi32>
    %broadcast_in_dim3A = arith.constant 0 : i32
    %broadcast_in_dim3A_2 = vector.broadcast %broadcast_in_dim3A : i32 to vector<16xi32>
    %broadcast_in_dim3A_3 = arith.constant 0.000000e+00 : f32
    %broadcast_in_dim3A_4 = vector.broadcast %broadcast_in_dim3A_3 : f32 to vector<16xf32>
    %mul3A_5 = arith.constant 512 : i32
    %mul3A_6 = arith.muli %shift_right_arithmetic3A_1, %mul3A_5 : i32
    "tpu.region"() ({
      %run_scoped3A = tpu.sem_alloc : memref<!tpu.dma_semaphore, #tpu.memory_space<semaphore_mem>>
      %dma_start3A = arith.constant 0 : i32
      %dma_start3A_76 = tpu.memref_slice %arg2[%mul3A_6, %dma_start3A] : memref<4096x128xf32, #tpu.memory_space<hbm>> -> memref<512x128xf32, #tpu.memory_space<hbm>>
      %dma_start3A_77 = arith.constant 0 : i32
      %dma_start3A_78 = tpu.memref_slice %arg2[%mul3A_6, %dma_start3A_77] : memref<4096x128xf32, #tpu.memory_space<hbm>> -> memref<512x128xf32, #tpu.memory_space<hbm>>
      tpu.enqueue_dma source(%dma_start3A_78 : memref<512x128xf32, #tpu.memory_space<hbm>>) target(%arg9 : memref<512x128xf32, #tpu.memory_space<vmem>>) target_semaphore(%run_scoped3A : memref<!tpu.dma_semaphore, #tpu.memory_space<semaphore_mem>>)
      %dma_wait3A = arith.constant 0 : i32
      %dma_wait3A_79 = tpu.memref_slice %arg2[%mul3A_6, %dma_wait3A] : memref<4096x128xf32, #tpu.memory_space<hbm>> -> memref<512x128xf32, #tpu.memory_space<hbm>>
      %dma_wait3A_80 = arith.constant 0 : i32
      %dma_wait3A_81 = tpu.memref_slice %arg2[%mul3A_6, %dma_wait3A_80] : memref<4096x128xf32, #tpu.memory_space<hbm>> -> memref<512x128xf32, #tpu.memory_space<hbm>>
      tpu.wait_dma2 semaphore(%run_scoped3A : memref<!tpu.dma_semaphore, #tpu.memory_space<semaphore_mem>>) src(%dma_wait3A_81 : memref<512x128xf32, #tpu.memory_space<hbm>>) dst(%arg9 : memref<512x128xf32, #tpu.memory_space<vmem>>)
      tpu.yield
    }) : () -> ()
    "tpu.region"() ({
      %run_scoped3A = tpu.sem_alloc : memref<!tpu.dma_semaphore, #tpu.memory_space<semaphore_mem>>
      tpu.enqueue_dma source(%arg3 : memref<1x128xf32, #tpu.memory_space<hbm>>) target(%arg15 : memref<1x128xf32, #tpu.memory_space<vmem>>) target_semaphore(%run_scoped3A : memref<!tpu.dma_semaphore, #tpu.memory_space<semaphore_mem>>)
      tpu.wait_dma2 semaphore(%run_scoped3A : memref<!tpu.dma_semaphore, #tpu.memory_space<semaphore_mem>>) src(%arg3 : memref<1x128xf32, #tpu.memory_space<hbm>>) dst(%arg15 : memref<1x128xf32, #tpu.memory_space<vmem>>)
      tpu.yield
    }) : () -> ()
    "tpu.region"() ({
      %run_scoped3A = tpu.sem_alloc : memref<!tpu.dma_semaphore, #tpu.memory_space<semaphore_mem>>
      %dma_start3A = arith.constant 0 : i32
      %dma_start3A_76 = tpu.memref_slice %arg4[%add3A, %dma_start3A] : memref<32x8192xi32, #tpu.memory_space<hbm>> -> memref<1x8192xi32, #tpu.memory_space<hbm>>
      %dma_start3A_77 = tpu.memref_squeeze %dma_start3A_76 : memref<1x8192xi32, #tpu.memory_space<hbm>> -> memref<8192xi32, #tpu.memory_space<hbm>>
      %dma_start3A_78 = arith.constant 0 : i32
      %dma_start3A_79 = tpu.memref_slice %arg4[%add3A, %dma_start3A_78] : memref<32x8192xi32, #tpu.memory_space<hbm>> -> memref<1x8192xi32, #tpu.memory_space<hbm>>
      %dma_start3A_80 = tpu.memref_squeeze %dma_start3A_79 : memref<1x8192xi32, #tpu.memory_space<hbm>> -> memref<8192xi32, #tpu.memory_space<hbm>>
      tpu.enqueue_dma source(%dma_start3A_80 : memref<8192xi32, #tpu.memory_space<hbm>>) target(%arg11 : memref<8192xi32, #tpu.memory_space<vmem>>) target_semaphore(%run_scoped3A : memref<!tpu.dma_semaphore, #tpu.memory_space<semaphore_mem>>)
      %dma_wait3A = arith.constant 0 : i32
      %dma_wait3A_81 = tpu.memref_slice %arg4[%add3A, %dma_wait3A] : memref<32x8192xi32, #tpu.memory_space<hbm>> -> memref<1x8192xi32, #tpu.memory_space<hbm>>
      %dma_wait3A_82 = tpu.memref_squeeze %dma_wait3A_81 : memref<1x8192xi32, #tpu.memory_space<hbm>> -> memref<8192xi32, #tpu.memory_space<hbm>>
      %dma_wait3A_83 = arith.constant 0 : i32
      %dma_wait3A_84 = tpu.memref_slice %arg4[%add3A, %dma_wait3A_83] : memref<32x8192xi32, #tpu.memory_space<hbm>> -> memref<1x8192xi32, #tpu.memory_space<hbm>>
      %dma_wait3A_85 = tpu.memref_squeeze %dma_wait3A_84 : memref<1x8192xi32, #tpu.memory_space<hbm>> -> memref<8192xi32, #tpu.memory_space<hbm>>
      tpu.wait_dma2 semaphore(%run_scoped3A : memref<!tpu.dma_semaphore, #tpu.memory_space<semaphore_mem>>) src(%dma_wait3A_85 : memref<8192xi32, #tpu.memory_space<hbm>>) dst(%arg11 : memref<8192xi32, #tpu.memory_space<vmem>>)
      tpu.yield
    }) : () -> ()
    "tpu.region"() ({
      %run_scoped3A = tpu.sem_alloc : memref<!tpu.dma_semaphore, #tpu.memory_space<semaphore_mem>>
      %dma_start3A = arith.constant 0 : i32
      %dma_start3A_76 = tpu.memref_slice %arg5[%add3A, %dma_start3A] : memref<32x8192xi32, #tpu.memory_space<hbm>> -> memref<1x8192xi32, #tpu.memory_space<hbm>>
      %dma_start3A_77 = tpu.memref_squeeze %dma_start3A_76 : memref<1x8192xi32, #tpu.memory_space<hbm>> -> memref<8192xi32, #tpu.memory_space<hbm>>
      %dma_start3A_78 = arith.constant 0 : i32
      %dma_start3A_79 = tpu.memref_slice %arg5[%add3A, %dma_start3A_78] : memref<32x8192xi32, #tpu.memory_space<hbm>> -> memref<1x8192xi32, #tpu.memory_space<hbm>>
      %dma_start3A_80 = tpu.memref_squeeze %dma_start3A_79 : memref<1x8192xi32, #tpu.memory_space<hbm>> -> memref<8192xi32, #tpu.memory_space<hbm>>
      tpu.enqueue_dma source(%dma_start3A_80 : memref<8192xi32, #tpu.memory_space<hbm>>) target(%arg12 : memref<8192xi32, #tpu.memory_space<vmem>>) target_semaphore(%run_scoped3A : memref<!tpu.dma_semaphore, #tpu.memory_space<semaphore_mem>>)
      %dma_wait3A = arith.constant 0 : i32
      %dma_wait3A_81 = tpu.memref_slice %arg5[%add3A, %dma_wait3A] : memref<32x8192xi32, #tpu.memory_space<hbm>> -> memref<1x8192xi32, #tpu.memory_space<hbm>>
      %dma_wait3A_82 = tpu.memref_squeeze %dma_wait3A_81 : memref<1x8192xi32, #tpu.memory_space<hbm>> -> memref<8192xi32, #tpu.memory_space<hbm>>
      %dma_wait3A_83 = arith.constant 0 : i32
      %dma_wait3A_84 = tpu.memref_slice %arg5[%add3A, %dma_wait3A_83] : memref<32x8192xi32, #tpu.memory_space<hbm>> -> memref<1x8192xi32, #tpu.memory_space<hbm>>
      %dma_wait3A_85 = tpu.memref_squeeze %dma_wait3A_84 : memref<1x8192xi32, #tpu.memory_space<hbm>> -> memref<8192xi32, #tpu.memory_space<hbm>>
      tpu.wait_dma2 semaphore(%run_scoped3A : memref<!tpu.dma_semaphore, #tpu.memory_space<semaphore_mem>>) src(%dma_wait3A_85 : memref<8192xi32, #tpu.memory_space<hbm>>) dst(%arg12 : memref<8192xi32, #tpu.memory_space<vmem>>)
      tpu.yield
    }) : () -> ()
    "tpu.region"() ({
      %run_scoped3A = tpu.sem_alloc : memref<!tpu.dma_semaphore, #tpu.memory_space<semaphore_mem>>
      %dma_start3A = arith.constant 0 : i32
      %dma_start3A_76 = tpu.memref_slice %arg6[%add3A, %dma_start3A] : memref<32x8192xf32, #tpu.memory_space<hbm>> -> memref<1x8192xf32, #tpu.memory_space<hbm>>
      %dma_start3A_77 = tpu.memref_squeeze %dma_start3A_76 : memref<1x8192xf32, #tpu.memory_space<hbm>> -> memref<8192xf32, #tpu.memory_space<hbm>>
      %dma_start3A_78 = arith.constant 0 : i32
      %dma_start3A_79 = tpu.memref_slice %arg6[%add3A, %dma_start3A_78] : memref<32x8192xf32, #tpu.memory_space<hbm>> -> memref<1x8192xf32, #tpu.memory_space<hbm>>
      %dma_start3A_80 = tpu.memref_squeeze %dma_start3A_79 : memref<1x8192xf32, #tpu.memory_space<hbm>> -> memref<8192xf32, #tpu.memory_space<hbm>>
      tpu.enqueue_dma source(%dma_start3A_80 : memref<8192xf32, #tpu.memory_space<hbm>>) target(%arg13 : memref<8192xf32, #tpu.memory_space<vmem>>) target_semaphore(%run_scoped3A : memref<!tpu.dma_semaphore, #tpu.memory_space<semaphore_mem>>)
      %dma_wait3A = arith.constant 0 : i32
      %dma_wait3A_81 = tpu.memref_slice %arg6[%add3A, %dma_wait3A] : memref<32x8192xf32, #tpu.memory_space<hbm>> -> memref<1x8192xf32, #tpu.memory_space<hbm>>
      %dma_wait3A_82 = tpu.memref_squeeze %dma_wait3A_81 : memref<1x8192xf32, #tpu.memory_space<hbm>> -> memref<8192xf32, #tpu.memory_space<hbm>>
      %dma_wait3A_83 = arith.constant 0 : i32
      %dma_wait3A_84 = tpu.memref_slice %arg6[%add3A, %dma_wait3A_83] : memref<32x8192xf32, #tpu.memory_space<hbm>> -> memref<1x8192xf32, #tpu.memory_space<hbm>>
      %dma_wait3A_85 = tpu.memref_squeeze %dma_wait3A_84 : memref<1x8192xf32, #tpu.memory_space<hbm>> -> memref<8192xf32, #tpu.memory_space<hbm>>
      tpu.wait_dma2 semaphore(%run_scoped3A : memref<!tpu.dma_semaphore, #tpu.memory_space<semaphore_mem>>) src(%dma_wait3A_85 : memref<8192xf32, #tpu.memory_space<hbm>>) dst(%arg13 : memref<8192xf32, #tpu.memory_space<vmem>>)
      tpu.yield
    }) : () -> ()
    "tpu.region"() ({
      %run_scoped3A = tpu.sem_alloc : memref<!tpu.dma_semaphore, #tpu.memory_space<semaphore_mem>>
      %dma_start3A = arith.constant 0 : i32
      %dma_start3A_76 = tpu.memref_slice %arg7[%add3A, %dma_start3A] : memref<32x16xi32, #tpu.memory_space<hbm>> -> memref<1x16xi32, #tpu.memory_space<hbm>>
      %dma_start3A_77 = tpu.memref_squeeze %dma_start3A_76 : memref<1x16xi32, #tpu.memory_space<hbm>> -> memref<16xi32, #tpu.memory_space<hbm>>
      %dma_start3A_78 = arith.constant 0 : i32
      %dma_start3A_79 = tpu.memref_slice %arg7[%add3A, %dma_start3A_78] : memref<32x16xi32, #tpu.memory_space<hbm>> -> memref<1x16xi32, #tpu.memory_space<hbm>>
      %dma_start3A_80 = tpu.memref_squeeze %dma_start3A_79 : memref<1x16xi32, #tpu.memory_space<hbm>> -> memref<16xi32, #tpu.memory_space<hbm>>
      tpu.enqueue_dma source(%dma_start3A_80 : memref<16xi32, #tpu.memory_space<hbm>>) target(%arg14 : memref<16xi32, #tpu.memory_space<vmem>>) target_semaphore(%run_scoped3A : memref<!tpu.dma_semaphore, #tpu.memory_space<semaphore_mem>>)
      %dma_wait3A = arith.constant 0 : i32
      %dma_wait3A_81 = tpu.memref_slice %arg7[%add3A, %dma_wait3A] : memref<32x16xi32, #tpu.memory_space<hbm>> -> memref<1x16xi32, #tpu.memory_space<hbm>>
      %dma_wait3A_82 = tpu.memref_squeeze %dma_wait3A_81 : memref<1x16xi32, #tpu.memory_space<hbm>> -> memref<16xi32, #tpu.memory_space<hbm>>
      %dma_wait3A_83 = arith.constant 0 : i32
      %dma_wait3A_84 = tpu.memref_slice %arg7[%add3A, %dma_wait3A_83] : memref<32x16xi32, #tpu.memory_space<hbm>> -> memref<1x16xi32, #tpu.memory_space<hbm>>
      %dma_wait3A_85 = tpu.memref_squeeze %dma_wait3A_84 : memref<1x16xi32, #tpu.memory_space<hbm>> -> memref<16xi32, #tpu.memory_space<hbm>>
      tpu.wait_dma2 semaphore(%run_scoped3A : memref<!tpu.dma_semaphore, #tpu.memory_space<semaphore_mem>>) src(%dma_wait3A_85 : memref<16xi32, #tpu.memory_space<hbm>>) dst(%arg14 : memref<16xi32, #tpu.memory_space<vmem>>)
      tpu.yield
    }) : () -> ()
    %get3A = arith.constant 0 : index
    %get3A_7 = tpu.vector_load %arg14[%get3A] {strides = array<i32>} : memref<16xi32, #tpu.memory_space<vmem>>, vector<16xi32>,
    %reduce_max3A = arith.constant true
    %reduce_max3A_8 = vector.broadcast %reduce_max3A : i1 to vector<16xi1>
    %reduce_max3A_9 = arith.constant -2147483648 : i32
    %reduce_max3A_10 = vector.broadcast %reduce_max3A_9 : i32 to vector<16xi32>
    %reduce_max3A_11 = arith.xori %get3A_7, %reduce_max3A_10 : vector<16xi32>
    %reduce_max3A_12 = tpu.scan <max>, %reduce_max3A_11 masked %reduce_max3A_8 : vector<16xi32>, vector<16xi1> -> vector<16xi32>
    %reduce_max3A_13 = arith.xori %reduce_max3A_12, %reduce_max3A_10 : vector<16xi32>
    %reduce_max3A_14 = vector.extract %reduce_max3A_13[15] : i32 from vector<16xi32>
    %add3A_15 = arith.constant 0 : i32
    %add3A_16 = vector.broadcast %add3A_15 : i32 to vector<16xi32>
    %add3A_17 = arith.addi %add3A_16, %iota3A : vector<16xi32>
    %gather3A = tpu.vector_load_idx %arg15[%broadcast_in_dim3A_2, %add3A_17] : memref<1x128xf32, #tpu.memory_space<vmem>>[vector<16xi32>, vector<16xi32>], vector<16xf32>,
    %add3A_18 = arith.constant 16 : i32
    %add3A_19 = vector.broadcast %add3A_18 : i32 to vector<16xi32>
    %add3A_20 = arith.addi %add3A_19, %iota3A : vector<16xi32>
    %gather3A_21 = tpu.vector_load_idx %arg15[%broadcast_in_dim3A_2, %add3A_20] : memref<1x128xf32, #tpu.memory_space<vmem>>[vector<16xi32>, vector<16xi32>], vector<16xf32>,
    %add3A_22 = arith.constant 32 : i32
    %add3A_23 = vector.broadcast %add3A_22 : i32 to vector<16xi32>
    %add3A_24 = arith.addi %add3A_23, %iota3A : vector<16xi32>
    %gather3A_25 = tpu.vector_load_idx %arg15[%broadcast_in_dim3A_2, %add3A_24] : memref<1x128xf32, #tpu.memory_space<vmem>>[vector<16xi32>, vector<16xi32>], vector<16xf32>,
    %add3A_26 = arith.constant 48 : i32
    %add3A_27 = vector.broadcast %add3A_26 : i32 to vector<16xi32>
    %add3A_28 = arith.addi %add3A_27, %iota3A : vector<16xi32>
    %gather3A_29 = tpu.vector_load_idx %arg15[%broadcast_in_dim3A_2, %add3A_28] : memref<1x128xf32, #tpu.memory_space<vmem>>[vector<16xi32>, vector<16xi32>], vector<16xf32>,
    %add3A_30 = arith.constant 64 : i32
    %add3A_31 = vector.broadcast %add3A_30 : i32 to vector<16xi32>
    %add3A_32 = arith.addi %add3A_31, %iota3A : vector<16xi32>
    %gather3A_33 = tpu.vector_load_idx %arg15[%broadcast_in_dim3A_2, %add3A_32] : memref<1x128xf32, #tpu.memory_space<vmem>>[vector<16xi32>, vector<16xi32>], vector<16xf32>,
    %add3A_34 = arith.constant 80 : i32
    %add3A_35 = vector.broadcast %add3A_34 : i32 to vector<16xi32>
    %add3A_36 = arith.addi %add3A_35, %iota3A : vector<16xi32>
    %gather3A_37 = tpu.vector_load_idx %arg15[%broadcast_in_dim3A_2, %add3A_36] : memref<1x128xf32, #tpu.memory_space<vmem>>[vector<16xi32>, vector<16xi32>], vector<16xf32>,
    %add3A_38 = arith.constant 96 : i32
    %add3A_39 = vector.broadcast %add3A_38 : i32 to vector<16xi32>
    %add3A_40 = arith.addi %add3A_39, %iota3A : vector<16xi32>
    %gather3A_41 = tpu.vector_load_idx %arg15[%broadcast_in_dim3A_2, %add3A_40] : memref<1x128xf32, #tpu.memory_space<vmem>>[vector<16xi32>, vector<16xi32>], vector<16xf32>,
    %add3A_42 = arith.constant 112 : i32
    %add3A_43 = vector.broadcast %add3A_42 : i32 to vector<16xi32>
    %add3A_44 = arith.addi %add3A_43, %iota3A : vector<16xi32>
    %gather3A_45 = tpu.vector_load_idx %arg15[%broadcast_in_dim3A_2, %add3A_44] : memref<1x128xf32, #tpu.memory_space<vmem>>[vector<16xi32>, vector<16xi32>], vector<16xf32>,
    %add3A_46 = arith.constant 0 : i32
    %add3A_47 = vector.broadcast %add3A_46 : i32 to vector<16xi32>
    %add3A_48 = arith.addi %add3A_47, %iota3A : vector<16xi32>
    %add3A_49 = arith.constant 16 : i32
    %add3A_50 = vector.broadcast %add3A_49 : i32 to vector<16xi32>
    %add3A_51 = arith.addi %add3A_50, %iota3A : vector<16xi32>
    %add3A_52 = arith.constant 32 : i32
    %add3A_53 = vector.broadcast %add3A_52 : i32 to vector<16xi32>
    %add3A_54 = arith.addi %add3A_53, %iota3A : vector<16xi32>
    %add3A_55 = arith.constant 48 : i32
    %add3A_56 = vector.broadcast %add3A_55 : i32 to vector<16xi32>
    %add3A_57 = arith.addi %add3A_56, %iota3A : vector<16xi32>
    %add3A_58 = arith.constant 64 : i32
    %add3A_59 = vector.broadcast %add3A_58 : i32 to vector<16xi32>
    %add3A_60 = arith.addi %add3A_59, %iota3A : vector<16xi32>
    %add3A_61 = arith.constant 80 : i32
    %add3A_62 = vector.broadcast %add3A_61 : i32 to vector<16xi32>
    %add3A_63 = arith.addi %add3A_62, %iota3A : vector<16xi32>
    %add3A_64 = arith.constant 96 : i32
    %add3A_65 = vector.broadcast %add3A_64 : i32 to vector<16xi32>
    %add3A_66 = arith.addi %add3A_65, %iota3A : vector<16xi32>
    %add3A_67 = arith.constant 112 : i32
    %add3A_68 = vector.broadcast %add3A_67 : i32 to vector<16xi32>
    %add3A_69 = arith.addi %add3A_68, %iota3A : vector<16xi32>
    %parallel_loop3A = arith.constant 0 : i32
    %parallel_loop3A_70 = arith.constant 128 : i32
    %parallel_loop3A_71 = arith.constant 1 : i32
    scf.for %parallel_loop3A_76 = %parallel_loop3A to %parallel_loop3A_70 step %parallel_loop3A_71  : i32 {
      %parallel_loop3A_77 = vector.broadcast %parallel_loop3A_76 : i32 to vector<16xi32>
      tpu.vector_store_idx %arg10[%parallel_loop3A_77, %add3A_48], %broadcast_in_dim3A_4 : memref<128x128xf32, #tpu.memory_space<vmem>>[vector<16xi32>, vector<16xi32>], vector<16xf32>,
      tpu.vector_store_idx %arg10[%parallel_loop3A_77, %add3A_51], %broadcast_in_dim3A_4 : memref<128x128xf32, #tpu.memory_space<vmem>>[vector<16xi32>, vector<16xi32>], vector<16xf32>,
      tpu.vector_store_idx %arg10[%parallel_loop3A_77, %add3A_54], %broadcast_in_dim3A_4 : memref<128x128xf32, #tpu.memory_space<vmem>>[vector<16xi32>, vector<16xi32>], vector<16xf32>,
      tpu.vector_store_idx %arg10[%parallel_loop3A_77, %add3A_57], %broadcast_in_dim3A_4 : memref<128x128xf32, #tpu.memory_space<vmem>>[vector<16xi32>, vector<16xi32>], vector<16xf32>,
      tpu.vector_store_idx %arg10[%parallel_loop3A_77, %add3A_60], %broadcast_in_dim3A_4 : memref<128x128xf32, #tpu.memory_space<vmem>>[vector<16xi32>, vector<16xi32>], vector<16xf32>,
      tpu.vector_store_idx %arg10[%parallel_loop3A_77, %add3A_63], %broadcast_in_dim3A_4 : memref<128x128xf32, #tpu.memory_space<vmem>>[vector<16xi32>, vector<16xi32>], vector<16xf32>,
      tpu.vector_store_idx %arg10[%parallel_loop3A_77, %add3A_66], %broadcast_in_dim3A_4 : memref<128x128xf32, #tpu.memory_space<vmem>>[vector<16xi32>, vector<16xi32>], vector<16xf32>,
      tpu.vector_store_idx %arg10[%parallel_loop3A_77, %add3A_69], %broadcast_in_dim3A_4 : memref<128x128xf32, #tpu.memory_space<vmem>>[vector<16xi32>, vector<16xi32>], vector<16xf32>,
    } {sc.loop_unroll_factor = 1 : i64, sc.parallel_access}
    %parallel_loop3A_72 = arith.constant 0 : i32
    %parallel_loop3A_73 = arith.constant 1 : i32
    scf.for %parallel_loop3A_76 = %parallel_loop3A_72 to %reduce_max3A_14 step %parallel_loop3A_73  : i32 {
      %parallel_loop3A_77 = vector.broadcast %parallel_loop3A_76 : i32 to vector<16xi32>
      %parallel_loop3A_78 = tpu.vector_load_idx %arg11[%parallel_loop3A_77] : memref<8192xi32, #tpu.memory_space<vmem>>[vector<16xi32>], vector<16xi32>,
      %parallel_loop3A_79 = tpu.vector_load_idx %arg12[%parallel_loop3A_77] : memref<8192xi32, #tpu.memory_space<vmem>>[vector<16xi32>], vector<16xi32>,
      %parallel_loop3A_80 = tpu.vector_load_idx %arg13[%parallel_loop3A_77] : memref<8192xf32, #tpu.memory_space<vmem>>[vector<16xi32>], vector<16xf32>,
      %parallel_loop3A_81 = tpu.vector_load_idx %arg9[%parallel_loop3A_78, %add3A_48] : memref<512x128xf32, #tpu.memory_space<vmem>>[vector<16xi32>, vector<16xi32>], vector<16xf32>,
      %parallel_loop3A_82 = arith.mulf %parallel_loop3A_80, %gather3A : vector<16xf32>
      %parallel_loop3A_83 = arith.addf %parallel_loop3A_81, %parallel_loop3A_82 : vector<16xf32>
      %parallel_loop3A_84 = arith.constant 0.000000e+00 : f32
      %parallel_loop3A_85 = vector.broadcast %parallel_loop3A_84 : f32 to vector<16xf32>
      %parallel_loop3A_86 = arith.maximumf %parallel_loop3A_83, %parallel_loop3A_85 : vector<16xf32>
      tpu.vector_store_idx %arg10[%parallel_loop3A_79, %add3A_48], %parallel_loop3A_86 {add = true} : memref<128x128xf32, #tpu.memory_space<vmem>>[vector<16xi32>, vector<16xi32>], vector<16xf32>,
      %parallel_loop3A_87 = tpu.vector_load_idx %arg9[%parallel_loop3A_78, %add3A_51] : memref<512x128xf32, #tpu.memory_space<vmem>>[vector<16xi32>, vector<16xi32>], vector<16xf32>,
      %parallel_loop3A_88 = arith.mulf %parallel_loop3A_80, %gather3A_21 : vector<16xf32>
      %parallel_loop3A_89 = arith.addf %parallel_loop3A_87, %parallel_loop3A_88 : vector<16xf32>
      %parallel_loop3A_90 = arith.constant 0.000000e+00 : f32
      %parallel_loop3A_91 = vector.broadcast %parallel_loop3A_90 : f32 to vector<16xf32>
      %parallel_loop3A_92 = arith.maximumf %parallel_loop3A_89, %parallel_loop3A_91 : vector<16xf32>
      tpu.vector_store_idx %arg10[%parallel_loop3A_79, %add3A_51], %parallel_loop3A_92 {add = true} : memref<128x128xf32, #tpu.memory_space<vmem>>[vector<16xi32>, vector<16xi32>], vector<16xf32>,
      %parallel_loop3A_93 = tpu.vector_load_idx %arg9[%parallel_loop3A_78, %add3A_54] : memref<512x128xf32, #tpu.memory_space<vmem>>[vector<16xi32>, vector<16xi32>], vector<16xf32>,
      %parallel_loop3A_94 = arith.mulf %parallel_loop3A_80, %gather3A_25 : vector<16xf32>
      %parallel_loop3A_95 = arith.addf %parallel_loop3A_93, %parallel_loop3A_94 : vector<16xf32>
      %parallel_loop3A_96 = arith.constant 0.000000e+00 : f32
      %parallel_loop3A_97 = vector.broadcast %parallel_loop3A_96 : f32 to vector<16xf32>
      %parallel_loop3A_98 = arith.maximumf %parallel_loop3A_95, %parallel_loop3A_97 : vector<16xf32>
      tpu.vector_store_idx %arg10[%parallel_loop3A_79, %add3A_54], %parallel_loop3A_98 {add = true} : memref<128x128xf32, #tpu.memory_space<vmem>>[vector<16xi32>, vector<16xi32>], vector<16xf32>,
      %parallel_loop3A_99 = tpu.vector_load_idx %arg9[%parallel_loop3A_78, %add3A_57] : memref<512x128xf32, #tpu.memory_space<vmem>>[vector<16xi32>, vector<16xi32>], vector<16xf32>,
      %parallel_loop3A_100 = arith.mulf %parallel_loop3A_80, %gather3A_29 : vector<16xf32>
      %parallel_loop3A_101 = arith.addf %parallel_loop3A_99, %parallel_loop3A_100 : vector<16xf32>
      %parallel_loop3A_102 = arith.constant 0.000000e+00 : f32
      %parallel_loop3A_103 = vector.broadcast %parallel_loop3A_102 : f32 to vector<16xf32>
      %parallel_loop3A_104 = arith.maximumf %parallel_loop3A_101, %parallel_loop3A_103 : vector<16xf32>
      tpu.vector_store_idx %arg10[%parallel_loop3A_79, %add3A_57], %parallel_loop3A_104 {add = true} : memref<128x128xf32, #tpu.memory_space<vmem>>[vector<16xi32>, vector<16xi32>], vector<16xf32>,
      %parallel_loop3A_105 = tpu.vector_load_idx %arg9[%parallel_loop3A_78, %add3A_60] : memref<512x128xf32, #tpu.memory_space<vmem>>[vector<16xi32>, vector<16xi32>], vector<16xf32>,
      %parallel_loop3A_106 = arith.mulf %parallel_loop3A_80, %gather3A_33 : vector<16xf32>
      %parallel_loop3A_107 = arith.addf %parallel_loop3A_105, %parallel_loop3A_106 : vector<16xf32>
      %parallel_loop3A_108 = arith.constant 0.000000e+00 : f32
      %parallel_loop3A_109 = vector.broadcast %parallel_loop3A_108 : f32 to vector<16xf32>
      %parallel_loop3A_110 = arith.maximumf %parallel_loop3A_107, %parallel_loop3A_109 : vector<16xf32>
      tpu.vector_store_idx %arg10[%parallel_loop3A_79, %add3A_60], %parallel_loop3A_110 {add = true} : memref<128x128xf32, #tpu.memory_space<vmem>>[vector<16xi32>, vector<16xi32>], vector<16xf32>,
      %parallel_loop3A_111 = tpu.vector_load_idx %arg9[%parallel_loop3A_78, %add3A_63] : memref<512x128xf32, #tpu.memory_space<vmem>>[vector<16xi32>, vector<16xi32>], vector<16xf32>,
      %parallel_loop3A_112 = arith.mulf %parallel_loop3A_80, %gather3A_37 : vector<16xf32>
      %parallel_loop3A_113 = arith.addf %parallel_loop3A_111, %parallel_loop3A_112 : vector<16xf32>
      %parallel_loop3A_114 = arith.constant 0.000000e+00 : f32
      %parallel_loop3A_115 = vector.broadcast %parallel_loop3A_114 : f32 to vector<16xf32>
      %parallel_loop3A_116 = arith.maximumf %parallel_loop3A_113, %parallel_loop3A_115 : vector<16xf32>
      tpu.vector_store_idx %arg10[%parallel_loop3A_79, %add3A_63], %parallel_loop3A_116 {add = true} : memref<128x128xf32, #tpu.memory_space<vmem>>[vector<16xi32>, vector<16xi32>], vector<16xf32>,
      %parallel_loop3A_117 = tpu.vector_load_idx %arg9[%parallel_loop3A_78, %add3A_66] : memref<512x128xf32, #tpu.memory_space<vmem>>[vector<16xi32>, vector<16xi32>], vector<16xf32>,
      %parallel_loop3A_118 = arith.mulf %parallel_loop3A_80, %gather3A_41 : vector<16xf32>
      %parallel_loop3A_119 = arith.addf %parallel_loop3A_117, %parallel_loop3A_118 : vector<16xf32>
      %parallel_loop3A_120 = arith.constant 0.000000e+00 : f32
      %parallel_loop3A_121 = vector.broadcast %parallel_loop3A_120 : f32 to vector<16xf32>
      %parallel_loop3A_122 = arith.maximumf %parallel_loop3A_119, %parallel_loop3A_121 : vector<16xf32>
      tpu.vector_store_idx %arg10[%parallel_loop3A_79, %add3A_66], %parallel_loop3A_122 {add = true} : memref<128x128xf32, #tpu.memory_space<vmem>>[vector<16xi32>, vector<16xi32>], vector<16xf32>,
      %parallel_loop3A_123 = tpu.vector_load_idx %arg9[%parallel_loop3A_78, %add3A_69] : memref<512x128xf32, #tpu.memory_space<vmem>>[vector<16xi32>, vector<16xi32>], vector<16xf32>,
      %parallel_loop3A_124 = arith.mulf %parallel_loop3A_80, %gather3A_45 : vector<16xf32>
      %parallel_loop3A_125 = arith.addf %parallel_loop3A_123, %parallel_loop3A_124 : vector<16xf32>
      %parallel_loop3A_126 = arith.constant 0.000000e+00 : f32
      %parallel_loop3A_127 = vector.broadcast %parallel_loop3A_126 : f32 to vector<16xf32>
      %parallel_loop3A_128 = arith.maximumf %parallel_loop3A_125, %parallel_loop3A_127 : vector<16xf32>
      tpu.vector_store_idx %arg10[%parallel_loop3A_79, %add3A_69], %parallel_loop3A_128 {add = true} : memref<128x128xf32, #tpu.memory_space<vmem>>[vector<16xi32>, vector<16xi32>], vector<16xf32>,
    } {sc.loop_unroll_factor = 2 : i64, sc.parallel_access}
    %mul3A_74 = arith.constant 128 : i32
    %mul3A_75 = arith.muli %add3A, %mul3A_74 : i32
    "tpu.region"() ({
      %run_scoped3A = tpu.sem_alloc : memref<!tpu.dma_semaphore, #tpu.memory_space<semaphore_mem>>
      %dma_start3A = arith.constant 0 : i32
      %dma_start3A_76 = tpu.memref_slice %arg8[%mul3A_75, %dma_start3A] : memref<4096x128xf32, #tpu.memory_space<hbm>> -> memref<128x128xf32, #tpu.memory_space<hbm>>
      %dma_start3A_77 = arith.constant 0 : i32
      %dma_start3A_78 = tpu.memref_slice %arg8[%mul3A_75, %dma_start3A_77] : memref<4096x128xf32, #tpu.memory_space<hbm>> -> memref<128x128xf32, #tpu.memory_space<hbm>>
      tpu.enqueue_dma source(%arg10 : memref<128x128xf32, #tpu.memory_space<vmem>>) target(%dma_start3A_78 : memref<128x128xf32, #tpu.memory_space<hbm>>) target_semaphore(%run_scoped3A : memref<!tpu.dma_semaphore, #tpu.memory_space<semaphore_mem>>)
      %dma_wait3A = arith.constant 0 : i32
      %dma_wait3A_79 = tpu.memref_slice %arg8[%mul3A_75, %dma_wait3A] : memref<4096x128xf32, #tpu.memory_space<hbm>> -> memref<128x128xf32, #tpu.memory_space<hbm>>
      %dma_wait3A_80 = arith.constant 0 : i32
      %dma_wait3A_81 = tpu.memref_slice %arg8[%mul3A_75, %dma_wait3A_80] : memref<4096x128xf32, #tpu.memory_space<hbm>> -> memref<128x128xf32, #tpu.memory_space<hbm>>
      tpu.wait_dma2 semaphore(%run_scoped3A : memref<!tpu.dma_semaphore, #tpu.memory_space<semaphore_mem>>) src(%arg10 : memref<128x128xf32, #tpu.memory_space<vmem>>) dst(%dma_wait3A_81 : memref<128x128xf32, #tpu.memory_space<hbm>>)
      tpu.yield
    }) : () -> ()
    return
  }
}

module attributes {stable_mosaic.version = 14 : i64} {
  func.func @_tc0_body(%arg0: i32, %arg1: memref<512x32xf32, #tpu.memory_space<vmem>>, %arg2: memref<512x128xf32, #tpu.memory_space<vmem>>, %arg3: memref<1x1x512xi32, #tpu.memory_space<vmem>>, %arg4: memref<1x1x512xf32, #tpu.memory_space<vmem>>, %arg5: memref<1x1x512xf32, #tpu.memory_space<vmem>>, %arg6: memref<1x1x512xf32, #tpu.memory_space<vmem>>, %arg7: memref<32x128xf32, #tpu.memory_space<vmem>>, %arg8: memref<256x128xf32, #tpu.memory_space<vmem>>, %arg9: memref<1x128xf32, #tpu.memory_space<vmem>>, %arg10: memref<1x128xf32, #tpu.memory_space<vmem>>, %arg11: memref<1x128xf32, #tpu.memory_space<vmem>>, %arg12: memref<512x512xf32, #tpu.memory_space<vmem>>, %arg13: memref<512x128xf32, #tpu.memory_space<vmem>>, %arg14: memref<512x128xf32, #tpu.memory_space<vmem>>, %arg15: memref<512x128xf32, #tpu.memory_space<vmem>>, %arg16: memref<1x128xf32, #tpu.memory_space<vmem>>) attributes {dimension_semantics = [#tpu.dimension_semantics<arbitrary>], iteration_bounds = array<i64: 8>, scalar_prefetch = 0 : i64, scratch_operands = 0 : i64, tpu.core_type = #tpu.core_type<tc>, window_params = [{transform_indices = @transform_0, window_bounds = array<i64: 512, 32>}, {transform_indices = @transform_1, window_bounds = array<i64: 512, 128>}, {transform_indices = @transform_2, window_bounds = array<i64: 1, 1, 512>}, {transform_indices = @transform_3, window_bounds = array<i64: 1, 1, 512>}, {transform_indices = @transform_4, window_bounds = array<i64: 1, 1, 512>}, {transform_indices = @transform_5, window_bounds = array<i64: 1, 1, 512>}, {pipeline_mode = #tpu.pipeline_mode<synchronous>, transform_indices = @transform_6, window_bounds = array<i64: 32, 128>}, {pipeline_mode = #tpu.pipeline_mode<synchronous>, transform_indices = @transform_7, window_bounds = array<i64: 256, 128>}, {pipeline_mode = #tpu.pipeline_mode<synchronous>, transform_indices = @transform_8, window_bounds = array<i64: 1, 128>}, {pipeline_mode = #tpu.pipeline_mode<synchronous>, transform_indices = @transform_9, window_bounds = array<i64: 1, 128>}, {pipeline_mode = #tpu.pipeline_mode<synchronous>, transform_indices = @transform_10, window_bounds = array<i64: 1, 128>}, {transform_indices = @transform_11, window_bounds = array<i64: 512, 512>}, {transform_indices = @transform_12, window_bounds = array<i64: 512, 128>}, {transform_indices = @transform_13, window_bounds = array<i64: 512, 128>}, {transform_indices = @transform_14, window_bounds = array<i64: 512, 128>}, {pipeline_mode = #tpu.pipeline_mode<synchronous>, transform_indices = @transform_15, window_bounds = array<i64: 1, 128>}]} {
    %get3A = arith.constant 0 : index
    %get3A_0 = arith.constant 0 : index
    %get3A_1 = vector.load %arg1[%get3A, %get3A_0] : memref<512x32xf32, #tpu.memory_space<vmem>>, vector<512x32xf32>
    %get3A_2 = arith.constant 0 : index
    %get3A_3 = arith.constant 0 : index
    %get3A_4 = vector.load %arg2[%get3A_2, %get3A_3] : memref<512x128xf32, #tpu.memory_space<vmem>>, vector<512x128xf32>
    %broadcast_in_dim3A = arith.constant 1.000000e+00 : f32
    %broadcast_in_dim3A_5 = vector.broadcast %broadcast_in_dim3A : f32 to vector<512x128xf32>
    %get3A_6 = arith.constant 0 : index
    %get3A_7 = arith.constant 0 : index
    %get3A_8 = arith.constant 0 : index
    %get3A_9 = vector.load %arg4[%get3A_6, %get3A_7, %get3A_8] : memref<1x1x512xf32, #tpu.memory_space<vmem>>, vector<1x1x512xf32>
    %get3A_10 = vector.shape_cast %get3A_9 : vector<1x1x512xf32> to vector<1x512xf32>
    %get3A_11 = arith.constant 0 : index
    %get3A_12 = arith.constant 0 : index
    %get3A_13 = arith.constant 0 : index
    %get3A_14 = vector.load %arg5[%get3A_11, %get3A_12, %get3A_13] : memref<1x1x512xf32, #tpu.memory_space<vmem>>, vector<1x1x512xf32>
    %get3A_15 = vector.shape_cast %get3A_14 : vector<1x1x512xf32> to vector<1x512xf32>
    %get3A_16 = arith.constant 0 : index
    %get3A_17 = arith.constant 0 : index
    %get3A_18 = arith.constant 0 : index
    %get3A_19 = vector.load %arg6[%get3A_16, %get3A_17, %get3A_18] : memref<1x1x512xf32, #tpu.memory_space<vmem>>, vector<1x1x512xf32>
    %get3A_20 = vector.shape_cast %get3A_19 : vector<1x1x512xf32> to vector<1x512xf32>
    %slice3A = vector.extract_strided_slice %get3A_4 {offsets = [0, 0], sizes = [512, 1], strides = [1, 1]} : vector<512x128xf32> to vector<512x1xf32>
    %slice3A_21 = vector.extract_strided_slice %get3A_4 {offsets = [0, 1], sizes = [512, 1], strides = [1, 1]} : vector<512x128xf32> to vector<512x1xf32>
    %slice3A_22 = vector.extract_strided_slice %get3A_4 {offsets = [0, 2], sizes = [512, 1], strides = [1, 1]} : vector<512x128xf32> to vector<512x1xf32>
    %mul3A = arith.mulf %slice3A, %slice3A : vector<512x1xf32>
    %mul3A_23 = arith.mulf %slice3A_21, %slice3A_21 : vector<512x1xf32>
    %add3A = arith.addf %mul3A, %mul3A_23 : vector<512x1xf32>
    %mul3A_24 = arith.mulf %slice3A_22, %slice3A_22 : vector<512x1xf32>
    %add3A_25 = arith.addf %add3A, %mul3A_24 : vector<512x1xf32>
    %mul3A_26 = arith.mulf %get3A_10, %get3A_10 : vector<1x512xf32>
    %mul3A_27 = arith.mulf %get3A_15, %get3A_15 : vector<1x512xf32>
    %add3A_28 = arith.addf %mul3A_26, %mul3A_27 : vector<1x512xf32>
    %mul3A_29 = arith.mulf %get3A_20, %get3A_20 : vector<1x512xf32>
    %add3A_30 = arith.addf %add3A_28, %mul3A_29 : vector<1x512xf32>
    %dot_general3A = arith.constant dense<0.000000e+00> : vector<512x512xf32>
    %dot_general3A_31 = tpu.matmul %get3A_4, %get3A_4, %dot_general3A {dimension_numbers = #tpu.dot_dimension_numbers<[1], [1], [0], [0], [0, 0, 1, 0], [], []>, transpose_lhs_hint = false} : vector<512x128xf32>, vector<512x128xf32>, vector<512x512xf32> -> vector<512x512xf32>
    %add3A_32 = vector.broadcast %add3A_25 : vector<512x1xf32> to vector<512x512xf32>
    %add3A_33 = vector.broadcast %add3A_30 : vector<1x512xf32> to vector<512x512xf32>
    %add3A_34 = arith.addf %add3A_32, %add3A_33 : vector<512x512xf32>
    %mul3A_35 = arith.constant 2.000000e+00 : f32
    %mul3A_36 = vector.broadcast %mul3A_35 : f32 to vector<512x512xf32>
    %mul3A_37 = arith.mulf %mul3A_36, %dot_general3A_31 : vector<512x512xf32>
    %sub3A = arith.subf %add3A_34, %mul3A_37 : vector<512x512xf32>
    %iota3A = tpu.iota {dimensions = array<i32: 0>} : vector<512x512xi32>
    %iota3A_38 = tpu.iota {dimensions = array<i32: 1>} : vector<512x512xi32>
    %slice3A_39 = vector.extract_strided_slice %get3A_1 {offsets = [0, 0], sizes = [512, 1], strides = [1, 1]} : vector<512x32xf32> to vector<512x1xf32>
    %lt3A = arith.constant 5.000000e-01 : f32
    %lt3A_40 = vector.broadcast %lt3A : f32 to vector<512x1xf32>
    %lt3A_41 = arith.cmpf olt, %slice3A_39, %lt3A_40 : vector<512x1xf32>
    %get3A_42 = arith.constant 0 : index
    %get3A_43 = arith.constant 0 : index
    %get3A_44 = arith.constant 0 : index
    %get3A_45 = vector.load %arg3[%get3A_42, %get3A_43, %get3A_44] : memref<1x1x512xi32, #tpu.memory_space<vmem>>, vector<1x1x512xi32>
    %get3A_46 = vector.shape_cast %get3A_45 : vector<1x1x512xi32> to vector<1x512xi32>
    %ne3A = arith.constant 0 : i32
    %ne3A_47 = vector.broadcast %ne3A : i32 to vector<1x512xi32>
    %ne3A_48 = arith.cmpi ne, %get3A_46, %ne3A_47 : vector<1x512xi32>
    %lt3A_49 = arith.constant 3.600000e+01 : f32
    %lt3A_50 = vector.broadcast %lt3A_49 : f32 to vector<512x512xf32>
    %lt3A_51 = arith.cmpf olt, %sub3A, %lt3A_50 : vector<512x512xf32>
    %ne3A_52 = arith.cmpi ne, %iota3A, %iota3A_38 : vector<512x512xi32>
    %and3A = arith.andi %lt3A_51, %ne3A_52 : vector<512x512xi1>
    %and3A_53 = vector.broadcast %lt3A_41 : vector<512x1xi1> to vector<512x512xi1>
    %and3A_54 = arith.andi %and3A, %and3A_53 : vector<512x512xi1>
    %and3A_55 = vector.broadcast %ne3A_48 : vector<1x512xi1> to vector<512x512xi1>
    %and3A_56 = arith.andi %and3A_54, %and3A_55 : vector<512x512xi1>
    %sub3A_57 = vector.broadcast %slice3A : vector<512x1xf32> to vector<512x512xf32>
    %sub3A_58 = vector.broadcast %get3A_10 : vector<1x512xf32> to vector<512x512xf32>
    %sub3A_59 = arith.subf %sub3A_57, %sub3A_58 : vector<512x512xf32>
    %sub3A_60 = vector.broadcast %slice3A_21 : vector<512x1xf32> to vector<512x512xf32>
    %sub3A_61 = vector.broadcast %get3A_15 : vector<1x512xf32> to vector<512x512xf32>
    %sub3A_62 = arith.subf %sub3A_60, %sub3A_61 : vector<512x512xf32>
    %sub3A_63 = vector.broadcast %slice3A_22 : vector<512x1xf32> to vector<512x512xf32>
    %sub3A_64 = vector.broadcast %get3A_20 : vector<1x512xf32> to vector<512x512xf32>
    %sub3A_65 = arith.subf %sub3A_63, %sub3A_64 : vector<512x512xf32>
    %mul3A_66 = arith.mulf %sub3A_59, %sub3A_59 : vector<512x512xf32>
    %mul3A_67 = arith.mulf %sub3A_62, %sub3A_62 : vector<512x512xf32>
    %add3A_68 = arith.addf %mul3A_66, %mul3A_67 : vector<512x512xf32>
    %mul3A_69 = arith.mulf %sub3A_65, %sub3A_65 : vector<512x512xf32>
    %add3A_70 = arith.addf %add3A_68, %mul3A_69 : vector<512x512xf32>
    %sqrt3A = math.sqrt %add3A_70 : vector<512x512xf32>
    %jit3A = arith.constant -1.000000e+00 : f32
    %broadcast_in_dim3A_71 = vector.broadcast %jit3A : f32 to vector<512x512xf32>
    %select_n3A = arith.select %and3A_56, %sqrt3A, %broadcast_in_dim3A_71 : vector<512x512xi1>, vector<512x512xf32>
    %swap3A = arith.constant 0 : index
    %swap3A_72 = arith.constant 0 : index
    %swap3A_73 = vector.load %arg12[%swap3A, %swap3A_72] : memref<512x512xf32, #tpu.memory_space<vmem>>, vector<512x512xf32>
    tpu.vector_store %arg12[%swap3A, %swap3A_72], %select_n3A {strides = array<i32>} : memref<512x512xf32, #tpu.memory_space<vmem>>, vector<512x512xf32>,
    %convert_element_type3A = arith.extui %and3A_56 : vector<512x512xi1> to vector<512x512xi32>
    %convert_element_type3A_74 = arith.sitofp %convert_element_type3A : vector<512x512xi32> to vector<512x512xf32>
    %dot_general3A_75 = arith.constant dense<0.000000e+00> : vector<512x128xf32>
    %dot_general3A_76 = tpu.matmul %convert_element_type3A_74, %broadcast_in_dim3A_5, %dot_general3A_75 {dimension_numbers = #tpu.dot_dimension_numbers<[1], [0], [0], [1], [0, 0, 1, 1], [], []>, precision = #tpu.contract_precision<fp32>, transpose_lhs_hint = false} : vector<512x512xf32>, vector<512x128xf32>, vector<512x128xf32> -> vector<512x128xf32>
    %swap3A_77 = arith.constant 0 : index
    %swap3A_78 = arith.constant 0 : index
    %swap3A_79 = vector.load %arg15[%swap3A_77, %swap3A_78] : memref<512x128xf32, #tpu.memory_space<vmem>>, vector<512x128xf32>
    tpu.vector_store %arg15[%swap3A_77, %swap3A_78], %dot_general3A_76 {strides = array<i32>} : memref<512x128xf32, #tpu.memory_space<vmem>>, vector<512x128xf32>,
    %get3A_80 = arith.constant 0 : index
    %get3A_81 = arith.constant 0 : index
    %get3A_82 = vector.load %arg7[%get3A_80, %get3A_81] : memref<32x128xf32, #tpu.memory_space<vmem>>, vector<32x128xf32>
    %dot_general3A_83 = arith.constant dense<0.000000e+00> : vector<512x128xf32>
    %dot_general3A_84 = tpu.matmul %get3A_1, %get3A_82, %dot_general3A_83 {dimension_numbers = #tpu.dot_dimension_numbers<[1], [0], [0], [1], [0, 0, 1, 1], [], []>, precision = #tpu.contract_precision<fp32>, transpose_lhs_hint = false} : vector<512x32xf32>, vector<32x128xf32>, vector<512x128xf32> -> vector<512x128xf32>
    %swap3A_85 = arith.constant 0 : index
    %swap3A_86 = arith.constant 0 : index
    %swap3A_87 = vector.load %arg13[%swap3A_85, %swap3A_86] : memref<512x128xf32, #tpu.memory_space<vmem>>, vector<512x128xf32>
    tpu.vector_store %arg13[%swap3A_85, %swap3A_86], %dot_general3A_84 {strides = array<i32>} : memref<512x128xf32, #tpu.memory_space<vmem>>, vector<512x128xf32>,
    %get3A_88 = arith.constant 0 : index
    %get3A_89 = arith.constant 0 : index
    %get3A_90 = vector.load %arg8[%get3A_88, %get3A_89] : memref<256x128xf32, #tpu.memory_space<vmem>>, vector<128x128xf32>
    %get3A_91 = arith.constant 128 : index
    %get3A_92 = arith.constant 0 : index
    %get3A_93 = vector.load %arg8[%get3A_91, %get3A_92] : memref<256x128xf32, #tpu.memory_space<vmem>>, vector<128x128xf32>
    %get3A_94 = arith.constant 0 : index
    %get3A_95 = arith.constant 0 : index
    %get3A_96 = vector.load %arg10[%get3A_94, %get3A_95] : memref<1x128xf32, #tpu.memory_space<vmem>>, vector<1x128xf32>
    %dot_general3A_97 = arith.constant dense<0.000000e+00> : vector<1x128xf32>
    %dot_general3A_98 = tpu.matmul %get3A_96, %get3A_93, %dot_general3A_97 {dimension_numbers = #tpu.dot_dimension_numbers<[1], [0], [0], [1], [0, 0, 1, 1], [], []>, precision = #tpu.contract_precision<fp32>, transpose_lhs_hint = false} : vector<1x128xf32>, vector<128x128xf32>, vector<1x128xf32> -> vector<1x128xf32>
    %get3A_99 = arith.constant 0 : index
    %get3A_100 = arith.constant 0 : index
    %get3A_101 = vector.load %arg9[%get3A_99, %get3A_100] : memref<1x128xf32, #tpu.memory_space<vmem>>, vector<1x128xf32>
    %add3A_102 = arith.addf %dot_general3A_98, %get3A_101 : vector<1x128xf32>
    %dot_general3A_103 = arith.constant dense<0.000000e+00> : vector<512x128xf32>
    %dot_general3A_104 = tpu.matmul %dot_general3A_84, %get3A_90, %dot_general3A_103 {dimension_numbers = #tpu.dot_dimension_numbers<[1], [0], [0], [1], [0, 0, 1, 1], [], []>, precision = #tpu.contract_precision<fp32>, transpose_lhs_hint = false} : vector<512x128xf32>, vector<128x128xf32>, vector<512x128xf32> -> vector<512x128xf32>
    %add3A_105 = vector.broadcast %add3A_102 : vector<1x128xf32> to vector<512x128xf32>
    %add3A_106 = arith.addf %dot_general3A_104, %add3A_105 : vector<512x128xf32>
    %swap3A_107 = arith.constant 0 : index
    %swap3A_108 = arith.constant 0 : index
    %swap3A_109 = vector.load %arg14[%swap3A_107, %swap3A_108] : memref<512x128xf32, #tpu.memory_space<vmem>>, vector<512x128xf32>
    tpu.vector_store %arg14[%swap3A_107, %swap3A_108], %add3A_106 {strides = array<i32>} : memref<512x128xf32, #tpu.memory_space<vmem>>, vector<512x128xf32>,
    %get3A_110 = arith.constant 0 : index
    %get3A_111 = arith.constant 0 : index
    %get3A_112 = vector.load %arg11[%get3A_110, %get3A_111] : memref<1x128xf32, #tpu.memory_space<vmem>>, vector<1x128xf32>
    %dot_general3A_113 = arith.constant dense<0.000000e+00> : vector<1x128xf32>
    %dot_general3A_114 = tpu.matmul %get3A_112, %get3A_93, %dot_general3A_113 {dimension_numbers = #tpu.dot_dimension_numbers<[1], [0], [0], [1], [0, 0, 1, 1], [], []>, precision = #tpu.contract_precision<fp32>, transpose_lhs_hint = false} : vector<1x128xf32>, vector<128x128xf32>, vector<1x128xf32> -> vector<1x128xf32>
    %swap3A_115 = arith.constant 0 : index
    %swap3A_116 = arith.constant 0 : index
    %swap3A_117 = vector.load %arg16[%swap3A_115, %swap3A_116] : memref<1x128xf32, #tpu.memory_space<vmem>>, vector<1x128xf32>
    tpu.vector_store %arg16[%swap3A_115, %swap3A_116], %dot_general3A_114 {strides = array<i32>} : memref<1x128xf32, #tpu.memory_space<vmem>>, vector<1x128xf32>,
    return
  }
  func.func @transform_0(%arg0: i32) -> (i32, i32) {
    %c0_i32 = arith.constant 0 : i32
    %c0_i32_0 = arith.constant 0 : i32
    return %arg0, %c0_i32 : i32, i32
  }
  func.func @transform_1(%arg0: i32) -> (i32, i32) {
    %c0_i32 = arith.constant 0 : i32
    %c0_i32_0 = arith.constant 0 : i32
    return %arg0, %c0_i32 : i32, i32
  }
  func.func @transform_2(%arg0: i32) -> (i32, i32, i32) {
    %c0_i32 = arith.constant 0 : i32
    %c0_i32_0 = arith.constant 0 : i32
    %c0_i32_1 = arith.constant 0 : i32
    return %arg0, %c0_i32, %c0_i32_0 : i32, i32, i32
  }
  func.func @transform_3(%arg0: i32) -> (i32, i32, i32) {
    %c0_i32 = arith.constant 0 : i32
    %c0_i32_0 = arith.constant 0 : i32
    %c0_i32_1 = arith.constant 0 : i32
    return %arg0, %c0_i32, %c0_i32_0 : i32, i32, i32
  }
  func.func @transform_4(%arg0: i32) -> (i32, i32, i32) {
    %c0_i32 = arith.constant 0 : i32
    %c0_i32_0 = arith.constant 0 : i32
    %c0_i32_1 = arith.constant 0 : i32
    return %arg0, %c0_i32, %c0_i32_0 : i32, i32, i32
  }
  func.func @transform_5(%arg0: i32) -> (i32, i32, i32) {
    %c0_i32 = arith.constant 0 : i32
    %c0_i32_0 = arith.constant 0 : i32
    %c0_i32_1 = arith.constant 0 : i32
    return %arg0, %c0_i32, %c0_i32_0 : i32, i32, i32
  }
  func.func @transform_6(%arg0: i32) -> (i32, i32) {
    %c0_i32 = arith.constant 0 : i32
    %c0_i32_0 = arith.constant 0 : i32
    %c0_i32_1 = arith.constant 0 : i32
    return %c0_i32, %c0_i32_0 : i32, i32
  }
  func.func @transform_7(%arg0: i32) -> (i32, i32) {
    %c0_i32 = arith.constant 0 : i32
    %c0_i32_0 = arith.constant 0 : i32
    %c0_i32_1 = arith.constant 0 : i32
    return %c0_i32, %c0_i32_0 : i32, i32
  }
  func.func @transform_8(%arg0: i32) -> (i32, i32) {
    %c0_i32 = arith.constant 0 : i32
    %c0_i32_0 = arith.constant 0 : i32
    %c0_i32_1 = arith.constant 0 : i32
    return %c0_i32, %c0_i32_0 : i32, i32
  }
  func.func @transform_9(%arg0: i32) -> (i32, i32) {
    %c0_i32 = arith.constant 0 : i32
    %c0_i32_0 = arith.constant 0 : i32
    %c0_i32_1 = arith.constant 0 : i32
    return %c0_i32, %c0_i32_0 : i32, i32
  }
  func.func @transform_10(%arg0: i32) -> (i32, i32) {
    %c0_i32 = arith.constant 0 : i32
    %c0_i32_0 = arith.constant 0 : i32
    %c0_i32_1 = arith.constant 0 : i32
    return %c0_i32, %c0_i32_0 : i32, i32
  }
  func.func @transform_11(%arg0: i32) -> (i32, i32) {
    %c0_i32 = arith.constant 0 : i32
    %c0_i32_0 = arith.constant 0 : i32
    return %arg0, %c0_i32 : i32, i32
  }
  func.func @transform_12(%arg0: i32) -> (i32, i32) {
    %c0_i32 = arith.constant 0 : i32
    %c0_i32_0 = arith.constant 0 : i32
    return %arg0, %c0_i32 : i32, i32
  }
  func.func @transform_13(%arg0: i32) -> (i32, i32) {
    %c0_i32 = arith.constant 0 : i32
    %c0_i32_0 = arith.constant 0 : i32
    return %arg0, %c0_i32 : i32, i32
  }
  func.func @transform_14(%arg0: i32) -> (i32, i32) {
    %c0_i32 = arith.constant 0 : i32
    %c0_i32_0 = arith.constant 0 : i32
    return %arg0, %c0_i32 : i32, i32
  }
  func.func @transform_15(%arg0: i32) -> (i32, i32) {
    %c0_i32 = arith.constant 0 : i32
    %c0_i32_0 = arith.constant 0 : i32
    %c0_i32_1 = arith.constant 0 : i32
    return %c0_i32, %c0_i32_0 : i32, i32
  }
}

module attributes {stable_mosaic.version = 14 : i64} {
  func.func @_tc_mid_body(%arg0: i32, %arg1: memref<512x128xf32, #tpu.memory_space<vmem>>, %arg2: memref<512x128xf32, #tpu.memory_space<vmem>>, %arg3: memref<512x128xf32, #tpu.memory_space<vmem>>, %arg4: memref<128x128xf32, #tpu.memory_space<vmem>>, %arg5: memref<1x128xf32, #tpu.memory_space<vmem>>, %arg6: memref<256x128xf32, #tpu.memory_space<vmem>>, %arg7: memref<1x128xf32, #tpu.memory_space<vmem>>, %arg8: memref<1x128xf32, #tpu.memory_space<vmem>>, %arg9: memref<1x128xf32, #tpu.memory_space<vmem>>, %arg10: memref<512x128xf32, #tpu.memory_space<vmem>>, %arg11: memref<512x128xf32, #tpu.memory_space<vmem>>, %arg12: memref<1x128xf32, #tpu.memory_space<vmem>>) attributes {dimension_semantics = [#tpu.dimension_semantics<arbitrary>], iteration_bounds = array<i64: 8>, scalar_prefetch = 0 : i64, scratch_operands = 0 : i64, tpu.core_type = #tpu.core_type<tc>, window_params = [{transform_indices = @transform_0, window_bounds = array<i64: 512, 128>}, {transform_indices = @transform_1, window_bounds = array<i64: 512, 128>}, {transform_indices = @transform_2, window_bounds = array<i64: 512, 128>}, {pipeline_mode = #tpu.pipeline_mode<synchronous>, transform_indices = @transform_3, window_bounds = array<i64: 128, 128>}, {pipeline_mode = #tpu.pipeline_mode<synchronous>, transform_indices = @transform_4, window_bounds = array<i64: 1, 128>}, {pipeline_mode = #tpu.pipeline_mode<synchronous>, transform_indices = @transform_5, window_bounds = array<i64: 256, 128>}, {pipeline_mode = #tpu.pipeline_mode<synchronous>, transform_indices = @transform_6, window_bounds = array<i64: 1, 128>}, {pipeline_mode = #tpu.pipeline_mode<synchronous>, transform_indices = @transform_7, window_bounds = array<i64: 1, 128>}, {pipeline_mode = #tpu.pipeline_mode<synchronous>, transform_indices = @transform_8, window_bounds = array<i64: 1, 128>}, {transform_indices = @transform_9, window_bounds = array<i64: 512, 128>}, {transform_indices = @transform_10, window_bounds = array<i64: 512, 128>}, {pipeline_mode = #tpu.pipeline_mode<synchronous>, transform_indices = @transform_11, window_bounds = array<i64: 1, 128>}]} {
    %get3A = arith.constant 0 : index
    %get3A_0 = arith.constant 0 : index
    %get3A_1 = vector.load %arg1[%get3A, %get3A_0] : memref<512x128xf32, #tpu.memory_space<vmem>>, vector<512x128xf32>
    %get3A_2 = arith.constant 0 : index
    %get3A_3 = arith.constant 0 : index
    %get3A_4 = vector.load %arg2[%get3A_2, %get3A_3] : memref<512x128xf32, #tpu.memory_space<vmem>>, vector<512x128xf32>
    %get3A_5 = arith.constant 0 : index
    %get3A_6 = arith.constant 0 : index
    %get3A_7 = vector.load %arg4[%get3A_5, %get3A_6] : memref<128x128xf32, #tpu.memory_space<vmem>>, vector<128x128xf32>
    %dot_general3A = arith.constant dense<0.000000e+00> : vector<512x128xf32>
    %dot_general3A_8 = tpu.matmul %get3A_4, %get3A_7, %dot_general3A {dimension_numbers = #tpu.dot_dimension_numbers<[1], [0], [0], [1], [0, 0, 1, 1], [], []>, precision = #tpu.contract_precision<fp32>, transpose_lhs_hint = false} : vector<512x128xf32>, vector<128x128xf32>, vector<512x128xf32> -> vector<512x128xf32>
    %add3A = arith.addf %get3A_1, %dot_general3A_8 : vector<512x128xf32>
    %get3A_9 = arith.constant 0 : index
    %get3A_10 = arith.constant 0 : index
    %get3A_11 = vector.load %arg3[%get3A_9, %get3A_10] : memref<512x128xf32, #tpu.memory_space<vmem>>, vector<512x128xf32>
    %get3A_12 = arith.constant 0 : index
    %get3A_13 = arith.constant 0 : index
    %get3A_14 = vector.load %arg5[%get3A_12, %get3A_13] : memref<1x128xf32, #tpu.memory_space<vmem>>, vector<1x128xf32>
    %mul3A = vector.broadcast %get3A_14 : vector<1x128xf32> to vector<512x128xf32>
    %mul3A_15 = arith.mulf %get3A_11, %mul3A : vector<512x128xf32>
    %add3A_16 = arith.addf %add3A, %mul3A_15 : vector<512x128xf32>
    %swap3A = arith.constant 0 : index
    %swap3A_17 = arith.constant 0 : index
    %swap3A_18 = vector.load %arg10[%swap3A, %swap3A_17] : memref<512x128xf32, #tpu.memory_space<vmem>>, vector<512x128xf32>
    tpu.vector_store %arg10[%swap3A, %swap3A_17], %add3A_16 {strides = array<i32>} : memref<512x128xf32, #tpu.memory_space<vmem>>, vector<512x128xf32>,
    %get3A_19 = arith.constant 0 : index
    %get3A_20 = arith.constant 0 : index
    %get3A_21 = vector.load %arg6[%get3A_19, %get3A_20] : memref<256x128xf32, #tpu.memory_space<vmem>>, vector<128x128xf32>
    %get3A_22 = arith.constant 128 : index
    %get3A_23 = arith.constant 0 : index
    %get3A_24 = vector.load %arg6[%get3A_22, %get3A_23] : memref<256x128xf32, #tpu.memory_space<vmem>>, vector<128x128xf32>
    %get3A_25 = arith.constant 0 : index
    %get3A_26 = arith.constant 0 : index
    %get3A_27 = vector.load %arg8[%get3A_25, %get3A_26] : memref<1x128xf32, #tpu.memory_space<vmem>>, vector<1x128xf32>
    %dot_general3A_28 = arith.constant dense<0.000000e+00> : vector<1x128xf32>
    %dot_general3A_29 = tpu.matmul %get3A_27, %get3A_24, %dot_general3A_28 {dimension_numbers = #tpu.dot_dimension_numbers<[1], [0], [0], [1], [0, 0, 1, 1], [], []>, precision = #tpu.contract_precision<fp32>, transpose_lhs_hint = false} : vector<1x128xf32>, vector<128x128xf32>, vector<1x128xf32> -> vector<1x128xf32>
    %get3A_30 = arith.constant 0 : index
    %get3A_31 = arith.constant 0 : index
    %get3A_32 = vector.load %arg7[%get3A_30, %get3A_31] : memref<1x128xf32, #tpu.memory_space<vmem>>, vector<1x128xf32>
    %add3A_33 = arith.addf %dot_general3A_29, %get3A_32 : vector<1x128xf32>
    %dot_general3A_34 = arith.constant dense<0.000000e+00> : vector<512x128xf32>
    %dot_general3A_35 = tpu.matmul %add3A_16, %get3A_21, %dot_general3A_34 {dimension_numbers = #tpu.dot_dimension_numbers<[1], [0], [0], [1], [0, 0, 1, 1], [], []>, precision = #tpu.contract_precision<fp32>, transpose_lhs_hint = false} : vector<512x128xf32>, vector<128x128xf32>, vector<512x128xf32> -> vector<512x128xf32>
    %add3A_36 = vector.broadcast %add3A_33 : vector<1x128xf32> to vector<512x128xf32>
    %add3A_37 = arith.addf %dot_general3A_35, %add3A_36 : vector<512x128xf32>
    %swap3A_38 = arith.constant 0 : index
    %swap3A_39 = arith.constant 0 : index
    %swap3A_40 = vector.load %arg11[%swap3A_38, %swap3A_39] : memref<512x128xf32, #tpu.memory_space<vmem>>, vector<512x128xf32>
    tpu.vector_store %arg11[%swap3A_38, %swap3A_39], %add3A_37 {strides = array<i32>} : memref<512x128xf32, #tpu.memory_space<vmem>>, vector<512x128xf32>,
    %get3A_41 = arith.constant 0 : index
    %get3A_42 = arith.constant 0 : index
    %get3A_43 = vector.load %arg9[%get3A_41, %get3A_42] : memref<1x128xf32, #tpu.memory_space<vmem>>, vector<1x128xf32>
    %dot_general3A_44 = arith.constant dense<0.000000e+00> : vector<1x128xf32>
    %dot_general3A_45 = tpu.matmul %get3A_43, %get3A_24, %dot_general3A_44 {dimension_numbers = #tpu.dot_dimension_numbers<[1], [0], [0], [1], [0, 0, 1, 1], [], []>, precision = #tpu.contract_precision<fp32>, transpose_lhs_hint = false} : vector<1x128xf32>, vector<128x128xf32>, vector<1x128xf32> -> vector<1x128xf32>
    %swap3A_46 = arith.constant 0 : index
    %swap3A_47 = arith.constant 0 : index
    %swap3A_48 = vector.load %arg12[%swap3A_46, %swap3A_47] : memref<1x128xf32, #tpu.memory_space<vmem>>, vector<1x128xf32>
    tpu.vector_store %arg12[%swap3A_46, %swap3A_47], %dot_general3A_45 {strides = array<i32>} : memref<1x128xf32, #tpu.memory_space<vmem>>, vector<1x128xf32>,
    return
  }
  func.func @transform_0(%arg0: i32) -> (i32, i32) {
    %c0_i32 = arith.constant 0 : i32
    %c0_i32_0 = arith.constant 0 : i32
    return %arg0, %c0_i32 : i32, i32
  }
  func.func @transform_1(%arg0: i32) -> (i32, i32) {
    %c0_i32 = arith.constant 0 : i32
    %c0_i32_0 = arith.constant 0 : i32
    return %arg0, %c0_i32 : i32, i32
  }
  func.func @transform_2(%arg0: i32) -> (i32, i32) {
    %c0_i32 = arith.constant 0 : i32
    %c0_i32_0 = arith.constant 0 : i32
    return %arg0, %c0_i32 : i32, i32
  }
  func.func @transform_3(%arg0: i32) -> (i32, i32) {
    %c0_i32 = arith.constant 0 : i32
    %c0_i32_0 = arith.constant 0 : i32
    %c0_i32_1 = arith.constant 0 : i32
    return %c0_i32, %c0_i32_0 : i32, i32
  }
  func.func @transform_4(%arg0: i32) -> (i32, i32) {
    %c0_i32 = arith.constant 0 : i32
    %c0_i32_0 = arith.constant 0 : i32
    %c0_i32_1 = arith.constant 0 : i32
    return %c0_i32, %c0_i32_0 : i32, i32
  }
  func.func @transform_5(%arg0: i32) -> (i32, i32) {
    %c0_i32 = arith.constant 0 : i32
    %c0_i32_0 = arith.constant 0 : i32
    %c0_i32_1 = arith.constant 0 : i32
    return %c0_i32, %c0_i32_0 : i32, i32
  }
  func.func @transform_6(%arg0: i32) -> (i32, i32) {
    %c0_i32 = arith.constant 0 : i32
    %c0_i32_0 = arith.constant 0 : i32
    %c0_i32_1 = arith.constant 0 : i32
    return %c0_i32, %c0_i32_0 : i32, i32
  }
  func.func @transform_7(%arg0: i32) -> (i32, i32) {
    %c0_i32 = arith.constant 0 : i32
    %c0_i32_0 = arith.constant 0 : i32
    %c0_i32_1 = arith.constant 0 : i32
    return %c0_i32, %c0_i32_0 : i32, i32
  }
  func.func @transform_8(%arg0: i32) -> (i32, i32) {
    %c0_i32 = arith.constant 0 : i32
    %c0_i32_0 = arith.constant 0 : i32
    %c0_i32_1 = arith.constant 0 : i32
    return %c0_i32, %c0_i32_0 : i32, i32
  }
  func.func @transform_9(%arg0: i32) -> (i32, i32) {
    %c0_i32 = arith.constant 0 : i32
    %c0_i32_0 = arith.constant 0 : i32
    return %arg0, %c0_i32 : i32, i32
  }
  func.func @transform_10(%arg0: i32) -> (i32, i32) {
    %c0_i32 = arith.constant 0 : i32
    %c0_i32_0 = arith.constant 0 : i32
    return %arg0, %c0_i32 : i32, i32
  }
  func.func @transform_11(%arg0: i32) -> (i32, i32) {
    %c0_i32 = arith.constant 0 : i32
    %c0_i32_0 = arith.constant 0 : i32
    %c0_i32_1 = arith.constant 0 : i32
    return %c0_i32, %c0_i32_0 : i32, i32
  }
}

module attributes {stable_mosaic.version = 14 : i64} {
  func.func @_tc_fin_body(%arg0: i32, %arg1: memref<512x128xf32, #tpu.memory_space<vmem>>, %arg2: memref<512x128xf32, #tpu.memory_space<vmem>>, %arg3: memref<512x128xf32, #tpu.memory_space<vmem>>, %arg4: memref<128x128xf32, #tpu.memory_space<vmem>>, %arg5: memref<1x128xf32, #tpu.memory_space<vmem>>, %arg6: memref<512x32xf32, #tpu.memory_space<vmem>>, %arg7: memref<512x128xf32, #tpu.memory_space<vmem>>) attributes {dimension_semantics = [#tpu.dimension_semantics<arbitrary>], iteration_bounds = array<i64: 8>, scalar_prefetch = 0 : i64, scratch_operands = 0 : i64, tpu.core_type = #tpu.core_type<tc>, window_params = [{transform_indices = @transform_0, window_bounds = array<i64: 512, 128>}, {transform_indices = @transform_1, window_bounds = array<i64: 512, 128>}, {transform_indices = @transform_2, window_bounds = array<i64: 512, 128>}, {pipeline_mode = #tpu.pipeline_mode<synchronous>, transform_indices = @transform_3, window_bounds = array<i64: 128, 128>}, {pipeline_mode = #tpu.pipeline_mode<synchronous>, transform_indices = @transform_4, window_bounds = array<i64: 1, 128>}, {transform_indices = @transform_5, window_bounds = array<i64: 512, 32>}, {transform_indices = @transform_6, window_bounds = array<i64: 512, 128>}]} {
    %get3A = arith.constant 0 : index
    %get3A_0 = arith.constant 0 : index
    %get3A_1 = vector.load %arg1[%get3A, %get3A_0] : memref<512x128xf32, #tpu.memory_space<vmem>>, vector<512x128xf32>
    %get3A_2 = arith.constant 0 : index
    %get3A_3 = arith.constant 0 : index
    %get3A_4 = vector.load %arg2[%get3A_2, %get3A_3] : memref<512x128xf32, #tpu.memory_space<vmem>>, vector<512x128xf32>
    %get3A_5 = arith.constant 0 : index
    %get3A_6 = arith.constant 0 : index
    %get3A_7 = vector.load %arg4[%get3A_5, %get3A_6] : memref<128x128xf32, #tpu.memory_space<vmem>>, vector<128x128xf32>
    %dot_general3A = arith.constant dense<0.000000e+00> : vector<512x128xf32>
    %dot_general3A_8 = tpu.matmul %get3A_4, %get3A_7, %dot_general3A {dimension_numbers = #tpu.dot_dimension_numbers<[1], [0], [0], [1], [0, 0, 1, 1], [], []>, precision = #tpu.contract_precision<fp32>, transpose_lhs_hint = false} : vector<512x128xf32>, vector<128x128xf32>, vector<512x128xf32> -> vector<512x128xf32>
    %add3A = arith.addf %get3A_1, %dot_general3A_8 : vector<512x128xf32>
    %get3A_9 = arith.constant 0 : index
    %get3A_10 = arith.constant 0 : index
    %get3A_11 = vector.load %arg3[%get3A_9, %get3A_10] : memref<512x128xf32, #tpu.memory_space<vmem>>, vector<512x128xf32>
    %get3A_12 = arith.constant 0 : index
    %get3A_13 = arith.constant 0 : index
    %get3A_14 = vector.load %arg5[%get3A_12, %get3A_13] : memref<1x128xf32, #tpu.memory_space<vmem>>, vector<1x128xf32>
    %mul3A = vector.broadcast %get3A_14 : vector<1x128xf32> to vector<512x128xf32>
    %mul3A_15 = arith.mulf %get3A_11, %mul3A : vector<512x128xf32>
    %add3A_16 = arith.addf %add3A, %mul3A_15 : vector<512x128xf32>
    %get3A_17 = arith.constant 0 : index
    %get3A_18 = arith.constant 0 : index
    %get3A_19 = vector.load %arg6[%get3A_17, %get3A_18] : memref<512x32xf32, #tpu.memory_space<vmem>>, vector<512x1xf32>
    %lt3A = arith.constant 5.000000e-01 : f32
    %lt3A_20 = vector.broadcast %lt3A : f32 to vector<512x1xf32>
    %lt3A_21 = arith.cmpf olt, %get3A_19, %lt3A_20 : vector<512x1xf32>
    %jit3A = arith.constant 0.000000e+00 : f32
    %broadcast_in_dim3A = vector.shape_cast %lt3A_21 : vector<512x1xi1> to vector<512x1xi1>
    %broadcast_in_dim3A_22 = vector.broadcast %broadcast_in_dim3A : vector<512x1xi1> to vector<512x128xi1>
    %broadcast_in_dim3A_23 = vector.broadcast %jit3A : f32 to vector<512x128xf32>
    %select_n3A = arith.select %broadcast_in_dim3A_22, %add3A_16, %broadcast_in_dim3A_23 : vector<512x128xi1>, vector<512x128xf32>
    %swap3A = arith.constant 0 : index
    %swap3A_24 = arith.constant 0 : index
    %swap3A_25 = vector.load %arg7[%swap3A, %swap3A_24] : memref<512x128xf32, #tpu.memory_space<vmem>>, vector<512x128xf32>
    tpu.vector_store %arg7[%swap3A, %swap3A_24], %select_n3A {strides = array<i32>} : memref<512x128xf32, #tpu.memory_space<vmem>>, vector<512x128xf32>,
    return
  }
  func.func @transform_0(%arg0: i32) -> (i32, i32) {
    %c0_i32 = arith.constant 0 : i32
    %c0_i32_0 = arith.constant 0 : i32
    return %arg0, %c0_i32 : i32, i32
  }
  func.func @transform_1(%arg0: i32) -> (i32, i32) {
    %c0_i32 = arith.constant 0 : i32
    %c0_i32_0 = arith.constant 0 : i32
    return %arg0, %c0_i32 : i32, i32
  }
  func.func @transform_2(%arg0: i32) -> (i32, i32) {
    %c0_i32 = arith.constant 0 : i32
    %c0_i32_0 = arith.constant 0 : i32
    return %arg0, %c0_i32 : i32, i32
  }
  func.func @transform_3(%arg0: i32) -> (i32, i32) {
    %c0_i32 = arith.constant 0 : i32
    %c0_i32_0 = arith.constant 0 : i32
    %c0_i32_1 = arith.constant 0 : i32
    return %c0_i32, %c0_i32_0 : i32, i32
  }
  func.func @transform_4(%arg0: i32) -> (i32, i32) {
    %c0_i32 = arith.constant 0 : i32
    %c0_i32_0 = arith.constant 0 : i32
    %c0_i32_1 = arith.constant 0 : i32
    return %c0_i32, %c0_i32_0 : i32, i32
  }
  func.func @transform_5(%arg0: i32) -> (i32, i32) {
    %c0_i32 = arith.constant 0 : i32
    %c0_i32_0 = arith.constant 0 : i32
    return %arg0, %c0_i32 : i32, i32
  }
  func.func @transform_6(%arg0: i32) -> (i32, i32) {
    %c0_i32 = arith.constant 0 : i32
    %c0_i32_0 = arith.constant 0 : i32
    return %arg0, %c0_i32 : i32, i32
  }
}

</mosaic_0001>

<sc_bundles>
// kernel: kernel.12.cloned.1.call-start
scs
__scs_entry_jumppad:
0x0: {  	(pc) =	sbr.rel $0x88, $3  }
0x1: {  	(tag) =	ssettag $0x0;
	lr =	simm.s32 $0x1  }
0x2: {  	[smem:$0x3F86] =	sst lr;
	_ =	strace $0xD0000000  }
0x3: {  	_ = 	snop  }
0x4: {  	_ = 	snop  }
0x5: {  	_ = 	snop  }
0x6: {  	_ = 	snop  }
0x7: {  	_ = 	snop  }
__scs_overlays_trampoline_lowered:
0x8: {  	[smem:$0x3F95] =	sst s0  }
0x9: {  	[smem:$0x3F96] =	sst s1  }
0xa: {  	[smem:$0x3F97] =	sst s2  }
0xb: {  	[smem:$0x3F98] =	sst s3  }
0xc: {  	[smem:$0x3F99] =	sst s4  }
0xd: {  	[smem:$0x3F9A] =	sst s5  }
0xe: {  	[smem:$0x3F9B] =	sst s6  }
0xf: {  	[smem:$0x3F9C] =	sst s7  }
0x10: {  	[smem:$0x3F9D] =	sst s8  }
0x11: {  	[smem:$0x3F9E] =	sst s9;
	s0 =	simm.s32 @!p0 $0x0  }
0x12: {  	s1 =	sld [smem:$0x3F84];
	s0 =	simm.s32 @p0 $0x1  }
0x13: {  	[smem:$0x3F9F] =	sst s0;
	s0 =	simm.s32 @!p1 $0x0  }
0x14: {  	s2 =	sld [smem:$0x3F83];
	s0 =	simm.s32 @p1 $0x1  }
0x15: {  	[smem:$0x3FA0] =	sst s0;
	s0 =	simm.s32 @!p2 $0x0  }
0x16: {  	s3 =	sld [smem:$0x3FDB];
	s0 =	simm.s32 @p2 $0x1  }
0x17: {  	s4 =	simm.s32 $0x1BF5;
	[smem:$0x3FA2] =	sst s0  }
0x18: {  	s0 =	sld [smem:$0x3F85];
	_ =	swait.ge [sflag:s4], $0x0  }
0x19: {  	s7 =	sld [smem:$0x3F86]  }
0x1a: {  	s8 =	sadd.s32 $0xFFFFE003, lr  }
0x1b: {  	s9 =	sadd.s32 $0xFFFFFEF7, lr;
	s5 =	simm.s32 $0xFFFFFFFF;
	p2 =	slt.u32 s8, $0xFFFFF086  }
0x1c: {  	p1 =	slt.u32 s9, $0xF7A;
	s5 =	simm.s32 @!p2 $0x0  }
0x1d: {  	s5 =	simm.s32 @p1 $0x1;
	p0 =	seq.s32 s7, s2  }
0x1e: {  	s7 =	smul.u32 @!p0 $0xF7A, s2;
	p2 =	seq.s32 @!p0 s5, $0x0  }
0x1f: {  	s9 =	smul.u32 $0xF7A, s1;
	s8 =	simm.s32 @!p0 $0x1BF5;
	p2 =	por !p2, p0  }
0x20: {  	[sflag:s8] =	ssyncset.s32 @!p0 $0xFFFFF086;
	s6 =	sadd.s32 @!p0 s3, s7;
	s7 =	simm.s32 @!p0 $0x108  }
0x21: {  	s3 =	sadd.s32 s3, s9;
	s6 =	sadd.s32 @!p0 $0x88, s6;
	s7 =	simm.s32 @p2 $0x1082  }
0x22: {  	[simem:s7], [sflag:s8] =	dma.local @!p0 [hbm:s6], $0xF7A  }
0x23: {  	s9 =	sor.u32 $0xD0000000, s2;
	s6 =	simm.s32 $0x108;
	_ =	swait.ge @!p0 [sflag:s8], $0x0  }
0x24: {  	s3 =	sadd.s32 $0x88, s3;
	s6 =	simm.s32 @!p1 $0x1082;
	[sflag:s4] =	ssyncset.s32 $0xFFFFF086  }
0x25: {  	[simem:s6], [sflag:s4] =	dma.local [hbm:s3], $0xF7A  }
0x26: {  	[smem:$0x3F86] =	sst s1;
	(tag) =	ssettag s2;
	_ =	strace s9  }
0x27: {  	s1 =	sld [smem:$0x3F96]  }
0x28: {  	s2 =	sld [smem:$0x3F97]  }
0x29: {  	s4 =	sld [smem:$0x3F99]  }
0x2a: {  	p0 =	seq.s32 s5, $0x0;
	s5 =	sld [smem:$0x3F9A]  }
0x2b: {  	s6 =	sld [smem:$0x3F9B]  }
0x2c: {  	s7 =	sld [smem:$0x3F9C]  }
0x2d: {  	s3 =	simm.s32 $0x108;
	s8 =	sld [smem:$0x3F9D]  }
0x2e: {  	s3 =	simm.s32 @!p0 $0x1082;
	s9 =	sld [smem:$0x3F9E]  }
0x2f: {  	lr =	sadd.s32 s0, s3;
	s0 =	sld [smem:$0x3F95]  }
0x30: {  	s3 =	sld [smem:$0x3F98]  }
0x31: {  	[smem:$0x3FA1] =	sst s10  }
0x32: {  	s10 =	sld [smem:$0x3F9F];
	_ =	sdelay $0x3  }
0x33: {  	p0 =	seq.s32 s10, $0x1;
	s10 =	sld [smem:$0x3FA1];
	_ =	sdelay $0x3  }
0x34: {  	[smem:$0x3FA1] =	sst s10  }
0x35: {  	s10 =	sld [smem:$0x3FA0];
	_ =	sdelay $0x3  }
0x36: {  	p1 =	seq.s32 s10, $0x1;
	s10 =	sld [smem:$0x3FA1];
	_ =	sdelay $0x3  }
0x37: {  	[smem:$0x3FA1] =	sst s10  }
0x38: {  	s10 =	sld [smem:$0x3FA2]  }
0x39: {  	_ = 	snop;
	(pc) =	sbr.ind lr, $3  }
0x3a: {  	_ = 	snop  }
0x3b: {  	_ = 	snop  }
0x3c: {  	p2 =	seq.s32 s10, $0x1;
	s10 =	sld [smem:$0x3FA1]  }
0x3d: {  	_ =	shalt  }
0x3e: {  	_ =	shalt  }
0x3f: {  	_ =	shalt  }
0x40: {  	_ =	shalt  }
0x41: {  	_ =	shalt  }
0x42: {  	_ =	shalt  }
0x43: {  	_ =	shalt  }
0x44: {  	_ =	shalt  }
0x45: {  	_ =	shalt  }
0x46: {  	_ =	shalt  }
0x47: {  	_ =	shalt  }
0x48: {  	_ =	shalt  }
0x49: {  	_ =	shalt  }
0x4a: {  	_ =	shalt  }
0x4b: {  	_ =	shalt  }
0x4c: {  	_ =	shalt  }
0x4d: {  	_ =	shalt  }
0x4e: {  	_ =	shalt  }
0x4f: {  	_ =	shalt  }
0x50: {  	_ =	shalt  }
0x51: {  	_ =	shalt  }
0x52: {  	_ =	shalt  }
0x53: {  	_ =	shalt  }
0x54: {  	_ =	shalt  }
0x55: {  	_ =	shalt  }
0x56: {  	_ =	shalt  }
0x57: {  	_ =	shalt  }
0x58: {  	_ =	shalt  }
0x59: {  	_ =	shalt  }
0x5a: {  	_ =	shalt  }
0x5b: {  	_ =	shalt  }
0x5c: {  	_ =	shalt  }
0x5d: {  	_ =	shalt  }
0x5e: {  	_ =	shalt  }
0x5f: {  	_ =	shalt  }
0x60: {  	_ =	shalt  }
0x61: {  	_ =	shalt  }
0x62: {  	_ =	shalt  }
0x63: {  	_ =	shalt  }
0x64: {  	_ =	shalt  }
0x65: {  	_ =	shalt  }
0x66: {  	_ =	shalt  }
0x67: {  	_ =	shalt  }
0x68: {  	_ =	shalt  }
0x69: {  	_ =	shalt  }
0x6a: {  	_ =	shalt  }
0x6b: {  	_ =	shalt  }
0x6c: {  	_ =	shalt  }
0x6d: {  	_ =	shalt  }
0x6e: {  	_ =	shalt  }
0x6f: {  	_ =	shalt  }
0x70: {  	_ =	shalt  }
0x71: {  	_ =	shalt  }
0x72: {  	_ =	shalt  }
0x73: {  	_ =	shalt  }
0x74: {  	_ =	shalt  }
0x75: {  	_ =	shalt  }
0x76: {  	_ =	shalt  }
0x77: {  	_ =	shalt  }
0x78: {  	_ =	shalt  }
0x79: {  	_ =	shalt  }
0x7a: {  	_ =	shalt  }
0x7b: {  	_ =	shalt  }
0x7c: {  	_ =	shalt  }
0x7d: {  	_ =	shalt  }
0x7e: {  	_ =	shalt  }
0x7f: {  	_ =	shalt  }
0x80: {  	_ =	shalt  }
0x81: {  	_ =	shalt  }
0x82: {  	_ =	shalt  }
0x83: {  	_ =	shalt  }
0x84: {  	_ =	shalt  }
0x85: {  	_ =	shalt  }
0x86: {  	_ =	shalt  }
0x87: {  	_ =	shalt  }
.Lfunc_end0:
.L_simem_size_0:
called_computation_lowered:
.L_overlay_start_0:
0x88: {  	s2 =	sld [smem:$0x3FD9]  }
0x89: {  	s3 =	sld [smem:$0x3FFE];
	_ =	sdelay $0x1  }
0x8a: {  	s1 =	srdreg.scid  }
0x8b: {  	s0 =	sand.u32 $0x1, s1  }
0x8c: {  	s16 =	sshll.u32 s0, $0xA;
	s2 =	sadd.s32 s3, s2  }
0x8d: {  	s2 =	sadd.s32 s2, s16  }
0x8e: {  	[smem:$0x3FAD] =	sst s2  }
0x8f: {  	_ = 	snop  }
0x90: {  	(tm) =	ssettm $0x1  }
0x91: {  	s17 =	sld [smem:$0x3FFB];
	_ =	sdelay $0x3  }
0x92: {  	_ =	strace s17  }
0x93: {  	s2 =	sld [smem:$0x3FFC];
	_ =	sdelay $0x3  }
0x94: {  	_ =	strace s2  }
0x95: {  	s2 =	sld [smem:$0x3FFD];
	_ =	sdelay $0x3  }
0x96: {  	_ =	strace s2  }
0x97: {  	_ =	strace $0x8FFFFFFF  }
0x98: {  	s18 =	sld [smem:$0x3FDB];
	_ =	sdelay $0x1  }
0x99: {  	s19 =	simm.s32 $_scs_section_size  }
0x9a: {  	s4 =	simm.s32 $_size__tile_overlayer_lowered;
	s5 =	simm.s32 $_tile_overlayer_lowered  }
0x9b: {  	s22 =	simm.s32 $0x1BFF;
	s21 =	sshll.u32 s5, $0x1;
	s2 =	sadd.s32 s19, s18  }
0x9c: {  	s6 =	simm.s32 $0x0;
	s20 =	sshll.u32 s4, $0x1;
	s4 =	sadd.s32 s21, s2  }
0x9d: {  	[timem:s6], [sflag:s22] =	dma.local [hbm:s4], s20  }
0x9e: {  	_ =	swait.ge [sflag:s22], s20  }
0x9f: {  	s3 =	ssub.s32 $0x0, s20;
	[sflag:s22] =	ssyncset.done $0x0  }
0xa0: {  	[sflag:s22] =	ssyncadd.s32 s3;
	_ =	sdelay $0x1  }
0xa1: {  	s23 =	simm.s32 $0x1B8B  }
0xa2: {  	_ =	swait.ge [sflag:s23], $0x1  }
0xa3: {  	[sflag:s23] =	ssyncset.done $0x0  }
0xa4: {  	s25 =	simm.s32 $0x1B8E;
	s24 =	sld [smem:$0x3FFE];
	[sflag:s23] =	ssyncadd.s32 $0xFFFFFFFF  }
0xa5: {  	s26 =	simm.s32 $execute0_lowered;
	[smem:$0x3FD2] =	sst s25  }
0xa6: {  	s4 =	sshll.u32 s26, $0x1;
	_ =	strace $0x80000046;
	[dreg:$0x1] =	wrdreg $0xFFFFFFFF  }
0xa7: {  	s28 =	simm.s32 $_size_execute0_lowered;
	s2 =	sadd.s32 s2, s4;
	[dreg:$0x0] =	wrdreg $0x0  }
0xa8: {  	s4 =	sshll.u32 s28, $0x1;
	[dreg:$0x2] =	wrdreg s2  }
0xa9: {  	[dreg:$0x3] =	wrdreg s4  }
0xaa: {  	[dreg:$0x4] =	wrdreg $0xC0  }
0xab: {  	_ =	task [dreg:s6], $0x5FFFF  }
0xac: {  	[dreg:$0x1] =	wrdreg $0xFFFFFFFF  }
0xad: {  	[dreg:$0x0] =	wrdreg $0x60  }
0xae: {  	[dreg:$0x2] =	wrdreg s24  }
0xaf: {  	[dreg:$0x3] =	wrdreg $0x9  }
0xb0: {  	_ =	task.clear_ibuf [dreg:s6], $0x4FFFF;
	_ =	strace $0x90000046  }
0xb1: {  	s29 =	simm.s32 $0x9;
	_ =	strace $0x80000048  }
0xb2: {  	_ =	swait.ge [sflag:s29], $0x1  }
0xb3: {  	[sflag:s29] =	ssyncadd.s32 $0xFFFFFFFF  }
0xb4: {  	_ =	strace $0x90000048  }
0xb5: {  	_ =	sfence  }
0xb6: {  	s30 =	sld [smem:$0x0];
	_ =	sdelay $0x2  }
0xb7: {  	s31 =	sshll.u32 s1, $0xD;
	s1 =	sshrl.u32 s1, $0x2  }
0xb8: {  	s3 =	sand.u32 $0x4000, s31;
	s1 =	sadd.s32 s1, s30  }
0xb9: {  	s0 =	sor.u32 s3, s0;
	s1 =	sshll.u32 s1, $0x11  }
0xba: {  	s0 =	sor.u32 s1, s0  }
0xbb: {  	s0 =	sadd.s32 $0x8F2B, s0  }
0xbc: {  	[sflag:s0] =	ssyncadd.remote.s32 $0x1  }
0xbd: {  	_ =	sfence.sel $0xFFFF  }
0xbe: {  	[dreg:$0x0] =	wrdreg $0xFFFFFFFF;
	(pc) =	sbr.abs _section_cstart, $3  }
0xbf: {  	[dreg:$0x1] =	wrdreg $0xFFFFFFFF  }
0xc0: {  	_ =	task.clear_ibuf [dreg:s6], $0x2FFFF;
	_ =	strace $0x9FFFFFFF  }
0xc1: {  	(tm) =	ssettm $0x7FFFFFFF  }
tec
execute0_lowered:
.L_overlay_start_1:
0x0: {  	(tag) =	ssettag $0x1  }
0x1: {  	s3 =	rddreg [dreg:$0x0]  }
0x2: {  	s1 =	srdreg.scid;
	s0 =	rddreg [dreg:$0x1];
	s2 =	simm.s32 $0x0  }
0x3: {  	s10 =	simm.s32 $0x10000;
	s11 =	simm.s32 $0x12000;
	s12 =	simm.s32 $0x14000  }
0x4: {  	s13 =	simm.s32 $0x80;
	s14 =	simm.s32 $0x400;
	s15 =	simm.s32 $0x16000  }
0x5: {  	s16 =	simm.s32 $0x0;
	s4 =	sand.u32 $0x1, s1;
	[smem:$0x7FF] =	sst s2  }
0x6: {  	s1 =	stileid.u32;
	s5 =	sshll.u32 s4, $0x4;
	_ =	strace $0x80000047  }
0x7: {  	s7 =	sshll.u32 s1, $0x7;
	s4 =	ssub.s32 $0x2, s4;
	s5 =	sor.u32 s1, s5  }
0x8: {  	s7 =	sand.u32 $0x380, s7;
	s6 =	sshll.u32 s5, $0xD;
	s5 =	sshrl.u32 s5, $0x3  }
0x9: {  	s31 =	sshrl.u32 s4, $0x1;
	s8 =	sshll.u32 s5, $0x10;
	s5 =	sshll.u32 s5, $0xA  }
0xa: {  	s9 =	ssub.s32 s4, s31;
	s8 =	sor.u32 s7, s8;
	s5 =	sor.u32 s7, s5  }
0xb: {  	s6 =	sadd.s32 s6, s3;
	s29 =	sshrl.u32 s8, $0x3;
	s5 =	sshrl.u32 s5, $0x3  }
0xc: {  	s8 =	smax.u32 s9, $0x1;
	s9 =	simm.s32 $0x1;
	s7 =	sadd.s32 s29, s3  }
0xd: {  	s30 =	sadd.s32 s5, s3;
	s3 =	sadd.s32 $0x7400, s6;
	s4 =	sadd.s32 $0x47400, s7  }
0xe: {  	v0 =	vlaneseq.u32;
	v1 =	vimm.s32 $0x0;
	s5 =	sadd.s32 $0x4F400, s7;
	s6 =	sadd.s32 $0x57400, s7;
	s7 =	sadd.s32 $0x5F400, s30  }
.LBB2_1:
0xf: {  	[tilespmem:s2], [sflag:$0x1] =	stream.linear.gather [hbm4b:s3+s2], $0x10000, $0x38;
	[tilespmem:$0x16080] =	vst v63  }
0x10: {  	_ =	swait.ge [sflag:s9], $0x10000  }
0x11: {  	[sflag:s9] =	ssyncset.done $0x0  }
0x12: {  	v21 =	vimm.s32 $0x0;
	s17 =	simm.s32 $0x0;
	[sflag:s9] =	ssyncadd.s32 $0xFFFF0000  }
.LBB2_2:
0x13: {  	v2 =	vmov s17  }
0x14: {  	s19 =	simm.s32 $0x70;
	s18 =	simm.s32 $0x0;
	s20 =	simm.s32 $0x10;
	v3 =	vshll.u32 v2, $0x9;
	v4 =	vshll.u32 v2, $0x7  }
0x15: {  	s21 =	simm.s32 $0x20;
	s22 =	simm.s32 $0x30;
	s25 =	simm.s32 $0x40;
	v10 =	vmov s18;
	v11 =	vmov s19;
	v25 =	vor.u32 s20, v0  }
0x16: {  	s23 =	simm.s32 $0x50;
	s24 =	simm.s32 $0x60;
	v36 =	vor.u32 s21, v0;
	v8 =	vor.u32 s22, v0;
	v7 =	vor.u32 s25, v0  }
0x17: {  	v6 =	vor.u32 s23, v0;
	v9 =	vor.u32 s24, v0;
	v13 =	vmov s20  }
0x18: {  	v14 =	vmov s21;
	v15 =	vmov s22;
	v16 =	vmov s25  }
0x19: {  	s26 =	simm.s32 $0x90;
	s28 =	simm.s32 $0xA0;
	s29 =	simm.s32 $0xB0;
	v17 =	vmov s23;
	v19 =	vmov s24;
	v42 =	vor.u32 s18, v0  }
0x1a: {  	s30 =	simm.s32 $0xC0;
	s31 =	simm.s32 $0xD0;
	v43 =	vmov s26;
	v45 =	vmov s28;
	v57 =	vmov s29  }
0x1b: {  	v46 =	vmov s30;
	v47 =	vmov s31;
	v3 =	vand.u32 $0xF000, v3  }
0x1c: {  	v4 =	vand.u32 $0x380, v4;
	v11 =	vshll.u32 v11, $0x3;
	v10 =	vshll.u32 v10, $0x3  }
0x1d: {  	v18 =	vand.u32 $0x1F, v25;
	v20 =	vand.u32 $0x2F, v36;
	v13 =	vshll.u32 v13, $0x3  }
0x1e: {  	v24 =	vand.u32 $0x5F, v6;
	v14 =	vshll.u32 v14, $0x3;
	v4 =	vor.u32 v4, v3  }
0x1f: {  	v17 =	vshll.u32 v17, $0x3;
	v13 =	vand.u32 $0xC00, v13;
	v5 =	vor.u32 v0, v4  }
0x20: {  	v14 =	vand.u32 $0xC00, v14;
	v13 =	vor.u32 v13, v18;
	v10 =	vadd.s32 v5, v10  }
0x21: {  	v17 =	vand.u32 $0xC00, v17;
	v14 =	vor.u32 v14, v20;
	v13 =	vor.u32 v4, v13  }
0x22: {  	v15 =	vshll.u32 v15, $0x3;
	v17 =	vor.u32 v17, v24;
	v14 =	vor.u32 v4, v14  }
0x23: {  	v22 =	vand.u32 $0x3F, v8;
	v15 =	vand.u32 $0xC00, v15;
	v17 =	vor.u32 v4, v17  }
0x24: {  	v23 =	vand.u32 $0x4F, v7;
	v16 =	vshll.u32 v16, $0x3;
	v15 =	vor.u32 v15, v22  }
0x25: {  	s18 =	simm.s32 $0xF0;
	v26 =	vand.u32 $0x6F, v9;
	v16 =	vand.u32 $0xC00, v16;
	v15 =	vor.u32 v4, v15;
	v38 =	vld.idx.msk [tilespmem:v10+s2+$0x0], $0xffff  }
0x26: {  	v34 =	vmov s18;
	v18 =	vshll.u32 v19, $0x3;
	v16 =	vor.u32 v16, v23;
	v29 =	vld.idx.msk [tilespmem:v13+s2+$0x0], $0xffff  }
0x27: {  	s25 =	simm.s32 $0xE0;
	v43 =	vshll.u32 v43, $0x3;
	v16 =	vor.u32 v4, v16;
	v18 =	vand.u32 $0xC00, v18;
	v37 =	vld.idx.msk [tilespmem:v14+s2+$0x0], $0xffff  }
0x28: {  	v48 =	vmov s25;
	v3 =	vor.u32 s19, v0;
	v10 =	vor.u32 v18, v26;
	v20 =	vld.idx.msk [tilespmem:v17+s2+$0x0], $0xffff  }
0x29: {  	v11 =	vand.u32 $0xC00, v11;
	v12 =	vand.u32 $0x7F, v3;
	v13 =	vor.u32 v4, v10  }
0x2a: {  	v45 =	vshll.u32 v45, $0x3;
	v46 =	vshll.u32 v46, $0x3;
	v10 =	vor.u32 v11, v12;
	v11 =	vld.idx.msk [tilespmem:v15+s2+$0x0], $0xffff  }
0x2b: {  	v43 =	vand.u32 $0xC00, v43;
	v56 =	vshll.u32 v34, $0x3;
	v58 =	vand.u32 $0xC00, v45  }
0x2c: {  	v59 =	vshll.u32 v48, $0x3;
	v12 =	vor.u32 v4, v10;
	v10 =	vld.idx.msk [tilespmem:v16+s2+$0x0], $0xffff;
	vm0 =	vge.f32 v38, $0.0e+00  }
0x2d: {  	vm2 =	vge.f32 v29, $0.0e+00;
	vm1 =	vge.f32 v37, $0.0e+00;
	vm8 =	vge.f32 v20, $0.0e+00  }
0x2e: {  	v15 =	vsel vm0, $0x1, v1;
	v16 =	vmpcnt.ones.xlane vm0;
	v19 =	vld.idx.msk [tilespmem:v13+s2+$0x0], $0xffff;
	v13 =	vsel vm2, $0x1, v1  }
0x2f: {  	v17 =	vmpcnt.ones.xlane vm2;
	vm4 =	vge.f32 v11, $0.0e+00;
	v18 =	vmpcnt.ones.xlane vm8  }
0x30: {  	v22 =	vsel vm1, $0x1, v1;
	v28 =	vsel vm8, $0x1, v1;
	vm14 =	vmmov vm8  }
0x31: {  	v14 =	vld.idx.msk [tilespmem:v12+s2+$0x0], $0xffff;
	(xrf0) =	vadd.scan.msk.s32 $0xffff, v15;
	v15 =	vmpcnt.ones.xlane vm1;
	vm5 =	vge.f32 v10, $0.0e+00;
	v12 =	vadd.s32 v21, v16  }
0x32: {  	v23 =	vsel vm4, $0x1, v1;
	(xrf0) =	vadd.scan.msk.s32 $0xffff, v13;
	v16 =	vmpcnt.ones.xlane vm4;
	v13 =	vadd.s32 v12, v17  }
0x33: {  	vm9 =	vmmov vm4;
	v17 =	vmpcnt.ones.xlane vm5;
	(xrf0) =	vadd.scan.msk.s32 $0xffff, v22;
	v15 =	vadd.s32 v13, v15  }
0x34: {  	v27 =	vsel vm5, $0x1, v1;
	(xrf0) =	vadd.scan.msk.s32 $0xffff, v23;
	v23 =	vor.u32 s26, v0;
	v16 =	vadd.s32 v15, v16  }
0x35: {  	vm12 =	vge.f32 v19, $0.0e+00;
	v44 =	vand.u32 $0x1F, v23;
	v24 =	vadd.s32 v16, v17  }
0x36: {  	v17 =	vmpcnt.ones.xlane vm12;
	vm11 =	vge.f32 v14, $0.0e+00;
	v31 =	vsel vm12, $0x1, v1  }
0x37: {  	v43 =	vor.u32 v43, v44;
	v26 =	vadd.s32 v24, v18;
	v18 =	vmpcnt.ones.xlane vm11  }
0x38: {  	(xrf0) =	vadd.scan.msk.s32 $0xffff, v27;
	v44 =	vand.u32 $0xC00, v56;
	v22, _, _ =	vpop (xrf0);
	v27 =	vsel vm11, $0x1, v1;
	v30 =	vadd.s32 v26, v17  }
0x39: {  	s20 =	simm.s32 $0x80;
	v43 =	vor.u32 v4, v43;
	v22 =	vadd.s32 v22, v21;
	v21 =	vadd.s32 v30, v18  }
0x3a: {  	v39 =	vadd.s32 $0xFFFFFFFF, v22;
	v22 =	vmov s20;
	v18 =	vor.u32 s28, v0  }
0x3b: {  	v17, _, _ =	vpop (xrf0);
	vm3 =	vlt.s32 v39, $0x2000;
	v22 =	vshll.u32 v22, $0x3;
	v49 =	vand.u32 $0x2F, v18  }
0x3c: {  	(xrf0) =	vadd.scan.msk.s32 $0xffff, v28;
	v28 =	vshll.u32 v57, $0x3;
	v12 =	vadd.s32 v17, v12;
	vm3 =	vmand vm0, vm3  }
0x3d: {  	vm0 =	vmmov vm12;
	v17 =	vimm.s32 $0x0;
	v22 =	vadd.s32 v5, v22  }
0x3e: {  	v60 =	vor.u32 v58, v49;
	v41 =	vadd.s32 $0xFFFFFFFF, v12;
	v17 =	vsel vm0, $0xFFFFFFFF, v17  }
0x3f: {  	vm0 =	vmmov vm11;
	v61 =	vor.u32 v4, v60;
	vm6 =	vlt.s32 v41, $0x2000  }
0x40: {  	[tilespmem:$0x1FFE0] =	vst v17;
	v17 =	vor.u32 s29, v0;
	vm7 =	vmand vm2, vm6;
	v12, _, _ =	vpop (xrf0);
	vm6 =	vmmov vm5  }
0x41: {  	v50 =	vand.u32 $0x3F, v17;
	(xrf0) =	vadd.scan.msk.s32 $0xffff, v31;
	v31 =	vshll.u32 v47, $0x3;
	v12 =	vadd.s32 v12, v13  }
0x42: {  	v13, _, _ =	vpop (xrf0);
	(xrf0) =	vadd.scan.msk.s32 $0xffff, v27;
	v27 =	vand.u32 $0xC00, v28;
	v28 =	vand.u32 $0xC00, v46;
	v31 =	vand.u32 $0xC00, v31  }
0x43: {  	v40 =	vadd.s32 $0xFFFFFFFF, v12;
	v32 =	vadd.s32 v13, v15;
	v12 =	vimm.s32 $0x0  }
0x44: {  	v13, _, _ =	vpop (xrf0);
	v15 =	vor.u32 s25, v0;
	v27 =	vor.u32 v27, v50;
	v12 =	vsel vm0, $0xFFFFFFFF, v12  }
0x45: {  	v33 =	vadd.s32 v13, v16;
	v16 =	vor.u32 s30, v0;
	v13 =	vor.u32 s31, v0;
	[tilespmem:$0x1FFF0] =	vst v12  }
0x46: {  	v53 =	vand.u32 $0x6F, v15;
	v27 =	vor.u32 v4, v27;
	vm8 =	vlt.s32 v40, $0x2000;
	v22 =	vld.idx.msk [tilespmem:v22+s2+$0x0], $0xffff  }
0x47: {  	v12 =	vor.u32 s18, v0;
	v51 =	vand.u32 $0x4F, v16;
	v52 =	vand.u32 $0x5F, v13  }
0x48: {  	vm10 =	vmand vm1, vm8;
	v35 =	vand.u32 $0x7F, v12;
	v28 =	vor.u32 v28, v51  }
0x49: {  	v34 =	vld.idx.msk [tilespmem:v43+s2+$0x0], $0xffff;
	v62 =	vor.u32 v4, v28;
	v28 =	vor.u32 v31, v52;
	v31 =	vand.u32 $0xC00, v59  }
0x4a: {  	v57 =	vor.u32 v44, v35;
	v35 =	vadd.s32 $0xFFFFFFFF, v33;
	v63 =	vor.u32 v4, v28  }
0x4b: {  	[tilespmem:v39+s10+$0x0] =	vst.idx.msk vm3, v42;
	v52, _, _ =	vpop (xrf0);
	v28 =	vor.u32 v31, v53;
	v59 =	vor.u32 v4, v57;
	vm0 =	vge.f32 v22, $0.0e+00  }
0x4c: {  	[tilespmem:v41+s10+$0x0] =	vst.idx.msk vm7, v25;
	vm12 =	vlt.s32 v35, $0x2000;
	v58 =	vadd.s32 v52, v24;
	v24 =	vld.idx.msk [tilespmem:v61+s2+$0x0], $0xffff;
	v31 =	vsel vm0, $0x1, v1  }
0x4d: {  	[tilespmem:v41+s11+$0x0] =	vst.idx.msk vm7, v2;
	v54, _, _ =	vpop (xrf0);
	v55 =	vor.u32 v4, v28;
	v28 =	vadd.s32 $0xFFFFFFFF, v32;
	v32 =	vld.idx.msk [tilespmem:v27+s2+$0x0], $0xffff;
	vm15 =	vmand vm6, vm12  }
0x4e: {  	[tilespmem:v41+s12+$0x0] =	vst.idx.msk vm7, v29;
	v26 =	vadd.s32 v54, v26;
	v33 =	vadd.s32 $0xFFFFFFFF, v58;
	vm2 =	vge.f32 v34, $0.0e+00  }
0x4f: {  	vm11 =	vlt.s32 v28, $0x2000;
	vm13 =	vlt.s32 v33, $0x2000;
	v56 =	vsel vm2, $0x1, v1;
	(xrf0) =	vadd.scan.msk.s32 $0xffff, v31;
	v25 =	vld.idx.msk [tilespmem:v63+s2+$0x0], $0xffff;
	v31, _, _ =	vpop (xrf0)  }
0x50: {  	vm1 =	vmand vm9, vm11;
	v60 =	vmpcnt.ones.xlane vm2;
	v29 =	vld.idx.msk [tilespmem:v59+s2+$0x0], $0xffff;
	(xrf0) =	vadd.scan.msk.s32 $0xffff, v56;
	v30 =	vadd.s32 v31, v30  }
0x51: {  	[tilespmem:v39+s11+$0x0] =	vst.idx.msk vm3, v2;
	vm13 =	vmand vm14, vm13;
	vm4 =	vge.f32 v24, $0.0e+00;
	v27 =	vadd.s32 $0xFFFFFFFF, v30;
	v30 =	vld.idx.msk [tilespmem:v62+s2+$0x0], $0xffff  }
0x52: {  	[tilespmem:v39+s12+$0x0] =	vst.idx.msk vm3, v38;
	vm8 =	vge.f32 v32, $0.0e+00;
	v31 =	vadd.s32 $0xFFFFFFFF, v26;
	v26 =	vmpcnt.ones.xlane vm0  }
0x53: {  	[tilespmem:v40+s10+$0x0] =	vst.idx.msk vm10, v36;
	v63 =	vmpcnt.ones.xlane vm4;
	v53 =	vmpcnt.ones.xlane vm8;
	v56 =	vsel vm4, $0x1, v1  }
0x54: {  	[tilespmem:v40+s11+$0x0] =	vst.idx.msk vm10, v2;
	v58 =	vsel vm8, $0x1, v1;
	vm5 =	vlt.s32 v31, $0x2000;
	v62 =	vadd.s32 v21, v26  }
0x55: {  	[tilespmem:v40+s12+$0x0] =	vst.idx.msk vm10, v37;
	v26 =	vld.idx.msk [tilespmem:v55+s2+$0x0], $0xffff;
	vm12 =	vge.f32 v25, $0.0e+00;
	vm10 =	vge.f32 v29, $0.0e+00;
	v61, _, _ =	vpop (xrf0);
	v46 =	vadd.s32 v62, v60  }
0x56: {  	v55 =	vmpcnt.ones.xlane vm12;
	v60 =	vld [tilespmem:$0x1FFE0];
	v51, _, _ =	vpop (xrf0);
	v45 =	vadd.s32 v46, v63;
	(xrf0) =	vadd.scan.msk.s32 $0xffff, v56;
	vm11 =	vge.f32 v30, $0.0e+00  }
0x57: {  	v21 =	vadd.s32 v61, v21;
	v61 =	vmpcnt.ones.xlane vm10;
	(xrf0) =	vadd.scan.msk.s32 $0xffff, v58;
	v59 =	vsel vm11, $0x1, v1  }
0x58: {  	v52 =	vadd.s32 v51, v62;
	v38 =	vadd.s32 $0xFFFFFFFF, v21;
	v21 =	vsel vm12, $0x1, v1;
	(xrf0) =	vadd.scan.msk.s32 $0xffff, v59  }
0x59: {  	v63 =	vsel vm10, $0x1, v1;
	v44 =	vadd.s32 v45, v53;
	v47 =	vadd.s32 $0xFFFFFFFF, v52;
	(xrf0) =	vadd.scan.msk.s32 $0xffff, v21;
	v21 =	vld [tilespmem:$0x1FFF0]  }
0x5a: {  	vm6 =	vlt.s32 v47, $0x2000;
	v54 =	vmpcnt.ones.xlane vm11;
	vm14 =	vge.f32 v26, $0.0e+00  }
0x5b: {  	vm2 =	vmand vm2, vm6;
	v57 =	vmpcnt.ones.xlane vm14;
	vm3 =	vnez.u8 v60  }
0x5c: {  	v36 =	vadd.s32 v44, v54;
	vm9 =	vmand vm3, vm5;
	vm3 =	vlt.s32 v38, $0x2000  }
0x5d: {  	v62 =	vsel vm14, $0x1, v1;
	v37 =	vadd.s32 v36, v55;
	vm6 =	vmand vm0, vm3  }
0x5e: {  	vm0 =	vlt.s32 v27, $0x2000;
	(xrf0) =	vadd.scan.msk.s32 $0xffff, v62;
	v39 =	vadd.s32 v37, v57;
	vm3 =	vnez.u8 v21  }
0x5f: {  	s19 =	simm.s32 $0x8;
	v42 =	vor.u32 s20, v0;
	v40, _, _ =	vpop (xrf0);
	(xrf0) =	vadd.scan.msk.s32 $0xffff, v63;
	v21 =	vadd.s32 v39, v61;
	vm7 =	vmand vm3, vm0  }
.LBB2_3:
0x60: {  	_ = 	snop  }
0x61: {  	v41 =	vadd.s32 v40, v46;
	vm0 =	vmmov vm11;
	v53 =	vimm.s32 $0x0;
	[tilespmem:v28+s10+$0x0] =	vst.idx.msk vm1, v8  }
0x62: {  	v43, _, _ =	vpop (xrf0);
	v54 =	vimm.s32 $0x0;
	v55 =	vimm.s32 $0x0;
	v57 =	vimm.s32 $0x0;
	[tilespmem:v47+s10+$0x0] =	vst.idx.msk vm2, v23  }
0x63: {  	s18 =	sadd.s32 $0x80, s18;
	[tilespmem:v35+s10+$0x0] =	vst.idx.msk vm15, v7;
	v46 =	vsel vm0, $0xFFFFFFFF, v53;
	vm0 =	vmmov vm12;
	v43 =	vadd.s32 v43, v45  }
0x64: {  	v56, _, _ =	vpop (xrf0);
	s20 =	sadd.s32 $0xFFFFFF90, s18;
	v50 =	vmov s18;
	[tilespmem:$0x1FFA0] =	vst v46;
	v46 =	vsel vm0, $0xFFFFFFFF, v54;
	vm0 =	vmmov vm14  }
0x65: {  	s21 =	sadd.s32 $0xFFFFFFA0, s18;
	s22 =	sadd.s32 $0xFFFFFFB0, s18;
	s23 =	sadd.s32 $0xFFFFFFC0, s18;
	[tilespmem:v28+s11+$0x0] =	vst.idx.msk vm1, v2;
	v48 =	vadd.s32 $0xFFFFFFFF, v43;
	v44 =	vadd.s32 v56, v44;
	v49 =	vmov s20  }
0x66: {  	s25 =	sadd.s32 $0xFFFFFFE0, s18;
	[tilespmem:v47+s11+$0x0] =	vst.idx.msk vm2, v2;
	v43 =	vor.u32 s22, v0;
	v53 =	vor.u32 s23, v0;
	v23 =	vor.u32 s21, v0  }
0x67: {  	s24 =	sadd.s32 $0xFFFFFFD0, s18;
	v56 =	vor.u32 s25, v0;
	v58 =	vmov s22;
	v50 =	vshll.u32 v50, $0x3;
	[tilespmem:v47+s12+$0x0] =	vst.idx.msk vm2, v34  }
0x68: {  	v34 =	vmov s23;
	v47 =	vmov s24;
	v59 =	vmov s25;
	[tilespmem:v28+s12+$0x0] =	vst.idx.msk vm1, v11  }
0x69: {  	v8 =	vmovc v17;
	v11 =	vmovc v32;
	[tilespmem:$0x1FFB0] =	vst v46;
	v46 =	vsel vm0, $0xFFFFFFFF, v55;
	vm0 =	vmmov vm10;
	v55 =	vor.u32 s24, v0  }
0x6a: {  	s26 =	sadd.s32 $0xFFFFFFF0, s18;
	[tilespmem:v35+s11+$0x0] =	vst.idx.msk vm15, v2;
	v17 =	vmovc v53;
	v53 =	vmov s21;
	v28 =	vmovc v48;
	v32 =	vshll.u32 v49, $0x3;
	v48 =	vand.u32 $0x1F, v23  }
0x6b: {  	[tilespmem:v35+s12+$0x0] =	vst.idx.msk vm15, v10;
	v10 =	vmovc v30;
	v49 =	vmov s26;
	v62 =	vand.u32 $0x5F, v56;
	v30 =	vshll.u32 v58, $0x3  }
0x6c: {  	v34 =	vshll.u32 v34, $0x3;
	v35 =	vshll.u32 v47, $0x3;
	v59 =	vshll.u32 v59, $0x3  }
0x6d: {  	v7 =	vmovc v16;
	[tilespmem:$0x1FFC0] =	vst v46;
	v46 =	vsel vm0, $0xFFFFFFFF, v57;
	v57 =	vor.u32 s26, v0;
	v16 =	vmovc v55;
	v55 =	vand.u32 $0x2F, v43  }
0x6e: {  	[tilespmem:v33+s10+$0x0] =	vst.idx.msk vm13, v6;
	v6 =	vmovc v13;
	v60 =	vand.u32 $0x3F, v17;
	v53 =	vshll.u32 v53, $0x3;
	v49 =	vshll.u32 v49, $0x3  }
0x6f: {  	[tilespmem:v31+s10+$0x0] =	vst.idx.msk vm9, v9;
	v13 =	vmovc v56;
	v32 =	vadd.s32 v5, v32;
	v30 =	vand.u32 $0xC00, v30;
	v56 =	vand.u32 $0xC00, v34  }
0x70: {  	[tilespmem:v33+s11+$0x0] =	vst.idx.msk vm13, v2;
	v59 =	vand.u32 $0xC00, v59;
	v58 =	vand.u32 $0xC00, v53;
	v30 =	vor.u32 v30, v55  }
0x71: {  	[tilespmem:$0x1FFD0] =	vst v46;
	v46 =	vor.u32 s18, v0;
	v47 =	vor.u32 v58, v48;
	v9 =	vor.u32 v4, v30  }
0x72: {  	[tilespmem:v33+s12+$0x0] =	vst.idx.msk vm13, v20;
	v61 =	vand.u32 $0x4F, v16;
	v30 =	vor.u32 v56, v60;
	v20 =	vor.u32 v4, v47  }
0x73: {  	[tilespmem:v31+s11+$0x0] =	vst.idx.msk vm9, v2;
	v63 =	vand.u32 $0x6F, v57;
	v58 =	vand.u32 $0xC00, v35;
	v30 =	vor.u32 v4, v30  }
0x74: {  	[tilespmem:v31+s12+$0x0] =	vst.idx.msk vm9, v19;
	v31 =	vor.u32 v59, v62;
	v51 =	vand.u32 $0x7F, v46;
	v33 =	vor.u32 v58, v61  }
0x75: {  	v60 =	vand.u32 $0xC00, v49;
	v49 =	vand.u32 $0xC00, v50;
	v19 =	vor.u32 v4, v33;
	v61 =	vld.idx.msk [tilespmem:v32+s2+$0x0], $0xffff  }
0x76: {  	v62 =	vor.u32 v4, v31;
	v31 =	vor.u32 v60, v63;
	v50 =	vor.u32 v49, v51;
	v49 =	vld.idx.msk [tilespmem:v9+s2+$0x0], $0xffff  }
0x77: {  	v41 =	vadd.s32 $0xFFFFFFFF, v41;
	v34 =	vld.idx.msk [tilespmem:v20+s2+$0x0], $0xffff;
	v20 =	vor.u32 v4, v31  }
0x78: {  	[tilespmem:v27+s10+$0x0] =	vst.idx.msk vm7, v3;
	vm3 =	vlt.s32 v41, $0x2000;
	v45, _, _ =	vpop (xrf0);
	v50 =	vor.u32 v4, v50;
	v32 =	vld.idx.msk [tilespmem:v30+s2+$0x0], $0xffff  }
0x79: {  	vm5 =	vmmov vm8;
	[tilespmem:v27+s11+$0x0] =	vst.idx.msk vm7, v2;
	vm15 =	vmand vm4, vm3;
	v52, _, _ =	vpop (xrf0);
	vm1 =	vlt.s32 v28, $0x2000  }
0x7a: {  	[tilespmem:v27+s12+$0x0] =	vst.idx.msk vm7, v14;
	v54, _, _ =	vpop (xrf0);
	vm1 =	vmand vm5, vm1;
	v35 =	vadd.s32 $0xFFFFFFFF, v44;
	v51 =	vadd.s32 v52, v37;
	v30 =	vld.idx.msk [tilespmem:v19+s2+$0x0], $0xffff  }
0x7b: {  	v52 =	vadd.s32 v54, v39;
	v53 =	vld.idx.msk [tilespmem:v62+s2+$0x0], $0xffff;
	v31 =	vadd.s32 v45, v36;
	vm7 =	vge.f32 v61, $0.0e+00  }
0x7c: {  	[tilespmem:v38+s10+$0x0] =	vst.idx.msk vm6, v42;
	v55 =	vsel vm7, $0x1, v1;
	v54 =	vld.idx.msk [tilespmem:v20+s2+$0x0], $0xffff;
	v20 =	vmovc v25;
	v25 =	vmpcnt.ones.xlane vm7;
	vm13 =	vge.f32 v34, $0.0e+00  }
0x7d: {  	v9 =	vmovc v15;
	v15 =	vmovc v57;
	v42 =	vld.idx.msk [tilespmem:v50+s2+$0x0], $0xffff;
	vm4 =	vge.f32 v49, $0.0e+00;
	vm8 =	vge.f32 v32, $0.0e+00;
	v57 =	vmpcnt.ones.xlane vm13  }
0x7e: {  	v40 =	vmovc v21;
	v3 =	vmovc v12;
	v56 =	vsel vm13, $0x1, v1;
	v47 =	vadd.s32 v21, v25;
	v21 =	vmpcnt.ones.xlane vm4  }
0x7f: {  	v12 =	vmovc v46;
	(xrf0) =	vadd.scan.msk.s32 $0xffff, v55;
	v58 =	vmpcnt.ones.xlane vm8;
	vm11 =	vge.f32 v30, $0.0e+00;
	v46 =	vadd.s32 v47, v57  }
0x80: {  	vm12 =	vge.f32 v53, $0.0e+00;
	(xrf0) =	vadd.scan.msk.s32 $0xffff, v56;
	v45 =	vadd.s32 v46, v21;
	v21 =	vmpcnt.ones.xlane vm11  }
0x81: {  	v14 =	vmovc v29;
	v29 =	vmpcnt.ones.xlane vm12;
	v44 =	vadd.s32 v45, v58;
	vm14 =	vge.f32 v54, $0.0e+00  }
0x82: {  	vm10 =	vge.f32 v42, $0.0e+00;
	v36 =	vadd.s32 v44, v21;
	v21 =	vmpcnt.ones.xlane vm14  }
0x83: {  	v27 =	vadd.s32 $0xFFFFFFFF, v52;
	[tilespmem:v38+s11+$0x0] =	vst.idx.msk vm6, v2;
	v60 =	vmpcnt.ones.xlane vm10;
	v37 =	vadd.s32 v36, v29  }
0x84: {  	vm2 =	vlt.s32 v35, $0x2000;
	vm3 =	vlt.s32 v27, $0x2000;
	[tilespmem:v38+s12+$0x0] =	vst.idx.msk vm6, v22;
	v19 =	vmovc v26;
	v39 =	vadd.s32 v37, v21  }
0x85: {  	[tilespmem:v41+s10+$0x0] =	vst.idx.msk vm15, v18;
	v22 =	vmov v61;
	v59 =	vsel vm4, $0x1, v1;
	v61, _, _ =	vpop (xrf0);
	v21 =	vadd.s32 v39, v60;
	v60 =	vld [tilespmem:$0x1FFA0]  }
0x86: {  	v62 =	vsel vm8, $0x1, v1;
	v26 =	vmov v54;
	v57 =	vadd.s32 v61, v40;
	v61 =	vld [tilespmem:$0x1FFB0];
	v54, _, _ =	vpop (xrf0);
	(xrf0) =	vadd.scan.msk.s32 $0xffff, v59  }
0x87: {  	v33 =	vadd.s32 $0xFFFFFFFF, v31;
	v31 =	vadd.s32 $0xFFFFFFFF, v51;
	v63 =	vsel vm11, $0x1, v1;
	(xrf0) =	vadd.scan.msk.s32 $0xffff, v62;
	v62 =	vld [tilespmem:$0x1FFC0]  }
0x88: {  	s19 =	sadd.s32 $0x8, s19;
	vm9 =	vlt.s32 v33, $0x2000;
	vm0 =	vlt.s32 v31, $0x2000;
	v58 =	vadd.s32 v54, v47;
	(xrf0) =	vadd.scan.msk.s32 $0xffff, v63;
	v63 =	vld [tilespmem:$0x1FFD0]  }
0x89: {  	p0 =	slt.u32 s19, $0x18;
	[tilespmem:v41+s11+$0x0] =	vst.idx.msk vm15, v2;
	v55 =	vsel vm12, $0x1, v1;
	v56 =	vsel vm14, $0x1, v1;
	v47 =	vadd.s32 $0xFFFFFFFF, v58  }
.Ltmp0:
0x8a: {  	[tilespmem:v41+s12+$0x0] =	vst.idx.msk vm15, v24;
	v38 =	vadd.s32 $0xFFFFFFFF, v57;
	vm6 =	vlt.s32 v47, $0x2000;
	vm15 =	vnez.u8 v60;
	(pc) =	sbr.rel @p0 .LBB2_3-.Ltmp0, $4  }
0x8b: {  	v18 =	vmovc v43;
	v24 =	vmovc v49;
	vm15 =	vmand vm15, vm2;
	vm2 =	vmand vm13, vm6;
	vm6 =	vnez.u8 v61  }
0x8c: {  	v25 =	vmovc v53;
	v59 =	vsel vm10, $0x1, v1;
	(xrf0) =	vadd.scan.msk.s32 $0xffff, v55;
	vm13 =	vmand vm6, vm9;
	vm6 =	vnez.u8 v62  }
0x8d: {  	v29 =	vmovc v42;
	vm5 =	vlt.s32 v38, $0x2000;
	(xrf0) =	vadd.scan.msk.s32 $0xffff, v56;
	vm9 =	vmand vm6, vm0;
	vm0 =	vnez.u8 v63  }
0x8e: {  	v42 =	vor.u32 s20, v0;
	(xrf0) =	vadd.scan.msk.s32 $0xffff, v59;
	v40, _, _ =	vpop (xrf0);
	vm6 =	vmand vm7, vm5;
	vm7 =	vmand vm0, vm3  }
0x8f: {  	_ =	sdelay $0x4  }
0x90: {  	[tilespmem:v28+s10+$0x0] =	vst.idx.msk vm1, v8  }
0x91: {  	[tilespmem:v47+s10+$0x0] =	vst.idx.msk vm2, v23  }
0x92: {  	[tilespmem:v35+s10+$0x0] =	vst.idx.msk vm15, v7  }
0x93: {  	[tilespmem:v33+s10+$0x0] =	vst.idx.msk vm13, v6  }
0x94: {  	[tilespmem:v31+s10+$0x0] =	vst.idx.msk vm9, v9  }
0x95: {  	[tilespmem:v27+s10+$0x0] =	vst.idx.msk vm7, v3  }
0x96: {  	[tilespmem:v38+s10+$0x0] =	vst.idx.msk vm6, v42  }
0x97: {  	[tilespmem:v28+s11+$0x0] =	vst.idx.msk vm1, v2  }
0x98: {  	[tilespmem:v47+s11+$0x0] =	vst.idx.msk vm2, v2  }
0x99: {  	[tilespmem:v35+s11+$0x0] =	vst.idx.msk vm15, v2  }
0x9a: {  	[tilespmem:v33+s11+$0x0] =	vst.idx.msk vm13, v2  }
0x9b: {  	[tilespmem:v31+s11+$0x0] =	vst.idx.msk vm9, v2  }
0x9c: {  	v4 =	vadd.s32 v40, v46;
	[tilespmem:v27+s11+$0x0] =	vst.idx.msk vm7, v2  }
0x9d: {  	v5, _, _ =	vpop (xrf0);
	v4 =	vadd.s32 $0xFFFFFFFF, v4;
	[tilespmem:v38+s11+$0x0] =	vst.idx.msk vm6, v2  }
0x9e: {  	v5 =	vadd.s32 v5, v45;
	[tilespmem:v47+s12+$0x0] =	vst.idx.msk vm2, v34;
	vm0 =	vlt.s32 v4, $0x2000  }
0x9f: {  	[tilespmem:v28+s12+$0x0] =	vst.idx.msk vm1, v11;
	v3 =	vadd.s32 $0xFFFFFFFF, v5;
	vm0 =	vmand vm4, vm0  }
0xa0: {  	vm8 =	vmmov vm8;
	v59, _, _ =	vpop (xrf0);
	[tilespmem:v31+s12+$0x0] =	vst.idx.msk vm9, v19;
	vm9 =	vlt.s32 v3, $0x2000  }
0xa1: {  	[tilespmem:v35+s12+$0x0] =	vst.idx.msk vm15, v10;
	v5 =	vadd.s32 v59, v44;
	vm1 =	vmand vm8, vm9  }
0xa2: {  	[tilespmem:v33+s12+$0x0] =	vst.idx.msk vm13, v20;
	v5 =	vadd.s32 $0xFFFFFFFF, v5  }
0xa3: {  	vm11 =	vmmov vm11;
	[tilespmem:v27+s12+$0x0] =	vst.idx.msk vm7, v14;
	vm3 =	vlt.s32 v5, $0x2000  }
0xa4: {  	[tilespmem:v38+s12+$0x0] =	vst.idx.msk vm6, v22;
	v60, _, _ =	vpop (xrf0);
	vm2 =	vmand vm11, vm3  }
0xa5: {  	v6 =	vadd.s32 v60, v36;
	[tilespmem:v4+s10+$0x0] =	vst.idx.msk vm0, v18  }
0xa6: {  	v6 =	vadd.s32 $0xFFFFFFFF, v6;
	[tilespmem:v4+s11+$0x0] =	vst.idx.msk vm0, v2  }
0xa7: {  	vm13 =	vmmov vm12;
	v61, _, _ =	vpop (xrf0);
	vm15 =	vlt.s32 v6, $0x2000;
	[tilespmem:v3+s10+$0x0] =	vst.idx.msk vm1, v17  }
0xa8: {  	v62 =	vadd.s32 v61, v37;
	vm8 =	vmand vm13, vm15;
	[tilespmem:v4+s12+$0x0] =	vst.idx.msk vm0, v24  }
0xa9: {  	v4 =	vadd.s32 $0xFFFFFFFF, v62;
	[tilespmem:v3+s11+$0x0] =	vst.idx.msk vm1, v2  }
0xaa: {  	vm9 =	vmmov vm14;
	v63, _, _ =	vpop (xrf0);
	[tilespmem:v5+s10+$0x0] =	vst.idx.msk vm2, v16;
	vm11 =	vlt.s32 v4, $0x2000  }
0xab: {  	[tilespmem:v3+s12+$0x0] =	vst.idx.msk vm1, v32;
	v3 =	vadd.s32 v63, v39;
	vm12 =	vmand vm9, vm11  }
0xac: {  	[tilespmem:v5+s11+$0x0] =	vst.idx.msk vm2, v2;
	v3 =	vadd.s32 $0xFFFFFFFF, v3  }
0xad: {  	vm13 =	vmmov vm10;
	[tilespmem:v5+s12+$0x0] =	vst.idx.msk vm2, v30;
	vm14 =	vlt.s32 v3, $0x2000  }
0xae: {  	[tilespmem:v6+s10+$0x0] =	vst.idx.msk vm8, v13;
	vm15 =	vmand vm13, vm14  }
0xaf: {  	[tilespmem:v6+s11+$0x0] =	vst.idx.msk vm8, v2  }
0xb0: {  	s17 =	sadd.s32 $0x1, s17;
	[tilespmem:v6+s12+$0x0] =	vst.idx.msk vm8, v25  }
0xb1: {  	p0 =	sne.s32 s17, $0x80;
	[tilespmem:v4+s10+$0x0] =	vst.idx.msk vm12, v15  }
.Ltmp1:
0xb2: {  	[tilespmem:v4+s11+$0x0] =	vst.idx.msk vm12, v2;
	(pc) =	sbr.rel @p0 .LBB2_2-.Ltmp1, $4  }
0xb3: {  	[tilespmem:v4+s12+$0x0] =	vst.idx.msk vm12, v26  }
0xb4: {  	[tilespmem:v3+s10+$0x0] =	vst.idx.msk vm15, v12  }
0xb5: {  	[tilespmem:v3+s11+$0x0] =	vst.idx.msk vm15, v2  }
0xb6: {  	[tilespmem:v3+s12+$0x0] =	vst.idx.msk vm15, v29  }
0xb7: {  	vm0 =	vlt.s32 v21, $0x2000  }
0xb8: {  	v2 =	vnsel vm0, $0x2000, v21  }
0xb9: {  	[tilespmem:$0x16000] =	vst v2  }
0xba: {  	[hbm4b:s4+s13] =	stream.strided.scatter [tilespmem:s10], [sflag:$0x1], $0x2000, s14, s13, $0x38;
	[tilespmem:$0x16080] =	vst v63  }
0xbb: {  	_ =	swait.ge [sflag:s9], $0x2000  }
0xbc: {  	[sflag:s9] =	ssyncset.done $0x0  }
0xbd: {  	[sflag:s9] =	ssyncadd.s32 $0xFFFFE000  }
0xbe: {  	[hbm4b:s5+s13] =	stream.strided.scatter [tilespmem:s11], [sflag:$0x1], $0x2000, s14, s13, $0x38;
	[tilespmem:$0x16080] =	vst v63  }
0xbf: {  	_ =	swait.ge [sflag:s9], $0x2000  }
0xc0: {  	[sflag:s9] =	ssyncset.done $0x0  }
0xc1: {  	[sflag:s9] =	ssyncadd.s32 $0xFFFFE000  }
0xc2: {  	[hbm4b:s6+s13] =	stream.strided.scatter [tilespmem:s12], [sflag:$0x1], $0x2000, s14, s13, $0x38;
	[tilespmem:$0x16080] =	vst v63  }
0xc3: {  	s16 =	sadd.s32 $0x1, s16;
	_ =	swait.ge [sflag:s9], $0x2000  }
0xc4: {  	p0 =	sne.s32 s16, s8;
	[sflag:s9] =	ssyncset.done $0x0  }
.Ltmp2:
0xc5: {  	[sflag:s9] =	ssyncadd.s32 $0xFFFFE000;
	(pc) =	sbr.rel @p0 .LBB2_1-.Ltmp2, $4  }
0xc6: {  	[hbm4b:s7+s2] =	stream.linear.scatter [tilespmem:s15], [sflag:$0x1], $0x80, $0x38;
	[tilespmem:$0x16080] =	vst v63  }
0xc7: {  	_ =	swait.ge [sflag:s9], $0x80  }
0xc8: {  	[sflag:s9] =	ssyncset.done $0x0  }
0xc9: {  	[sflag:s9] =	ssyncadd.s32 $0xFFFFFF80  }
0xca: {  	_ =	sfence.sel $0x180000  }
0xcb: {  	[bflag:$0x0] =	sbarrier.arrive $0xFFFF  }
0xcc: {  	p0 =	sne.s32 s1, $0x0;
	_ =	strace $0x90000047  }
0xcd: {  	s0 =	sadd.s32 @!p0 $0x100000, s0;
	[bflag:$0x2] =	sbarrier.arrive $0xFFFF  }
0xce: {  	[sflag:s0] =	ssyncadd.tile.s32 @!p0 $0x1;
	_ =	shalt  }
.Lfunc_end2:
_tile_overlayer_lowered:
.L_overlay_start_2:
0xcf: {  	(tag) =	ssettag $0x2  }
0xd0: {  	s0 =	rddreg [dreg:$0x0];
	s2 =	stileid.u32  }
0xd1: {  	s1 =	rddreg [dreg:$0x1];
	p0 =	sne.s32 s2, $0x0  }
0xd2: {  	s3 =	rddreg [dreg:$0x2];
	[bflag:$0x3] =	sbarrier.arrive $0xFFFF;
	s2 =	simm.s32 @!p0 $0x1C01  }
0xd3: {  	[timem:s3], [sflag:s2] =	dma.local @!p0 [hbm:s0], s1  }
0xd4: {  	s0 =	simm.s32 @!p0 $0x1  }
0xd5: {  	_ =	swait.ge @!p0 [sflag:s0], s1  }
0xd6: {  	s1 =	ssub.s32 @!p0 $0x0, s1;
	[sflag:s0] =	ssyncset.done @!p0 $0x0  }
0xd7: {  	[sflag:s0] =	ssyncadd.s32 @!p0 s1  }
0xd8: {  	[bflag:$0x3] =	sbarrier.arrive $0xFFFF  }
0xd9: {  	_ =	shalt  }

// kernel: kernel.15.cloned.1.call-start
scs
__scs_entry_jumppad:
0x0: {  	(pc) =	sbr.rel $0x88, $3  }
0x1: {  	(tag) =	ssettag $0x0;
	lr =	simm.s32 $0x1  }
0x2: {  	[smem:$0x3F86] =	sst lr;
	_ =	strace $0xD0000000  }
0x3: {  	_ = 	snop  }
0x4: {  	_ = 	snop  }
0x5: {  	_ = 	snop  }
0x6: {  	_ = 	snop  }
0x7: {  	_ = 	snop  }
__scs_overlays_trampoline_lowered:
0x8: {  	[smem:$0x3F95] =	sst s0  }
0x9: {  	[smem:$0x3F96] =	sst s1  }
0xa: {  	[smem:$0x3F97] =	sst s2  }
0xb: {  	[smem:$0x3F98] =	sst s3  }
0xc: {  	[smem:$0x3F99] =	sst s4  }
0xd: {  	[smem:$0x3F9A] =	sst s5  }
0xe: {  	[smem:$0x3F9B] =	sst s6  }
0xf: {  	[smem:$0x3F9C] =	sst s7  }
0x10: {  	[smem:$0x3F9D] =	sst s8  }
0x11: {  	[smem:$0x3F9E] =	sst s9;
	s0 =	simm.s32 @!p0 $0x0  }
0x12: {  	s1 =	sld [smem:$0x3F84];
	s0 =	simm.s32 @p0 $0x1  }
0x13: {  	[smem:$0x3F9F] =	sst s0;
	s0 =	simm.s32 @!p1 $0x0  }
0x14: {  	s2 =	sld [smem:$0x3F83];
	s0 =	simm.s32 @p1 $0x1  }
0x15: {  	[smem:$0x3FA0] =	sst s0;
	s0 =	simm.s32 @!p2 $0x0  }
0x16: {  	s3 =	sld [smem:$0x3FDB];
	s0 =	simm.s32 @p2 $0x1  }
0x17: {  	s4 =	simm.s32 $0x1BF5;
	[smem:$0x3FA2] =	sst s0  }
0x18: {  	s0 =	sld [smem:$0x3F85];
	_ =	swait.ge [sflag:s4], $0x0  }
0x19: {  	s7 =	sld [smem:$0x3F86]  }
0x1a: {  	s8 =	sadd.s32 $0xFFFFE003, lr  }
0x1b: {  	s9 =	sadd.s32 $0xFFFFFEF7, lr;
	s5 =	simm.s32 $0xFFFFFFFF;
	p2 =	slt.u32 s8, $0xFFFFF086  }
0x1c: {  	p1 =	slt.u32 s9, $0xF7A;
	s5 =	simm.s32 @!p2 $0x0  }
0x1d: {  	s5 =	simm.s32 @p1 $0x1;
	p0 =	seq.s32 s7, s2  }
0x1e: {  	s7 =	smul.u32 @!p0 $0xF7A, s2;
	p2 =	seq.s32 @!p0 s5, $0x0  }
0x1f: {  	s9 =	smul.u32 $0xF7A, s1;
	s8 =	simm.s32 @!p0 $0x1BF5;
	p2 =	por !p2, p0  }
0x20: {  	[sflag:s8] =	ssyncset.s32 @!p0 $0xFFFFF086;
	s6 =	sadd.s32 @!p0 s3, s7;
	s7 =	simm.s32 @!p0 $0x108  }
0x21: {  	s3 =	sadd.s32 s3, s9;
	s6 =	sadd.s32 @!p0 $0x88, s6;
	s7 =	simm.s32 @p2 $0x1082  }
0x22: {  	[simem:s7], [sflag:s8] =	dma.local @!p0 [hbm:s6], $0xF7A  }
0x23: {  	s9 =	sor.u32 $0xD0000000, s2;
	s6 =	simm.s32 $0x108;
	_ =	swait.ge @!p0 [sflag:s8], $0x0  }
0x24: {  	s3 =	sadd.s32 $0x88, s3;
	s6 =	simm.s32 @!p1 $0x1082;
	[sflag:s4] =	ssyncset.s32 $0xFFFFF086  }
0x25: {  	[simem:s6], [sflag:s4] =	dma.local [hbm:s3], $0xF7A  }
0x26: {  	[smem:$0x3F86] =	sst s1;
	(tag) =	ssettag s2;
	_ =	strace s9  }
0x27: {  	s1 =	sld [smem:$0x3F96]  }
0x28: {  	s2 =	sld [smem:$0x3F97]  }
0x29: {  	s4 =	sld [smem:$0x3F99]  }
0x2a: {  	p0 =	seq.s32 s5, $0x0;
	s5 =	sld [smem:$0x3F9A]  }
0x2b: {  	s6 =	sld [smem:$0x3F9B]  }
0x2c: {  	s7 =	sld [smem:$0x3F9C]  }
0x2d: {  	s3 =	simm.s32 $0x108;
	s8 =	sld [smem:$0x3F9D]  }
0x2e: {  	s3 =	simm.s32 @!p0 $0x1082;
	s9 =	sld [smem:$0x3F9E]  }
0x2f: {  	lr =	sadd.s32 s0, s3;
	s0 =	sld [smem:$0x3F95]  }
0x30: {  	s3 =	sld [smem:$0x3F98]  }
0x31: {  	[smem:$0x3FA1] =	sst s10  }
0x32: {  	s10 =	sld [smem:$0x3F9F];
	_ =	sdelay $0x3  }
0x33: {  	p0 =	seq.s32 s10, $0x1;
	s10 =	sld [smem:$0x3FA1];
	_ =	sdelay $0x3  }
0x34: {  	[smem:$0x3FA1] =	sst s10  }
0x35: {  	s10 =	sld [smem:$0x3FA0];
	_ =	sdelay $0x3  }
0x36: {  	p1 =	seq.s32 s10, $0x1;
	s10 =	sld [smem:$0x3FA1];
	_ =	sdelay $0x3  }
0x37: {  	[smem:$0x3FA1] =	sst s10  }
0x38: {  	s10 =	sld [smem:$0x3FA2]  }
0x39: {  	_ = 	snop;
	(pc) =	sbr.ind lr, $3  }
0x3a: {  	_ = 	snop  }
0x3b: {  	_ = 	snop  }
0x3c: {  	p2 =	seq.s32 s10, $0x1;
	s10 =	sld [smem:$0x3FA1]  }
0x3d: {  	_ =	shalt  }
0x3e: {  	_ =	shalt  }
0x3f: {  	_ =	shalt  }
0x40: {  	_ =	shalt  }
0x41: {  	_ =	shalt  }
0x42: {  	_ =	shalt  }
0x43: {  	_ =	shalt  }
0x44: {  	_ =	shalt  }
0x45: {  	_ =	shalt  }
0x46: {  	_ =	shalt  }
0x47: {  	_ =	shalt  }
0x48: {  	_ =	shalt  }
0x49: {  	_ =	shalt  }
0x4a: {  	_ =	shalt  }
0x4b: {  	_ =	shalt  }
0x4c: {  	_ =	shalt  }
0x4d: {  	_ =	shalt  }
0x4e: {  	_ =	shalt  }
0x4f: {  	_ =	shalt  }
0x50: {  	_ =	shalt  }
0x51: {  	_ =	shalt  }
0x52: {  	_ =	shalt  }
0x53: {  	_ =	shalt  }
0x54: {  	_ =	shalt  }
0x55: {  	_ =	shalt  }
0x56: {  	_ =	shalt  }
0x57: {  	_ =	shalt  }
0x58: {  	_ =	shalt  }
0x59: {  	_ =	shalt  }
0x5a: {  	_ =	shalt  }
0x5b: {  	_ =	shalt  }
0x5c: {  	_ =	shalt  }
0x5d: {  	_ =	shalt  }
0x5e: {  	_ =	shalt  }
0x5f: {  	_ =	shalt  }
0x60: {  	_ =	shalt  }
0x61: {  	_ =	shalt  }
0x62: {  	_ =	shalt  }
0x63: {  	_ =	shalt  }
0x64: {  	_ =	shalt  }
0x65: {  	_ =	shalt  }
0x66: {  	_ =	shalt  }
0x67: {  	_ =	shalt  }
0x68: {  	_ =	shalt  }
0x69: {  	_ =	shalt  }
0x6a: {  	_ =	shalt  }
0x6b: {  	_ =	shalt  }
0x6c: {  	_ =	shalt  }
0x6d: {  	_ =	shalt  }
0x6e: {  	_ =	shalt  }
0x6f: {  	_ =	shalt  }
0x70: {  	_ =	shalt  }
0x71: {  	_ =	shalt  }
0x72: {  	_ =	shalt  }
0x73: {  	_ =	shalt  }
0x74: {  	_ =	shalt  }
0x75: {  	_ =	shalt  }
0x76: {  	_ =	shalt  }
0x77: {  	_ =	shalt  }
0x78: {  	_ =	shalt  }
0x79: {  	_ =	shalt  }
0x7a: {  	_ =	shalt  }
0x7b: {  	_ =	shalt  }
0x7c: {  	_ =	shalt  }
0x7d: {  	_ =	shalt  }
0x7e: {  	_ =	shalt  }
0x7f: {  	_ =	shalt  }
0x80: {  	_ =	shalt  }
0x81: {  	_ =	shalt  }
0x82: {  	_ =	shalt  }
0x83: {  	_ =	shalt  }
0x84: {  	_ =	shalt  }
0x85: {  	_ =	shalt  }
0x86: {  	_ =	shalt  }
0x87: {  	_ =	shalt  }
.Lfunc_end0:
.L_simem_size_0:
called_computation.1_lowered:
.L_overlay_start_0:
0x88: {  	s2 =	sld [smem:$0x3FD9]  }
0x89: {  	s3 =	sld [smem:$0x3FFE];
	_ =	sdelay $0x1  }
0x8a: {  	s1 =	srdreg.scid  }
0x8b: {  	s0 =	sand.u32 $0x1, s1  }
0x8c: {  	s14 =	sshll.u32 s0, $0xA;
	s2 =	sadd.s32 s3, s2  }
0x8d: {  	s2 =	sadd.s32 s2, s14  }
0x8e: {  	[smem:$0x3FAD] =	sst s2  }
0x8f: {  	_ = 	snop  }
0x90: {  	s2 =	sld [smem:$0x3FD0];
	_ =	sdelay $0x2  }
0x91: {  	s15 =	simm.s32 $0xA;
	s4 =	simm.s32 $0x10  }
0x92: {  	[smem:s4], [sflag:s15] =	dma.local [hbm:s2], $0x1  }
0x93: {  	_ =	swait.eq [sflag:s15], $0x1  }
0x94: {  	[sflag:s15] =	ssyncset.done $0x0  }
0x95: {  	s16 =	sld [smem:$0x10];
	[sflag:s15] =	ssyncadd.s32 $0xFFFFFFFF  }
0x96: {  	s17 =	sld [smem:$0x11];
	(tm) =	ssettm $0x1  }
0x97: {  	s18 =	sld [smem:$0x3FFB];
	_ =	sdelay $0x3  }
0x98: {  	_ =	strace s18  }
0x99: {  	s4 =	sld [smem:$0x3FFC];
	_ =	sdelay $0x3  }
0x9a: {  	_ =	strace s4  }
0x9b: {  	s4 =	sld [smem:$0x3FFD];
	_ =	sdelay $0x3  }
0x9c: {  	_ =	strace s4  }
0x9d: {  	_ =	strace $0x8FFFFFFF  }
0x9e: {  	s19 =	sld [smem:$0x3FDB];
	_ =	sdelay $0x1  }
0x9f: {  	s5 =	simm.s32 $_scs_section_size  }
0xa0: {  	s6 =	simm.s32 $_size__tile_overlayer_lowered;
	s7 =	simm.s32 $_tile_overlayer_lowered  }
0xa1: {  	s22 =	simm.s32 $0x1BFF;
	s21 =	sshll.u32 s7, $0x1;
	s4 =	sadd.s32 s5, s19  }
0xa2: {  	s8 =	simm.s32 $0x0;
	s20 =	sshll.u32 s6, $0x1;
	s6 =	sadd.s32 s21, s4  }
0xa3: {  	[timem:s8], [sflag:s22] =	dma.local [hbm:s6], s20  }
0xa4: {  	_ =	swait.ge [sflag:s22], s20  }
0xa5: {  	s5 =	ssub.s32 $0x0, s20;
	[sflag:s22] =	ssyncset.done $0x0  }
0xa6: {  	[sflag:s22] =	ssyncadd.s32 s5;
	_ =	sdelay $0x1  }
0xa7: {  	s23 =	simm.s32 $0x1B8B  }
0xa8: {  	_ =	swait.ge [sflag:s23], $0x1  }
0xa9: {  	[sflag:s23] =	ssyncset.done $0x0  }
0xaa: {  	s25 =	simm.s32 $0x1B8E;
	s24 =	sld [smem:$0x3FFE];
	[sflag:s23] =	ssyncadd.s32 $0xFFFFFFFF  }
0xab: {  	s26 =	simm.s32 $execute0_lowered;
	[smem:$0x3FD2] =	sst s25  }
0xac: {  	s6 =	sshll.u32 s26, $0x1;
	_ =	strace $0x80000049;
	[dreg:$0x1] =	wrdreg $0xFFFFFFFF  }
0xad: {  	s28 =	simm.s32 $_size_execute0_lowered;
	s4 =	sadd.s32 s4, s6;
	[dreg:$0x0] =	wrdreg $0x0  }
0xae: {  	s6 =	sshll.u32 s28, $0x1;
	[dreg:$0x2] =	wrdreg s4  }
0xaf: {  	[dreg:$0x3] =	wrdreg s6  }
0xb0: {  	[dreg:$0x4] =	wrdreg $0xC0  }
0xb1: {  	_ =	task [dreg:s8], $0x5FFFF  }
0xb2: {  	[dreg:$0x1] =	wrdreg $0xFFFFFFFF  }
0xb3: {  	[dreg:$0x0] =	wrdreg $0x60  }
0xb4: {  	[dreg:$0x2] =	wrdreg s16  }
0xb5: {  	[dreg:$0x3] =	wrdreg s17  }
0xb6: {  	[dreg:$0x4] =	wrdreg s24  }
0xb7: {  	[dreg:$0x5] =	wrdreg $0x9  }
0xb8: {  	_ =	task.clear_ibuf [dreg:s8], $0x6FFFF;
	_ =	strace $0x90000049  }
0xb9: {  	s29 =	simm.s32 $0x9;
	_ =	strace $0x8000004B  }
0xba: {  	_ =	swait.ge [sflag:s29], $0x1  }
0xbb: {  	[sflag:s29] =	ssyncadd.s32 $0xFFFFFFFF  }
0xbc: {  	_ =	strace $0x9000004B  }
0xbd: {  	_ =	sfence  }
0xbe: {  	s30 =	sld [smem:$0x0];
	_ =	sdelay $0x2  }
0xbf: {  	s31 =	sshll.u32 s1, $0xD;
	s1 =	sshrl.u32 s1, $0x2  }
0xc0: {  	s3 =	sand.u32 $0x4000, s31;
	s1 =	sadd.s32 s1, s30  }
0xc1: {  	s0 =	sor.u32 s3, s0;
	s1 =	sshll.u32 s1, $0x11  }
0xc2: {  	s0 =	sor.u32 s1, s0  }
0xc3: {  	s0 =	sadd.s32 $0x8F2B, s0  }
0xc4: {  	[sflag:s0] =	ssyncadd.remote.s32 $0x1  }
0xc5: {  	_ =	sfence.sel $0xFFFF  }
0xc6: {  	[dreg:$0x0] =	wrdreg $0xFFFFFFFF;
	(pc) =	sbr.abs _section_cstart, $3  }
0xc7: {  	[dreg:$0x1] =	wrdreg $0xFFFFFFFF  }
0xc8: {  	_ =	task.clear_ibuf [dreg:s8], $0x2FFFF;
	_ =	strace $0x9FFFFFFF  }
0xc9: {  	(tm) =	ssettm $0x7FFFFFFF  }
tec
execute0_lowered:
.L_overlay_start_1:
0x0: {  	(tag) =	ssettag $0x1  }
0x1: {  	s5 =	rddreg [dreg:$0x0]  }
0x2: {  	s2 =	rddreg [dreg:$0x1]  }
0x3: {  	s0 =	srdreg.scid;
	s7 =	rddreg [dreg:$0x2];
	s12 =	simm.s32 $0x1A080  }
0x4: {  	s13 =	simm.s32 $0x80;
	s14 =	simm.s32 $0x400;
	s15 =	simm.s32 $0x14000  }
0x5: {  	s16 =	simm.s32 $0x16000;
	s17 =	simm.s32 $0x18000;
	s18 =	simm.s32 $0x1A000  }
0x6: {  	s19 =	simm.s32 $0x10000;
	s4 =	sand.u32 $0x1, s0;
	s0 =	stileid.u32  }
0x7: {  	s20 =	simm.s32 $0x0;
	s1 =	sshll.u32 s4, $0x4;
	s3 =	sshll.u32 s0, $0x7  }
0x8: {  	s4 =	ssub.s32 $0x2, s4;
	s6 =	sor.u32 s0, s1;
	s1 =	rddreg [dreg:$0x3]  }
0x9: {  	s9 =	sand.u32 $0x380, s3;
	s3 =	simm.s32 $0x0;
	s31 =	sshrl.u32 s4, $0x1  }
0xa: {  	s8 =	sshrl.u32 s6, $0x3;
	[smem:$0x7FF] =	sst s3;
	s6 =	sshll.u32 s6, $0xB  }
0xb: {  	s11 =	ssub.s32 s4, s31;
	s10 =	sshll.u32 s8, $0x10;
	s8 =	sshll.u32 s8, $0xA  }
0xc: {  	_ =	strace $0x8000004A;
	s30 =	sadd.s32 s6, s7;
	s6 =	sand.u32 $0xE000, s6  }
.Ltmp0:
0xd: {  	s10 =	sor.u32 s9, s10;
	s8 =	sor.u32 s9, s8;
	(pc) =	sbr.rel .LBB2_1-.Ltmp0, $4  }
0xe: {  	v0 =	vlaneseq.u32;
	s4 =	sadd.s32 s5, s6;
	s10 =	sshrl.u32 s10, $0x3;
	s8 =	sshrl.u32 s8, $0x3  }
0xf: {  	v8 =	vimm.f32 $0.0e+00;
	v1 =	vor.u32 $0x10, v0;
	s9 =	sadd.s32 $0x7400, s30;
	s29 =	sadd.s32 s10, s7;
	s8 =	sadd.s32 s8, s7  }
0x10: {  	v2 =	vor.u32 $0x20, v0;
	v3 =	vor.u32 $0x30, v0;
	v4 =	vor.u32 $0x40, v0;
	s10 =	smax.u32 s11, $0x1;
	s11 =	simm.s32 $0x1;
	s5 =	sadd.s32 $0x47400, s29  }
0x11: {  	v5 =	vor.u32 $0x50, v0;
	v6 =	vor.u32 $0x60, v0;
	v7 =	vor.u32 $0x70, v0;
	s6 =	sadd.s32 $0x4F400, s29;
	s7 =	sadd.s32 $0x57400, s29;
	s8 =	sadd.s32 $0x5F400, s8  }
.LBB2_9:
0x12: {  	s20 =	sadd.s32 $0x1, s20  }
0x13: {  	p0 =	sne.s32 s20, s10  }
.Ltmp1:
0x14: {  	_ = 	snop;
	(pc) =	sbr.rel @!p0 .LBB2_10-.Ltmp1, $4  }
0x15: {  	[hbm4b:s9+s3] =	stream.linear.scatter [tilespmem:s19], [sflag:$0x1], $0x4000, $0x38;
	[tilespmem:$0x1A100] =	vst v63  }
0x16: {  	_ =	swait.ge [sflag:s11], $0x4000  }
0x17: {  	[sflag:s11] =	ssyncset.done $0x0  }
0x18: {  	[sflag:s11] =	ssyncadd.s32 $0xFFFFC000  }
.LBB2_1:
0x19: {  	[tilespmem:s3], [sflag:$0x1] =	stream.linear.gather [hbm4b:s4+s3], $0x10000, $0x38;
	[tilespmem:$0x1A100] =	vst v63  }
0x1a: {  	_ =	swait.ge [sflag:s11], $0x10000  }
0x1b: {  	[sflag:s11] =	ssyncset.done $0x0  }
0x1c: {  	[sflag:s11] =	ssyncadd.s32 $0xFFFF0000  }
0x1d: {  	[tilespmem:s12], [sflag:$0x1] =	stream.linear.gather [hbm4b:s2+s3], $0x80, $0x38;
	[tilespmem:$0x1A100] =	vst v63  }
0x1e: {  	_ =	swait.ge [sflag:s11], $0x80  }
0x1f: {  	[sflag:s11] =	ssyncset.done $0x0  }
0x20: {  	[sflag:s11] =	ssyncadd.s32 $0xFFFFFF80  }
0x21: {  	[tilespmem:s15], [sflag:$0x1] =	stream.strided.gather [hbm4b:s5+s13], $0x2000, s14, s13, $0x38;
	[tilespmem:$0x1A100] =	vst v63  }
0x22: {  	_ =	swait.ge [sflag:s11], $0x2000  }
0x23: {  	[sflag:s11] =	ssyncset.done $0x0  }
0x24: {  	[sflag:s11] =	ssyncadd.s32 $0xFFFFE000  }
0x25: {  	[tilespmem:s16], [sflag:$0x1] =	stream.strided.gather [hbm4b:s6+s13], $0x2000, s14, s13, $0x38;
	[tilespmem:$0x1A100] =	vst v63  }
0x26: {  	_ =	swait.ge [sflag:s11], $0x2000  }
0x27: {  	[sflag:s11] =	ssyncset.done $0x0  }
0x28: {  	[sflag:s11] =	ssyncadd.s32 $0xFFFFE000  }
0x29: {  	[tilespmem:s17], [sflag:$0x1] =	stream.strided.gather [hbm4b:s7+s13], $0x2000, s14, s13, $0x38;
	[tilespmem:$0x1A100] =	vst v63  }
0x2a: {  	_ =	swait.ge [sflag:s11], $0x2000  }
0x2b: {  	[sflag:s11] =	ssyncset.done $0x0  }
0x2c: {  	[sflag:s11] =	ssyncadd.s32 $0xFFFFE000  }
0x2d: {  	[tilespmem:s18], [sflag:$0x1] =	stream.linear.gather [hbm4b:s8+s3], $0x80, $0x38;
	[tilespmem:$0x1A100] =	vst v63  }
0x2e: {  	_ =	swait.ge [sflag:s11], $0x80  }
0x2f: {  	[sflag:s11] =	ssyncset.done $0x0  }
0x30: {  	[sflag:s11] =	ssyncadd.s32 $0xFFFFFF80  }
0x31: {  	v17 =	vld [tilespmem:$0x1A000]  }
0x32: {  	v9 =	vld.idx.msk [tilespmem:v0+s12+$0x0], $0xffff  }
0x33: {  	s21 =	simm.s32 $0x0;
	v10 =	vld.idx.msk [tilespmem:v1+s12+$0x0], $0xffff  }
0x34: {  	v19 =	vor.u32 s21, v0;
	v11 =	vld.idx.msk [tilespmem:v2+s12+$0x0], $0xffff  }
0x35: {  	v12 =	vld.idx.msk [tilespmem:v3+s12+$0x0], $0xffff  }
0x36: {  	v21 =	vor.u32 s21, v1;
	v13 =	vld.idx.msk [tilespmem:v4+s12+$0x0], $0xffff  }
0x37: {  	v22 =	vor.u32 s21, v2;
	v14 =	vld.idx.msk [tilespmem:v5+s12+$0x0], $0xffff  }
0x38: {  	v18 =	vor.u32 s21, v3;
	v15 =	vld.idx.msk [tilespmem:v6+s12+$0x0], $0xffff  }
0x39: {  	v16 =	vld.idx.msk [tilespmem:v7+s12+$0x0], $0xffff;
	[tilespmem:v19+s19+$0x0] =	vst.idx.msk $0xffff, v8;
	v19 =	vor.u32 s21, v4  }
0x3a: {  	v20 =	vor.u32 s21, v5  }
0x3b: {  	s22 =	simm.s32 $0x1;
	[tilespmem:v21+s19+$0x0] =	vst.idx.msk $0xffff, v8;
	v21 =	vor.u32 s21, v6  }
.LBB2_2:
0x3c: {  	p0 =	sne.s32 s22, $0x7F;
	[tilespmem:v22+s19+$0x0] =	vst.idx.msk $0xffff, v8;
	v23 =	vor.u32 s21, v7;
	s21 =	sshll.u32 s22, $0x7  }
0x3d: {  	v24 =	vor.u32 s21, v0;
	[tilespmem:v18+s19+$0x0] =	vst.idx.msk $0xffff, v8  }
0x3e: {  	v25 =	vor.u32 s21, v1;
	[tilespmem:v19+s19+$0x0] =	vst.idx.msk $0xffff, v8  }
.Ltmp2:
0x3f: {  	v22 =	vor.u32 s21, v2;
	[tilespmem:v20+s19+$0x0] =	vst.idx.msk $0xffff, v8;
	(pc) =	sbr.rel @p0 .LBB2_2-.Ltmp2, $4  }
0x40: {  	v18 =	vor.u32 s21, v3;
	[tilespmem:v21+s19+$0x0] =	vst.idx.msk $0xffff, v8  }
0x41: {  	v19 =	vor.u32 s21, v4;
	[tilespmem:v23+s19+$0x0] =	vst.idx.msk $0xffff, v8  }
0x42: {  	v20 =	vor.u32 s21, v5;
	[tilespmem:v24+s19+$0x0] =	vst.idx.msk $0xffff, v8  }
0x43: {  	s22 =	sadd.s32 $0x1, s22;
	v21 =	vor.u32 s21, v6;
	[tilespmem:v25+s19+$0x0] =	vst.idx.msk $0xffff, v8  }
0x44: {  	v17 =	vxor.u32 $0x80000000, v17  }
0x45: {  	(xrf0) =	vmax.scan.msk.u32 $0xffff, v17;
	_ =	sdelay $0x5  }
0x46: {  	v17, _, _ =	vpop (xrf0)  }
0x47: {  	(v2sf) =	vpush v17, $0xF;
	_ =	sdelay $0xe  }
0x48: {  	s22 =	spop (v2sf)  }
0x49: {  	v17 =	vor.u32 s21, v7;
	s21 =	sxor.u32 $0x80000000, s22  }
0x4a: {  	s22 =	sshrl.u32 s21, $0x1F  }
0x4b: {  	s22 =	sadd.s32 s22, s21  }
0x4c: {  	s22 =	sand.u32 $0xFFFFFFFE, s22  }
0x4d: {  	[tilespmem:v22+s19+$0x0] =	vst.idx.msk $0xffff, v8;
	p0 =	slt.s32 s22, $0x1  }
.Ltmp3:
0x4e: {  	[tilespmem:v18+s19+$0x0] =	vst.idx.msk $0xffff, v8;
	(pc) =	sbr.rel @p0 .LBB2_6-.Ltmp3, $4  }
0x4f: {  	[tilespmem:v19+s19+$0x0] =	vst.idx.msk $0xffff, v8  }
0x50: {  	[tilespmem:v20+s19+$0x0] =	vst.idx.msk $0xffff, v8  }
0x51: {  	[tilespmem:v21+s19+$0x0] =	vst.idx.msk $0xffff, v8  }
0x52: {  	[tilespmem:v17+s19+$0x0] =	vst.idx.msk $0xffff, v8  }
0x53: {  	s24 =	simm.s32 $0x1  }
0x54: {  	v17 =	vmov s24;
	_ =	sdelay $0x4  }
0x55: {  	v18 =	vld.idx.msk [tilespmem:v17+s15+$0x0], $0xffff;
	_ =	sdelay $0x4  }
0x56: {  	v31 =	vshll.u32 v18, $0x7  }
0x57: {  	v18 =	vor.u32 v0, v31;
	_ =	sdelay $0x1  }
0x58: {  	s23 =	simm.s32 $0x0;
	v19 =	vld.idx.msk [tilespmem:v17+s16+$0x0], $0xffff  }
0x59: {  	v21 =	vmov s23;
	v20 =	vld.idx.msk [tilespmem:v17+s17+$0x0], $0xffff  }
0x5a: {  	v17 =	vand.u32 $0xFFFFFFFE, v21  }
0x5b: {  	v17 =	vbroadcast v17, $0x0;
	v18 =	vld.idx.msk [tilespmem:v18+s3+$0x0], $0xffff;
	_ =	sdelay $0x1  }
0x5c: {  	v21 =	vshll.u32 v19, $0x7  }
0x5d: {  	v19 =	vmul.f32 v20, v9;
	v22 =	vor.u32 v0, v21  }
0x5e: {  	v23 =	vor.u32 v1, v31  }
0x5f: {  	v18 =	vadd.f32 v19, v18  }
0x60: {  	v24 =	vld.idx.msk [tilespmem:v17+s15+$0x0], $0xffff  }
0x61: {  	v19 =	vld.idx.msk [tilespmem:v17+s16+$0x0], $0xffff;
	v18 =	vmax.f32 v18, $0.0e+00  }
0x62: {  	[tilespmem:v22+s19+$0x0] =	vst.idx.add.f32.msk $0xffff, v18  }
0x63: {  	p2 =	sgt.s32 s22, $0x2;
	v18 =	vld.idx.msk [tilespmem:v23+s3+$0x0], $0xffff  }
.Ltmp4:
0x64: {  	v27 =	vld.idx.msk [tilespmem:v17+s17+$0x0], $0xffff;
	(pc) =	sbr.rel @!p2 .LBB2_5-.Ltmp4, $4  }
0x65: {  	_ = 	snop  }
0x66: {  	v35 =	vor.u32 v5, v31;
	v23 =	vshll.u32 v19, $0x7;
	v19 =	vmul.f32 v20, v10  }
0x67: {  	v47 =	vor.u32 v1, v21;
	v50 =	vor.u32 v2, v31;
	v25 =	vshll.u32 v24, $0x7  }
0x68: {  	p0 =	por $0x0, $0x0;
	p1 =	por $0x0, $0x0;
	s23 =	simm.s32 $0x2;
	v51 =	vor.u32 v0, v25;
	v32 =	vor.u32 v0, v23;
	v52 =	vadd.f32 v18, v19  }
0x69: {  	_ = 	snop  }
0x6a: {  	s24 =	simm.s32 $0x3  }
0x6b: {  	v17 =	vmov s24;
	_ =	sdelay $0x1  }
0x6c: {  	v18 =	vld.idx.msk [tilespmem:v51+s3+$0x0], $0xffff;
	_ =	sdelay $0x2  }
0x6d: {  	v22 =	vmul.f32 v27, v9;
	v19 =	vld.idx.msk [tilespmem:v17+s15+$0x0], $0xffff  }
0x6e: {  	v24 =	vor.u32 v1, v25  }
0x6f: {  	v26 =	vmax.f32 v52, $0.0e+00;
	v18 =	vadd.f32 v22, v18  }
0x70: {  	[tilespmem:v47+s19+$0x0] =	vst.idx.add.f32.msk $0xffff, v26  }
0x71: {  	v26 =	vld.idx.msk [tilespmem:v50+s3+$0x0], $0xffff;
	v22 =	vmov s23;
	v18 =	vmax.f32 v18, $0.0e+00  }
0x72: {  	[tilespmem:v32+s19+$0x0] =	vst.idx.add.f32.msk $0xffff, v18;
	v28 =	vshll.u32 v19, $0x7;
	v19 =	vand.u32 $0xFFFFFFFE, v22  }
0x73: {  	v18 =	vor.u32 v0, v28;
	v29 =	vbroadcast v19, $0x0;
	v19 =	vld.idx.msk [tilespmem:v24+s3+$0x0], $0xffff  }
0x74: {  	v22 =	vmul.f32 v20, v11;
	v24 =	vld.idx.msk [tilespmem:v17+s16+$0x0], $0xffff  }
0x75: {  	v30 =	vor.u32 v2, v21  }
0x76: {  	v17 =	vld.idx.msk [tilespmem:v17+s17+$0x0], $0xffff;
	v22 =	vadd.f32 v26, v22;
	v26 =	vor.u32 v3, v31;
	_ =	sdelay $0x1  }
0x77: {  	v57 =	vmul.f32 v27, v10;
	v33 =	vor.u32 v1, v23;
	v34 =	vld.idx.msk [tilespmem:v18+s3+$0x0], $0xffff  }
0x78: {  	v22 =	vmax.f32 v22, $0.0e+00;
	v18 =	vshll.u32 v24, $0x7;
	v24 =	vor.u32 v2, v25  }
0x79: {  	[tilespmem:v30+s19+$0x0] =	vst.idx.add.f32.msk $0xffff, v22;
	v19 =	vadd.f32 v19, v57  }
0x7a: {  	v22 =	vmul.f32 v17, v9;
	v30 =	vor.u32 v0, v18;
	v26 =	vld.idx.msk [tilespmem:v26+s3+$0x0], $0xffff  }
0x7b: {  	v58 =	vor.u32 v1, v28;
	v36 =	vld.idx.msk [tilespmem:v29+s16+$0x0], $0xffff;
	v19 =	vmax.f32 v19, $0.0e+00  }
0x7c: {  	[tilespmem:v33+s19+$0x0] =	vst.idx.add.f32.msk $0xffff, v19;
	v19 =	vadd.f32 v22, v34  }
0x7d: {  	v59 =	vmul.f32 v20, v12;
	v60 =	vor.u32 v3, v21;
	v24 =	vld.idx.msk [tilespmem:v24+s3+$0x0], $0xffff  }
0x7e: {  	v22 =	vld.idx.msk [tilespmem:v29+s15+$0x0], $0xffff;
	v19 =	vmax.f32 v19, $0.0e+00  }
0x7f: {  	v37 =	vor.u32 v4, v31;
	[tilespmem:v30+s19+$0x0] =	vst.idx.add.f32.msk $0xffff, v19;
	v30 =	vadd.f32 v26, v59  }
0x80: {  	v62 =	vmul.f32 v27, v11;
	v38 =	vor.u32 v2, v23;
	p2 =	sgt.s32 s22, $0x4;
	v49 =	vmul.f32 v20, v13;
	v61 =	vld.idx.msk [tilespmem:v58+s3+$0x0], $0xffff  }
.Ltmp5:
0x81: {  	v48 =	vor.u32 v4, v21;
	v50 =	vor.u32 v2, v28;
	v30 =	vmax.f32 v30, $0.0e+00;
	(pc) =	sbr.rel @!p2 .LBB2_12-.Ltmp5, $4  }
0x82: {  	v63 =	vmul.f32 v17, v10;
	v24 =	vadd.f32 v24, v62;
	[tilespmem:v60+s19+$0x0] =	vst.idx.add.f32.msk $0xffff, v30  }
0x83: {  	v47 =	vor.u32 v1, v18;
	v26 =	vor.u32 v5, v28;
	v19 =	vshll.u32 v36, $0x7;
	v30 =	vld.idx.msk [tilespmem:v29+s17+$0x0], $0xffff  }
0x84: {  	v32 =	vor.u32 v0, v19;
	v22 =	vshll.u32 v22, $0x7;
	v43 =	vld.idx.msk [tilespmem:v37+s3+$0x0], $0xffff;
	v24 =	vmax.f32 v24, $0.0e+00  }
0x85: {  	p0 =	por $0x1, $0x1;
	s23 =	simm.s32 $0x4;
	v51 =	vor.u32 v0, v22;
	[tilespmem:v38+s19+$0x0] =	vst.idx.add.f32.msk $0xffff, v24;
	v52 =	vadd.f32 v61, v63  }
0x86: {  	_ =	sdelay $0x1  }
0x87: {  	s24 =	simm.s32 $0x5;
	v38 =	vor.u32 v3, v25  }
0x88: {  	v29 =	vmov s24  }
0x89: {  	v24 =	vld.idx.msk [tilespmem:v51+s3+$0x0], $0xffff;
	v34 =	vmax.f32 v52, $0.0e+00  }
0x8a: {  	[tilespmem:v47+s19+$0x0] =	vst.idx.add.f32.msk $0xffff, v34  }
0x8b: {  	v36 =	vadd.f32 v43, v49;
	v34 =	vld.idx.msk [tilespmem:v50+s3+$0x0], $0xffff  }
0x8c: {  	v33 =	vmov s23;
	v54 =	vmul.f32 v30, v9;
	v38 =	vld.idx.msk [tilespmem:v38+s3+$0x0], $0xffff  }
0x8d: {  	v56 =	vor.u32 v1, v22;
	v33 =	vand.u32 $0xFFFFFFFE, v33;
	v36 =	vmax.f32 v36, $0.0e+00;
	v55 =	vld.idx.msk [tilespmem:v29+s15+$0x0], $0xffff  }
0x8e: {  	v37 =	vbroadcast v33, $0x0;
	v24 =	vadd.f32 v54, v24;
	[tilespmem:v48+s19+$0x0] =	vst.idx.add.f32.msk $0xffff, v36  }
0x8f: {  	v33 =	vld.idx.msk [tilespmem:v29+s17+$0x0], $0xffff  }
0x90: {  	v57 =	vmul.f32 v17, v11;
	v39 =	vor.u32 v2, v18;
	v35 =	vld.idx.msk [tilespmem:v35+s3+$0x0], $0xffff;
	v24 =	vmax.f32 v24, $0.0e+00  }
0x91: {  	v42 =	vor.u32 v3, v28;
	v61 =	vmul.f32 v27, v12;
	[tilespmem:v32+s19+$0x0] =	vst.idx.add.f32.msk $0xffff, v24  }
0x92: {  	v44 =	vor.u32 v3, v23;
	v32 =	vadd.f32 v34, v57;
	v58 =	vld.idx.msk [tilespmem:v56+s3+$0x0], $0xffff;
	v24 =	vshll.u32 v55, $0x7  }
0x93: {  	v41 =	vmul.f32 v20, v14;
	v29 =	vld.idx.msk [tilespmem:v29+s16+$0x0], $0xffff;
	v59 =	vor.u32 v0, v24  }
0x94: {  	v60 =	vor.u32 v5, v21;
	v40 =	vld.idx.msk [tilespmem:v37+s16+$0x0], $0xffff;
	v32 =	vmax.f32 v32, $0.0e+00;
	v62 =	vadd.f32 v38, v61  }
0x95: {  	v46 =	vor.u32 v1, v19;
	v45 =	vmul.f32 v30, v10;
	[tilespmem:v39+s19+$0x0] =	vst.idx.add.f32.msk $0xffff, v32  }
0x96: {  	v47 =	vor.u32 v6, v31;
	v35 =	vadd.f32 v35, v41;
	v63 =	vld.idx.msk [tilespmem:v42+s3+$0x0], $0xffff;
	v32 =	vmax.f32 v62, $0.0e+00  }
0x97: {  	v48 =	vor.u32 v4, v25;
	[tilespmem:v44+s19+$0x0] =	vst.idx.add.f32.msk $0xffff, v32;
	v34 =	vadd.f32 v58, v45  }
0x98: {  	v35 =	vmax.f32 v35, $0.0e+00;
	v36 =	vld.idx.msk [tilespmem:v59+s3+$0x0], $0xffff  }
0x99: {  	v49 =	vor.u32 v2, v22;
	v39 =	vshll.u32 v29, $0x7;
	[tilespmem:v60+s19+$0x0] =	vst.idx.add.f32.msk $0xffff, v35;
	v29 =	vmax.f32 v34, $0.0e+00  }
0x9a: {  	v53 =	vor.u32 v3, v18;
	[tilespmem:v46+s19+$0x0] =	vst.idx.add.f32.msk $0xffff, v29;
	v29 =	vmul.f32 v17, v12  }
0x9b: {  	v50 =	vmul.f32 v33, v9;
	v51 =	vor.u32 v0, v39;
	v41 =	vld.idx.msk [tilespmem:v47+s3+$0x0], $0xffff  }
0x9c: {  	v52 =	vor.u32 v1, v24;
	v43 =	vld.idx.msk [tilespmem:v48+s3+$0x0], $0xffff;
	v29 =	vadd.f32 v63, v29  }
0x9d: {  	v54 =	vld.idx.msk [tilespmem:v37+s15+$0x0], $0xffff;
	v57 =	vor.u32 v6, v21;
	v55 =	vor.u32 v4, v28;
	v34 =	vadd.f32 v50, v36  }
0x9e: {  	v56 =	vmul.f32 v20, v15;
	v61 =	vor.u32 v5, v25;
	v45 =	vld.idx.msk [tilespmem:v49+s3+$0x0], $0xffff;
	v29 =	vmax.f32 v29, $0.0e+00  }
0x9f: {  	v58 =	vmul.f32 v27, v13;
	v59 =	vor.u32 v4, v23;
	[tilespmem:v53+s19+$0x0] =	vst.idx.add.f32.msk $0xffff, v29;
	v34 =	vmax.f32 v34, $0.0e+00  }
0xa0: {  	v42 =	vor.u32 v5, v24;
	v32 =	vadd.f32 v41, v56;
	[tilespmem:v51+s19+$0x0] =	vst.idx.add.f32.msk $0xffff, v34  }
0xa1: {  	v62 =	vmul.f32 v30, v11;
	v48 =	vor.u32 v4, v18;
	v29 =	vadd.f32 v43, v58;
	v60 =	vld.idx.msk [tilespmem:v52+s3+$0x0], $0xffff  }
0xa2: {  	p2 =	sgt.s32 s22, $0x6;
	v63 =	vor.u32 v2, v19;
	v36 =	vor.u32 v7, v31;
	v43 =	vld.idx.msk [tilespmem:v55+s3+$0x0], $0xffff;
	v41 =	vmax.f32 v32, $0.0e+00  }
.Ltmp6:
0xa3: {  	v53 =	vshll.u32 v54, $0x7;
	v31 =	vmul.f32 v33, v10;
	v29 =	vmax.f32 v29, $0.0e+00;
	[tilespmem:v57+s19+$0x0] =	vst.idx.add.f32.msk $0xffff, v41;
	(pc) =	sbr.rel @!p2 .LBB2_14-.Ltmp6, $4  }
0xa4: {  	v35 =	vadd.f32 v45, v62;
	[tilespmem:v59+s19+$0x0] =	vst.idx.add.f32.msk $0xffff, v29;
	v51 =	vor.u32 v0, v53  }
0xa5: {  	v47 =	vor.u32 v1, v39;
	v49 =	vmul.f32 v17, v13;
	v50 =	vor.u32 v2, v24;
	v29 =	vld.idx.msk [tilespmem:v37+s17+$0x0], $0xffff  }
0xa6: {  	v34 =	vshll.u32 v40, $0x7;
	v44 =	vld.idx.msk [tilespmem:v61+s3+$0x0], $0xffff;
	v52 =	vadd.f32 v60, v31;
	v31 =	vmax.f32 v35, $0.0e+00  }
0xa7: {  	s23 =	simm.s32 $0x6;
	p1 =	por $0x1, $0x1;
	v45 =	vor.u32 v5, v23;
	v32 =	vor.u32 v0, v34;
	[tilespmem:v63+s19+$0x0] =	vst.idx.add.f32.msk $0xffff, v31  }
.LBB2_15:
0xa8: {  	v31 =	vmov s23;
	s24 =	sadd.s32 $0x1, s23;
	s23 =	sadd.s32 $0x2, s23;
	v35 =	vadd.f32 v43, v49;
	v37 =	vmul.f32 v27, v14;
	v36 =	vld.idx.msk [tilespmem:v36+s3+$0x0], $0xffff  }
0xa9: {  	v41 =	vmax.f32 v52, $0.0e+00;
	v31 =	vand.u32 $0xFFFFFFFE, v31;
	v38 =	vmov s24;
	p2 =	slt.s32 s23, s22;
	v40 =	vld.idx.msk [tilespmem:v51+s3+$0x0], $0xffff  }
0xaa: {  	v31 =	vbroadcast v31, $0x0;
	[tilespmem:v47+s19+$0x0] =	vst.idx.add.f32.msk $0xffff, v41;
	v41 =	vor.u32 v6, v25  }
0xab: {  	v35 =	vmax.f32 v35, $0.0e+00;
	v37 =	vadd.f32 v44, v37;
	v43 =	vld.idx.msk [tilespmem:v50+s3+$0x0], $0xffff  }
0xac: {  	v44 =	vor.u32 v7, v21;
	[tilespmem:v48+s19+$0x0] =	vst.idx.add.f32.msk $0xffff, v35;
	v35 =	vmul.f32 v20, v16;
	v20 =	vmov v17  }
0xad: {  	v21 =	vmovc v18;
	v46 =	vmul.f32 v29, v9;
	v37 =	vmax.f32 v37, $0.0e+00;
	v17 =	vmovc v33;
	v47 =	vld.idx.msk [tilespmem:v26+s3+$0x0], $0xffff;
	v26 =	vmov v42  }
0xae: {  	v18 =	vmov v39;
	v33 =	vor.u32 v3, v22;
	[tilespmem:v45+s19+$0x0] =	vst.idx.add.f32.msk $0xffff, v37;
	v35 =	vadd.f32 v36, v35  }
0xaf: {  	v39 =	vmul.f32 v17, v11;
	v36 =	vadd.f32 v46, v40;
	v37 =	vor.u32 v1, v53;
	v40 =	vld.idx.msk [tilespmem:v41+s3+$0x0], $0xffff  }
0xb0: {  	v41 =	vld.idx.msk [tilespmem:v38+s15+$0x0], $0xffff;
	v35 =	vmax.f32 v35, $0.0e+00  }
0xb1: {  	v42 =	vmul.f32 v20, v14;
	v36 =	vmax.f32 v36, $0.0e+00;
	v39 =	vadd.f32 v43, v39;
	[tilespmem:v44+s19+$0x0] =	vst.idx.add.f32.msk $0xffff, v35  }
0xb2: {  	[tilespmem:v32+s19+$0x0] =	vst.idx.add.f32.msk $0xffff, v36  }
0xb3: {  	v43 =	vor.u32 v6, v23;
	v35 =	vadd.f32 v47, v42;
	v36 =	vmul.f32 v27, v15;
	v32 =	vld.idx.msk [tilespmem:v31+s16+$0x0], $0xffff  }
0xb4: {  	v45 =	vor.u32 v7, v25;
	v25 =	vmov v22;
	v22 =	vmov v53;
	v44 =	vld.idx.msk [tilespmem:v33+s3+$0x0], $0xffff  }
0xb5: {  	v46 =	vor.u32 v2, v18;
	v36 =	vadd.f32 v40, v36;
	v37 =	vld.idx.msk [tilespmem:v37+s3+$0x0], $0xffff  }
0xb6: {  	v47 =	vor.u32 v5, v21;
	v40 =	vshll.u32 v41, $0x7;
	v41 =	vor.u32 v3, v24;
	v33 =	vld.idx.msk [tilespmem:v38+s17+$0x0], $0xffff  }
0xb7: {  	v49 =	vmul.f32 v29, v10;
	v48 =	vor.u32 v0, v40;
	v36 =	vmax.f32 v36, $0.0e+00;
	v38 =	vld.idx.msk [tilespmem:v38+s16+$0x0], $0xffff  }
0xb8: {  	v50 =	vmul.f32 v30, v12;
	v42 =	vor.u32 v5, v40;
	[tilespmem:v43+s19+$0x0] =	vst.idx.add.f32.msk $0xffff, v36  }
0xb9: {  	v51 =	vor.u32 v7, v23;
	v23 =	vmovc v19;
	v36 =	vmax.f32 v39, $0.0e+00;
	v43 =	vor.u32 v3, v19;
	v45 =	vld.idx.msk [tilespmem:v45+s3+$0x0], $0xffff  }
0xba: {  	v52 =	vor.u32 v1, v34;
	v19 =	vmov v34;
	[tilespmem:v46+s19+$0x0] =	vst.idx.add.f32.msk $0xffff, v36;
	v36 =	vadd.f32 v44, v50  }
0xbb: {  	v34 =	vadd.f32 v37, v49;
	v44 =	vmul.f32 v27, v16;
	v37 =	vld.idx.msk [tilespmem:v41+s3+$0x0], $0xffff;
	v41 =	vor.u32 v6, v28  }
0xbc: {  	v35 =	vmax.f32 v35, $0.0e+00;
	v27 =	vmovc v30;
	v30 =	vmovc v29;
	v46 =	vld.idx.msk [tilespmem:v48+s3+$0x0], $0xffff;
	v36 =	vmax.f32 v36, $0.0e+00;
	v48 =	vor.u32 v4, v25  }
0xbd: {  	v39 =	vshll.u32 v38, $0x7;
	v29 =	vmax.f32 v34, $0.0e+00;
	v38 =	vmul.f32 v17, v12;
	[tilespmem:v47+s19+$0x0] =	vst.idx.add.f32.msk $0xffff, v35  }
0xbe: {  	v35 =	vmul.f32 v33, v9;
	v47 =	vor.u32 v0, v39;
	[tilespmem:v43+s19+$0x0] =	vst.idx.add.f32.msk $0xffff, v36  }
0xbf: {  	v34 =	vshll.u32 v32, $0x7;
	v36 =	vadd.f32 v45, v44;
	[tilespmem:v52+s19+$0x0] =	vst.idx.add.f32.msk $0xffff, v29;
	v29 =	vor.u32 v2, v22  }
0xc0: {  	v32 =	vor.u32 v0, v34;
	v41 =	vld.idx.msk [tilespmem:v41+s3+$0x0], $0xffff  }
0xc1: {  	v43 =	vor.u32 v1, v40;
	v37 =	vadd.f32 v37, v38;
	v36 =	vmax.f32 v36, $0.0e+00;
	v38 =	vld.idx.msk [tilespmem:v48+s3+$0x0], $0xffff  }
0xc2: {  	v44 =	vor.u32 v3, v18;
	v35 =	vadd.f32 v35, v46;
	[tilespmem:v51+s19+$0x0] =	vst.idx.add.f32.msk $0xffff, v36  }
0xc3: {  	v46 =	vor.u32 v4, v24;
	v45 =	vld.idx.msk [tilespmem:v31+s15+$0x0], $0xffff  }
0xc4: {  	v48 =	vor.u32 v6, v21;
	v36 =	vmul.f32 v20, v15;
	v35 =	vmax.f32 v35, $0.0e+00;
	v29 =	vld.idx.msk [tilespmem:v29+s3+$0x0], $0xffff  }
0xc5: {  	[tilespmem:v47+s19+$0x0] =	vst.idx.add.f32.msk $0xffff, v35;
	v35 =	vmul.f32 v27, v13;
	v47 =	vor.u32 v4, v23  }
0xc6: {  	v52 =	vor.u32 v5, v25;
	v37 =	vmax.f32 v37, $0.0e+00;
	v41 =	vadd.f32 v41, v36;
	v50 =	vld.idx.msk [tilespmem:v43+s3+$0x0], $0xffff  }
0xc7: {  	v36 =	vor.u32 v7, v28;
	v28 =	vmov v24;
	[tilespmem:v44+s19+$0x0] =	vst.idx.add.f32.msk $0xffff, v37;
	v35 =	vadd.f32 v38, v35  }
0xc8: {  	v24 =	vmovc v40;
	v37 =	vmul.f32 v30, v11;
	v38 =	vor.u32 v2, v19;
	v41 =	vmax.f32 v41, $0.0e+00;
	v43 =	vld.idx.msk [tilespmem:v46+s3+$0x0], $0xffff  }
.Ltmp7:
0xc9: {  	v40 =	vmul.f32 v33, v10;
	v53 =	vshll.u32 v45, $0x7;
	v35 =	vmax.f32 v35, $0.0e+00;
	[tilespmem:v48+s19+$0x0] =	vst.idx.add.f32.msk $0xffff, v41;
	(pc) =	sbr.rel @p2 .LBB2_15-.Ltmp7, $4  }
0xca: {  	v51 =	vor.u32 v0, v53;
	v37 =	vadd.f32 v29, v37;
	[tilespmem:v47+s19+$0x0] =	vst.idx.add.f32.msk $0xffff, v35  }
0xcb: {  	v49 =	vmul.f32 v17, v13;
	v47 =	vor.u32 v1, v39;
	v44 =	vld.idx.msk [tilespmem:v52+s3+$0x0], $0xffff  }
0xcc: {  	v52 =	vadd.f32 v50, v40;
	v50 =	vor.u32 v2, v24;
	v29 =	vld.idx.msk [tilespmem:v31+s17+$0x0], $0xffff;
	v31 =	vmax.f32 v37, $0.0e+00  }
0xcd: {  	v45 =	vor.u32 v5, v23;
	v48 =	vor.u32 v4, v18;
	[tilespmem:v38+s19+$0x0] =	vst.idx.add.f32.msk $0xffff, v31  }
0xce: {  	v46 =	vmov v25;
	v41 =	vmov v20  }
0xcf: {  	v38 =	vmovc v21;
	v40 =	vmovc v23;
	v37 =	vmov v27;
	v20 =	vmov v17;
	v35 =	vmov v26  }
0xd0: {  	v21 =	vmovc v18;
	v25 =	vmovc v22;
	v23 =	vmov v19;
	v17 =	vmov v33;
	v26 =	vmov v42  }
0xd1: {  	v18 =	vmovc v39;
	v22 =	vmovc v53;
	v27 =	vmov v30;
	v19 =	vmov v34;
	v31 =	vmov v28  }
.LBB2_17:
0xd2: {  	_ =	sdelay $0x3  }
0xd3: {  	v28 =	vld.idx.msk [tilespmem:v51+s3+$0x0], $0xffff;
	_ =	sdelay $0x2  }
0xd4: {  	v30 =	vmul.f32 v29, v9  }
0xd5: {  	v33 =	vor.u32 v1, v22  }
0xd6: {  	v28 =	vadd.f32 v30, v28;
	_ =	sdelay $0x1  }
0xd7: {  	v28 =	vmax.f32 v28, $0.0e+00  }
0xd8: {  	[tilespmem:v32+s19+$0x0] =	vst.idx.add.f32.msk $0xffff, v28  }
0xd9: {  	v59 =	vmax.f32 v52, $0.0e+00;
	v28 =	vld.idx.msk [tilespmem:v33+s3+$0x0], $0xffff  }
0xda: {  	[tilespmem:v47+s19+$0x0] =	vst.idx.add.f32.msk $0xffff, v59  }
0xdb: {  	v34 =	vld.idx.msk [tilespmem:v50+s3+$0x0], $0xffff;
	v32 =	vor.u32 @p0 v3, v25  }
0xdc: {  	v60 =	vmul.f32 v29, v10;
	v61 =	vor.u32 v1, v19  }
0xdd: {  	v62 =	vor.u32 v2, v22  }
0xde: {  	v39 =	vmul.f32 v17, v11;
	v42 =	vor.u32 v2, v18;
	v28 =	vadd.f32 v28, v60;
	_ =	sdelay $0x1  }
0xdf: {  	v63 =	vor.u32 v3, v24;
	v47 =	vadd.f32 v34, v39;
	v32 =	vld.idx.msk @p0 [tilespmem:v32+s3+$0x0], $0xffff;
	v28 =	vmax.f32 v28, $0.0e+00  }
0xe0: {  	[tilespmem:v61+s19+$0x0] =	vst.idx.add.f32.msk $0xffff, v28  }
0xe1: {  	v33 =	vmax.f32 v47, $0.0e+00;
	v30 =	vld.idx.msk [tilespmem:v62+s3+$0x0], $0xffff  }
0xe2: {  	v47 =	vor.u32 @p0 v3, v23;
	[tilespmem:v42+s19+$0x0] =	vst.idx.add.f32.msk $0xffff, v33;
	v42 =	vmul.f32 @p0 v27, v12  }
0xe3: {  	v34 =	vor.u32 @p0 v4, v25  }
0xe4: {  	v51 =	vor.u32 v2, v19;
	v50 =	vmul.f32 v29, v11;
	v28 =	vld.idx.msk [tilespmem:v63+s3+$0x0], $0xffff;
	v32 =	vadd.f32 @p0 v32, v42  }
0xe5: {  	v52 =	vor.u32 v3, v22  }
0xe6: {  	v32 =	vmax.f32 @p0 v32, $0.0e+00;
	v30 =	vadd.f32 v30, v50  }
0xe7: {  	v53 =	vmul.f32 v17, v12;
	v54 =	vor.u32 v3, v18;
	[tilespmem:v47+s19+$0x0] =	vst.idx.add.f32.msk @p0 $0xffff, v32  }
0xe8: {  	v55 =	vor.u32 v4, v24;
	v32 =	vld.idx.msk @p0 [tilespmem:v34+s3+$0x0], $0xffff;
	v30 =	vmax.f32 v30, $0.0e+00  }
0xe9: {  	v28 =	vadd.f32 v28, v53;
	[tilespmem:v51+s19+$0x0] =	vst.idx.add.f32.msk $0xffff, v30  }
0xea: {  	v42 =	vadd.f32 @p0 v43, v49;
	v33 =	vld.idx.msk [tilespmem:v52+s3+$0x0], $0xffff  }
0xeb: {  	v28 =	vmax.f32 v28, $0.0e+00  }
0xec: {  	v39 =	vmul.f32 @p0 v27, v13;
	[tilespmem:v54+s19+$0x0] =	vst.idx.add.f32.msk $0xffff, v28;
	v30 =	vmax.f32 @p0 v42, $0.0e+00;
	v42 =	vor.u32 @p0 v4, v23  }
0xed: {  	v56 =	vmul.f32 v29, v12;
	v57 =	vor.u32 v3, v19;
	v43 =	vld.idx.msk [tilespmem:v55+s3+$0x0], $0xffff  }
0xee: {  	v58 =	vor.u32 v4, v22;
	[tilespmem:v48+s19+$0x0] =	vst.idx.add.f32.msk @p0 $0xffff, v30;
	v32 =	vadd.f32 @p0 v32, v39  }
0xef: {  	v30 =	vadd.f32 v33, v56;
	v33 =	vld.idx.msk @p0 [tilespmem:v35+s3+$0x0], $0xffff;
	v35 =	vor.u32 @p0 v5, v25  }
0xf0: {  	v59 =	vmul.f32 v17, v13;
	v32 =	vmax.f32 @p0 v32, $0.0e+00  }
0xf1: {  	v60 =	vor.u32 v4, v18;
	v39 =	vmul.f32 @p1 v37, v14;
	[tilespmem:v42+s19+$0x0] =	vst.idx.add.f32.msk @p0 $0xffff, v32;
	v30 =	vmax.f32 v30, $0.0e+00  }
0xf2: {  	v27 =	vpsel p0, v27, v0;
	v61 =	vmul.f32 v29, v13;
	[tilespmem:v57+s19+$0x0] =	vst.idx.add.f32.msk $0xffff, v30  }
0xf3: {  	v39 =	vadd.f32 @p1 v44, v39;
	v44 =	vmul.f32 @p0 v20, v14;
	v30 =	vadd.f32 v43, v59;
	v28 =	vld.idx.msk [tilespmem:v58+s3+$0x0], $0xffff  }
0xf4: {  	v63 =	vor.u32 v5, v22;
	v62 =	vor.u32 v4, v19;
	v32 =	vor.u32 @p1 v6, v46;
	v35 =	vld.idx.msk @p0 [tilespmem:v35+s3+$0x0], $0xffff  }
0xf5: {  	v34 =	vld.idx.msk @p1 [tilespmem:v36+s3+$0x0], $0xffff;
	v33 =	vadd.f32 @p0 v33, v44;
	v30 =	vmax.f32 v30, $0.0e+00;
	v44 =	vor.u32 @p0 v5, v21  }
0xf6: {  	v49 =	vor.u32 v5, v18;
	v36 =	vor.u32 @p0 v5, v23;
	[tilespmem:v60+s19+$0x0] =	vst.idx.add.f32.msk $0xffff, v30  }
0xf7: {  	v36 =	vpsel p0, v36, v0;
	v48 =	vmul.f32 v17, v14;
	v39 =	vmax.f32 @p1 v39, $0.0e+00;
	v26 =	vld.idx.msk [tilespmem:v26+s3+$0x0], $0xffff  }
0xf8: {  	[tilespmem:v45+s19+$0x0] =	vst.idx.add.f32.msk @p1 $0xffff, v39;
	v45 =	vmul.f32 @p0 v27, v14;
	v28 =	vadd.f32 v28, v61  }
0xf9: {  	v39 =	vor.u32 @p0 v6, v31;
	v32 =	vld.idx.msk @p1 [tilespmem:v32+s3+$0x0], $0xffff;
	v33 =	vmax.f32 @p0 v33, $0.0e+00;
	v35 =	vpsel p0, v35, v0  }
0xfa: {  	v25 =	vpsel p0, v25, v0;
	[tilespmem:v44+s19+$0x0] =	vst.idx.add.f32.msk @p0 $0xffff, v33;
	v28 =	vmax.f32 v28, $0.0e+00;
	v35 =	vadd.f32 @p0 v35, v45  }
0xfb: {  	v45 =	vor.u32 @p0 v6, v25;
	[tilespmem:v62+s19+$0x0] =	vst.idx.add.f32.msk $0xffff, v28  }
0xfc: {  	v50 =	vor.u32 v6, v24;
	v26 =	vadd.f32 v26, v48;
	v30 =	vld.idx.msk [tilespmem:v63+s3+$0x0], $0xffff;
	v33 =	vmax.f32 @p0 v35, $0.0e+00  }
0xfd: {  	v42 =	vmul.f32 @p1 v37, v15;
	v28 =	vor.u32 @p1 v6, v40;
	[tilespmem:v36+s19+$0x0] =	vst.idx.add.f32.msk @p0 $0xffff, v33  }
0xfe: {  	v51 =	vor.u32 v5, v19;
	v36 =	vld.idx.msk @p0 [tilespmem:v39+s3+$0x0], $0xffff;
	v26 =	vmax.f32 v26, $0.0e+00  }
0xff: {  	v52 =	vmul.f32 v29, v14;
	v32 =	vadd.f32 @p1 v32, v42;
	[tilespmem:v49+s19+$0x0] =	vst.idx.add.f32.msk $0xffff, v26  }
0x100: {  	v53 =	vor.u32 v6, v22;
	v23 =	vpsel p0, v23, v0;
	v43 =	vor.u32 @p1 v7, v46;
	v45 =	vld.idx.msk @p0 [tilespmem:v45+s3+$0x0], $0xffff  }
0x101: {  	v42 =	vmul.f32 @p0 v20, v15;
	v32 =	vmax.f32 @p1 v32, $0.0e+00;
	v54 =	vld.idx.msk [tilespmem:v50+s3+$0x0], $0xffff;
	v30 =	vadd.f32 v30, v52  }
0x102: {  	[tilespmem:v28+s19+$0x0] =	vst.idx.add.f32.msk @p1 $0xffff, v32;
	v28 =	vor.u32 @p0 v7, v31;
	v31 =	vor.u32 @p0 v6, v21  }
0x103: {  	v26 =	vmul.f32 @p0 v27, v15;
	v28 =	vpsel p0, v28, v0;
	v30 =	vmax.f32 v30, $0.0e+00  }
0x104: {  	v33 =	vadd.f32 @p0 v36, v42;
	v36 =	vor.u32 @p0 v6, v23;
	[tilespmem:v51+s19+$0x0] =	vst.idx.add.f32.msk $0xffff, v30  }
0x105: {  	v55 =	vmul.f32 v17, v15;
	v56 =	vor.u32 v6, v18;
	v30 =	vld.idx.msk [tilespmem:v53+s3+$0x0], $0xffff  }
0x106: {  	v25 =	vor.u32 @p0 v7, v25;
	v35 =	vld.idx.msk @p1 [tilespmem:v43+s3+$0x0], $0xffff;
	v26 =	vadd.f32 @p0 v45, v26;
	v33 =	vmax.f32 @p0 v33, $0.0e+00  }
0x107: {  	v57 =	vor.u32 v7, v24;
	v58 =	vadd.f32 v54, v55;
	[tilespmem:v31+s19+$0x0] =	vst.idx.add.f32.msk @p0 $0xffff, v33  }
0x108: {  	v59 =	vmul.f32 v29, v15;
	v60 =	vor.u32 v6, v19;
	v26 =	vmax.f32 @p0 v26, $0.0e+00;
	v28 =	vld.idx.msk @p0 [tilespmem:v28+s3+$0x0], $0xffff  }
0x109: {  	v61 =	vor.u32 v7, v22;
	v31 =	vmax.f32 v58, $0.0e+00;
	[tilespmem:v36+s19+$0x0] =	vst.idx.add.f32.msk @p0 $0xffff, v26  }
0x10a: {  	v41 =	vmul.f32 @p1 v41, v16;
	[tilespmem:v56+s19+$0x0] =	vst.idx.add.f32.msk $0xffff, v31;
	v30 =	vadd.f32 v30, v59  }
0x10b: {  	v38 =	vor.u32 @p1 v7, v38;
	v17 =	vmul.f32 v17, v16;
	v18 =	vor.u32 v7, v18;
	v25 =	vld.idx.msk @p0 [tilespmem:v25+s3+$0x0], $0xffff  }
0x10c: {  	v26 =	vmul.f32 @p1 v37, v16;
	v31 =	vor.u32 @p1 v7, v40;
	v24 =	vld.idx.msk [tilespmem:v57+s3+$0x0], $0xffff;
	v30 =	vmax.f32 v30, $0.0e+00  }
0x10d: {  	v20 =	vpsel p0, v20, v0;
	v21 =	vpsel p0, v21, v0;
	[tilespmem:v60+s19+$0x0] =	vst.idx.add.f32.msk $0xffff, v30  }
0x10e: {  	v20 =	vmul.f32 @p0 v20, v16;
	v21 =	vor.u32 @p0 v7, v21;
	v26 =	vadd.f32 @p1 v35, v26;
	v22 =	vld.idx.msk [tilespmem:v61+s3+$0x0], $0xffff  }
0x10f: {  	v27 =	vmul.f32 @p0 v27, v16;
	v32 =	vadd.f32 @p1 v34, v41;
	v23 =	vor.u32 @p0 v7, v23  }
0x110: {  	v19 =	vor.u32 v7, v19;
	v26 =	vmax.f32 @p1 v26, $0.0e+00;
	v20 =	vadd.f32 @p0 v28, v20  }
0x111: {  	v62 =	vmul.f32 v29, v16;
	[tilespmem:v31+s19+$0x0] =	vst.idx.add.f32.msk @p1 $0xffff, v26;
	v30 =	vmax.f32 @p1 v32, $0.0e+00;
	v25 =	vadd.f32 @p0 v25, v27  }
0x112: {  	v20 =	vmax.f32 @p0 v20, $0.0e+00;
	v17 =	vadd.f32 v24, v17;
	[tilespmem:v38+s19+$0x0] =	vst.idx.add.f32.msk @p1 $0xffff, v30  }
0x113: {  	[tilespmem:v21+s19+$0x0] =	vst.idx.add.f32.msk @p0 $0xffff, v20;
	v20 =	vmax.f32 @p0 v25, $0.0e+00;
	v63 =	vadd.f32 v22, v62  }
0x114: {  	v17 =	vmax.f32 v17, $0.0e+00;
	[tilespmem:v23+s19+$0x0] =	vst.idx.add.f32.msk @p0 $0xffff, v20  }
0x115: {  	[tilespmem:v18+s19+$0x0] =	vst.idx.add.f32.msk $0xffff, v17;
	v17 =	vmax.f32 v63, $0.0e+00  }
0x116: {  	[tilespmem:v19+s19+$0x0] =	vst.idx.add.f32.msk $0xffff, v17  }
.LBB2_6:
0x117: {  	p0 =	sge.s32 s22, s21  }
.Ltmp8:
0x118: {  	_ = 	snop;
	(pc) =	sbr.rel @p0 .LBB2_9-.Ltmp8, $1  }
0x119: {  	_ =	sdelay $0x3  }
0x11a: {  	s22 =	ssub.s32 s21, s22  }
0x11b: {  	s22 =	ssub.s32 $0x0, s22  }
.LBB2_8:
0x11c: {  	s23 =	sadd.s32 s22, s21  }
0x11d: {  	v17 =	vmov s23;
	_ =	sdelay $0x4  }
0x11e: {  	v18 =	vld.idx.msk [tilespmem:v17+s15+$0x0], $0xffff;
	_ =	sdelay $0x4  }
0x11f: {  	v18 =	vshll.u32 v18, $0x7  }
0x120: {  	v19 =	vor.u32 v0, v18;
	_ =	sdelay $0x1  }
0x121: {  	v20 =	vld.idx.msk [tilespmem:v17+s16+$0x0], $0xffff  }
0x122: {  	v17 =	vld.idx.msk [tilespmem:v17+s17+$0x0], $0xffff;
	_ =	sdelay $0x1  }
0x123: {  	v19 =	vld.idx.msk [tilespmem:v19+s3+$0x0], $0xffff;
	_ =	sdelay $0x1  }
0x124: {  	v20 =	vshll.u32 v20, $0x7  }
0x125: {  	v21 =	vmul.f32 v17, v9;
	v22 =	vor.u32 v0, v20  }
0x126: {  	v23 =	vor.u32 v1, v18  }
0x127: {  	v19 =	vadd.f32 v21, v19;
	_ =	sdelay $0x1  }
0x128: {  	v19 =	vmax.f32 v19, $0.0e+00  }
0x129: {  	[tilespmem:v22+s19+$0x0] =	vst.idx.add.f32.msk $0xffff, v19  }
0x12a: {  	v19 =	vld.idx.msk [tilespmem:v23+s3+$0x0], $0xffff;
	_ =	sdelay $0x2  }
0x12b: {  	v47 =	vmul.f32 v17, v10;
	v48 =	vor.u32 v1, v20  }
0x12c: {  	v49 =	vor.u32 v2, v18  }
0x12d: {  	v19 =	vadd.f32 v19, v47;
	_ =	sdelay $0x1  }
0x12e: {  	v19 =	vmax.f32 v19, $0.0e+00  }
0x12f: {  	[tilespmem:v48+s19+$0x0] =	vst.idx.add.f32.msk $0xffff, v19  }
0x130: {  	v19 =	vld.idx.msk [tilespmem:v49+s3+$0x0], $0xffff;
	_ =	sdelay $0x2  }
0x131: {  	v50 =	vmul.f32 v17, v11;
	v51 =	vor.u32 v2, v20  }
0x132: {  	v52 =	vor.u32 v3, v18  }
0x133: {  	v19 =	vadd.f32 v19, v50;
	_ =	sdelay $0x1  }
0x134: {  	v19 =	vmax.f32 v19, $0.0e+00  }
0x135: {  	[tilespmem:v51+s19+$0x0] =	vst.idx.add.f32.msk $0xffff, v19  }
0x136: {  	v19 =	vld.idx.msk [tilespmem:v52+s3+$0x0], $0xffff;
	_ =	sdelay $0x2  }
0x137: {  	v53 =	vmul.f32 v17, v12;
	v54 =	vor.u32 v3, v20  }
0x138: {  	v55 =	vor.u32 v4, v18  }
0x139: {  	v19 =	vadd.f32 v19, v53;
	_ =	sdelay $0x1  }
0x13a: {  	v19 =	vmax.f32 v19, $0.0e+00  }
0x13b: {  	[tilespmem:v54+s19+$0x0] =	vst.idx.add.f32.msk $0xffff, v19  }
0x13c: {  	v19 =	vld.idx.msk [tilespmem:v55+s3+$0x0], $0xffff;
	_ =	sdelay $0x2  }
0x13d: {  	v56 =	vmul.f32 v17, v13;
	v57 =	vor.u32 v4, v20  }
0x13e: {  	v58 =	vor.u32 v5, v18  }
0x13f: {  	v19 =	vadd.f32 v19, v56;
	_ =	sdelay $0x1  }
0x140: {  	v19 =	vmax.f32 v19, $0.0e+00  }
0x141: {  	[tilespmem:v57+s19+$0x0] =	vst.idx.add.f32.msk $0xffff, v19  }
0x142: {  	v19 =	vld.idx.msk [tilespmem:v58+s3+$0x0], $0xffff;
	_ =	sdelay $0x2  }
0x143: {  	v59 =	vmul.f32 v17, v14;
	v60 =	vor.u32 v5, v20  }
0x144: {  	v61 =	vor.u32 v6, v18  }
0x145: {  	v19 =	vadd.f32 v19, v59;
	_ =	sdelay $0x1  }
0x146: {  	v19 =	vmax.f32 v19, $0.0e+00  }
0x147: {  	[tilespmem:v60+s19+$0x0] =	vst.idx.add.f32.msk $0xffff, v19  }
0x148: {  	v19 =	vld.idx.msk [tilespmem:v61+s3+$0x0], $0xffff;
	_ =	sdelay $0x2  }
0x149: {  	v62 =	vmul.f32 v17, v15;
	v63 =	vor.u32 v6, v20  }
0x14a: {  	v18 =	vor.u32 v7, v18  }
0x14b: {  	v19 =	vadd.f32 v19, v62;
	_ =	sdelay $0x1  }
0x14c: {  	v19 =	vmax.f32 v19, $0.0e+00  }
0x14d: {  	[tilespmem:v63+s19+$0x0] =	vst.idx.add.f32.msk $0xffff, v19  }
0x14e: {  	v18 =	vld.idx.msk [tilespmem:v18+s3+$0x0], $0xffff;
	_ =	sdelay $0x1  }
0x14f: {  	s22 =	sadd.s32 $0x1, s22  }
0x150: {  	p0 =	seq.s32 s22, $0x0;
	v17 =	vmul.f32 v17, v16;
	v19 =	vor.u32 v7, v20  }
.Ltmp9:
0x151: {  	_ = 	snop;
	(pc) =	sbr.rel @!p0 .LBB2_8-.Ltmp9, $3  }
0x152: {  	v17 =	vadd.f32 v18, v17;
	_ =	sdelay $0x1  }
0x153: {  	v17 =	vmax.f32 v17, $0.0e+00  }
0x154: {  	[tilespmem:v19+s19+$0x0] =	vst.idx.add.f32.msk $0xffff, v17  }
.Ltmp10:
0x155: {  	_ = 	snop;
	(pc) =	sbr.rel .LBB2_9-.Ltmp10, $1  }
0x156: {  	_ =	sdelay $0x3  }
.LBB2_5:
.Ltmp11:
0x157: {  	(pc) =	sbr.rel .LBB2_17-.Ltmp11, $3  }
0x158: {  	_ =	sdelay $0x1  }
0x159: {  	v29 =	vmov v27;
	v24 =	vmov v31  }
0x15a: {  	v17 =	vmovc v20;
	v26 =	vmovc v35;
	v18 =	vmov v21;
	v22 =	vmov v25;
	v19 =	vmov v23  }
.LBB2_12:
.Ltmp12:
0x15b: {  	(pc) =	sbr.rel .LBB2_17-.Ltmp12, $2  }
0x15c: {  	_ =	sdelay $0x2  }
0x15d: {  	v24 =	vmov v28;
	v29 =	vmov v30  }
.LBB2_14:
.Ltmp13:
0x15e: {  	(pc) =	sbr.rel .LBB2_17-.Ltmp13, $4  }
0x15f: {  	v46 =	vmov v25;
	v41 =	vmov v20  }
0x160: {  	v38 =	vmovc v21;
	v40 =	vmovc v23;
	v37 =	vmov v27;
	v20 =	vmov v17;
	v35 =	vmov v26  }
0x161: {  	v21 =	vmovc v18;
	v25 =	vmovc v22;
	v23 =	vmov v19;
	v17 =	vmov v33;
	v26 =	vmov v42  }
0x162: {  	v18 =	vmovc v39;
	v22 =	vmovc v53;
	v27 =	vmov v30;
	v19 =	vmov v34;
	v31 =	vmov v28  }
.LBB2_10:
0x163: {  	_ =	sfence.sel $0x180000  }
0x164: {  	[bflag:$0x0] =	sbarrier.arrive $0xFFFF  }
0x165: {  	p0 =	sne.s32 s0, $0x0;
	_ =	strace $0x9000004A  }
0x166: {  	s0 =	sadd.s32 @!p0 $0x100000, s1;
	[bflag:$0x2] =	sbarrier.arrive $0xFFFF  }
0x167: {  	[sflag:s0] =	ssyncadd.tile.s32 @!p0 $0x1;
	_ =	shalt  }
.Lfunc_end2:
_tile_overlayer_lowered:
.L_overlay_start_2:
0x168: {  	(tag) =	ssettag $0x2  }
0x169: {  	s0 =	rddreg [dreg:$0x0];
	s2 =	stileid.u32  }
0x16a: {  	s1 =	rddreg [dreg:$0x1];
	p0 =	sne.s32 s2, $0x0  }
0x16b: {  	s3 =	rddreg [dreg:$0x2];
	[bflag:$0x3] =	sbarrier.arrive $0xFFFF;
	s2 =	simm.s32 @!p0 $0x1C01  }
0x16c: {  	[timem:s3], [sflag:s2] =	dma.local @!p0 [hbm:s0], s1  }
0x16d: {  	s0 =	simm.s32 @!p0 $0x1  }
0x16e: {  	_ =	swait.ge @!p0 [sflag:s0], s1  }
0x16f: {  	s1 =	ssub.s32 @!p0 $0x0, s1;
	[sflag:s0] =	ssyncset.done @!p0 $0x0  }
0x170: {  	[sflag:s0] =	ssyncadd.s32 @!p0 s1  }
0x171: {  	[bflag:$0x3] =	sbarrier.arrive $0xFFFF  }
0x172: {  	_ =	shalt  }

// kernel: kernel.18.cloned.1.call-start
scs
__scs_entry_jumppad:
0x0: {  	(pc) =	sbr.rel $0x88, $3  }
0x1: {  	(tag) =	ssettag $0x0;
	lr =	simm.s32 $0x1  }
0x2: {  	[smem:$0x3F86] =	sst lr;
	_ =	strace $0xD0000000  }
0x3: {  	_ = 	snop  }
0x4: {  	_ = 	snop  }
0x5: {  	_ = 	snop  }
0x6: {  	_ = 	snop  }
0x7: {  	_ = 	snop  }
__scs_overlays_trampoline_lowered:
0x8: {  	[smem:$0x3F95] =	sst s0  }
0x9: {  	[smem:$0x3F96] =	sst s1  }
0xa: {  	[smem:$0x3F97] =	sst s2  }
0xb: {  	[smem:$0x3F98] =	sst s3  }
0xc: {  	[smem:$0x3F99] =	sst s4  }
0xd: {  	[smem:$0x3F9A] =	sst s5  }
0xe: {  	[smem:$0x3F9B] =	sst s6  }
0xf: {  	[smem:$0x3F9C] =	sst s7  }
0x10: {  	[smem:$0x3F9D] =	sst s8  }
0x11: {  	[smem:$0x3F9E] =	sst s9;
	s0 =	simm.s32 @!p0 $0x0  }
0x12: {  	s1 =	sld [smem:$0x3F84];
	s0 =	simm.s32 @p0 $0x1  }
0x13: {  	[smem:$0x3F9F] =	sst s0;
	s0 =	simm.s32 @!p1 $0x0  }
0x14: {  	s2 =	sld [smem:$0x3F83];
	s0 =	simm.s32 @p1 $0x1  }
0x15: {  	[smem:$0x3FA0] =	sst s0;
	s0 =	simm.s32 @!p2 $0x0  }
0x16: {  	s3 =	sld [smem:$0x3FDB];
	s0 =	simm.s32 @p2 $0x1  }
0x17: {  	s4 =	simm.s32 $0x1BF5;
	[smem:$0x3FA2] =	sst s0  }
0x18: {  	s0 =	sld [smem:$0x3F85];
	_ =	swait.ge [sflag:s4], $0x0  }
0x19: {  	s7 =	sld [smem:$0x3F86]  }
0x1a: {  	s8 =	sadd.s32 $0xFFFFE003, lr  }
0x1b: {  	s9 =	sadd.s32 $0xFFFFFEF7, lr;
	s5 =	simm.s32 $0xFFFFFFFF;
	p2 =	slt.u32 s8, $0xFFFFF086  }
0x1c: {  	p1 =	slt.u32 s9, $0xF7A;
	s5 =	simm.s32 @!p2 $0x0  }
0x1d: {  	s5 =	simm.s32 @p1 $0x1;
	p0 =	seq.s32 s7, s2  }
0x1e: {  	s7 =	smul.u32 @!p0 $0xF7A, s2;
	p2 =	seq.s32 @!p0 s5, $0x0  }
0x1f: {  	s9 =	smul.u32 $0xF7A, s1;
	s8 =	simm.s32 @!p0 $0x1BF5;
	p2 =	por !p2, p0  }
0x20: {  	[sflag:s8] =	ssyncset.s32 @!p0 $0xFFFFF086;
	s6 =	sadd.s32 @!p0 s3, s7;
	s7 =	simm.s32 @!p0 $0x108  }
0x21: {  	s3 =	sadd.s32 s3, s9;
	s6 =	sadd.s32 @!p0 $0x88, s6;
	s7 =	simm.s32 @p2 $0x1082  }
0x22: {  	[simem:s7], [sflag:s8] =	dma.local @!p0 [hbm:s6], $0xF7A  }
0x23: {  	s9 =	sor.u32 $0xD0000000, s2;
	s6 =	simm.s32 $0x108;
	_ =	swait.ge @!p0 [sflag:s8], $0x0  }
0x24: {  	s3 =	sadd.s32 $0x88, s3;
	s6 =	simm.s32 @!p1 $0x1082;
	[sflag:s4] =	ssyncset.s32 $0xFFFFF086  }
0x25: {  	[simem:s6], [sflag:s4] =	dma.local [hbm:s3], $0xF7A  }
0x26: {  	[smem:$0x3F86] =	sst s1;
	(tag) =	ssettag s2;
	_ =	strace s9  }
0x27: {  	s1 =	sld [smem:$0x3F96]  }
0x28: {  	s2 =	sld [smem:$0x3F97]  }
0x29: {  	s4 =	sld [smem:$0x3F99]  }
0x2a: {  	p0 =	seq.s32 s5, $0x0;
	s5 =	sld [smem:$0x3F9A]  }
0x2b: {  	s6 =	sld [smem:$0x3F9B]  }
0x2c: {  	s7 =	sld [smem:$0x3F9C]  }
0x2d: {  	s3 =	simm.s32 $0x108;
	s8 =	sld [smem:$0x3F9D]  }
0x2e: {  	s3 =	simm.s32 @!p0 $0x1082;
	s9 =	sld [smem:$0x3F9E]  }
0x2f: {  	lr =	sadd.s32 s0, s3;
	s0 =	sld [smem:$0x3F95]  }
0x30: {  	s3 =	sld [smem:$0x3F98]  }
0x31: {  	[smem:$0x3FA1] =	sst s10  }
0x32: {  	s10 =	sld [smem:$0x3F9F];
	_ =	sdelay $0x3  }
0x33: {  	p0 =	seq.s32 s10, $0x1;
	s10 =	sld [smem:$0x3FA1];
	_ =	sdelay $0x3  }
0x34: {  	[smem:$0x3FA1] =	sst s10  }
0x35: {  	s10 =	sld [smem:$0x3FA0];
	_ =	sdelay $0x3  }
0x36: {  	p1 =	seq.s32 s10, $0x1;
	s10 =	sld [smem:$0x3FA1];
	_ =	sdelay $0x3  }
0x37: {  	[smem:$0x3FA1] =	sst s10  }
0x38: {  	s10 =	sld [smem:$0x3FA2]  }
0x39: {  	_ = 	snop;
	(pc) =	sbr.ind lr, $3  }
0x3a: {  	_ = 	snop  }
0x3b: {  	_ = 	snop  }
0x3c: {  	p2 =	seq.s32 s10, $0x1;
	s10 =	sld [smem:$0x3FA1]  }
0x3d: {  	_ =	shalt  }
0x3e: {  	_ =	shalt  }
0x3f: {  	_ =	shalt  }
0x40: {  	_ =	shalt  }
0x41: {  	_ =	shalt  }
0x42: {  	_ =	shalt  }
0x43: {  	_ =	shalt  }
0x44: {  	_ =	shalt  }
0x45: {  	_ =	shalt  }
0x46: {  	_ =	shalt  }
0x47: {  	_ =	shalt  }
0x48: {  	_ =	shalt  }
0x49: {  	_ =	shalt  }
0x4a: {  	_ =	shalt  }
0x4b: {  	_ =	shalt  }
0x4c: {  	_ =	shalt  }
0x4d: {  	_ =	shalt  }
0x4e: {  	_ =	shalt  }
0x4f: {  	_ =	shalt  }
0x50: {  	_ =	shalt  }
0x51: {  	_ =	shalt  }
0x52: {  	_ =	shalt  }
0x53: {  	_ =	shalt  }
0x54: {  	_ =	shalt  }
0x55: {  	_ =	shalt  }
0x56: {  	_ =	shalt  }
0x57: {  	_ =	shalt  }
0x58: {  	_ =	shalt  }
0x59: {  	_ =	shalt  }
0x5a: {  	_ =	shalt  }
0x5b: {  	_ =	shalt  }
0x5c: {  	_ =	shalt  }
0x5d: {  	_ =	shalt  }
0x5e: {  	_ =	shalt  }
0x5f: {  	_ =	shalt  }
0x60: {  	_ =	shalt  }
0x61: {  	_ =	shalt  }
0x62: {  	_ =	shalt  }
0x63: {  	_ =	shalt  }
0x64: {  	_ =	shalt  }
0x65: {  	_ =	shalt  }
0x66: {  	_ =	shalt  }
0x67: {  	_ =	shalt  }
0x68: {  	_ =	shalt  }
0x69: {  	_ =	shalt  }
0x6a: {  	_ =	shalt  }
0x6b: {  	_ =	shalt  }
0x6c: {  	_ =	shalt  }
0x6d: {  	_ =	shalt  }
0x6e: {  	_ =	shalt  }
0x6f: {  	_ =	shalt  }
0x70: {  	_ =	shalt  }
0x71: {  	_ =	shalt  }
0x72: {  	_ =	shalt  }
0x73: {  	_ =	shalt  }
0x74: {  	_ =	shalt  }
0x75: {  	_ =	shalt  }
0x76: {  	_ =	shalt  }
0x77: {  	_ =	shalt  }
0x78: {  	_ =	shalt  }
0x79: {  	_ =	shalt  }
0x7a: {  	_ =	shalt  }
0x7b: {  	_ =	shalt  }
0x7c: {  	_ =	shalt  }
0x7d: {  	_ =	shalt  }
0x7e: {  	_ =	shalt  }
0x7f: {  	_ =	shalt  }
0x80: {  	_ =	shalt  }
0x81: {  	_ =	shalt  }
0x82: {  	_ =	shalt  }
0x83: {  	_ =	shalt  }
0x84: {  	_ =	shalt  }
0x85: {  	_ =	shalt  }
0x86: {  	_ =	shalt  }
0x87: {  	_ =	shalt  }
.Lfunc_end0:
.L_simem_size_0:
called_computation.2_lowered:
.L_overlay_start_0:
0x88: {  	s2 =	sld [smem:$0x3FD9]  }
0x89: {  	s3 =	sld [smem:$0x3FFE];
	_ =	sdelay $0x1  }
0x8a: {  	s1 =	srdreg.scid  }
0x8b: {  	s0 =	sand.u32 $0x1, s1  }
0x8c: {  	s14 =	sshll.u32 s0, $0xA;
	s2 =	sadd.s32 s3, s2  }
0x8d: {  	s2 =	sadd.s32 s2, s14  }
0x8e: {  	[smem:$0x3FAD] =	sst s2  }
0x8f: {  	_ = 	snop  }
0x90: {  	s2 =	sld [smem:$0x3FD0];
	_ =	sdelay $0x2  }
0x91: {  	s15 =	simm.s32 $0xA;
	s4 =	simm.s32 $0x10  }
0x92: {  	[smem:s4], [sflag:s15] =	dma.local [hbm:s2], $0x1  }
0x93: {  	_ =	swait.eq [sflag:s15], $0x1  }
0x94: {  	[sflag:s15] =	ssyncset.done $0x0  }
0x95: {  	s16 =	sld [smem:$0x10];
	[sflag:s15] =	ssyncadd.s32 $0xFFFFFFFF  }
0x96: {  	s17 =	sld [smem:$0x11];
	(tm) =	ssettm $0x1  }
0x97: {  	s18 =	sld [smem:$0x3FFB];
	_ =	sdelay $0x3  }
0x98: {  	_ =	strace s18  }
0x99: {  	s4 =	sld [smem:$0x3FFC];
	_ =	sdelay $0x3  }
0x9a: {  	_ =	strace s4  }
0x9b: {  	s4 =	sld [smem:$0x3FFD];
	_ =	sdelay $0x3  }
0x9c: {  	_ =	strace s4  }
0x9d: {  	_ =	strace $0x8FFFFFFF  }
0x9e: {  	s19 =	sld [smem:$0x3FDB];
	_ =	sdelay $0x1  }
0x9f: {  	s5 =	simm.s32 $_scs_section_size  }
0xa0: {  	s6 =	simm.s32 $_size__tile_overlayer_lowered;
	s7 =	simm.s32 $_tile_overlayer_lowered  }
0xa1: {  	s22 =	simm.s32 $0x1BFF;
	s21 =	sshll.u32 s7, $0x1;
	s4 =	sadd.s32 s5, s19  }
0xa2: {  	s8 =	simm.s32 $0x0;
	s20 =	sshll.u32 s6, $0x1;
	s6 =	sadd.s32 s21, s4  }
0xa3: {  	[timem:s8], [sflag:s22] =	dma.local [hbm:s6], s20  }
0xa4: {  	_ =	swait.ge [sflag:s22], s20  }
0xa5: {  	s5 =	ssub.s32 $0x0, s20;
	[sflag:s22] =	ssyncset.done $0x0  }
0xa6: {  	[sflag:s22] =	ssyncadd.s32 s5;
	_ =	sdelay $0x1  }
0xa7: {  	s23 =	simm.s32 $0x1B8B  }
0xa8: {  	_ =	swait.ge [sflag:s23], $0x1  }
0xa9: {  	[sflag:s23] =	ssyncset.done $0x0  }
0xaa: {  	s25 =	simm.s32 $0x1B8E;
	s24 =	sld [smem:$0x3FFE];
	[sflag:s23] =	ssyncadd.s32 $0xFFFFFFFF  }
0xab: {  	s26 =	simm.s32 $execute0_lowered;
	[smem:$0x3FD2] =	sst s25  }
0xac: {  	s6 =	sshll.u32 s26, $0x1;
	_ =	strace $0x8000004C;
	[dreg:$0x1] =	wrdreg $0xFFFFFFFF  }
0xad: {  	s28 =	simm.s32 $_size_execute0_lowered;
	s4 =	sadd.s32 s4, s6;
	[dreg:$0x0] =	wrdreg $0x0  }
0xae: {  	s6 =	sshll.u32 s28, $0x1;
	[dreg:$0x2] =	wrdreg s4  }
0xaf: {  	[dreg:$0x3] =	wrdreg s6  }
0xb0: {  	[dreg:$0x4] =	wrdreg $0xC0  }
0xb1: {  	_ =	task [dreg:s8], $0x5FFFF  }
0xb2: {  	[dreg:$0x1] =	wrdreg $0xFFFFFFFF  }
0xb3: {  	[dreg:$0x0] =	wrdreg $0x60  }
0xb4: {  	[dreg:$0x2] =	wrdreg s16  }
0xb5: {  	[dreg:$0x3] =	wrdreg s17  }
0xb6: {  	[dreg:$0x4] =	wrdreg s24  }
0xb7: {  	[dreg:$0x5] =	wrdreg $0x9  }
0xb8: {  	_ =	task.clear_ibuf [dreg:s8], $0x6FFFF;
	_ =	strace $0x9000004C  }
0xb9: {  	s29 =	simm.s32 $0x9;
	_ =	strace $0x8000004E  }
0xba: {  	_ =	swait.ge [sflag:s29], $0x1  }
0xbb: {  	[sflag:s29] =	ssyncadd.s32 $0xFFFFFFFF  }
0xbc: {  	_ =	strace $0x9000004E  }
0xbd: {  	_ =	sfence  }
0xbe: {  	s30 =	sld [smem:$0x0];
	_ =	sdelay $0x2  }
0xbf: {  	s31 =	sshll.u32 s1, $0xD;
	s1 =	sshrl.u32 s1, $0x2  }
0xc0: {  	s3 =	sand.u32 $0x4000, s31;
	s1 =	sadd.s32 s1, s30  }
0xc1: {  	s0 =	sor.u32 s3, s0;
	s1 =	sshll.u32 s1, $0x11  }
0xc2: {  	s0 =	sor.u32 s1, s0  }
0xc3: {  	s0 =	sadd.s32 $0x8F2B, s0  }
0xc4: {  	[sflag:s0] =	ssyncadd.remote.s32 $0x1  }
0xc5: {  	_ =	sfence.sel $0xFFFF  }
0xc6: {  	[dreg:$0x0] =	wrdreg $0xFFFFFFFF;
	(pc) =	sbr.abs _section_cstart, $3  }
0xc7: {  	[dreg:$0x1] =	wrdreg $0xFFFFFFFF  }
0xc8: {  	_ =	task.clear_ibuf [dreg:s8], $0x2FFFF;
	_ =	strace $0x9FFFFFFF  }
0xc9: {  	(tm) =	ssettm $0x7FFFFFFF  }
tec
execute0_lowered:
.L_overlay_start_1:
0x0: {  	(tag) =	ssettag $0x1  }
0x1: {  	s5 =	rddreg [dreg:$0x0]  }
0x2: {  	s2 =	rddreg [dreg:$0x1]  }
0x3: {  	s0 =	srdreg.scid;
	s7 =	rddreg [dreg:$0x2];
	s12 =	simm.s32 $0x1A080  }
0x4: {  	s13 =	simm.s32 $0x80;
	s14 =	simm.s32 $0x400;
	s15 =	simm.s32 $0x14000  }
0x5: {  	s16 =	simm.s32 $0x16000;
	s17 =	simm.s32 $0x18000;
	s18 =	simm.s32 $0x1A000  }
0x6: {  	s19 =	simm.s32 $0x10000;
	s4 =	sand.u32 $0x1, s0;
	s0 =	stileid.u32  }
0x7: {  	s20 =	simm.s32 $0x0;
	s1 =	sshll.u32 s4, $0x4;
	s3 =	sshll.u32 s0, $0x7  }
0x8: {  	s4 =	ssub.s32 $0x2, s4;
	s6 =	sor.u32 s0, s1;
	s1 =	rddreg [dreg:$0x3]  }
0x9: {  	s9 =	sand.u32 $0x380, s3;
	s3 =	simm.s32 $0x0;
	s31 =	sshrl.u32 s4, $0x1  }
0xa: {  	s8 =	sshrl.u32 s6, $0x3;
	[smem:$0x7FF] =	sst s3;
	s6 =	sshll.u32 s6, $0xB  }
0xb: {  	s11 =	ssub.s32 s4, s31;
	s10 =	sshll.u32 s8, $0x10;
	s8 =	sshll.u32 s8, $0xA  }
0xc: {  	_ =	strace $0x8000004D;
	s30 =	sadd.s32 s6, s7;
	s6 =	sand.u32 $0xE000, s6  }
.Ltmp0:
0xd: {  	s10 =	sor.u32 s9, s10;
	s8 =	sor.u32 s9, s8;
	(pc) =	sbr.rel .LBB2_1-.Ltmp0, $4  }
0xe: {  	v0 =	vlaneseq.u32;
	s4 =	sadd.s32 s5, s6;
	s10 =	sshrl.u32 s10, $0x3;
	s8 =	sshrl.u32 s8, $0x3  }
0xf: {  	v8 =	vimm.f32 $0.0e+00;
	v1 =	vor.u32 $0x10, v0;
	s9 =	sadd.s32 $0x7400, s30;
	s29 =	sadd.s32 s10, s7;
	s8 =	sadd.s32 s8, s7  }
0x10: {  	v2 =	vor.u32 $0x20, v0;
	v3 =	vor.u32 $0x30, v0;
	v4 =	vor.u32 $0x40, v0;
	s10 =	smax.u32 s11, $0x1;
	s11 =	simm.s32 $0x1;
	s5 =	sadd.s32 $0x47400, s29  }
0x11: {  	v5 =	vor.u32 $0x50, v0;
	v6 =	vor.u32 $0x60, v0;
	v7 =	vor.u32 $0x70, v0;
	s6 =	sadd.s32 $0x4F400, s29;
	s7 =	sadd.s32 $0x57400, s29;
	s8 =	sadd.s32 $0x5F400, s8  }
.LBB2_9:
0x12: {  	s20 =	sadd.s32 $0x1, s20  }
0x13: {  	p0 =	sne.s32 s20, s10  }
.Ltmp1:
0x14: {  	_ = 	snop;
	(pc) =	sbr.rel @!p0 .LBB2_10-.Ltmp1, $4  }
0x15: {  	[hbm4b:s9+s3] =	stream.linear.scatter [tilespmem:s19], [sflag:$0x1], $0x4000, $0x38;
	[tilespmem:$0x1A100] =	vst v63  }
0x16: {  	_ =	swait.ge [sflag:s11], $0x4000  }
0x17: {  	[sflag:s11] =	ssyncset.done $0x0  }
0x18: {  	[sflag:s11] =	ssyncadd.s32 $0xFFFFC000  }
.LBB2_1:
0x19: {  	[tilespmem:s3], [sflag:$0x1] =	stream.linear.gather [hbm4b:s4+s3], $0x10000, $0x38;
	[tilespmem:$0x1A100] =	vst v63  }
0x1a: {  	_ =	swait.ge [sflag:s11], $0x10000  }
0x1b: {  	[sflag:s11] =	ssyncset.done $0x0  }
0x1c: {  	[sflag:s11] =	ssyncadd.s32 $0xFFFF0000  }
0x1d: {  	[tilespmem:s12], [sflag:$0x1] =	stream.linear.gather [hbm4b:s2+s3], $0x80, $0x38;
	[tilespmem:$0x1A100] =	vst v63  }
0x1e: {  	_ =	swait.ge [sflag:s11], $0x80  }
0x1f: {  	[sflag:s11] =	ssyncset.done $0x0  }
0x20: {  	[sflag:s11] =	ssyncadd.s32 $0xFFFFFF80  }
0x21: {  	[tilespmem:s15], [sflag:$0x1] =	stream.strided.gather [hbm4b:s5+s13], $0x2000, s14, s13, $0x38;
	[tilespmem:$0x1A100] =	vst v63  }
0x22: {  	_ =	swait.ge [sflag:s11], $0x2000  }
0x23: {  	[sflag:s11] =	ssyncset.done $0x0  }
0x24: {  	[sflag:s11] =	ssyncadd.s32 $0xFFFFE000  }
0x25: {  	[tilespmem:s16], [sflag:$0x1] =	stream.strided.gather [hbm4b:s6+s13], $0x2000, s14, s13, $0x38;
	[tilespmem:$0x1A100] =	vst v63  }
0x26: {  	_ =	swait.ge [sflag:s11], $0x2000  }
0x27: {  	[sflag:s11] =	ssyncset.done $0x0  }
0x28: {  	[sflag:s11] =	ssyncadd.s32 $0xFFFFE000  }
0x29: {  	[tilespmem:s17], [sflag:$0x1] =	stream.strided.gather [hbm4b:s7+s13], $0x2000, s14, s13, $0x38;
	[tilespmem:$0x1A100] =	vst v63  }
0x2a: {  	_ =	swait.ge [sflag:s11], $0x2000  }
0x2b: {  	[sflag:s11] =	ssyncset.done $0x0  }
0x2c: {  	[sflag:s11] =	ssyncadd.s32 $0xFFFFE000  }
0x2d: {  	[tilespmem:s18], [sflag:$0x1] =	stream.linear.gather [hbm4b:s8+s3], $0x80, $0x38;
	[tilespmem:$0x1A100] =	vst v63  }
0x2e: {  	_ =	swait.ge [sflag:s11], $0x80  }
0x2f: {  	[sflag:s11] =	ssyncset.done $0x0  }
0x30: {  	[sflag:s11] =	ssyncadd.s32 $0xFFFFFF80  }
0x31: {  	v17 =	vld [tilespmem:$0x1A000]  }
0x32: {  	v9 =	vld.idx.msk [tilespmem:v0+s12+$0x0], $0xffff  }
0x33: {  	s21 =	simm.s32 $0x0;
	v10 =	vld.idx.msk [tilespmem:v1+s12+$0x0], $0xffff  }
0x34: {  	v19 =	vor.u32 s21, v0;
	v11 =	vld.idx.msk [tilespmem:v2+s12+$0x0], $0xffff  }
0x35: {  	v12 =	vld.idx.msk [tilespmem:v3+s12+$0x0], $0xffff  }
0x36: {  	v21 =	vor.u32 s21, v1;
	v13 =	vld.idx.msk [tilespmem:v4+s12+$0x0], $0xffff  }
0x37: {  	v22 =	vor.u32 s21, v2;
	v14 =	vld.idx.msk [tilespmem:v5+s12+$0x0], $0xffff  }
0x38: {  	v18 =	vor.u32 s21, v3;
	v15 =	vld.idx.msk [tilespmem:v6+s12+$0x0], $0xffff  }
0x39: {  	v16 =	vld.idx.msk [tilespmem:v7+s12+$0x0], $0xffff;
	[tilespmem:v19+s19+$0x0] =	vst.idx.msk $0xffff, v8;
	v19 =	vor.u32 s21, v4  }
0x3a: {  	v20 =	vor.u32 s21, v5  }
0x3b: {  	s22 =	simm.s32 $0x1;
	[tilespmem:v21+s19+$0x0] =	vst.idx.msk $0xffff, v8;
	v21 =	vor.u32 s21, v6  }
.LBB2_2:
0x3c: {  	p0 =	sne.s32 s22, $0x7F;
	[tilespmem:v22+s19+$0x0] =	vst.idx.msk $0xffff, v8;
	v23 =	vor.u32 s21, v7;
	s21 =	sshll.u32 s22, $0x7  }
0x3d: {  	v24 =	vor.u32 s21, v0;
	[tilespmem:v18+s19+$0x0] =	vst.idx.msk $0xffff, v8  }
0x3e: {  	v25 =	vor.u32 s21, v1;
	[tilespmem:v19+s19+$0x0] =	vst.idx.msk $0xffff, v8  }
.Ltmp2:
0x3f: {  	v22 =	vor.u32 s21, v2;
	[tilespmem:v20+s19+$0x0] =	vst.idx.msk $0xffff, v8;
	(pc) =	sbr.rel @p0 .LBB2_2-.Ltmp2, $4  }
0x40: {  	v18 =	vor.u32 s21, v3;
	[tilespmem:v21+s19+$0x0] =	vst.idx.msk $0xffff, v8  }
0x41: {  	v19 =	vor.u32 s21, v4;
	[tilespmem:v23+s19+$0x0] =	vst.idx.msk $0xffff, v8  }
0x42: {  	v20 =	vor.u32 s21, v5;
	[tilespmem:v24+s19+$0x0] =	vst.idx.msk $0xffff, v8  }
0x43: {  	s22 =	sadd.s32 $0x1, s22;
	v21 =	vor.u32 s21, v6;
	[tilespmem:v25+s19+$0x0] =	vst.idx.msk $0xffff, v8  }
0x44: {  	v17 =	vxor.u32 $0x80000000, v17  }
0x45: {  	(xrf0) =	vmax.scan.msk.u32 $0xffff, v17;
	_ =	sdelay $0x5  }
0x46: {  	v17, _, _ =	vpop (xrf0)  }
0x47: {  	(v2sf) =	vpush v17, $0xF;
	_ =	sdelay $0xe  }
0x48: {  	s22 =	spop (v2sf)  }
0x49: {  	v17 =	vor.u32 s21, v7;
	s21 =	sxor.u32 $0x80000000, s22  }
0x4a: {  	s22 =	sshrl.u32 s21, $0x1F  }
0x4b: {  	s22 =	sadd.s32 s22, s21  }
0x4c: {  	s22 =	sand.u32 $0xFFFFFFFE, s22  }
0x4d: {  	[tilespmem:v22+s19+$0x0] =	vst.idx.msk $0xffff, v8;
	p0 =	slt.s32 s22, $0x1  }
.Ltmp3:
0x4e: {  	[tilespmem:v18+s19+$0x0] =	vst.idx.msk $0xffff, v8;
	(pc) =	sbr.rel @p0 .LBB2_6-.Ltmp3, $4  }
0x4f: {  	[tilespmem:v19+s19+$0x0] =	vst.idx.msk $0xffff, v8  }
0x50: {  	[tilespmem:v20+s19+$0x0] =	vst.idx.msk $0xffff, v8  }
0x51: {  	[tilespmem:v21+s19+$0x0] =	vst.idx.msk $0xffff, v8  }
0x52: {  	[tilespmem:v17+s19+$0x0] =	vst.idx.msk $0xffff, v8  }
0x53: {  	s24 =	simm.s32 $0x1  }
0x54: {  	v17 =	vmov s24;
	_ =	sdelay $0x4  }
0x55: {  	v18 =	vld.idx.msk [tilespmem:v17+s15+$0x0], $0xffff;
	_ =	sdelay $0x4  }
0x56: {  	v31 =	vshll.u32 v18, $0x7  }
0x57: {  	v18 =	vor.u32 v0, v31;
	_ =	sdelay $0x1  }
0x58: {  	s23 =	simm.s32 $0x0;
	v19 =	vld.idx.msk [tilespmem:v17+s16+$0x0], $0xffff  }
0x59: {  	v21 =	vmov s23;
	v20 =	vld.idx.msk [tilespmem:v17+s17+$0x0], $0xffff  }
0x5a: {  	v17 =	vand.u32 $0xFFFFFFFE, v21  }
0x5b: {  	v17 =	vbroadcast v17, $0x0;
	v18 =	vld.idx.msk [tilespmem:v18+s3+$0x0], $0xffff;
	_ =	sdelay $0x1  }
0x5c: {  	v21 =	vshll.u32 v19, $0x7  }
0x5d: {  	v19 =	vmul.f32 v20, v9;
	v22 =	vor.u32 v0, v21  }
0x5e: {  	v23 =	vor.u32 v1, v31  }
0x5f: {  	v18 =	vadd.f32 v19, v18  }
0x60: {  	v24 =	vld.idx.msk [tilespmem:v17+s15+$0x0], $0xffff  }
0x61: {  	v19 =	vld.idx.msk [tilespmem:v17+s16+$0x0], $0xffff;
	v18 =	vmax.f32 v18, $0.0e+00  }
0x62: {  	[tilespmem:v22+s19+$0x0] =	vst.idx.add.f32.msk $0xffff, v18  }
0x63: {  	p2 =	sgt.s32 s22, $0x2;
	v18 =	vld.idx.msk [tilespmem:v23+s3+$0x0], $0xffff  }
.Ltmp4:
0x64: {  	v27 =	vld.idx.msk [tilespmem:v17+s17+$0x0], $0xffff;
	(pc) =	sbr.rel @!p2 .LBB2_5-.Ltmp4, $4  }
0x65: {  	_ = 	snop  }
0x66: {  	v35 =	vor.u32 v5, v31;
	v23 =	vshll.u32 v19, $0x7;
	v19 =	vmul.f32 v20, v10  }
0x67: {  	v47 =	vor.u32 v1, v21;
	v50 =	vor.u32 v2, v31;
	v25 =	vshll.u32 v24, $0x7  }
0x68: {  	p0 =	por $0x0, $0x0;
	p1 =	por $0x0, $0x0;
	s23 =	simm.s32 $0x2;
	v51 =	vor.u32 v0, v25;
	v32 =	vor.u32 v0, v23;
	v52 =	vadd.f32 v18, v19  }
0x69: {  	_ = 	snop  }
0x6a: {  	s24 =	simm.s32 $0x3  }
0x6b: {  	v17 =	vmov s24;
	_ =	sdelay $0x1  }
0x6c: {  	v18 =	vld.idx.msk [tilespmem:v51+s3+$0x0], $0xffff;
	_ =	sdelay $0x2  }
0x6d: {  	v22 =	vmul.f32 v27, v9;
	v19 =	vld.idx.msk [tilespmem:v17+s15+$0x0], $0xffff  }
0x6e: {  	v24 =	vor.u32 v1, v25  }
0x6f: {  	v26 =	vmax.f32 v52, $0.0e+00;
	v18 =	vadd.f32 v22, v18  }
0x70: {  	[tilespmem:v47+s19+$0x0] =	vst.idx.add.f32.msk $0xffff, v26  }
0x71: {  	v26 =	vld.idx.msk [tilespmem:v50+s3+$0x0], $0xffff;
	v22 =	vmov s23;
	v18 =	vmax.f32 v18, $0.0e+00  }
0x72: {  	[tilespmem:v32+s19+$0x0] =	vst.idx.add.f32.msk $0xffff, v18;
	v28 =	vshll.u32 v19, $0x7;
	v19 =	vand.u32 $0xFFFFFFFE, v22  }
0x73: {  	v18 =	vor.u32 v0, v28;
	v29 =	vbroadcast v19, $0x0;
	v19 =	vld.idx.msk [tilespmem:v24+s3+$0x0], $0xffff  }
0x74: {  	v22 =	vmul.f32 v20, v11;
	v24 =	vld.idx.msk [tilespmem:v17+s16+$0x0], $0xffff  }
0x75: {  	v30 =	vor.u32 v2, v21  }
0x76: {  	v17 =	vld.idx.msk [tilespmem:v17+s17+$0x0], $0xffff;
	v22 =	vadd.f32 v26, v22;
	v26 =	vor.u32 v3, v31;
	_ =	sdelay $0x1  }
0x77: {  	v57 =	vmul.f32 v27, v10;
	v33 =	vor.u32 v1, v23;
	v34 =	vld.idx.msk [tilespmem:v18+s3+$0x0], $0xffff  }
0x78: {  	v22 =	vmax.f32 v22, $0.0e+00;
	v18 =	vshll.u32 v24, $0x7;
	v24 =	vor.u32 v2, v25  }
0x79: {  	[tilespmem:v30+s19+$0x0] =	vst.idx.add.f32.msk $0xffff, v22;
	v19 =	vadd.f32 v19, v57  }
0x7a: {  	v22 =	vmul.f32 v17, v9;
	v30 =	vor.u32 v0, v18;
	v26 =	vld.idx.msk [tilespmem:v26+s3+$0x0], $0xffff  }
0x7b: {  	v58 =	vor.u32 v1, v28;
	v36 =	vld.idx.msk [tilespmem:v29+s16+$0x0], $0xffff;
	v19 =	vmax.f32 v19, $0.0e+00  }
0x7c: {  	[tilespmem:v33+s19+$0x0] =	vst.idx.add.f32.msk $0xffff, v19;
	v19 =	vadd.f32 v22, v34  }
0x7d: {  	v59 =	vmul.f32 v20, v12;
	v60 =	vor.u32 v3, v21;
	v24 =	vld.idx.msk [tilespmem:v24+s3+$0x0], $0xffff  }
0x7e: {  	v22 =	vld.idx.msk [tilespmem:v29+s15+$0x0], $0xffff;
	v19 =	vmax.f32 v19, $0.0e+00  }
0x7f: {  	v37 =	vor.u32 v4, v31;
	[tilespmem:v30+s19+$0x0] =	vst.idx.add.f32.msk $0xffff, v19;
	v30 =	vadd.f32 v26, v59  }
0x80: {  	v62 =	vmul.f32 v27, v11;
	v38 =	vor.u32 v2, v23;
	p2 =	sgt.s32 s22, $0x4;
	v49 =	vmul.f32 v20, v13;
	v61 =	vld.idx.msk [tilespmem:v58+s3+$0x0], $0xffff  }
.Ltmp5:
0x81: {  	v48 =	vor.u32 v4, v21;
	v50 =	vor.u32 v2, v28;
	v30 =	vmax.f32 v30, $0.0e+00;
	(pc) =	sbr.rel @!p2 .LBB2_12-.Ltmp5, $4  }
0x82: {  	v63 =	vmul.f32 v17, v10;
	v24 =	vadd.f32 v24, v62;
	[tilespmem:v60+s19+$0x0] =	vst.idx.add.f32.msk $0xffff, v30  }
0x83: {  	v47 =	vor.u32 v1, v18;
	v26 =	vor.u32 v5, v28;
	v19 =	vshll.u32 v36, $0x7;
	v30 =	vld.idx.msk [tilespmem:v29+s17+$0x0], $0xffff  }
0x84: {  	v32 =	vor.u32 v0, v19;
	v22 =	vshll.u32 v22, $0x7;
	v43 =	vld.idx.msk [tilespmem:v37+s3+$0x0], $0xffff;
	v24 =	vmax.f32 v24, $0.0e+00  }
0x85: {  	p0 =	por $0x1, $0x1;
	s23 =	simm.s32 $0x4;
	v51 =	vor.u32 v0, v22;
	[tilespmem:v38+s19+$0x0] =	vst.idx.add.f32.msk $0xffff, v24;
	v52 =	vadd.f32 v61, v63  }
0x86: {  	_ =	sdelay $0x1  }
0x87: {  	s24 =	simm.s32 $0x5;
	v38 =	vor.u32 v3, v25  }
0x88: {  	v29 =	vmov s24  }
0x89: {  	v24 =	vld.idx.msk [tilespmem:v51+s3+$0x0], $0xffff;
	v34 =	vmax.f32 v52, $0.0e+00  }
0x8a: {  	[tilespmem:v47+s19+$0x0] =	vst.idx.add.f32.msk $0xffff, v34  }
0x8b: {  	v36 =	vadd.f32 v43, v49;
	v34 =	vld.idx.msk [tilespmem:v50+s3+$0x0], $0xffff  }
0x8c: {  	v33 =	vmov s23;
	v54 =	vmul.f32 v30, v9;
	v38 =	vld.idx.msk [tilespmem:v38+s3+$0x0], $0xffff  }
0x8d: {  	v56 =	vor.u32 v1, v22;
	v33 =	vand.u32 $0xFFFFFFFE, v33;
	v36 =	vmax.f32 v36, $0.0e+00;
	v55 =	vld.idx.msk [tilespmem:v29+s15+$0x0], $0xffff  }
0x8e: {  	v37 =	vbroadcast v33, $0x0;
	v24 =	vadd.f32 v54, v24;
	[tilespmem:v48+s19+$0x0] =	vst.idx.add.f32.msk $0xffff, v36  }
0x8f: {  	v33 =	vld.idx.msk [tilespmem:v29+s17+$0x0], $0xffff  }
0x90: {  	v57 =	vmul.f32 v17, v11;
	v39 =	vor.u32 v2, v18;
	v35 =	vld.idx.msk [tilespmem:v35+s3+$0x0], $0xffff;
	v24 =	vmax.f32 v24, $0.0e+00  }
0x91: {  	v42 =	vor.u32 v3, v28;
	v61 =	vmul.f32 v27, v12;
	[tilespmem:v32+s19+$0x0] =	vst.idx.add.f32.msk $0xffff, v24  }
0x92: {  	v44 =	vor.u32 v3, v23;
	v32 =	vadd.f32 v34, v57;
	v58 =	vld.idx.msk [tilespmem:v56+s3+$0x0], $0xffff;
	v24 =	vshll.u32 v55, $0x7  }
0x93: {  	v41 =	vmul.f32 v20, v14;
	v29 =	vld.idx.msk [tilespmem:v29+s16+$0x0], $0xffff;
	v59 =	vor.u32 v0, v24  }
0x94: {  	v60 =	vor.u32 v5, v21;
	v40 =	vld.idx.msk [tilespmem:v37+s16+$0x0], $0xffff;
	v32 =	vmax.f32 v32, $0.0e+00;
	v62 =	vadd.f32 v38, v61  }
0x95: {  	v46 =	vor.u32 v1, v19;
	v45 =	vmul.f32 v30, v10;
	[tilespmem:v39+s19+$0x0] =	vst.idx.add.f32.msk $0xffff, v32  }
0x96: {  	v47 =	vor.u32 v6, v31;
	v35 =	vadd.f32 v35, v41;
	v63 =	vld.idx.msk [tilespmem:v42+s3+$0x0], $0xffff;
	v32 =	vmax.f32 v62, $0.0e+00  }
0x97: {  	v48 =	vor.u32 v4, v25;
	[tilespmem:v44+s19+$0x0] =	vst.idx.add.f32.msk $0xffff, v32;
	v34 =	vadd.f32 v58, v45  }
0x98: {  	v35 =	vmax.f32 v35, $0.0e+00;
	v36 =	vld.idx.msk [tilespmem:v59+s3+$0x0], $0xffff  }
0x99: {  	v49 =	vor.u32 v2, v22;
	v39 =	vshll.u32 v29, $0x7;
	[tilespmem:v60+s19+$0x0] =	vst.idx.add.f32.msk $0xffff, v35;
	v29 =	vmax.f32 v34, $0.0e+00  }
0x9a: {  	v53 =	vor.u32 v3, v18;
	[tilespmem:v46+s19+$0x0] =	vst.idx.add.f32.msk $0xffff, v29;
	v29 =	vmul.f32 v17, v12  }
0x9b: {  	v50 =	vmul.f32 v33, v9;
	v51 =	vor.u32 v0, v39;
	v41 =	vld.idx.msk [tilespmem:v47+s3+$0x0], $0xffff  }
0x9c: {  	v52 =	vor.u32 v1, v24;
	v43 =	vld.idx.msk [tilespmem:v48+s3+$0x0], $0xffff;
	v29 =	vadd.f32 v63, v29  }
0x9d: {  	v54 =	vld.idx.msk [tilespmem:v37+s15+$0x0], $0xffff;
	v57 =	vor.u32 v6, v21;
	v55 =	vor.u32 v4, v28;
	v34 =	vadd.f32 v50, v36  }
0x9e: {  	v56 =	vmul.f32 v20, v15;
	v61 =	vor.u32 v5, v25;
	v45 =	vld.idx.msk [tilespmem:v49+s3+$0x0], $0xffff;
	v29 =	vmax.f32 v29, $0.0e+00  }
0x9f: {  	v58 =	vmul.f32 v27, v13;
	v59 =	vor.u32 v4, v23;
	[tilespmem:v53+s19+$0x0] =	vst.idx.add.f32.msk $0xffff, v29;
	v34 =	vmax.f32 v34, $0.0e+00  }
0xa0: {  	v42 =	vor.u32 v5, v24;
	v32 =	vadd.f32 v41, v56;
	[tilespmem:v51+s19+$0x0] =	vst.idx.add.f32.msk $0xffff, v34  }
0xa1: {  	v62 =	vmul.f32 v30, v11;
	v48 =	vor.u32 v4, v18;
	v29 =	vadd.f32 v43, v58;
	v60 =	vld.idx.msk [tilespmem:v52+s3+$0x0], $0xffff  }
0xa2: {  	p2 =	sgt.s32 s22, $0x6;
	v63 =	vor.u32 v2, v19;
	v36 =	vor.u32 v7, v31;
	v43 =	vld.idx.msk [tilespmem:v55+s3+$0x0], $0xffff;
	v41 =	vmax.f32 v32, $0.0e+00  }
.Ltmp6:
0xa3: {  	v53 =	vshll.u32 v54, $0x7;
	v31 =	vmul.f32 v33, v10;
	v29 =	vmax.f32 v29, $0.0e+00;
	[tilespmem:v57+s19+$0x0] =	vst.idx.add.f32.msk $0xffff, v41;
	(pc) =	sbr.rel @!p2 .LBB2_14-.Ltmp6, $4  }
0xa4: {  	v35 =	vadd.f32 v45, v62;
	[tilespmem:v59+s19+$0x0] =	vst.idx.add.f32.msk $0xffff, v29;
	v51 =	vor.u32 v0, v53  }
0xa5: {  	v47 =	vor.u32 v1, v39;
	v49 =	vmul.f32 v17, v13;
	v50 =	vor.u32 v2, v24;
	v29 =	vld.idx.msk [tilespmem:v37+s17+$0x0], $0xffff  }
0xa6: {  	v34 =	vshll.u32 v40, $0x7;
	v44 =	vld.idx.msk [tilespmem:v61+s3+$0x0], $0xffff;
	v52 =	vadd.f32 v60, v31;
	v31 =	vmax.f32 v35, $0.0e+00  }
0xa7: {  	s23 =	simm.s32 $0x6;
	p1 =	por $0x1, $0x1;
	v45 =	vor.u32 v5, v23;
	v32 =	vor.u32 v0, v34;
	[tilespmem:v63+s19+$0x0] =	vst.idx.add.f32.msk $0xffff, v31  }
.LBB2_15:
0xa8: {  	v31 =	vmov s23;
	s24 =	sadd.s32 $0x1, s23;
	s23 =	sadd.s32 $0x2, s23;
	v35 =	vadd.f32 v43, v49;
	v37 =	vmul.f32 v27, v14;
	v36 =	vld.idx.msk [tilespmem:v36+s3+$0x0], $0xffff  }
0xa9: {  	v41 =	vmax.f32 v52, $0.0e+00;
	v31 =	vand.u32 $0xFFFFFFFE, v31;
	v38 =	vmov s24;
	p2 =	slt.s32 s23, s22;
	v40 =	vld.idx.msk [tilespmem:v51+s3+$0x0], $0xffff  }
0xaa: {  	v31 =	vbroadcast v31, $0x0;
	[tilespmem:v47+s19+$0x0] =	vst.idx.add.f32.msk $0xffff, v41;
	v41 =	vor.u32 v6, v25  }
0xab: {  	v35 =	vmax.f32 v35, $0.0e+00;
	v37 =	vadd.f32 v44, v37;
	v43 =	vld.idx.msk [tilespmem:v50+s3+$0x0], $0xffff  }
0xac: {  	v44 =	vor.u32 v7, v21;
	[tilespmem:v48+s19+$0x0] =	vst.idx.add.f32.msk $0xffff, v35;
	v35 =	vmul.f32 v20, v16;
	v20 =	vmov v17  }
0xad: {  	v21 =	vmovc v18;
	v46 =	vmul.f32 v29, v9;
	v37 =	vmax.f32 v37, $0.0e+00;
	v17 =	vmovc v33;
	v47 =	vld.idx.msk [tilespmem:v26+s3+$0x0], $0xffff;
	v26 =	vmov v42  }
0xae: {  	v18 =	vmov v39;
	v33 =	vor.u32 v3, v22;
	[tilespmem:v45+s19+$0x0] =	vst.idx.add.f32.msk $0xffff, v37;
	v35 =	vadd.f32 v36, v35  }
0xaf: {  	v39 =	vmul.f32 v17, v11;
	v36 =	vadd.f32 v46, v40;
	v37 =	vor.u32 v1, v53;
	v40 =	vld.idx.msk [tilespmem:v41+s3+$0x0], $0xffff  }
0xb0: {  	v41 =	vld.idx.msk [tilespmem:v38+s15+$0x0], $0xffff;
	v35 =	vmax.f32 v35, $0.0e+00  }
0xb1: {  	v42 =	vmul.f32 v20, v14;
	v36 =	vmax.f32 v36, $0.0e+00;
	v39 =	vadd.f32 v43, v39;
	[tilespmem:v44+s19+$0x0] =	vst.idx.add.f32.msk $0xffff, v35  }
0xb2: {  	[tilespmem:v32+s19+$0x0] =	vst.idx.add.f32.msk $0xffff, v36  }
0xb3: {  	v43 =	vor.u32 v6, v23;
	v35 =	vadd.f32 v47, v42;
	v36 =	vmul.f32 v27, v15;
	v32 =	vld.idx.msk [tilespmem:v31+s16+$0x0], $0xffff  }
0xb4: {  	v45 =	vor.u32 v7, v25;
	v25 =	vmov v22;
	v22 =	vmov v53;
	v44 =	vld.idx.msk [tilespmem:v33+s3+$0x0], $0xffff  }
0xb5: {  	v46 =	vor.u32 v2, v18;
	v36 =	vadd.f32 v40, v36;
	v37 =	vld.idx.msk [tilespmem:v37+s3+$0x0], $0xffff  }
0xb6: {  	v47 =	vor.u32 v5, v21;
	v40 =	vshll.u32 v41, $0x7;
	v41 =	vor.u32 v3, v24;
	v33 =	vld.idx.msk [tilespmem:v38+s17+$0x0], $0xffff  }
0xb7: {  	v49 =	vmul.f32 v29, v10;
	v48 =	vor.u32 v0, v40;
	v36 =	vmax.f32 v36, $0.0e+00;
	v38 =	vld.idx.msk [tilespmem:v38+s16+$0x0], $0xffff  }
0xb8: {  	v50 =	vmul.f32 v30, v12;
	v42 =	vor.u32 v5, v40;
	[tilespmem:v43+s19+$0x0] =	vst.idx.add.f32.msk $0xffff, v36  }
0xb9: {  	v51 =	vor.u32 v7, v23;
	v23 =	vmovc v19;
	v36 =	vmax.f32 v39, $0.0e+00;
	v43 =	vor.u32 v3, v19;
	v45 =	vld.idx.msk [tilespmem:v45+s3+$0x0], $0xffff  }
0xba: {  	v52 =	vor.u32 v1, v34;
	v19 =	vmov v34;
	[tilespmem:v46+s19+$0x0] =	vst.idx.add.f32.msk $0xffff, v36;
	v36 =	vadd.f32 v44, v50  }
0xbb: {  	v34 =	vadd.f32 v37, v49;
	v44 =	vmul.f32 v27, v16;
	v37 =	vld.idx.msk [tilespmem:v41+s3+$0x0], $0xffff;
	v41 =	vor.u32 v6, v28  }
0xbc: {  	v35 =	vmax.f32 v35, $0.0e+00;
	v27 =	vmovc v30;
	v30 =	vmovc v29;
	v46 =	vld.idx.msk [tilespmem:v48+s3+$0x0], $0xffff;
	v36 =	vmax.f32 v36, $0.0e+00;
	v48 =	vor.u32 v4, v25  }
0xbd: {  	v39 =	vshll.u32 v38, $0x7;
	v29 =	vmax.f32 v34, $0.0e+00;
	v38 =	vmul.f32 v17, v12;
	[tilespmem:v47+s19+$0x0] =	vst.idx.add.f32.msk $0xffff, v35  }
0xbe: {  	v35 =	vmul.f32 v33, v9;
	v47 =	vor.u32 v0, v39;
	[tilespmem:v43+s19+$0x0] =	vst.idx.add.f32.msk $0xffff, v36  }
0xbf: {  	v34 =	vshll.u32 v32, $0x7;
	v36 =	vadd.f32 v45, v44;
	[tilespmem:v52+s19+$0x0] =	vst.idx.add.f32.msk $0xffff, v29;
	v29 =	vor.u32 v2, v22  }
0xc0: {  	v32 =	vor.u32 v0, v34;
	v41 =	vld.idx.msk [tilespmem:v41+s3+$0x0], $0xffff  }
0xc1: {  	v43 =	vor.u32 v1, v40;
	v37 =	vadd.f32 v37, v38;
	v36 =	vmax.f32 v36, $0.0e+00;
	v38 =	vld.idx.msk [tilespmem:v48+s3+$0x0], $0xffff  }
0xc2: {  	v44 =	vor.u32 v3, v18;
	v35 =	vadd.f32 v35, v46;
	[tilespmem:v51+s19+$0x0] =	vst.idx.add.f32.msk $0xffff, v36  }
0xc3: {  	v46 =	vor.u32 v4, v24;
	v45 =	vld.idx.msk [tilespmem:v31+s15+$0x0], $0xffff  }
0xc4: {  	v48 =	vor.u32 v6, v21;
	v36 =	vmul.f32 v20, v15;
	v35 =	vmax.f32 v35, $0.0e+00;
	v29 =	vld.idx.msk [tilespmem:v29+s3+$0x0], $0xffff  }
0xc5: {  	[tilespmem:v47+s19+$0x0] =	vst.idx.add.f32.msk $0xffff, v35;
	v35 =	vmul.f32 v27, v13;
	v47 =	vor.u32 v4, v23  }
0xc6: {  	v52 =	vor.u32 v5, v25;
	v37 =	vmax.f32 v37, $0.0e+00;
	v41 =	vadd.f32 v41, v36;
	v50 =	vld.idx.msk [tilespmem:v43+s3+$0x0], $0xffff  }
0xc7: {  	v36 =	vor.u32 v7, v28;
	v28 =	vmov v24;
	[tilespmem:v44+s19+$0x0] =	vst.idx.add.f32.msk $0xffff, v37;
	v35 =	vadd.f32 v38, v35  }
0xc8: {  	v24 =	vmovc v40;
	v37 =	vmul.f32 v30, v11;
	v38 =	vor.u32 v2, v19;
	v41 =	vmax.f32 v41, $0.0e+00;
	v43 =	vld.idx.msk [tilespmem:v46+s3+$0x0], $0xffff  }
.Ltmp7:
0xc9: {  	v40 =	vmul.f32 v33, v10;
	v53 =	vshll.u32 v45, $0x7;
	v35 =	vmax.f32 v35, $0.0e+00;
	[tilespmem:v48+s19+$0x0] =	vst.idx.add.f32.msk $0xffff, v41;
	(pc) =	sbr.rel @p2 .LBB2_15-.Ltmp7, $4  }
0xca: {  	v51 =	vor.u32 v0, v53;
	v37 =	vadd.f32 v29, v37;
	[tilespmem:v47+s19+$0x0] =	vst.idx.add.f32.msk $0xffff, v35  }
0xcb: {  	v49 =	vmul.f32 v17, v13;
	v47 =	vor.u32 v1, v39;
	v44 =	vld.idx.msk [tilespmem:v52+s3+$0x0], $0xffff  }
0xcc: {  	v52 =	vadd.f32 v50, v40;
	v50 =	vor.u32 v2, v24;
	v29 =	vld.idx.msk [tilespmem:v31+s17+$0x0], $0xffff;
	v31 =	vmax.f32 v37, $0.0e+00  }
0xcd: {  	v45 =	vor.u32 v5, v23;
	v48 =	vor.u32 v4, v18;
	[tilespmem:v38+s19+$0x0] =	vst.idx.add.f32.msk $0xffff, v31  }
0xce: {  	v46 =	vmov v25;
	v41 =	vmov v20  }
0xcf: {  	v38 =	vmovc v21;
	v40 =	vmovc v23;
	v37 =	vmov v27;
	v20 =	vmov v17;
	v35 =	vmov v26  }
0xd0: {  	v21 =	vmovc v18;
	v25 =	vmovc v22;
	v23 =	vmov v19;
	v17 =	vmov v33;
	v26 =	vmov v42  }
0xd1: {  	v18 =	vmovc v39;
	v22 =	vmovc v53;
	v27 =	vmov v30;
	v19 =	vmov v34;
	v31 =	vmov v28  }
.LBB2_17:
0xd2: {  	_ =	sdelay $0x3  }
0xd3: {  	v28 =	vld.idx.msk [tilespmem:v51+s3+$0x0], $0xffff;
	_ =	sdelay $0x2  }
0xd4: {  	v30 =	vmul.f32 v29, v9  }
0xd5: {  	v33 =	vor.u32 v1, v22  }
0xd6: {  	v28 =	vadd.f32 v30, v28;
	_ =	sdelay $0x1  }
0xd7: {  	v28 =	vmax.f32 v28, $0.0e+00  }
0xd8: {  	[tilespmem:v32+s19+$0x0] =	vst.idx.add.f32.msk $0xffff, v28  }
0xd9: {  	v59 =	vmax.f32 v52, $0.0e+00;
	v28 =	vld.idx.msk [tilespmem:v33+s3+$0x0], $0xffff  }
0xda: {  	[tilespmem:v47+s19+$0x0] =	vst.idx.add.f32.msk $0xffff, v59  }
0xdb: {  	v34 =	vld.idx.msk [tilespmem:v50+s3+$0x0], $0xffff;
	v32 =	vor.u32 @p0 v3, v25  }
0xdc: {  	v60 =	vmul.f32 v29, v10;
	v61 =	vor.u32 v1, v19  }
0xdd: {  	v62 =	vor.u32 v2, v22  }
0xde: {  	v39 =	vmul.f32 v17, v11;
	v42 =	vor.u32 v2, v18;
	v28 =	vadd.f32 v28, v60;
	_ =	sdelay $0x1  }
0xdf: {  	v63 =	vor.u32 v3, v24;
	v47 =	vadd.f32 v34, v39;
	v32 =	vld.idx.msk @p0 [tilespmem:v32+s3+$0x0], $0xffff;
	v28 =	vmax.f32 v28, $0.0e+00  }
0xe0: {  	[tilespmem:v61+s19+$0x0] =	vst.idx.add.f32.msk $0xffff, v28  }
0xe1: {  	v33 =	vmax.f32 v47, $0.0e+00;
	v30 =	vld.idx.msk [tilespmem:v62+s3+$0x0], $0xffff  }
0xe2: {  	v47 =	vor.u32 @p0 v3, v23;
	[tilespmem:v42+s19+$0x0] =	vst.idx.add.f32.msk $0xffff, v33;
	v42 =	vmul.f32 @p0 v27, v12  }
0xe3: {  	v34 =	vor.u32 @p0 v4, v25  }
0xe4: {  	v51 =	vor.u32 v2, v19;
	v50 =	vmul.f32 v29, v11;
	v28 =	vld.idx.msk [tilespmem:v63+s3+$0x0], $0xffff;
	v32 =	vadd.f32 @p0 v32, v42  }
0xe5: {  	v52 =	vor.u32 v3, v22  }
0xe6: {  	v32 =	vmax.f32 @p0 v32, $0.0e+00;
	v30 =	vadd.f32 v30, v50  }
0xe7: {  	v53 =	vmul.f32 v17, v12;
	v54 =	vor.u32 v3, v18;
	[tilespmem:v47+s19+$0x0] =	vst.idx.add.f32.msk @p0 $0xffff, v32  }
0xe8: {  	v55 =	vor.u32 v4, v24;
	v32 =	vld.idx.msk @p0 [tilespmem:v34+s3+$0x0], $0xffff;
	v30 =	vmax.f32 v30, $0.0e+00  }
0xe9: {  	v28 =	vadd.f32 v28, v53;
	[tilespmem:v51+s19+$0x0] =	vst.idx.add.f32.msk $0xffff, v30  }
0xea: {  	v42 =	vadd.f32 @p0 v43, v49;
	v33 =	vld.idx.msk [tilespmem:v52+s3+$0x0], $0xffff  }
0xeb: {  	v28 =	vmax.f32 v28, $0.0e+00  }
0xec: {  	v39 =	vmul.f32 @p0 v27, v13;
	[tilespmem:v54+s19+$0x0] =	vst.idx.add.f32.msk $0xffff, v28;
	v30 =	vmax.f32 @p0 v42, $0.0e+00;
	v42 =	vor.u32 @p0 v4, v23  }
0xed: {  	v56 =	vmul.f32 v29, v12;
	v57 =	vor.u32 v3, v19;
	v43 =	vld.idx.msk [tilespmem:v55+s3+$0x0], $0xffff  }
0xee: {  	v58 =	vor.u32 v4, v22;
	[tilespmem:v48+s19+$0x0] =	vst.idx.add.f32.msk @p0 $0xffff, v30;
	v32 =	vadd.f32 @p0 v32, v39  }
0xef: {  	v30 =	vadd.f32 v33, v56;
	v33 =	vld.idx.msk @p0 [tilespmem:v35+s3+$0x0], $0xffff;
	v35 =	vor.u32 @p0 v5, v25  }
0xf0: {  	v59 =	vmul.f32 v17, v13;
	v32 =	vmax.f32 @p0 v32, $0.0e+00  }
0xf1: {  	v60 =	vor.u32 v4, v18;
	v39 =	vmul.f32 @p1 v37, v14;
	[tilespmem:v42+s19+$0x0] =	vst.idx.add.f32.msk @p0 $0xffff, v32;
	v30 =	vmax.f32 v30, $0.0e+00  }
0xf2: {  	v27 =	vpsel p0, v27, v0;
	v61 =	vmul.f32 v29, v13;
	[tilespmem:v57+s19+$0x0] =	vst.idx.add.f32.msk $0xffff, v30  }
0xf3: {  	v39 =	vadd.f32 @p1 v44, v39;
	v44 =	vmul.f32 @p0 v20, v14;
	v30 =	vadd.f32 v43, v59;
	v28 =	vld.idx.msk [tilespmem:v58+s3+$0x0], $0xffff  }
0xf4: {  	v63 =	vor.u32 v5, v22;
	v62 =	vor.u32 v4, v19;
	v32 =	vor.u32 @p1 v6, v46;
	v35 =	vld.idx.msk @p0 [tilespmem:v35+s3+$0x0], $0xffff  }
0xf5: {  	v34 =	vld.idx.msk @p1 [tilespmem:v36+s3+$0x0], $0xffff;
	v33 =	vadd.f32 @p0 v33, v44;
	v30 =	vmax.f32 v30, $0.0e+00;
	v44 =	vor.u32 @p0 v5, v21  }
0xf6: {  	v49 =	vor.u32 v5, v18;
	v36 =	vor.u32 @p0 v5, v23;
	[tilespmem:v60+s19+$0x0] =	vst.idx.add.f32.msk $0xffff, v30  }
0xf7: {  	v36 =	vpsel p0, v36, v0;
	v48 =	vmul.f32 v17, v14;
	v39 =	vmax.f32 @p1 v39, $0.0e+00;
	v26 =	vld.idx.msk [tilespmem:v26+s3+$0x0], $0xffff  }
0xf8: {  	[tilespmem:v45+s19+$0x0] =	vst.idx.add.f32.msk @p1 $0xffff, v39;
	v45 =	vmul.f32 @p0 v27, v14;
	v28 =	vadd.f32 v28, v61  }
0xf9: {  	v39 =	vor.u32 @p0 v6, v31;
	v32 =	vld.idx.msk @p1 [tilespmem:v32+s3+$0x0], $0xffff;
	v33 =	vmax.f32 @p0 v33, $0.0e+00;
	v35 =	vpsel p0, v35, v0  }
0xfa: {  	v25 =	vpsel p0, v25, v0;
	[tilespmem:v44+s19+$0x0] =	vst.idx.add.f32.msk @p0 $0xffff, v33;
	v28 =	vmax.f32 v28, $0.0e+00;
	v35 =	vadd.f32 @p0 v35, v45  }
0xfb: {  	v45 =	vor.u32 @p0 v6, v25;
	[tilespmem:v62+s19+$0x0] =	vst.idx.add.f32.msk $0xffff, v28  }
0xfc: {  	v50 =	vor.u32 v6, v24;
	v26 =	vadd.f32 v26, v48;
	v30 =	vld.idx.msk [tilespmem:v63+s3+$0x0], $0xffff;
	v33 =	vmax.f32 @p0 v35, $0.0e+00  }
0xfd: {  	v42 =	vmul.f32 @p1 v37, v15;
	v28 =	vor.u32 @p1 v6, v40;
	[tilespmem:v36+s19+$0x0] =	vst.idx.add.f32.msk @p0 $0xffff, v33  }
0xfe: {  	v51 =	vor.u32 v5, v19;
	v36 =	vld.idx.msk @p0 [tilespmem:v39+s3+$0x0], $0xffff;
	v26 =	vmax.f32 v26, $0.0e+00  }
0xff: {  	v52 =	vmul.f32 v29, v14;
	v32 =	vadd.f32 @p1 v32, v42;
	[tilespmem:v49+s19+$0x0] =	vst.idx.add.f32.msk $0xffff, v26  }
0x100: {  	v53 =	vor.u32 v6, v22;
	v23 =	vpsel p0, v23, v0;
	v43 =	vor.u32 @p1 v7, v46;
	v45 =	vld.idx.msk @p0 [tilespmem:v45+s3+$0x0], $0xffff  }
0x101: {  	v42 =	vmul.f32 @p0 v20, v15;
	v32 =	vmax.f32 @p1 v32, $0.0e+00;
	v54 =	vld.idx.msk [tilespmem:v50+s3+$0x0], $0xffff;
	v30 =	vadd.f32 v30, v52  }
0x102: {  	[tilespmem:v28+s19+$0x0] =	vst.idx.add.f32.msk @p1 $0xffff, v32;
	v28 =	vor.u32 @p0 v7, v31;
	v31 =	vor.u32 @p0 v6, v21  }
0x103: {  	v26 =	vmul.f32 @p0 v27, v15;
	v28 =	vpsel p0, v28, v0;
	v30 =	vmax.f32 v30, $0.0e+00  }
0x104: {  	v33 =	vadd.f32 @p0 v36, v42;
	v36 =	vor.u32 @p0 v6, v23;
	[tilespmem:v51+s19+$0x0] =	vst.idx.add.f32.msk $0xffff, v30  }
0x105: {  	v55 =	vmul.f32 v17, v15;
	v56 =	vor.u32 v6, v18;
	v30 =	vld.idx.msk [tilespmem:v53+s3+$0x0], $0xffff  }
0x106: {  	v25 =	vor.u32 @p0 v7, v25;
	v35 =	vld.idx.msk @p1 [tilespmem:v43+s3+$0x0], $0xffff;
	v26 =	vadd.f32 @p0 v45, v26;
	v33 =	vmax.f32 @p0 v33, $0.0e+00  }
0x107: {  	v57 =	vor.u32 v7, v24;
	v58 =	vadd.f32 v54, v55;
	[tilespmem:v31+s19+$0x0] =	vst.idx.add.f32.msk @p0 $0xffff, v33  }
0x108: {  	v59 =	vmul.f32 v29, v15;
	v60 =	vor.u32 v6, v19;
	v26 =	vmax.f32 @p0 v26, $0.0e+00;
	v28 =	vld.idx.msk @p0 [tilespmem:v28+s3+$0x0], $0xffff  }
0x109: {  	v61 =	vor.u32 v7, v22;
	v31 =	vmax.f32 v58, $0.0e+00;
	[tilespmem:v36+s19+$0x0] =	vst.idx.add.f32.msk @p0 $0xffff, v26  }
0x10a: {  	v41 =	vmul.f32 @p1 v41, v16;
	[tilespmem:v56+s19+$0x0] =	vst.idx.add.f32.msk $0xffff, v31;
	v30 =	vadd.f32 v30, v59  }
0x10b: {  	v38 =	vor.u32 @p1 v7, v38;
	v17 =	vmul.f32 v17, v16;
	v18 =	vor.u32 v7, v18;
	v25 =	vld.idx.msk @p0 [tilespmem:v25+s3+$0x0], $0xffff  }
0x10c: {  	v26 =	vmul.f32 @p1 v37, v16;
	v31 =	vor.u32 @p1 v7, v40;
	v24 =	vld.idx.msk [tilespmem:v57+s3+$0x0], $0xffff;
	v30 =	vmax.f32 v30, $0.0e+00  }
0x10d: {  	v20 =	vpsel p0, v20, v0;
	v21 =	vpsel p0, v21, v0;
	[tilespmem:v60+s19+$0x0] =	vst.idx.add.f32.msk $0xffff, v30  }
0x10e: {  	v20 =	vmul.f32 @p0 v20, v16;
	v21 =	vor.u32 @p0 v7, v21;
	v26 =	vadd.f32 @p1 v35, v26;
	v22 =	vld.idx.msk [tilespmem:v61+s3+$0x0], $0xffff  }
0x10f: {  	v27 =	vmul.f32 @p0 v27, v16;
	v32 =	vadd.f32 @p1 v34, v41;
	v23 =	vor.u32 @p0 v7, v23  }
0x110: {  	v19 =	vor.u32 v7, v19;
	v26 =	vmax.f32 @p1 v26, $0.0e+00;
	v20 =	vadd.f32 @p0 v28, v20  }
0x111: {  	v62 =	vmul.f32 v29, v16;
	[tilespmem:v31+s19+$0x0] =	vst.idx.add.f32.msk @p1 $0xffff, v26;
	v30 =	vmax.f32 @p1 v32, $0.0e+00;
	v25 =	vadd.f32 @p0 v25, v27  }
0x112: {  	v20 =	vmax.f32 @p0 v20, $0.0e+00;
	v17 =	vadd.f32 v24, v17;
	[tilespmem:v38+s19+$0x0] =	vst.idx.add.f32.msk @p1 $0xffff, v30  }
0x113: {  	[tilespmem:v21+s19+$0x0] =	vst.idx.add.f32.msk @p0 $0xffff, v20;
	v20 =	vmax.f32 @p0 v25, $0.0e+00;
	v63 =	vadd.f32 v22, v62  }
0x114: {  	v17 =	vmax.f32 v17, $0.0e+00;
	[tilespmem:v23+s19+$0x0] =	vst.idx.add.f32.msk @p0 $0xffff, v20  }
0x115: {  	[tilespmem:v18+s19+$0x0] =	vst.idx.add.f32.msk $0xffff, v17;
	v17 =	vmax.f32 v63, $0.0e+00  }
0x116: {  	[tilespmem:v19+s19+$0x0] =	vst.idx.add.f32.msk $0xffff, v17  }
.LBB2_6:
0x117: {  	p0 =	sge.s32 s22, s21  }
.Ltmp8:
0x118: {  	_ = 	snop;
	(pc) =	sbr.rel @p0 .LBB2_9-.Ltmp8, $1  }
0x119: {  	_ =	sdelay $0x3  }
0x11a: {  	s22 =	ssub.s32 s21, s22  }
0x11b: {  	s22 =	ssub.s32 $0x0, s22  }
.LBB2_8:
0x11c: {  	s23 =	sadd.s32 s22, s21  }
0x11d: {  	v17 =	vmov s23;
	_ =	sdelay $0x4  }
0x11e: {  	v18 =	vld.idx.msk [tilespmem:v17+s15+$0x0], $0xffff;
	_ =	sdelay $0x4  }
0x11f: {  	v18 =	vshll.u32 v18, $0x7  }
0x120: {  	v19 =	vor.u32 v0, v18;
	_ =	sdelay $0x1  }
0x121: {  	v20 =	vld.idx.msk [tilespmem:v17+s16+$0x0], $0xffff  }
0x122: {  	v17 =	vld.idx.msk [tilespmem:v17+s17+$0x0], $0xffff;
	_ =	sdelay $0x1  }
0x123: {  	v19 =	vld.idx.msk [tilespmem:v19+s3+$0x0], $0xffff;
	_ =	sdelay $0x1  }
0x124: {  	v20 =	vshll.u32 v20, $0x7  }
0x125: {  	v21 =	vmul.f32 v17, v9;
	v22 =	vor.u32 v0, v20  }
0x126: {  	v23 =	vor.u32 v1, v18  }
0x127: {  	v19 =	vadd.f32 v21, v19;
	_ =	sdelay $0x1  }
0x128: {  	v19 =	vmax.f32 v19, $0.0e+00  }
0x129: {  	[tilespmem:v22+s19+$0x0] =	vst.idx.add.f32.msk $0xffff, v19  }
0x12a: {  	v19 =	vld.idx.msk [tilespmem:v23+s3+$0x0], $0xffff;
	_ =	sdelay $0x2  }
0x12b: {  	v47 =	vmul.f32 v17, v10;
	v48 =	vor.u32 v1, v20  }
0x12c: {  	v49 =	vor.u32 v2, v18  }
0x12d: {  	v19 =	vadd.f32 v19, v47;
	_ =	sdelay $0x1  }
0x12e: {  	v19 =	vmax.f32 v19, $0.0e+00  }
0x12f: {  	[tilespmem:v48+s19+$0x0] =	vst.idx.add.f32.msk $0xffff, v19  }
0x130: {  	v19 =	vld.idx.msk [tilespmem:v49+s3+$0x0], $0xffff;
	_ =	sdelay $0x2  }
0x131: {  	v50 =	vmul.f32 v17, v11;
	v51 =	vor.u32 v2, v20  }
0x132: {  	v52 =	vor.u32 v3, v18  }
0x133: {  	v19 =	vadd.f32 v19, v50;
	_ =	sdelay $0x1  }
0x134: {  	v19 =	vmax.f32 v19, $0.0e+00  }
0x135: {  	[tilespmem:v51+s19+$0x0] =	vst.idx.add.f32.msk $0xffff, v19  }
0x136: {  	v19 =	vld.idx.msk [tilespmem:v52+s3+$0x0], $0xffff;
	_ =	sdelay $0x2  }
0x137: {  	v53 =	vmul.f32 v17, v12;
	v54 =	vor.u32 v3, v20  }
0x138: {  	v55 =	vor.u32 v4, v18  }
0x139: {  	v19 =	vadd.f32 v19, v53;
	_ =	sdelay $0x1  }
0x13a: {  	v19 =	vmax.f32 v19, $0.0e+00  }
0x13b: {  	[tilespmem:v54+s19+$0x0] =	vst.idx.add.f32.msk $0xffff, v19  }
0x13c: {  	v19 =	vld.idx.msk [tilespmem:v55+s3+$0x0], $0xffff;
	_ =	sdelay $0x2  }
0x13d: {  	v56 =	vmul.f32 v17, v13;
	v57 =	vor.u32 v4, v20  }
0x13e: {  	v58 =	vor.u32 v5, v18  }
0x13f: {  	v19 =	vadd.f32 v19, v56;
	_ =	sdelay $0x1  }
0x140: {  	v19 =	vmax.f32 v19, $0.0e+00  }
0x141: {  	[tilespmem:v57+s19+$0x0] =	vst.idx.add.f32.msk $0xffff, v19  }
0x142: {  	v19 =	vld.idx.msk [tilespmem:v58+s3+$0x0], $0xffff;
	_ =	sdelay $0x2  }
0x143: {  	v59 =	vmul.f32 v17, v14;
	v60 =	vor.u32 v5, v20  }
0x144: {  	v61 =	vor.u32 v6, v18  }
0x145: {  	v19 =	vadd.f32 v19, v59;
	_ =	sdelay $0x1  }
0x146: {  	v19 =	vmax.f32 v19, $0.0e+00  }
0x147: {  	[tilespmem:v60+s19+$0x0] =	vst.idx.add.f32.msk $0xffff, v19  }
0x148: {  	v19 =	vld.idx.msk [tilespmem:v61+s3+$0x0], $0xffff;
	_ =	sdelay $0x2  }
0x149: {  	v62 =	vmul.f32 v17, v15;
	v63 =	vor.u32 v6, v20  }
0x14a: {  	v18 =	vor.u32 v7, v18  }
0x14b: {  	v19 =	vadd.f32 v19, v62;
	_ =	sdelay $0x1  }
0x14c: {  	v19 =	vmax.f32 v19, $0.0e+00  }
0x14d: {  	[tilespmem:v63+s19+$0x0] =	vst.idx.add.f32.msk $0xffff, v19  }
0x14e: {  	v18 =	vld.idx.msk [tilespmem:v18+s3+$0x0], $0xffff;
	_ =	sdelay $0x1  }
0x14f: {  	s22 =	sadd.s32 $0x1, s22  }
0x150: {  	p0 =	seq.s32 s22, $0x0;
	v17 =	vmul.f32 v17, v16;
	v19 =	vor.u32 v7, v20  }
.Ltmp9:
0x151: {  	_ = 	snop;
	(pc) =	sbr.rel @!p0 .LBB2_8-.Ltmp9, $3  }
0x152: {  	v17 =	vadd.f32 v18, v17;
	_ =	sdelay $0x1  }
0x153: {  	v17 =	vmax.f32 v17, $0.0e+00  }
0x154: {  	[tilespmem:v19+s19+$0x0] =	vst.idx.add.f32.msk $0xffff, v17  }
.Ltmp10:
0x155: {  	_ = 	snop;
	(pc) =	sbr.rel .LBB2_9-.Ltmp10, $1  }
0x156: {  	_ =	sdelay $0x3  }
.LBB2_5:
.Ltmp11:
0x157: {  	(pc) =	sbr.rel .LBB2_17-.Ltmp11, $3  }
0x158: {  	_ =	sdelay $0x1  }
0x159: {  	v29 =	vmov v27;
	v24 =	vmov v31  }
0x15a: {  	v17 =	vmovc v20;
	v26 =	vmovc v35;
	v18 =	vmov v21;
	v22 =	vmov v25;
	v19 =	vmov v23  }
.LBB2_12:
.Ltmp12:
0x15b: {  	(pc) =	sbr.rel .LBB2_17-.Ltmp12, $2  }
0x15c: {  	_ =	sdelay $0x2  }
0x15d: {  	v24 =	vmov v28;
	v29 =	vmov v30  }
.LBB2_14:
.Ltmp13:
0x15e: {  	(pc) =	sbr.rel .LBB2_17-.Ltmp13, $4  }
0x15f: {  	v46 =	vmov v25;
	v41 =	vmov v20  }
0x160: {  	v38 =	vmovc v21;
	v40 =	vmovc v23;
	v37 =	vmov v27;
	v20 =	vmov v17;
	v35 =	vmov v26  }
0x161: {  	v21 =	vmovc v18;
	v25 =	vmovc v22;
	v23 =	vmov v19;
	v17 =	vmov v33;
	v26 =	vmov v42  }
0x162: {  	v18 =	vmovc v39;
	v22 =	vmovc v53;
	v27 =	vmov v30;
	v19 =	vmov v34;
	v31 =	vmov v28  }
.LBB2_10:
0x163: {  	_ =	sfence.sel $0x180000  }
0x164: {  	[bflag:$0x0] =	sbarrier.arrive $0xFFFF  }
0x165: {  	p0 =	sne.s32 s0, $0x0;
	_ =	strace $0x9000004D  }
0x166: {  	s0 =	sadd.s32 @!p0 $0x100000, s1;
	[bflag:$0x2] =	sbarrier.arrive $0xFFFF  }
0x167: {  	[sflag:s0] =	ssyncadd.tile.s32 @!p0 $0x1;
	_ =	shalt  }
.Lfunc_end2:
_tile_overlayer_lowered:
.L_overlay_start_2:
0x168: {  	(tag) =	ssettag $0x2  }
0x169: {  	s0 =	rddreg [dreg:$0x0];
	s2 =	stileid.u32  }
0x16a: {  	s1 =	rddreg [dreg:$0x1];
	p0 =	sne.s32 s2, $0x0  }
0x16b: {  	s3 =	rddreg [dreg:$0x2];
	[bflag:$0x3] =	sbarrier.arrive $0xFFFF;
	s2 =	simm.s32 @!p0 $0x1C01  }
0x16c: {  	[timem:s3], [sflag:s2] =	dma.local @!p0 [hbm:s0], s1  }
0x16d: {  	s0 =	simm.s32 @!p0 $0x1  }
0x16e: {  	_ =	swait.ge @!p0 [sflag:s0], s1  }
0x16f: {  	s1 =	ssub.s32 @!p0 $0x0, s1;
	[sflag:s0] =	ssyncset.done @!p0 $0x0  }
0x170: {  	[sflag:s0] =	ssyncadd.s32 @!p0 s1  }
0x171: {  	[bflag:$0x3] =	sbarrier.arrive $0xFFFF  }
0x172: {  	_ =	shalt  }

// kernel: kernel.21.cloned.1.call-start
scs
__scs_entry_jumppad:
0x0: {  	(pc) =	sbr.rel $0x88, $3  }
0x1: {  	(tag) =	ssettag $0x0;
	lr =	simm.s32 $0x1  }
0x2: {  	[smem:$0x3F86] =	sst lr;
	_ =	strace $0xD0000000  }
0x3: {  	_ = 	snop  }
0x4: {  	_ = 	snop  }
0x5: {  	_ = 	snop  }
0x6: {  	_ = 	snop  }
0x7: {  	_ = 	snop  }
__scs_overlays_trampoline_lowered:
0x8: {  	[smem:$0x3F95] =	sst s0  }
0x9: {  	[smem:$0x3F96] =	sst s1  }
0xa: {  	[smem:$0x3F97] =	sst s2  }
0xb: {  	[smem:$0x3F98] =	sst s3  }
0xc: {  	[smem:$0x3F99] =	sst s4  }
0xd: {  	[smem:$0x3F9A] =	sst s5  }
0xe: {  	[smem:$0x3F9B] =	sst s6  }
0xf: {  	[smem:$0x3F9C] =	sst s7  }
0x10: {  	[smem:$0x3F9D] =	sst s8  }
0x11: {  	[smem:$0x3F9E] =	sst s9;
	s0 =	simm.s32 @!p0 $0x0  }
0x12: {  	s1 =	sld [smem:$0x3F84];
	s0 =	simm.s32 @p0 $0x1  }
0x13: {  	[smem:$0x3F9F] =	sst s0;
	s0 =	simm.s32 @!p1 $0x0  }
0x14: {  	s2 =	sld [smem:$0x3F83];
	s0 =	simm.s32 @p1 $0x1  }
0x15: {  	[smem:$0x3FA0] =	sst s0;
	s0 =	simm.s32 @!p2 $0x0  }
0x16: {  	s3 =	sld [smem:$0x3FDB];
	s0 =	simm.s32 @p2 $0x1  }
0x17: {  	s4 =	simm.s32 $0x1BF5;
	[smem:$0x3FA2] =	sst s0  }
0x18: {  	s0 =	sld [smem:$0x3F85];
	_ =	swait.ge [sflag:s4], $0x0  }
0x19: {  	s7 =	sld [smem:$0x3F86]  }
0x1a: {  	s8 =	sadd.s32 $0xFFFFE003, lr  }
0x1b: {  	s9 =	sadd.s32 $0xFFFFFEF7, lr;
	s5 =	simm.s32 $0xFFFFFFFF;
	p2 =	slt.u32 s8, $0xFFFFF086  }
0x1c: {  	p1 =	slt.u32 s9, $0xF7A;
	s5 =	simm.s32 @!p2 $0x0  }
0x1d: {  	s5 =	simm.s32 @p1 $0x1;
	p0 =	seq.s32 s7, s2  }
0x1e: {  	s7 =	smul.u32 @!p0 $0xF7A, s2;
	p2 =	seq.s32 @!p0 s5, $0x0  }
0x1f: {  	s9 =	smul.u32 $0xF7A, s1;
	s8 =	simm.s32 @!p0 $0x1BF5;
	p2 =	por !p2, p0  }
0x20: {  	[sflag:s8] =	ssyncset.s32 @!p0 $0xFFFFF086;
	s6 =	sadd.s32 @!p0 s3, s7;
	s7 =	simm.s32 @!p0 $0x108  }
0x21: {  	s3 =	sadd.s32 s3, s9;
	s6 =	sadd.s32 @!p0 $0x88, s6;
	s7 =	simm.s32 @p2 $0x1082  }
0x22: {  	[simem:s7], [sflag:s8] =	dma.local @!p0 [hbm:s6], $0xF7A  }
0x23: {  	s9 =	sor.u32 $0xD0000000, s2;
	s6 =	simm.s32 $0x108;
	_ =	swait.ge @!p0 [sflag:s8], $0x0  }
0x24: {  	s3 =	sadd.s32 $0x88, s3;
	s6 =	simm.s32 @!p1 $0x1082;
	[sflag:s4] =	ssyncset.s32 $0xFFFFF086  }
0x25: {  	[simem:s6], [sflag:s4] =	dma.local [hbm:s3], $0xF7A  }
0x26: {  	[smem:$0x3F86] =	sst s1;
	(tag) =	ssettag s2;
	_ =	strace s9  }
0x27: {  	s1 =	sld [smem:$0x3F96]  }
0x28: {  	s2 =	sld [smem:$0x3F97]  }
0x29: {  	s4 =	sld [smem:$0x3F99]  }
0x2a: {  	p0 =	seq.s32 s5, $0x0;
	s5 =	sld [smem:$0x3F9A]  }
0x2b: {  	s6 =	sld [smem:$0x3F9B]  }
0x2c: {  	s7 =	sld [smem:$0x3F9C]  }
0x2d: {  	s3 =	simm.s32 $0x108;
	s8 =	sld [smem:$0x3F9D]  }
0x2e: {  	s3 =	simm.s32 @!p0 $0x1082;
	s9 =	sld [smem:$0x3F9E]  }
0x2f: {  	lr =	sadd.s32 s0, s3;
	s0 =	sld [smem:$0x3F95]  }
0x30: {  	s3 =	sld [smem:$0x3F98]  }
0x31: {  	[smem:$0x3FA1] =	sst s10  }
0x32: {  	s10 =	sld [smem:$0x3F9F];
	_ =	sdelay $0x3  }
0x33: {  	p0 =	seq.s32 s10, $0x1;
	s10 =	sld [smem:$0x3FA1];
	_ =	sdelay $0x3  }
0x34: {  	[smem:$0x3FA1] =	sst s10  }
0x35: {  	s10 =	sld [smem:$0x3FA0];
	_ =	sdelay $0x3  }
0x36: {  	p1 =	seq.s32 s10, $0x1;
	s10 =	sld [smem:$0x3FA1];
	_ =	sdelay $0x3  }
0x37: {  	[smem:$0x3FA1] =	sst s10  }
0x38: {  	s10 =	sld [smem:$0x3FA2]  }
0x39: {  	_ = 	snop;
	(pc) =	sbr.ind lr, $3  }
0x3a: {  	_ = 	snop  }
0x3b: {  	_ = 	snop  }
0x3c: {  	p2 =	seq.s32 s10, $0x1;
	s10 =	sld [smem:$0x3FA1]  }
0x3d: {  	_ =	shalt  }
0x3e: {  	_ =	shalt  }
0x3f: {  	_ =	shalt  }
0x40: {  	_ =	shalt  }
0x41: {  	_ =	shalt  }
0x42: {  	_ =	shalt  }
0x43: {  	_ =	shalt  }
0x44: {  	_ =	shalt  }
0x45: {  	_ =	shalt  }
0x46: {  	_ =	shalt  }
0x47: {  	_ =	shalt  }
0x48: {  	_ =	shalt  }
0x49: {  	_ =	shalt  }
0x4a: {  	_ =	shalt  }
0x4b: {  	_ =	shalt  }
0x4c: {  	_ =	shalt  }
0x4d: {  	_ =	shalt  }
0x4e: {  	_ =	shalt  }
0x4f: {  	_ =	shalt  }
0x50: {  	_ =	shalt  }
0x51: {  	_ =	shalt  }
0x52: {  	_ =	shalt  }
0x53: {  	_ =	shalt  }
0x54: {  	_ =	shalt  }
0x55: {  	_ =	shalt  }
0x56: {  	_ =	shalt  }
0x57: {  	_ =	shalt  }
0x58: {  	_ =	shalt  }
0x59: {  	_ =	shalt  }
0x5a: {  	_ =	shalt  }
0x5b: {  	_ =	shalt  }
0x5c: {  	_ =	shalt  }
0x5d: {  	_ =	shalt  }
0x5e: {  	_ =	shalt  }
0x5f: {  	_ =	shalt  }
0x60: {  	_ =	shalt  }
0x61: {  	_ =	shalt  }
0x62: {  	_ =	shalt  }
0x63: {  	_ =	shalt  }
0x64: {  	_ =	shalt  }
0x65: {  	_ =	shalt  }
0x66: {  	_ =	shalt  }
0x67: {  	_ =	shalt  }
0x68: {  	_ =	shalt  }
0x69: {  	_ =	shalt  }
0x6a: {  	_ =	shalt  }
0x6b: {  	_ =	shalt  }
0x6c: {  	_ =	shalt  }
0x6d: {  	_ =	shalt  }
0x6e: {  	_ =	shalt  }
0x6f: {  	_ =	shalt  }
0x70: {  	_ =	shalt  }
0x71: {  	_ =	shalt  }
0x72: {  	_ =	shalt  }
0x73: {  	_ =	shalt  }
0x74: {  	_ =	shalt  }
0x75: {  	_ =	shalt  }
0x76: {  	_ =	shalt  }
0x77: {  	_ =	shalt  }
0x78: {  	_ =	shalt  }
0x79: {  	_ =	shalt  }
0x7a: {  	_ =	shalt  }
0x7b: {  	_ =	shalt  }
0x7c: {  	_ =	shalt  }
0x7d: {  	_ =	shalt  }
0x7e: {  	_ =	shalt  }
0x7f: {  	_ =	shalt  }
0x80: {  	_ =	shalt  }
0x81: {  	_ =	shalt  }
0x82: {  	_ =	shalt  }
0x83: {  	_ =	shalt  }
0x84: {  	_ =	shalt  }
0x85: {  	_ =	shalt  }
0x86: {  	_ =	shalt  }
0x87: {  	_ =	shalt  }
.Lfunc_end0:
.L_simem_size_0:
called_computation.3_lowered:
.L_overlay_start_0:
0x88: {  	s2 =	sld [smem:$0x3FD9]  }
0x89: {  	s3 =	sld [smem:$0x3FFE];
	_ =	sdelay $0x1  }
0x8a: {  	s1 =	srdreg.scid  }
0x8b: {  	s0 =	sand.u32 $0x1, s1  }
0x8c: {  	s14 =	sshll.u32 s0, $0xA;
	s2 =	sadd.s32 s3, s2  }
0x8d: {  	s2 =	sadd.s32 s2, s14  }
0x8e: {  	[smem:$0x3FAD] =	sst s2  }
0x8f: {  	_ = 	snop  }
0x90: {  	s2 =	sld [smem:$0x3FD0];
	_ =	sdelay $0x2  }
0x91: {  	s15 =	simm.s32 $0xA;
	s4 =	simm.s32 $0x10  }
0x92: {  	[smem:s4], [sflag:s15] =	dma.local [hbm:s2], $0x1  }
0x93: {  	_ =	swait.eq [sflag:s15], $0x1  }
0x94: {  	[sflag:s15] =	ssyncset.done $0x0  }
0x95: {  	s16 =	sld [smem:$0x10];
	[sflag:s15] =	ssyncadd.s32 $0xFFFFFFFF  }
0x96: {  	s17 =	sld [smem:$0x11];
	(tm) =	ssettm $0x1  }
0x97: {  	s18 =	sld [smem:$0x3FFB];
	_ =	sdelay $0x3  }
0x98: {  	_ =	strace s18  }
0x99: {  	s4 =	sld [smem:$0x3FFC];
	_ =	sdelay $0x3  }
0x9a: {  	_ =	strace s4  }
0x9b: {  	s4 =	sld [smem:$0x3FFD];
	_ =	sdelay $0x3  }
0x9c: {  	_ =	strace s4  }
0x9d: {  	_ =	strace $0x8FFFFFFF  }
0x9e: {  	s19 =	sld [smem:$0x3FDB];
	_ =	sdelay $0x1  }
0x9f: {  	s5 =	simm.s32 $_scs_section_size  }
0xa0: {  	s6 =	simm.s32 $_size__tile_overlayer_lowered;
	s7 =	simm.s32 $_tile_overlayer_lowered  }
0xa1: {  	s22 =	simm.s32 $0x1BFF;
	s21 =	sshll.u32 s7, $0x1;
	s4 =	sadd.s32 s5, s19  }
0xa2: {  	s8 =	simm.s32 $0x0;
	s20 =	sshll.u32 s6, $0x1;
	s6 =	sadd.s32 s21, s4  }
0xa3: {  	[timem:s8], [sflag:s22] =	dma.local [hbm:s6], s20  }
0xa4: {  	_ =	swait.ge [sflag:s22], s20  }
0xa5: {  	s5 =	ssub.s32 $0x0, s20;
	[sflag:s22] =	ssyncset.done $0x0  }
0xa6: {  	[sflag:s22] =	ssyncadd.s32 s5;
	_ =	sdelay $0x1  }
0xa7: {  	s23 =	simm.s32 $0x1B8B  }
0xa8: {  	_ =	swait.ge [sflag:s23], $0x1  }
0xa9: {  	[sflag:s23] =	ssyncset.done $0x0  }
0xaa: {  	s25 =	simm.s32 $0x1B8E;
	s24 =	sld [smem:$0x3FFE];
	[sflag:s23] =	ssyncadd.s32 $0xFFFFFFFF  }
0xab: {  	s26 =	simm.s32 $execute0_lowered;
	[smem:$0x3FD2] =	sst s25  }
0xac: {  	s6 =	sshll.u32 s26, $0x1;
	_ =	strace $0x8000004F;
	[dreg:$0x1] =	wrdreg $0xFFFFFFFF  }
0xad: {  	s28 =	simm.s32 $_size_execute0_lowered;
	s4 =	sadd.s32 s4, s6;
	[dreg:$0x0] =	wrdreg $0x0  }
0xae: {  	s6 =	sshll.u32 s28, $0x1;
	[dreg:$0x2] =	wrdreg s4  }
0xaf: {  	[dreg:$0x3] =	wrdreg s6  }
0xb0: {  	[dreg:$0x4] =	wrdreg $0xC0  }
0xb1: {  	_ =	task [dreg:s8], $0x5FFFF  }
0xb2: {  	[dreg:$0x1] =	wrdreg $0xFFFFFFFF  }
0xb3: {  	[dreg:$0x0] =	wrdreg $0x60  }
0xb4: {  	[dreg:$0x2] =	wrdreg s16  }
0xb5: {  	[dreg:$0x3] =	wrdreg s17  }
0xb6: {  	[dreg:$0x4] =	wrdreg s24  }
0xb7: {  	[dreg:$0x5] =	wrdreg $0x9  }
0xb8: {  	_ =	task.clear_ibuf [dreg:s8], $0x6FFFF;
	_ =	strace $0x9000004F  }
0xb9: {  	s29 =	simm.s32 $0x9;
	_ =	strace $0x80000051  }
0xba: {  	_ =	swait.ge [sflag:s29], $0x1  }
0xbb: {  	[sflag:s29] =	ssyncadd.s32 $0xFFFFFFFF  }
0xbc: {  	_ =	strace $0x90000051  }
0xbd: {  	_ =	sfence  }
0xbe: {  	s30 =	sld [smem:$0x0];
	_ =	sdelay $0x2  }
0xbf: {  	s31 =	sshll.u32 s1, $0xD;
	s1 =	sshrl.u32 s1, $0x2  }
0xc0: {  	s3 =	sand.u32 $0x4000, s31;
	s1 =	sadd.s32 s1, s30  }
0xc1: {  	s0 =	sor.u32 s3, s0;
	s1 =	sshll.u32 s1, $0x11  }
0xc2: {  	s0 =	sor.u32 s1, s0  }
0xc3: {  	s0 =	sadd.s32 $0x8F2B, s0  }
0xc4: {  	[sflag:s0] =	ssyncadd.remote.s32 $0x1  }
0xc5: {  	_ =	sfence.sel $0xFFFF  }
0xc6: {  	[dreg:$0x0] =	wrdreg $0xFFFFFFFF;
	(pc) =	sbr.abs _section_cstart, $3  }
0xc7: {  	[dreg:$0x1] =	wrdreg $0xFFFFFFFF  }
0xc8: {  	_ =	task.clear_ibuf [dreg:s8], $0x2FFFF;
	_ =	strace $0x9FFFFFFF  }
0xc9: {  	(tm) =	ssettm $0x7FFFFFFF  }
tec
execute0_lowered:
.L_overlay_start_1:
0x0: {  	(tag) =	ssettag $0x1  }
0x1: {  	s5 =	rddreg [dreg:$0x0]  }
0x2: {  	s2 =	rddreg [dreg:$0x1]  }
0x3: {  	s0 =	srdreg.scid;
	s7 =	rddreg [dreg:$0x2];
	s12 =	simm.s32 $0x1A080  }
0x4: {  	s13 =	simm.s32 $0x80;
	s14 =	simm.s32 $0x400;
	s15 =	simm.s32 $0x14000  }
0x5: {  	s16 =	simm.s32 $0x16000;
	s17 =	simm.s32 $0x18000;
	s18 =	simm.s32 $0x1A000  }
0x6: {  	s19 =	simm.s32 $0x10000;
	s4 =	sand.u32 $0x1, s0;
	s0 =	stileid.u32  }
0x7: {  	s20 =	simm.s32 $0x0;
	s1 =	sshll.u32 s4, $0x4;
	s3 =	sshll.u32 s0, $0x7  }
0x8: {  	s4 =	ssub.s32 $0x2, s4;
	s6 =	sor.u32 s0, s1;
	s1 =	rddreg [dreg:$0x3]  }
0x9: {  	s9 =	sand.u32 $0x380, s3;
	s3 =	simm.s32 $0x0;
	s31 =	sshrl.u32 s4, $0x1  }
0xa: {  	s8 =	sshrl.u32 s6, $0x3;
	[smem:$0x7FF] =	sst s3;
	s6 =	sshll.u32 s6, $0xB  }
0xb: {  	s11 =	ssub.s32 s4, s31;
	s10 =	sshll.u32 s8, $0x10;
	s8 =	sshll.u32 s8, $0xA  }
0xc: {  	_ =	strace $0x80000050;
	s30 =	sadd.s32 s6, s7;
	s6 =	sand.u32 $0xE000, s6  }
.Ltmp0:
0xd: {  	s10 =	sor.u32 s9, s10;
	s8 =	sor.u32 s9, s8;
	(pc) =	sbr.rel .LBB2_1-.Ltmp0, $4  }
0xe: {  	v0 =	vlaneseq.u32;
	s4 =	sadd.s32 s5, s6;
	s10 =	sshrl.u32 s10, $0x3;
	s8 =	sshrl.u32 s8, $0x3  }
0xf: {  	v8 =	vimm.f32 $0.0e+00;
	v1 =	vor.u32 $0x10, v0;
	s9 =	sadd.s32 $0x7400, s30;
	s29 =	sadd.s32 s10, s7;
	s8 =	sadd.s32 s8, s7  }
0x10: {  	v2 =	vor.u32 $0x20, v0;
	v3 =	vor.u32 $0x30, v0;
	v4 =	vor.u32 $0x40, v0;
	s10 =	smax.u32 s11, $0x1;
	s11 =	simm.s32 $0x1;
	s5 =	sadd.s32 $0x47400, s29  }
0x11: {  	v5 =	vor.u32 $0x50, v0;
	v6 =	vor.u32 $0x60, v0;
	v7 =	vor.u32 $0x70, v0;
	s6 =	sadd.s32 $0x4F400, s29;
	s7 =	sadd.s32 $0x57400, s29;
	s8 =	sadd.s32 $0x5F400, s8  }
.LBB2_9:
0x12: {  	s20 =	sadd.s32 $0x1, s20  }
0x13: {  	p0 =	sne.s32 s20, s10  }
.Ltmp1:
0x14: {  	_ = 	snop;
	(pc) =	sbr.rel @!p0 .LBB2_10-.Ltmp1, $4  }
0x15: {  	[hbm4b:s9+s3] =	stream.linear.scatter [tilespmem:s19], [sflag:$0x1], $0x4000, $0x38;
	[tilespmem:$0x1A100] =	vst v63  }
0x16: {  	_ =	swait.ge [sflag:s11], $0x4000  }
0x17: {  	[sflag:s11] =	ssyncset.done $0x0  }
0x18: {  	[sflag:s11] =	ssyncadd.s32 $0xFFFFC000  }
.LBB2_1:
0x19: {  	[tilespmem:s3], [sflag:$0x1] =	stream.linear.gather [hbm4b:s4+s3], $0x10000, $0x38;
	[tilespmem:$0x1A100] =	vst v63  }
0x1a: {  	_ =	swait.ge [sflag:s11], $0x10000  }
0x1b: {  	[sflag:s11] =	ssyncset.done $0x0  }
0x1c: {  	[sflag:s11] =	ssyncadd.s32 $0xFFFF0000  }
0x1d: {  	[tilespmem:s12], [sflag:$0x1] =	stream.linear.gather [hbm4b:s2+s3], $0x80, $0x38;
	[tilespmem:$0x1A100] =	vst v63  }
0x1e: {  	_ =	swait.ge [sflag:s11], $0x80  }
0x1f: {  	[sflag:s11] =	ssyncset.done $0x0  }
0x20: {  	[sflag:s11] =	ssyncadd.s32 $0xFFFFFF80  }
0x21: {  	[tilespmem:s15], [sflag:$0x1] =	stream.strided.gather [hbm4b:s5+s13], $0x2000, s14, s13, $0x38;
	[tilespmem:$0x1A100] =	vst v63  }
0x22: {  	_ =	swait.ge [sflag:s11], $0x2000  }
0x23: {  	[sflag:s11] =	ssyncset.done $0x0  }
0x24: {  	[sflag:s11] =	ssyncadd.s32 $0xFFFFE000  }
0x25: {  	[tilespmem:s16], [sflag:$0x1] =	stream.strided.gather [hbm4b:s6+s13], $0x2000, s14, s13, $0x38;
	[tilespmem:$0x1A100] =	vst v63  }
0x26: {  	_ =	swait.ge [sflag:s11], $0x2000  }
0x27: {  	[sflag:s11] =	ssyncset.done $0x0  }
0x28: {  	[sflag:s11] =	ssyncadd.s32 $0xFFFFE000  }
0x29: {  	[tilespmem:s17], [sflag:$0x1] =	stream.strided.gather [hbm4b:s7+s13], $0x2000, s14, s13, $0x38;
	[tilespmem:$0x1A100] =	vst v63  }
0x2a: {  	_ =	swait.ge [sflag:s11], $0x2000  }
0x2b: {  	[sflag:s11] =	ssyncset.done $0x0  }
0x2c: {  	[sflag:s11] =	ssyncadd.s32 $0xFFFFE000  }
0x2d: {  	[tilespmem:s18], [sflag:$0x1] =	stream.linear.gather [hbm4b:s8+s3], $0x80, $0x38;
	[tilespmem:$0x1A100] =	vst v63  }
0x2e: {  	_ =	swait.ge [sflag:s11], $0x80  }
0x2f: {  	[sflag:s11] =	ssyncset.done $0x0  }
0x30: {  	[sflag:s11] =	ssyncadd.s32 $0xFFFFFF80  }
0x31: {  	v17 =	vld [tilespmem:$0x1A000]  }
0x32: {  	v9 =	vld.idx.msk [tilespmem:v0+s12+$0x0], $0xffff  }
0x33: {  	s21 =	simm.s32 $0x0;
	v10 =	vld.idx.msk [tilespmem:v1+s12+$0x0], $0xffff  }
0x34: {  	v19 =	vor.u32 s21, v0;
	v11 =	vld.idx.msk [tilespmem:v2+s12+$0x0], $0xffff  }
0x35: {  	v12 =	vld.idx.msk [tilespmem:v3+s12+$0x0], $0xffff  }
0x36: {  	v21 =	vor.u32 s21, v1;
	v13 =	vld.idx.msk [tilespmem:v4+s12+$0x0], $0xffff  }
0x37: {  	v22 =	vor.u32 s21, v2;
	v14 =	vld.idx.msk [tilespmem:v5+s12+$0x0], $0xffff  }
0x38: {  	v18 =	vor.u32 s21, v3;
	v15 =	vld.idx.msk [tilespmem:v6+s12+$0x0], $0xffff  }
0x39: {  	v16 =	vld.idx.msk [tilespmem:v7+s12+$0x0], $0xffff;
	[tilespmem:v19+s19+$0x0] =	vst.idx.msk $0xffff, v8;
	v19 =	vor.u32 s21, v4  }
0x3a: {  	v20 =	vor.u32 s21, v5  }
0x3b: {  	s22 =	simm.s32 $0x1;
	[tilespmem:v21+s19+$0x0] =	vst.idx.msk $0xffff, v8;
	v21 =	vor.u32 s21, v6  }
.LBB2_2:
0x3c: {  	p0 =	sne.s32 s22, $0x7F;
	[tilespmem:v22+s19+$0x0] =	vst.idx.msk $0xffff, v8;
	v23 =	vor.u32 s21, v7;
	s21 =	sshll.u32 s22, $0x7  }
0x3d: {  	v24 =	vor.u32 s21, v0;
	[tilespmem:v18+s19+$0x0] =	vst.idx.msk $0xffff, v8  }
0x3e: {  	v25 =	vor.u32 s21, v1;
	[tilespmem:v19+s19+$0x0] =	vst.idx.msk $0xffff, v8  }
.Ltmp2:
0x3f: {  	v22 =	vor.u32 s21, v2;
	[tilespmem:v20+s19+$0x0] =	vst.idx.msk $0xffff, v8;
	(pc) =	sbr.rel @p0 .LBB2_2-.Ltmp2, $4  }
0x40: {  	v18 =	vor.u32 s21, v3;
	[tilespmem:v21+s19+$0x0] =	vst.idx.msk $0xffff, v8  }
0x41: {  	v19 =	vor.u32 s21, v4;
	[tilespmem:v23+s19+$0x0] =	vst.idx.msk $0xffff, v8  }
0x42: {  	v20 =	vor.u32 s21, v5;
	[tilespmem:v24+s19+$0x0] =	vst.idx.msk $0xffff, v8  }
0x43: {  	s22 =	sadd.s32 $0x1, s22;
	v21 =	vor.u32 s21, v6;
	[tilespmem:v25+s19+$0x0] =	vst.idx.msk $0xffff, v8  }
0x44: {  	v17 =	vxor.u32 $0x80000000, v17  }
0x45: {  	(xrf0) =	vmax.scan.msk.u32 $0xffff, v17;
	_ =	sdelay $0x5  }
0x46: {  	v17, _, _ =	vpop (xrf0)  }
0x47: {  	(v2sf) =	vpush v17, $0xF;
	_ =	sdelay $0xe  }
0x48: {  	s22 =	spop (v2sf)  }
0x49: {  	v17 =	vor.u32 s21, v7;
	s21 =	sxor.u32 $0x80000000, s22  }
0x4a: {  	s22 =	sshrl.u32 s21, $0x1F  }
0x4b: {  	s22 =	sadd.s32 s22, s21  }
0x4c: {  	s22 =	sand.u32 $0xFFFFFFFE, s22  }
0x4d: {  	[tilespmem:v22+s19+$0x0] =	vst.idx.msk $0xffff, v8;
	p0 =	slt.s32 s22, $0x1  }
.Ltmp3:
0x4e: {  	[tilespmem:v18+s19+$0x0] =	vst.idx.msk $0xffff, v8;
	(pc) =	sbr.rel @p0 .LBB2_6-.Ltmp3, $4  }
0x4f: {  	[tilespmem:v19+s19+$0x0] =	vst.idx.msk $0xffff, v8  }
0x50: {  	[tilespmem:v20+s19+$0x0] =	vst.idx.msk $0xffff, v8  }
0x51: {  	[tilespmem:v21+s19+$0x0] =	vst.idx.msk $0xffff, v8  }
0x52: {  	[tilespmem:v17+s19+$0x0] =	vst.idx.msk $0xffff, v8  }
0x53: {  	s24 =	simm.s32 $0x1  }
0x54: {  	v17 =	vmov s24;
	_ =	sdelay $0x4  }
0x55: {  	v18 =	vld.idx.msk [tilespmem:v17+s15+$0x0], $0xffff;
	_ =	sdelay $0x4  }
0x56: {  	v31 =	vshll.u32 v18, $0x7  }
0x57: {  	v18 =	vor.u32 v0, v31;
	_ =	sdelay $0x1  }
0x58: {  	s23 =	simm.s32 $0x0;
	v19 =	vld.idx.msk [tilespmem:v17+s16+$0x0], $0xffff  }
0x59: {  	v21 =	vmov s23;
	v20 =	vld.idx.msk [tilespmem:v17+s17+$0x0], $0xffff  }
0x5a: {  	v17 =	vand.u32 $0xFFFFFFFE, v21  }
0x5b: {  	v17 =	vbroadcast v17, $0x0;
	v18 =	vld.idx.msk [tilespmem:v18+s3+$0x0], $0xffff;
	_ =	sdelay $0x1  }
0x5c: {  	v21 =	vshll.u32 v19, $0x7  }
0x5d: {  	v19 =	vmul.f32 v20, v9;
	v22 =	vor.u32 v0, v21  }
0x5e: {  	v23 =	vor.u32 v1, v31  }
0x5f: {  	v18 =	vadd.f32 v19, v18  }
0x60: {  	v24 =	vld.idx.msk [tilespmem:v17+s15+$0x0], $0xffff  }
0x61: {  	v19 =	vld.idx.msk [tilespmem:v17+s16+$0x0], $0xffff;
	v18 =	vmax.f32 v18, $0.0e+00  }
0x62: {  	[tilespmem:v22+s19+$0x0] =	vst.idx.add.f32.msk $0xffff, v18  }
0x63: {  	p2 =	sgt.s32 s22, $0x2;
	v18 =	vld.idx.msk [tilespmem:v23+s3+$0x0], $0xffff  }
.Ltmp4:
0x64: {  	v27 =	vld.idx.msk [tilespmem:v17+s17+$0x0], $0xffff;
	(pc) =	sbr.rel @!p2 .LBB2_5-.Ltmp4, $4  }
0x65: {  	_ = 	snop  }
0x66: {  	v35 =	vor.u32 v5, v31;
	v23 =	vshll.u32 v19, $0x7;
	v19 =	vmul.f32 v20, v10  }
0x67: {  	v47 =	vor.u32 v1, v21;
	v50 =	vor.u32 v2, v31;
	v25 =	vshll.u32 v24, $0x7  }
0x68: {  	p0 =	por $0x0, $0x0;
	p1 =	por $0x0, $0x0;
	s23 =	simm.s32 $0x2;
	v51 =	vor.u32 v0, v25;
	v32 =	vor.u32 v0, v23;
	v52 =	vadd.f32 v18, v19  }
0x69: {  	_ = 	snop  }
0x6a: {  	s24 =	simm.s32 $0x3  }
0x6b: {  	v17 =	vmov s24;
	_ =	sdelay $0x1  }
0x6c: {  	v18 =	vld.idx.msk [tilespmem:v51+s3+$0x0], $0xffff;
	_ =	sdelay $0x2  }
0x6d: {  	v22 =	vmul.f32 v27, v9;
	v19 =	vld.idx.msk [tilespmem:v17+s15+$0x0], $0xffff  }
0x6e: {  	v24 =	vor.u32 v1, v25  }
0x6f: {  	v26 =	vmax.f32 v52, $0.0e+00;
	v18 =	vadd.f32 v22, v18  }
0x70: {  	[tilespmem:v47+s19+$0x0] =	vst.idx.add.f32.msk $0xffff, v26  }
0x71: {  	v26 =	vld.idx.msk [tilespmem:v50+s3+$0x0], $0xffff;
	v22 =	vmov s23;
	v18 =	vmax.f32 v18, $0.0e+00  }
0x72: {  	[tilespmem:v32+s19+$0x0] =	vst.idx.add.f32.msk $0xffff, v18;
	v28 =	vshll.u32 v19, $0x7;
	v19 =	vand.u32 $0xFFFFFFFE, v22  }
0x73: {  	v18 =	vor.u32 v0, v28;
	v29 =	vbroadcast v19, $0x0;
	v19 =	vld.idx.msk [tilespmem:v24+s3+$0x0], $0xffff  }
0x74: {  	v22 =	vmul.f32 v20, v11;
	v24 =	vld.idx.msk [tilespmem:v17+s16+$0x0], $0xffff  }
0x75: {  	v30 =	vor.u32 v2, v21  }
0x76: {  	v17 =	vld.idx.msk [tilespmem:v17+s17+$0x0], $0xffff;
	v22 =	vadd.f32 v26, v22;
	v26 =	vor.u32 v3, v31;
	_ =	sdelay $0x1  }
0x77: {  	v57 =	vmul.f32 v27, v10;
	v33 =	vor.u32 v1, v23;
	v34 =	vld.idx.msk [tilespmem:v18+s3+$0x0], $0xffff  }
0x78: {  	v22 =	vmax.f32 v22, $0.0e+00;
	v18 =	vshll.u32 v24, $0x7;
	v24 =	vor.u32 v2, v25  }
0x79: {  	[tilespmem:v30+s19+$0x0] =	vst.idx.add.f32.msk $0xffff, v22;
	v19 =	vadd.f32 v19, v57  }
0x7a: {  	v22 =	vmul.f32 v17, v9;
	v30 =	vor.u32 v0, v18;
	v26 =	vld.idx.msk [tilespmem:v26+s3+$0x0], $0xffff  }
0x7b: {  	v58 =	vor.u32 v1, v28;
	v36 =	vld.idx.msk [tilespmem:v29+s16+$0x0], $0xffff;
	v19 =	vmax.f32 v19, $0.0e+00  }
0x7c: {  	[tilespmem:v33+s19+$0x0] =	vst.idx.add.f32.msk $0xffff, v19;
	v19 =	vadd.f32 v22, v34  }
0x7d: {  	v59 =	vmul.f32 v20, v12;
	v60 =	vor.u32 v3, v21;
	v24 =	vld.idx.msk [tilespmem:v24+s3+$0x0], $0xffff  }
0x7e: {  	v22 =	vld.idx.msk [tilespmem:v29+s15+$0x0], $0xffff;
	v19 =	vmax.f32 v19, $0.0e+00  }
0x7f: {  	v37 =	vor.u32 v4, v31;
	[tilespmem:v30+s19+$0x0] =	vst.idx.add.f32.msk $0xffff, v19;
	v30 =	vadd.f32 v26, v59  }
0x80: {  	v62 =	vmul.f32 v27, v11;
	v38 =	vor.u32 v2, v23;
	p2 =	sgt.s32 s22, $0x4;
	v49 =	vmul.f32 v20, v13;
	v61 =	vld.idx.msk [tilespmem:v58+s3+$0x0], $0xffff  }
.Ltmp5:
0x81: {  	v48 =	vor.u32 v4, v21;
	v50 =	vor.u32 v2, v28;
	v30 =	vmax.f32 v30, $0.0e+00;
	(pc) =	sbr.rel @!p2 .LBB2_12-.Ltmp5, $4  }
0x82: {  	v63 =	vmul.f32 v17, v10;
	v24 =	vadd.f32 v24, v62;
	[tilespmem:v60+s19+$0x0] =	vst.idx.add.f32.msk $0xffff, v30  }
0x83: {  	v47 =	vor.u32 v1, v18;
	v26 =	vor.u32 v5, v28;
	v19 =	vshll.u32 v36, $0x7;
	v30 =	vld.idx.msk [tilespmem:v29+s17+$0x0], $0xffff  }
0x84: {  	v32 =	vor.u32 v0, v19;
	v22 =	vshll.u32 v22, $0x7;
	v43 =	vld.idx.msk [tilespmem:v37+s3+$0x0], $0xffff;
	v24 =	vmax.f32 v24, $0.0e+00  }
0x85: {  	p0 =	por $0x1, $0x1;
	s23 =	simm.s32 $0x4;
	v51 =	vor.u32 v0, v22;
	[tilespmem:v38+s19+$0x0] =	vst.idx.add.f32.msk $0xffff, v24;
	v52 =	vadd.f32 v61, v63  }
0x86: {  	_ =	sdelay $0x1  }
0x87: {  	s24 =	simm.s32 $0x5;
	v38 =	vor.u32 v3, v25  }
0x88: {  	v29 =	vmov s24  }
0x89: {  	v24 =	vld.idx.msk [tilespmem:v51+s3+$0x0], $0xffff;
	v34 =	vmax.f32 v52, $0.0e+00  }
0x8a: {  	[tilespmem:v47+s19+$0x0] =	vst.idx.add.f32.msk $0xffff, v34  }
0x8b: {  	v36 =	vadd.f32 v43, v49;
	v34 =	vld.idx.msk [tilespmem:v50+s3+$0x0], $0xffff  }
0x8c: {  	v33 =	vmov s23;
	v54 =	vmul.f32 v30, v9;
	v38 =	vld.idx.msk [tilespmem:v38+s3+$0x0], $0xffff  }
0x8d: {  	v56 =	vor.u32 v1, v22;
	v33 =	vand.u32 $0xFFFFFFFE, v33;
	v36 =	vmax.f32 v36, $0.0e+00;
	v55 =	vld.idx.msk [tilespmem:v29+s15+$0x0], $0xffff  }
0x8e: {  	v37 =	vbroadcast v33, $0x0;
	v24 =	vadd.f32 v54, v24;
	[tilespmem:v48+s19+$0x0] =	vst.idx.add.f32.msk $0xffff, v36  }
0x8f: {  	v33 =	vld.idx.msk [tilespmem:v29+s17+$0x0], $0xffff  }
0x90: {  	v57 =	vmul.f32 v17, v11;
	v39 =	vor.u32 v2, v18;
	v35 =	vld.idx.msk [tilespmem:v35+s3+$0x0], $0xffff;
	v24 =	vmax.f32 v24, $0.0e+00  }
0x91: {  	v42 =	vor.u32 v3, v28;
	v61 =	vmul.f32 v27, v12;
	[tilespmem:v32+s19+$0x0] =	vst.idx.add.f32.msk $0xffff, v24  }
0x92: {  	v44 =	vor.u32 v3, v23;
	v32 =	vadd.f32 v34, v57;
	v58 =	vld.idx.msk [tilespmem:v56+s3+$0x0], $0xffff;
	v24 =	vshll.u32 v55, $0x7  }
0x93: {  	v41 =	vmul.f32 v20, v14;
	v29 =	vld.idx.msk [tilespmem:v29+s16+$0x0], $0xffff;
	v59 =	vor.u32 v0, v24  }
0x94: {  	v60 =	vor.u32 v5, v21;
	v40 =	vld.idx.msk [tilespmem:v37+s16+$0x0], $0xffff;
	v32 =	vmax.f32 v32, $0.0e+00;
	v62 =	vadd.f32 v38, v61  }
0x95: {  	v46 =	vor.u32 v1, v19;
	v45 =	vmul.f32 v30, v10;
	[tilespmem:v39+s19+$0x0] =	vst.idx.add.f32.msk $0xffff, v32  }
0x96: {  	v47 =	vor.u32 v6, v31;
	v35 =	vadd.f32 v35, v41;
	v63 =	vld.idx.msk [tilespmem:v42+s3+$0x0], $0xffff;
	v32 =	vmax.f32 v62, $0.0e+00  }
0x97: {  	v48 =	vor.u32 v4, v25;
	[tilespmem:v44+s19+$0x0] =	vst.idx.add.f32.msk $0xffff, v32;
	v34 =	vadd.f32 v58, v45  }
0x98: {  	v35 =	vmax.f32 v35, $0.0e+00;
	v36 =	vld.idx.msk [tilespmem:v59+s3+$0x0], $0xffff  }
0x99: {  	v49 =	vor.u32 v2, v22;
	v39 =	vshll.u32 v29, $0x7;
	[tilespmem:v60+s19+$0x0] =	vst.idx.add.f32.msk $0xffff, v35;
	v29 =	vmax.f32 v34, $0.0e+00  }
0x9a: {  	v53 =	vor.u32 v3, v18;
	[tilespmem:v46+s19+$0x0] =	vst.idx.add.f32.msk $0xffff, v29;
	v29 =	vmul.f32 v17, v12  }
0x9b: {  	v50 =	vmul.f32 v33, v9;
	v51 =	vor.u32 v0, v39;
	v41 =	vld.idx.msk [tilespmem:v47+s3+$0x0], $0xffff  }
0x9c: {  	v52 =	vor.u32 v1, v24;
	v43 =	vld.idx.msk [tilespmem:v48+s3+$0x0], $0xffff;
	v29 =	vadd.f32 v63, v29  }
0x9d: {  	v54 =	vld.idx.msk [tilespmem:v37+s15+$0x0], $0xffff;
	v57 =	vor.u32 v6, v21;
	v55 =	vor.u32 v4, v28;
	v34 =	vadd.f32 v50, v36  }
0x9e: {  	v56 =	vmul.f32 v20, v15;
	v61 =	vor.u32 v5, v25;
	v45 =	vld.idx.msk [tilespmem:v49+s3+$0x0], $0xffff;
	v29 =	vmax.f32 v29, $0.0e+00  }
0x9f: {  	v58 =	vmul.f32 v27, v13;
	v59 =	vor.u32 v4, v23;
	[tilespmem:v53+s19+$0x0] =	vst.idx.add.f32.msk $0xffff, v29;
	v34 =	vmax.f32 v34, $0.0e+00  }
0xa0: {  	v42 =	vor.u32 v5, v24;
	v32 =	vadd.f32 v41, v56;
	[tilespmem:v51+s19+$0x0] =	vst.idx.add.f32.msk $0xffff, v34  }
0xa1: {  	v62 =	vmul.f32 v30, v11;
	v48 =	vor.u32 v4, v18;
	v29 =	vadd.f32 v43, v58;
	v60 =	vld.idx.msk [tilespmem:v52+s3+$0x0], $0xffff  }
0xa2: {  	p2 =	sgt.s32 s22, $0x6;
	v63 =	vor.u32 v2, v19;
	v36 =	vor.u32 v7, v31;
	v43 =	vld.idx.msk [tilespmem:v55+s3+$0x0], $0xffff;
	v41 =	vmax.f32 v32, $0.0e+00  }
.Ltmp6:
0xa3: {  	v53 =	vshll.u32 v54, $0x7;
	v31 =	vmul.f32 v33, v10;
	v29 =	vmax.f32 v29, $0.0e+00;
	[tilespmem:v57+s19+$0x0] =	vst.idx.add.f32.msk $0xffff, v41;
	(pc) =	sbr.rel @!p2 .LBB2_14-.Ltmp6, $4  }
0xa4: {  	v35 =	vadd.f32 v45, v62;
	[tilespmem:v59+s19+$0x0] =	vst.idx.add.f32.msk $0xffff, v29;
	v51 =	vor.u32 v0, v53  }
0xa5: {  	v47 =	vor.u32 v1, v39;
	v49 =	vmul.f32 v17, v13;
	v50 =	vor.u32 v2, v24;
	v29 =	vld.idx.msk [tilespmem:v37+s17+$0x0], $0xffff  }
0xa6: {  	v34 =	vshll.u32 v40, $0x7;
	v44 =	vld.idx.msk [tilespmem:v61+s3+$0x0], $0xffff;
	v52 =	vadd.f32 v60, v31;
	v31 =	vmax.f32 v35, $0.0e+00  }
0xa7: {  	s23 =	simm.s32 $0x6;
	p1 =	por $0x1, $0x1;
	v45 =	vor.u32 v5, v23;
	v32 =	vor.u32 v0, v34;
	[tilespmem:v63+s19+$0x0] =	vst.idx.add.f32.msk $0xffff, v31  }
.LBB2_15:
0xa8: {  	v31 =	vmov s23;
	s24 =	sadd.s32 $0x1, s23;
	s23 =	sadd.s32 $0x2, s23;
	v35 =	vadd.f32 v43, v49;
	v37 =	vmul.f32 v27, v14;
	v36 =	vld.idx.msk [tilespmem:v36+s3+$0x0], $0xffff  }
0xa9: {  	v41 =	vmax.f32 v52, $0.0e+00;
	v31 =	vand.u32 $0xFFFFFFFE, v31;
	v38 =	vmov s24;
	p2 =	slt.s32 s23, s22;
	v40 =	vld.idx.msk [tilespmem:v51+s3+$0x0], $0xffff  }
0xaa: {  	v31 =	vbroadcast v31, $0x0;
	[tilespmem:v47+s19+$0x0] =	vst.idx.add.f32.msk $0xffff, v41;
	v41 =	vor.u32 v6, v25  }
0xab: {  	v35 =	vmax.f32 v35, $0.0e+00;
	v37 =	vadd.f32 v44, v37;
	v43 =	vld.idx.msk [tilespmem:v50+s3+$0x0], $0xffff  }
0xac: {  	v44 =	vor.u32 v7, v21;
	[tilespmem:v48+s19+$0x0] =	vst.idx.add.f32.msk $0xffff, v35;
	v35 =	vmul.f32 v20, v16;
	v20 =	vmov v17  }
0xad: {  	v21 =	vmovc v18;
	v46 =	vmul.f32 v29, v9;
	v37 =	vmax.f32 v37, $0.0e+00;
	v17 =	vmovc v33;
	v47 =	vld.idx.msk [tilespmem:v26+s3+$0x0], $0xffff;
	v26 =	vmov v42  }
0xae: {  	v18 =	vmov v39;
	v33 =	vor.u32 v3, v22;
	[tilespmem:v45+s19+$0x0] =	vst.idx.add.f32.msk $0xffff, v37;
	v35 =	vadd.f32 v36, v35  }
0xaf: {  	v39 =	vmul.f32 v17, v11;
	v36 =	vadd.f32 v46, v40;
	v37 =	vor.u32 v1, v53;
	v40 =	vld.idx.msk [tilespmem:v41+s3+$0x0], $0xffff  }
0xb0: {  	v41 =	vld.idx.msk [tilespmem:v38+s15+$0x0], $0xffff;
	v35 =	vmax.f32 v35, $0.0e+00  }
0xb1: {  	v42 =	vmul.f32 v20, v14;
	v36 =	vmax.f32 v36, $0.0e+00;
	v39 =	vadd.f32 v43, v39;
	[tilespmem:v44+s19+$0x0] =	vst.idx.add.f32.msk $0xffff, v35  }
0xb2: {  	[tilespmem:v32+s19+$0x0] =	vst.idx.add.f32.msk $0xffff, v36  }
0xb3: {  	v43 =	vor.u32 v6, v23;
	v35 =	vadd.f32 v47, v42;
	v36 =	vmul.f32 v27, v15;
	v32 =	vld.idx.msk [tilespmem:v31+s16+$0x0], $0xffff  }
0xb4: {  	v45 =	vor.u32 v7, v25;
	v25 =	vmov v22;
	v22 =	vmov v53;
	v44 =	vld.idx.msk [tilespmem:v33+s3+$0x0], $0xffff  }
0xb5: {  	v46 =	vor.u32 v2, v18;
	v36 =	vadd.f32 v40, v36;
	v37 =	vld.idx.msk [tilespmem:v37+s3+$0x0], $0xffff  }
0xb6: {  	v47 =	vor.u32 v5, v21;
	v40 =	vshll.u32 v41, $0x7;
	v41 =	vor.u32 v3, v24;
	v33 =	vld.idx.msk [tilespmem:v38+s17+$0x0], $0xffff  }
0xb7: {  	v49 =	vmul.f32 v29, v10;
	v48 =	vor.u32 v0, v40;
	v36 =	vmax.f32 v36, $0.0e+00;
	v38 =	vld.idx.msk [tilespmem:v38+s16+$0x0], $0xffff  }
0xb8: {  	v50 =	vmul.f32 v30, v12;
	v42 =	vor.u32 v5, v40;
	[tilespmem:v43+s19+$0x0] =	vst.idx.add.f32.msk $0xffff, v36  }
0xb9: {  	v51 =	vor.u32 v7, v23;
	v23 =	vmovc v19;
	v36 =	vmax.f32 v39, $0.0e+00;
	v43 =	vor.u32 v3, v19;
	v45 =	vld.idx.msk [tilespmem:v45+s3+$0x0], $0xffff  }
0xba: {  	v52 =	vor.u32 v1, v34;
	v19 =	vmov v34;
	[tilespmem:v46+s19+$0x0] =	vst.idx.add.f32.msk $0xffff, v36;
	v36 =	vadd.f32 v44, v50  }
0xbb: {  	v34 =	vadd.f32 v37, v49;
	v44 =	vmul.f32 v27, v16;
	v37 =	vld.idx.msk [tilespmem:v41+s3+$0x0], $0xffff;
	v41 =	vor.u32 v6, v28  }
0xbc: {  	v35 =	vmax.f32 v35, $0.0e+00;
	v27 =	vmovc v30;
	v30 =	vmovc v29;
	v46 =	vld.idx.msk [tilespmem:v48+s3+$0x0], $0xffff;
	v36 =	vmax.f32 v36, $0.0e+00;
	v48 =	vor.u32 v4, v25  }
0xbd: {  	v39 =	vshll.u32 v38, $0x7;
	v29 =	vmax.f32 v34, $0.0e+00;
	v38 =	vmul.f32 v17, v12;
	[tilespmem:v47+s19+$0x0] =	vst.idx.add.f32.msk $0xffff, v35  }
0xbe: {  	v35 =	vmul.f32 v33, v9;
	v47 =	vor.u32 v0, v39;
	[tilespmem:v43+s19+$0x0] =	vst.idx.add.f32.msk $0xffff, v36  }
0xbf: {  	v34 =	vshll.u32 v32, $0x7;
	v36 =	vadd.f32 v45, v44;
	[tilespmem:v52+s19+$0x0] =	vst.idx.add.f32.msk $0xffff, v29;
	v29 =	vor.u32 v2, v22  }
0xc0: {  	v32 =	vor.u32 v0, v34;
	v41 =	vld.idx.msk [tilespmem:v41+s3+$0x0], $0xffff  }
0xc1: {  	v43 =	vor.u32 v1, v40;
	v37 =	vadd.f32 v37, v38;
	v36 =	vmax.f32 v36, $0.0e+00;
	v38 =	vld.idx.msk [tilespmem:v48+s3+$0x0], $0xffff  }
0xc2: {  	v44 =	vor.u32 v3, v18;
	v35 =	vadd.f32 v35, v46;
	[tilespmem:v51+s19+$0x0] =	vst.idx.add.f32.msk $0xffff, v36  }
0xc3: {  	v46 =	vor.u32 v4, v24;
	v45 =	vld.idx.msk [tilespmem:v31+s15+$0x0], $0xffff  }
0xc4: {  	v48 =	vor.u32 v6, v21;
	v36 =	vmul.f32 v20, v15;
	v35 =	vmax.f32 v35, $0.0e+00;
	v29 =	vld.idx.msk [tilespmem:v29+s3+$0x0], $0xffff  }
0xc5: {  	[tilespmem:v47+s19+$0x0] =	vst.idx.add.f32.msk $0xffff, v35;
	v35 =	vmul.f32 v27, v13;
	v47 =	vor.u32 v4, v23  }
0xc6: {  	v52 =	vor.u32 v5, v25;
	v37 =	vmax.f32 v37, $0.0e+00;
	v41 =	vadd.f32 v41, v36;
	v50 =	vld.idx.msk [tilespmem:v43+s3+$0x0], $0xffff  }
0xc7: {  	v36 =	vor.u32 v7, v28;
	v28 =	vmov v24;
	[tilespmem:v44+s19+$0x0] =	vst.idx.add.f32.msk $0xffff, v37;
	v35 =	vadd.f32 v38, v35  }
0xc8: {  	v24 =	vmovc v40;
	v37 =	vmul.f32 v30, v11;
	v38 =	vor.u32 v2, v19;
	v41 =	vmax.f32 v41, $0.0e+00;
	v43 =	vld.idx.msk [tilespmem:v46+s3+$0x0], $0xffff  }
.Ltmp7:
0xc9: {  	v40 =	vmul.f32 v33, v10;
	v53 =	vshll.u32 v45, $0x7;
	v35 =	vmax.f32 v35, $0.0e+00;
	[tilespmem:v48+s19+$0x0] =	vst.idx.add.f32.msk $0xffff, v41;
	(pc) =	sbr.rel @p2 .LBB2_15-.Ltmp7, $4  }
0xca: {  	v51 =	vor.u32 v0, v53;
	v37 =	vadd.f32 v29, v37;
	[tilespmem:v47+s19+$0x0] =	vst.idx.add.f32.msk $0xffff, v35  }
0xcb: {  	v49 =	vmul.f32 v17, v13;
	v47 =	vor.u32 v1, v39;
	v44 =	vld.idx.msk [tilespmem:v52+s3+$0x0], $0xffff  }
0xcc: {  	v52 =	vadd.f32 v50, v40;
	v50 =	vor.u32 v2, v24;
	v29 =	vld.idx.msk [tilespmem:v31+s17+$0x0], $0xffff;
	v31 =	vmax.f32 v37, $0.0e+00  }
0xcd: {  	v45 =	vor.u32 v5, v23;
	v48 =	vor.u32 v4, v18;
	[tilespmem:v38+s19+$0x0] =	vst.idx.add.f32.msk $0xffff, v31  }
0xce: {  	v46 =	vmov v25;
	v41 =	vmov v20  }
0xcf: {  	v38 =	vmovc v21;
	v40 =	vmovc v23;
	v37 =	vmov v27;
	v20 =	vmov v17;
	v35 =	vmov v26  }
0xd0: {  	v21 =	vmovc v18;
	v25 =	vmovc v22;
	v23 =	vmov v19;
	v17 =	vmov v33;
	v26 =	vmov v42  }
0xd1: {  	v18 =	vmovc v39;
	v22 =	vmovc v53;
	v27 =	vmov v30;
	v19 =	vmov v34;
	v31 =	vmov v28  }
.LBB2_17:
0xd2: {  	_ =	sdelay $0x3  }
0xd3: {  	v28 =	vld.idx.msk [tilespmem:v51+s3+$0x0], $0xffff;
	_ =	sdelay $0x2  }
0xd4: {  	v30 =	vmul.f32 v29, v9  }
0xd5: {  	v33 =	vor.u32 v1, v22  }
0xd6: {  	v28 =	vadd.f32 v30, v28;
	_ =	sdelay $0x1  }
0xd7: {  	v28 =	vmax.f32 v28, $0.0e+00  }
0xd8: {  	[tilespmem:v32+s19+$0x0] =	vst.idx.add.f32.msk $0xffff, v28  }
0xd9: {  	v59 =	vmax.f32 v52, $0.0e+00;
	v28 =	vld.idx.msk [tilespmem:v33+s3+$0x0], $0xffff  }
0xda: {  	[tilespmem:v47+s19+$0x0] =	vst.idx.add.f32.msk $0xffff, v59  }
0xdb: {  	v34 =	vld.idx.msk [tilespmem:v50+s3+$0x0], $0xffff;
	v32 =	vor.u32 @p0 v3, v25  }
0xdc: {  	v60 =	vmul.f32 v29, v10;
	v61 =	vor.u32 v1, v19  }
0xdd: {  	v62 =	vor.u32 v2, v22  }
0xde: {  	v39 =	vmul.f32 v17, v11;
	v42 =	vor.u32 v2, v18;
	v28 =	vadd.f32 v28, v60;
	_ =	sdelay $0x1  }
0xdf: {  	v63 =	vor.u32 v3, v24;
	v47 =	vadd.f32 v34, v39;
	v32 =	vld.idx.msk @p0 [tilespmem:v32+s3+$0x0], $0xffff;
	v28 =	vmax.f32 v28, $0.0e+00  }
0xe0: {  	[tilespmem:v61+s19+$0x0] =	vst.idx.add.f32.msk $0xffff, v28  }
0xe1: {  	v33 =	vmax.f32 v47, $0.0e+00;
	v30 =	vld.idx.msk [tilespmem:v62+s3+$0x0], $0xffff  }
0xe2: {  	v47 =	vor.u32 @p0 v3, v23;
	[tilespmem:v42+s19+$0x0] =	vst.idx.add.f32.msk $0xffff, v33;
	v42 =	vmul.f32 @p0 v27, v12  }
0xe3: {  	v34 =	vor.u32 @p0 v4, v25  }
0xe4: {  	v51 =	vor.u32 v2, v19;
	v50 =	vmul.f32 v29, v11;
	v28 =	vld.idx.msk [tilespmem:v63+s3+$0x0], $0xffff;
	v32 =	vadd.f32 @p0 v32, v42  }
0xe5: {  	v52 =	vor.u32 v3, v22  }
0xe6: {  	v32 =	vmax.f32 @p0 v32, $0.0e+00;
	v30 =	vadd.f32 v30, v50  }
0xe7: {  	v53 =	vmul.f32 v17, v12;
	v54 =	vor.u32 v3, v18;
	[tilespmem:v47+s19+$0x0] =	vst.idx.add.f32.msk @p0 $0xffff, v32  }
0xe8: {  	v55 =	vor.u32 v4, v24;
	v32 =	vld.idx.msk @p0 [tilespmem:v34+s3+$0x0], $0xffff;
	v30 =	vmax.f32 v30, $0.0e+00  }
0xe9: {  	v28 =	vadd.f32 v28, v53;
	[tilespmem:v51+s19+$0x0] =	vst.idx.add.f32.msk $0xffff, v30  }
0xea: {  	v42 =	vadd.f32 @p0 v43, v49;
	v33 =	vld.idx.msk [tilespmem:v52+s3+$0x0], $0xffff  }
0xeb: {  	v28 =	vmax.f32 v28, $0.0e+00  }
0xec: {  	v39 =	vmul.f32 @p0 v27, v13;
	[tilespmem:v54+s19+$0x0] =	vst.idx.add.f32.msk $0xffff, v28;
	v30 =	vmax.f32 @p0 v42, $0.0e+00;
	v42 =	vor.u32 @p0 v4, v23  }
0xed: {  	v56 =	vmul.f32 v29, v12;
	v57 =	vor.u32 v3, v19;
	v43 =	vld.idx.msk [tilespmem:v55+s3+$0x0], $0xffff  }
0xee: {  	v58 =	vor.u32 v4, v22;
	[tilespmem:v48+s19+$0x0] =	vst.idx.add.f32.msk @p0 $0xffff, v30;
	v32 =	vadd.f32 @p0 v32, v39  }
0xef: {  	v30 =	vadd.f32 v33, v56;
	v33 =	vld.idx.msk @p0 [tilespmem:v35+s3+$0x0], $0xffff;
	v35 =	vor.u32 @p0 v5, v25  }
0xf0: {  	v59 =	vmul.f32 v17, v13;
	v32 =	vmax.f32 @p0 v32, $0.0e+00  }
0xf1: {  	v60 =	vor.u32 v4, v18;
	v39 =	vmul.f32 @p1 v37, v14;
	[tilespmem:v42+s19+$0x0] =	vst.idx.add.f32.msk @p0 $0xffff, v32;
	v30 =	vmax.f32 v30, $0.0e+00  }
0xf2: {  	v27 =	vpsel p0, v27, v0;
	v61 =	vmul.f32 v29, v13;
	[tilespmem:v57+s19+$0x0] =	vst.idx.add.f32.msk $0xffff, v30  }
0xf3: {  	v39 =	vadd.f32 @p1 v44, v39;
	v44 =	vmul.f32 @p0 v20, v14;
	v30 =	vadd.f32 v43, v59;
	v28 =	vld.idx.msk [tilespmem:v58+s3+$0x0], $0xffff  }
0xf4: {  	v63 =	vor.u32 v5, v22;
	v62 =	vor.u32 v4, v19;
	v32 =	vor.u32 @p1 v6, v46;
	v35 =	vld.idx.msk @p0 [tilespmem:v35+s3+$0x0], $0xffff  }
0xf5: {  	v34 =	vld.idx.msk @p1 [tilespmem:v36+s3+$0x0], $0xffff;
	v33 =	vadd.f32 @p0 v33, v44;
	v30 =	vmax.f32 v30, $0.0e+00;
	v44 =	vor.u32 @p0 v5, v21  }
0xf6: {  	v49 =	vor.u32 v5, v18;
	v36 =	vor.u32 @p0 v5, v23;
	[tilespmem:v60+s19+$0x0] =	vst.idx.add.f32.msk $0xffff, v30  }
0xf7: {  	v36 =	vpsel p0, v36, v0;
	v48 =	vmul.f32 v17, v14;
	v39 =	vmax.f32 @p1 v39, $0.0e+00;
	v26 =	vld.idx.msk [tilespmem:v26+s3+$0x0], $0xffff  }
0xf8: {  	[tilespmem:v45+s19+$0x0] =	vst.idx.add.f32.msk @p1 $0xffff, v39;
	v45 =	vmul.f32 @p0 v27, v14;
	v28 =	vadd.f32 v28, v61  }
0xf9: {  	v39 =	vor.u32 @p0 v6, v31;
	v32 =	vld.idx.msk @p1 [tilespmem:v32+s3+$0x0], $0xffff;
	v33 =	vmax.f32 @p0 v33, $0.0e+00;
	v35 =	vpsel p0, v35, v0  }
0xfa: {  	v25 =	vpsel p0, v25, v0;
	[tilespmem:v44+s19+$0x0] =	vst.idx.add.f32.msk @p0 $0xffff, v33;
	v28 =	vmax.f32 v28, $0.0e+00;
	v35 =	vadd.f32 @p0 v35, v45  }
0xfb: {  	v45 =	vor.u32 @p0 v6, v25;
	[tilespmem:v62+s19+$0x0] =	vst.idx.add.f32.msk $0xffff, v28  }
0xfc: {  	v50 =	vor.u32 v6, v24;
	v26 =	vadd.f32 v26, v48;
	v30 =	vld.idx.msk [tilespmem:v63+s3+$0x0], $0xffff;
	v33 =	vmax.f32 @p0 v35, $0.0e+00  }
0xfd: {  	v42 =	vmul.f32 @p1 v37, v15;
	v28 =	vor.u32 @p1 v6, v40;
	[tilespmem:v36+s19+$0x0] =	vst.idx.add.f32.msk @p0 $0xffff, v33  }
0xfe: {  	v51 =	vor.u32 v5, v19;
	v36 =	vld.idx.msk @p0 [tilespmem:v39+s3+$0x0], $0xffff;
	v26 =	vmax.f32 v26, $0.0e+00  }
0xff: {  	v52 =	vmul.f32 v29, v14;
	v32 =	vadd.f32 @p1 v32, v42;
	[tilespmem:v49+s19+$0x0] =	vst.idx.add.f32.msk $0xffff, v26  }
0x100: {  	v53 =	vor.u32 v6, v22;
	v23 =	vpsel p0, v23, v0;
	v43 =	vor.u32 @p1 v7, v46;
	v45 =	vld.idx.msk @p0 [tilespmem:v45+s3+$0x0], $0xffff  }
0x101: {  	v42 =	vmul.f32 @p0 v20, v15;
	v32 =	vmax.f32 @p1 v32, $0.0e+00;
	v54 =	vld.idx.msk [tilespmem:v50+s3+$0x0], $0xffff;
	v30 =	vadd.f32 v30, v52  }
0x102: {  	[tilespmem:v28+s19+$0x0] =	vst.idx.add.f32.msk @p1 $0xffff, v32;
	v28 =	vor.u32 @p0 v7, v31;
	v31 =	vor.u32 @p0 v6, v21  }
0x103: {  	v26 =	vmul.f32 @p0 v27, v15;
	v28 =	vpsel p0, v28, v0;
	v30 =	vmax.f32 v30, $0.0e+00  }
0x104: {  	v33 =	vadd.f32 @p0 v36, v42;
	v36 =	vor.u32 @p0 v6, v23;
	[tilespmem:v51+s19+$0x0] =	vst.idx.add.f32.msk $0xffff, v30  }
0x105: {  	v55 =	vmul.f32 v17, v15;
	v56 =	vor.u32 v6, v18;
	v30 =	vld.idx.msk [tilespmem:v53+s3+$0x0], $0xffff  }
0x106: {  	v25 =	vor.u32 @p0 v7, v25;
	v35 =	vld.idx.msk @p1 [tilespmem:v43+s3+$0x0], $0xffff;
	v26 =	vadd.f32 @p0 v45, v26;
	v33 =	vmax.f32 @p0 v33, $0.0e+00  }
0x107: {  	v57 =	vor.u32 v7, v24;
	v58 =	vadd.f32 v54, v55;
	[tilespmem:v31+s19+$0x0] =	vst.idx.add.f32.msk @p0 $0xffff, v33  }
0x108: {  	v59 =	vmul.f32 v29, v15;
	v60 =	vor.u32 v6, v19;
	v26 =	vmax.f32 @p0 v26, $0.0e+00;
	v28 =	vld.idx.msk @p0 [tilespmem:v28+s3+$0x0], $0xffff  }
0x109: {  	v61 =	vor.u32 v7, v22;
	v31 =	vmax.f32 v58, $0.0e+00;
	[tilespmem:v36+s19+$0x0] =	vst.idx.add.f32.msk @p0 $0xffff, v26  }
0x10a: {  	v41 =	vmul.f32 @p1 v41, v16;
	[tilespmem:v56+s19+$0x0] =	vst.idx.add.f32.msk $0xffff, v31;
	v30 =	vadd.f32 v30, v59  }
0x10b: {  	v38 =	vor.u32 @p1 v7, v38;
	v17 =	vmul.f32 v17, v16;
	v18 =	vor.u32 v7, v18;
	v25 =	vld.idx.msk @p0 [tilespmem:v25+s3+$0x0], $0xffff  }
0x10c: {  	v26 =	vmul.f32 @p1 v37, v16;
	v31 =	vor.u32 @p1 v7, v40;
	v24 =	vld.idx.msk [tilespmem:v57+s3+$0x0], $0xffff;
	v30 =	vmax.f32 v30, $0.0e+00  }
0x10d: {  	v20 =	vpsel p0, v20, v0;
	v21 =	vpsel p0, v21, v0;
	[tilespmem:v60+s19+$0x0] =	vst.idx.add.f32.msk $0xffff, v30  }
0x10e: {  	v20 =	vmul.f32 @p0 v20, v16;
	v21 =	vor.u32 @p0 v7, v21;
	v26 =	vadd.f32 @p1 v35, v26;
	v22 =	vld.idx.msk [tilespmem:v61+s3+$0x0], $0xffff  }
0x10f: {  	v27 =	vmul.f32 @p0 v27, v16;
	v32 =	vadd.f32 @p1 v34, v41;
	v23 =	vor.u32 @p0 v7, v23  }
0x110: {  	v19 =	vor.u32 v7, v19;
	v26 =	vmax.f32 @p1 v26, $0.0e+00;
	v20 =	vadd.f32 @p0 v28, v20  }
0x111: {  	v62 =	vmul.f32 v29, v16;
	[tilespmem:v31+s19+$0x0] =	vst.idx.add.f32.msk @p1 $0xffff, v26;
	v30 =	vmax.f32 @p1 v32, $0.0e+00;
	v25 =	vadd.f32 @p0 v25, v27  }
0x112: {  	v20 =	vmax.f32 @p0 v20, $0.0e+00;
	v17 =	vadd.f32 v24, v17;
	[tilespmem:v38+s19+$0x0] =	vst.idx.add.f32.msk @p1 $0xffff, v30  }
0x113: {  	[tilespmem:v21+s19+$0x0] =	vst.idx.add.f32.msk @p0 $0xffff, v20;
	v20 =	vmax.f32 @p0 v25, $0.0e+00;
	v63 =	vadd.f32 v22, v62  }
0x114: {  	v17 =	vmax.f32 v17, $0.0e+00;
	[tilespmem:v23+s19+$0x0] =	vst.idx.add.f32.msk @p0 $0xffff, v20  }
0x115: {  	[tilespmem:v18+s19+$0x0] =	vst.idx.add.f32.msk $0xffff, v17;
	v17 =	vmax.f32 v63, $0.0e+00  }
0x116: {  	[tilespmem:v19+s19+$0x0] =	vst.idx.add.f32.msk $0xffff, v17  }
.LBB2_6:
0x117: {  	p0 =	sge.s32 s22, s21  }
.Ltmp8:
0x118: {  	_ = 	snop;
	(pc) =	sbr.rel @p0 .LBB2_9-.Ltmp8, $1  }
0x119: {  	_ =	sdelay $0x3  }
0x11a: {  	s22 =	ssub.s32 s21, s22  }
0x11b: {  	s22 =	ssub.s32 $0x0, s22  }
.LBB2_8:
0x11c: {  	s23 =	sadd.s32 s22, s21  }
0x11d: {  	v17 =	vmov s23;
	_ =	sdelay $0x4  }
0x11e: {  	v18 =	vld.idx.msk [tilespmem:v17+s15+$0x0], $0xffff;
	_ =	sdelay $0x4  }
0x11f: {  	v18 =	vshll.u32 v18, $0x7  }
0x120: {  	v19 =	vor.u32 v0, v18;
	_ =	sdelay $0x1  }
0x121: {  	v20 =	vld.idx.msk [tilespmem:v17+s16+$0x0], $0xffff  }
0x122: {  	v17 =	vld.idx.msk [tilespmem:v17+s17+$0x0], $0xffff;
	_ =	sdelay $0x1  }
0x123: {  	v19 =	vld.idx.msk [tilespmem:v19+s3+$0x0], $0xffff;
	_ =	sdelay $0x1  }
0x124: {  	v20 =	vshll.u32 v20, $0x7  }
0x125: {  	v21 =	vmul.f32 v17, v9;
	v22 =	vor.u32 v0, v20  }
0x126: {  	v23 =	vor.u32 v1, v18  }
0x127: {  	v19 =	vadd.f32 v21, v19;
	_ =	sdelay $0x1  }
0x128: {  	v19 =	vmax.f32 v19, $0.0e+00  }
0x129: {  	[tilespmem:v22+s19+$0x0] =	vst.idx.add.f32.msk $0xffff, v19  }
0x12a: {  	v19 =	vld.idx.msk [tilespmem:v23+s3+$0x0], $0xffff;
	_ =	sdelay $0x2  }
0x12b: {  	v47 =	vmul.f32 v17, v10;
	v48 =	vor.u32 v1, v20  }
0x12c: {  	v49 =	vor.u32 v2, v18  }
0x12d: {  	v19 =	vadd.f32 v19, v47;
	_ =	sdelay $0x1  }
0x12e: {  	v19 =	vmax.f32 v19, $0.0e+00  }
0x12f: {  	[tilespmem:v48+s19+$0x0] =	vst.idx.add.f32.msk $0xffff, v19  }
0x130: {  	v19 =	vld.idx.msk [tilespmem:v49+s3+$0x0], $0xffff;
	_ =	sdelay $0x2  }
0x131: {  	v50 =	vmul.f32 v17, v11;
	v51 =	vor.u32 v2, v20  }
0x132: {  	v52 =	vor.u32 v3, v18  }
0x133: {  	v19 =	vadd.f32 v19, v50;
	_ =	sdelay $0x1  }
0x134: {  	v19 =	vmax.f32 v19, $0.0e+00  }
0x135: {  	[tilespmem:v51+s19+$0x0] =	vst.idx.add.f32.msk $0xffff, v19  }
0x136: {  	v19 =	vld.idx.msk [tilespmem:v52+s3+$0x0], $0xffff;
	_ =	sdelay $0x2  }
0x137: {  	v53 =	vmul.f32 v17, v12;
	v54 =	vor.u32 v3, v20  }
0x138: {  	v55 =	vor.u32 v4, v18  }
0x139: {  	v19 =	vadd.f32 v19, v53;
	_ =	sdelay $0x1  }
0x13a: {  	v19 =	vmax.f32 v19, $0.0e+00  }
0x13b: {  	[tilespmem:v54+s19+$0x0] =	vst.idx.add.f32.msk $0xffff, v19  }
0x13c: {  	v19 =	vld.idx.msk [tilespmem:v55+s3+$0x0], $0xffff;
	_ =	sdelay $0x2  }
0x13d: {  	v56 =	vmul.f32 v17, v13;
	v57 =	vor.u32 v4, v20  }
0x13e: {  	v58 =	vor.u32 v5, v18  }
0x13f: {  	v19 =	vadd.f32 v19, v56;
	_ =	sdelay $0x1  }
0x140: {  	v19 =	vmax.f32 v19, $0.0e+00  }
0x141: {  	[tilespmem:v57+s19+$0x0] =	vst.idx.add.f32.msk $0xffff, v19  }
0x142: {  	v19 =	vld.idx.msk [tilespmem:v58+s3+$0x0], $0xffff;
	_ =	sdelay $0x2  }
0x143: {  	v59 =	vmul.f32 v17, v14;
	v60 =	vor.u32 v5, v20  }
0x144: {  	v61 =	vor.u32 v6, v18  }
0x145: {  	v19 =	vadd.f32 v19, v59;
	_ =	sdelay $0x1  }
0x146: {  	v19 =	vmax.f32 v19, $0.0e+00  }
0x147: {  	[tilespmem:v60+s19+$0x0] =	vst.idx.add.f32.msk $0xffff, v19  }
0x148: {  	v19 =	vld.idx.msk [tilespmem:v61+s3+$0x0], $0xffff;
	_ =	sdelay $0x2  }
0x149: {  	v62 =	vmul.f32 v17, v15;
	v63 =	vor.u32 v6, v20  }
0x14a: {  	v18 =	vor.u32 v7, v18  }
0x14b: {  	v19 =	vadd.f32 v19, v62;
	_ =	sdelay $0x1  }
0x14c: {  	v19 =	vmax.f32 v19, $0.0e+00  }
0x14d: {  	[tilespmem:v63+s19+$0x0] =	vst.idx.add.f32.msk $0xffff, v19  }
0x14e: {  	v18 =	vld.idx.msk [tilespmem:v18+s3+$0x0], $0xffff;
	_ =	sdelay $0x1  }
0x14f: {  	s22 =	sadd.s32 $0x1, s22  }
0x150: {  	p0 =	seq.s32 s22, $0x0;
	v17 =	vmul.f32 v17, v16;
	v19 =	vor.u32 v7, v20  }
.Ltmp9:
0x151: {  	_ = 	snop;
	(pc) =	sbr.rel @!p0 .LBB2_8-.Ltmp9, $3  }
0x152: {  	v17 =	vadd.f32 v18, v17;
	_ =	sdelay $0x1  }
0x153: {  	v17 =	vmax.f32 v17, $0.0e+00  }
0x154: {  	[tilespmem:v19+s19+$0x0] =	vst.idx.add.f32.msk $0xffff, v17  }
.Ltmp10:
0x155: {  	_ = 	snop;
	(pc) =	sbr.rel .LBB2_9-.Ltmp10, $1  }
0x156: {  	_ =	sdelay $0x3  }
.LBB2_5:
.Ltmp11:
0x157: {  	(pc) =	sbr.rel .LBB2_17-.Ltmp11, $3  }
0x158: {  	_ =	sdelay $0x1  }
0x159: {  	v29 =	vmov v27;
	v24 =	vmov v31  }
0x15a: {  	v17 =	vmovc v20;
	v26 =	vmovc v35;
	v18 =	vmov v21;
	v22 =	vmov v25;
	v19 =	vmov v23  }
.LBB2_12:
.Ltmp12:
0x15b: {  	(pc) =	sbr.rel .LBB2_17-.Ltmp12, $2  }
0x15c: {  	_ =	sdelay $0x2  }
0x15d: {  	v24 =	vmov v28;
	v29 =	vmov v30  }
.LBB2_14:
.Ltmp13:
0x15e: {  	(pc) =	sbr.rel .LBB2_17-.Ltmp13, $4  }
0x15f: {  	v46 =	vmov v25;
	v41 =	vmov v20  }
0x160: {  	v38 =	vmovc v21;
	v40 =	vmovc v23;
	v37 =	vmov v27;
	v20 =	vmov v17;
	v35 =	vmov v26  }
0x161: {  	v21 =	vmovc v18;
	v25 =	vmovc v22;
	v23 =	vmov v19;
	v17 =	vmov v33;
	v26 =	vmov v42  }
0x162: {  	v18 =	vmovc v39;
	v22 =	vmovc v53;
	v27 =	vmov v30;
	v19 =	vmov v34;
	v31 =	vmov v28  }
.LBB2_10:
0x163: {  	_ =	sfence.sel $0x180000  }
0x164: {  	[bflag:$0x0] =	sbarrier.arrive $0xFFFF  }
0x165: {  	p0 =	sne.s32 s0, $0x0;
	_ =	strace $0x90000050  }
0x166: {  	s0 =	sadd.s32 @!p0 $0x100000, s1;
	[bflag:$0x2] =	sbarrier.arrive $0xFFFF  }
0x167: {  	[sflag:s0] =	ssyncadd.tile.s32 @!p0 $0x1;
	_ =	shalt  }
.Lfunc_end2:
_tile_overlayer_lowered:
.L_overlay_start_2:
0x168: {  	(tag) =	ssettag $0x2  }
0x169: {  	s0 =	rddreg [dreg:$0x0];
	s2 =	stileid.u32  }
0x16a: {  	s1 =	rddreg [dreg:$0x1];
	p0 =	sne.s32 s2, $0x0  }
0x16b: {  	s3 =	rddreg [dreg:$0x2];
	[bflag:$0x3] =	sbarrier.arrive $0xFFFF;
	s2 =	simm.s32 @!p0 $0x1C01  }
0x16c: {  	[timem:s3], [sflag:s2] =	dma.local @!p0 [hbm:s0], s1  }
0x16d: {  	s0 =	simm.s32 @!p0 $0x1  }
0x16e: {  	_ =	swait.ge @!p0 [sflag:s0], s1  }
0x16f: {  	s1 =	ssub.s32 @!p0 $0x0, s1;
	[sflag:s0] =	ssyncset.done @!p0 $0x0  }
0x170: {  	[sflag:s0] =	ssyncadd.s32 @!p0 s1  }
0x171: {  	[bflag:$0x3] =	sbarrier.arrive $0xFFFF  }
0x172: {  	_ =	shalt  }

// kernel: kernel.24.cloned.1.call-start
scs
__scs_entry_jumppad:
0x0: {  	(pc) =	sbr.rel $0x88, $3  }
0x1: {  	(tag) =	ssettag $0x0;
	lr =	simm.s32 $0x1  }
0x2: {  	[smem:$0x3F86] =	sst lr;
	_ =	strace $0xD0000000  }
0x3: {  	_ = 	snop  }
0x4: {  	_ = 	snop  }
0x5: {  	_ = 	snop  }
0x6: {  	_ = 	snop  }
0x7: {  	_ = 	snop  }
__scs_overlays_trampoline_lowered:
0x8: {  	[smem:$0x3F95] =	sst s0  }
0x9: {  	[smem:$0x3F96] =	sst s1  }
0xa: {  	[smem:$0x3F97] =	sst s2  }
0xb: {  	[smem:$0x3F98] =	sst s3  }
0xc: {  	[smem:$0x3F99] =	sst s4  }
0xd: {  	[smem:$0x3F9A] =	sst s5  }
0xe: {  	[smem:$0x3F9B] =	sst s6  }
0xf: {  	[smem:$0x3F9C] =	sst s7  }
0x10: {  	[smem:$0x3F9D] =	sst s8  }
0x11: {  	[smem:$0x3F9E] =	sst s9;
	s0 =	simm.s32 @!p0 $0x0  }
0x12: {  	s1 =	sld [smem:$0x3F84];
	s0 =	simm.s32 @p0 $0x1  }
0x13: {  	[smem:$0x3F9F] =	sst s0;
	s0 =	simm.s32 @!p1 $0x0  }
0x14: {  	s2 =	sld [smem:$0x3F83];
	s0 =	simm.s32 @p1 $0x1  }
0x15: {  	[smem:$0x3FA0] =	sst s0;
	s0 =	simm.s32 @!p2 $0x0  }
0x16: {  	s3 =	sld [smem:$0x3FDB];
	s0 =	simm.s32 @p2 $0x1  }
0x17: {  	s4 =	simm.s32 $0x1BF5;
	[smem:$0x3FA2] =	sst s0  }
0x18: {  	s0 =	sld [smem:$0x3F85];
	_ =	swait.ge [sflag:s4], $0x0  }
0x19: {  	s7 =	sld [smem:$0x3F86]  }
0x1a: {  	s8 =	sadd.s32 $0xFFFFE003, lr  }
0x1b: {  	s9 =	sadd.s32 $0xFFFFFEF7, lr;
	s5 =	simm.s32 $0xFFFFFFFF;
	p2 =	slt.u32 s8, $0xFFFFF086  }
0x1c: {  	p1 =	slt.u32 s9, $0xF7A;
	s5 =	simm.s32 @!p2 $0x0  }
0x1d: {  	s5 =	simm.s32 @p1 $0x1;
	p0 =	seq.s32 s7, s2  }
0x1e: {  	s7 =	smul.u32 @!p0 $0xF7A, s2;
	p2 =	seq.s32 @!p0 s5, $0x0  }
0x1f: {  	s9 =	smul.u32 $0xF7A, s1;
	s8 =	simm.s32 @!p0 $0x1BF5;
	p2 =	por !p2, p0  }
0x20: {  	[sflag:s8] =	ssyncset.s32 @!p0 $0xFFFFF086;
	s6 =	sadd.s32 @!p0 s3, s7;
	s7 =	simm.s32 @!p0 $0x108  }
0x21: {  	s3 =	sadd.s32 s3, s9;
	s6 =	sadd.s32 @!p0 $0x88, s6;
	s7 =	simm.s32 @p2 $0x1082  }
0x22: {  	[simem:s7], [sflag:s8] =	dma.local @!p0 [hbm:s6], $0xF7A  }
0x23: {  	s9 =	sor.u32 $0xD0000000, s2;
	s6 =	simm.s32 $0x108;
	_ =	swait.ge @!p0 [sflag:s8], $0x0  }
0x24: {  	s3 =	sadd.s32 $0x88, s3;
	s6 =	simm.s32 @!p1 $0x1082;
	[sflag:s4] =	ssyncset.s32 $0xFFFFF086  }
0x25: {  	[simem:s6], [sflag:s4] =	dma.local [hbm:s3], $0xF7A  }
0x26: {  	[smem:$0x3F86] =	sst s1;
	(tag) =	ssettag s2;
	_ =	strace s9  }
0x27: {  	s1 =	sld [smem:$0x3F96]  }
0x28: {  	s2 =	sld [smem:$0x3F97]  }
0x29: {  	s4 =	sld [smem:$0x3F99]  }
0x2a: {  	p0 =	seq.s32 s5, $0x0;
	s5 =	sld [smem:$0x3F9A]  }
0x2b: {  	s6 =	sld [smem:$0x3F9B]  }
0x2c: {  	s7 =	sld [smem:$0x3F9C]  }
0x2d: {  	s3 =	simm.s32 $0x108;
	s8 =	sld [smem:$0x3F9D]  }
0x2e: {  	s3 =	simm.s32 @!p0 $0x1082;
	s9 =	sld [smem:$0x3F9E]  }
0x2f: {  	lr =	sadd.s32 s0, s3;
	s0 =	sld [smem:$0x3F95]  }
0x30: {  	s3 =	sld [smem:$0x3F98]  }
0x31: {  	[smem:$0x3FA1] =	sst s10  }
0x32: {  	s10 =	sld [smem:$0x3F9F];
	_ =	sdelay $0x3  }
0x33: {  	p0 =	seq.s32 s10, $0x1;
	s10 =	sld [smem:$0x3FA1];
	_ =	sdelay $0x3  }
0x34: {  	[smem:$0x3FA1] =	sst s10  }
0x35: {  	s10 =	sld [smem:$0x3FA0];
	_ =	sdelay $0x3  }
0x36: {  	p1 =	seq.s32 s10, $0x1;
	s10 =	sld [smem:$0x3FA1];
	_ =	sdelay $0x3  }
0x37: {  	[smem:$0x3FA1] =	sst s10  }
0x38: {  	s10 =	sld [smem:$0x3FA2]  }
0x39: {  	_ = 	snop;
	(pc) =	sbr.ind lr, $3  }
0x3a: {  	_ = 	snop  }
0x3b: {  	_ = 	snop  }
0x3c: {  	p2 =	seq.s32 s10, $0x1;
	s10 =	sld [smem:$0x3FA1]  }
0x3d: {  	_ =	shalt  }
0x3e: {  	_ =	shalt  }
0x3f: {  	_ =	shalt  }
0x40: {  	_ =	shalt  }
0x41: {  	_ =	shalt  }
0x42: {  	_ =	shalt  }
0x43: {  	_ =	shalt  }
0x44: {  	_ =	shalt  }
0x45: {  	_ =	shalt  }
0x46: {  	_ =	shalt  }
0x47: {  	_ =	shalt  }
0x48: {  	_ =	shalt  }
0x49: {  	_ =	shalt  }
0x4a: {  	_ =	shalt  }
0x4b: {  	_ =	shalt  }
0x4c: {  	_ =	shalt  }
0x4d: {  	_ =	shalt  }
0x4e: {  	_ =	shalt  }
0x4f: {  	_ =	shalt  }
0x50: {  	_ =	shalt  }
0x51: {  	_ =	shalt  }
0x52: {  	_ =	shalt  }
0x53: {  	_ =	shalt  }
0x54: {  	_ =	shalt  }
0x55: {  	_ =	shalt  }
0x56: {  	_ =	shalt  }
0x57: {  	_ =	shalt  }
0x58: {  	_ =	shalt  }
0x59: {  	_ =	shalt  }
0x5a: {  	_ =	shalt  }
0x5b: {  	_ =	shalt  }
0x5c: {  	_ =	shalt  }
0x5d: {  	_ =	shalt  }
0x5e: {  	_ =	shalt  }
0x5f: {  	_ =	shalt  }
0x60: {  	_ =	shalt  }
0x61: {  	_ =	shalt  }
0x62: {  	_ =	shalt  }
0x63: {  	_ =	shalt  }
0x64: {  	_ =	shalt  }
0x65: {  	_ =	shalt  }
0x66: {  	_ =	shalt  }
0x67: {  	_ =	shalt  }
0x68: {  	_ =	shalt  }
0x69: {  	_ =	shalt  }
0x6a: {  	_ =	shalt  }
0x6b: {  	_ =	shalt  }
0x6c: {  	_ =	shalt  }
0x6d: {  	_ =	shalt  }
0x6e: {  	_ =	shalt  }
0x6f: {  	_ =	shalt  }
0x70: {  	_ =	shalt  }
0x71: {  	_ =	shalt  }
0x72: {  	_ =	shalt  }
0x73: {  	_ =	shalt  }
0x74: {  	_ =	shalt  }
0x75: {  	_ =	shalt  }
0x76: {  	_ =	shalt  }
0x77: {  	_ =	shalt  }
0x78: {  	_ =	shalt  }
0x79: {  	_ =	shalt  }
0x7a: {  	_ =	shalt  }
0x7b: {  	_ =	shalt  }
0x7c: {  	_ =	shalt  }
0x7d: {  	_ =	shalt  }
0x7e: {  	_ =	shalt  }
0x7f: {  	_ =	shalt  }
0x80: {  	_ =	shalt  }
0x81: {  	_ =	shalt  }
0x82: {  	_ =	shalt  }
0x83: {  	_ =	shalt  }
0x84: {  	_ =	shalt  }
0x85: {  	_ =	shalt  }
0x86: {  	_ =	shalt  }
0x87: {  	_ =	shalt  }
.Lfunc_end0:
.L_simem_size_0:
called_computation.4_lowered:
.L_overlay_start_0:
0x88: {  	s2 =	sld [smem:$0x3FD9]  }
0x89: {  	s3 =	sld [smem:$0x3FFE];
	_ =	sdelay $0x1  }
0x8a: {  	s1 =	srdreg.scid  }
0x8b: {  	s0 =	sand.u32 $0x1, s1  }
0x8c: {  	s14 =	sshll.u32 s0, $0xA;
	s2 =	sadd.s32 s3, s2  }
0x8d: {  	s2 =	sadd.s32 s2, s14  }
0x8e: {  	[smem:$0x3FAD] =	sst s2  }
0x8f: {  	_ = 	snop  }
0x90: {  	s2 =	sld [smem:$0x3FD0];
	_ =	sdelay $0x2  }
0x91: {  	s15 =	simm.s32 $0xA;
	s4 =	simm.s32 $0x10  }
0x92: {  	[smem:s4], [sflag:s15] =	dma.local [hbm:s2], $0x1  }
0x93: {  	_ =	swait.eq [sflag:s15], $0x1  }
0x94: {  	[sflag:s15] =	ssyncset.done $0x0  }
0x95: {  	[sflag:s15] =	ssyncadd.s32 $0xFFFFFFFF  }
0x96: {  	s16 =	sld [smem:$0x10];
	(tm) =	ssettm $0x1  }
0x97: {  	s17 =	sld [smem:$0x3FFB];
	_ =	sdelay $0x3  }
0x98: {  	_ =	strace s17  }
0x99: {  	s3 =	sld [smem:$0x3FFC];
	_ =	sdelay $0x3  }
0x9a: {  	_ =	strace s3  }
0x9b: {  	s3 =	sld [smem:$0x3FFD];
	_ =	sdelay $0x3  }
0x9c: {  	_ =	strace s3  }
0x9d: {  	_ =	strace $0x8FFFFFFF  }
0x9e: {  	s18 =	sld [smem:$0x3FDB];
	_ =	sdelay $0x1  }
0x9f: {  	s19 =	simm.s32 $_scs_section_size  }
0xa0: {  	s5 =	simm.s32 $_size__tile_overlayer_lowered;
	s6 =	simm.s32 $_tile_overlayer_lowered  }
0xa1: {  	s22 =	simm.s32 $0x1BFF;
	s21 =	sshll.u32 s6, $0x1;
	s3 =	sadd.s32 s19, s18  }
0xa2: {  	s7 =	simm.s32 $0x0;
	s20 =	sshll.u32 s5, $0x1;
	s5 =	sadd.s32 s21, s3  }
0xa3: {  	[timem:s7], [sflag:s22] =	dma.local [hbm:s5], s20  }
0xa4: {  	_ =	swait.ge [sflag:s22], s20  }
0xa5: {  	s4 =	ssub.s32 $0x0, s20;
	[sflag:s22] =	ssyncset.done $0x0  }
0xa6: {  	[sflag:s22] =	ssyncadd.s32 s4;
	_ =	sdelay $0x1  }
0xa7: {  	s23 =	simm.s32 $0x1B8B  }
0xa8: {  	_ =	swait.ge [sflag:s23], $0x1  }
0xa9: {  	[sflag:s23] =	ssyncset.done $0x0  }
0xaa: {  	s25 =	simm.s32 $0x1B8E;
	s24 =	sld [smem:$0x3FFE];
	[sflag:s23] =	ssyncadd.s32 $0xFFFFFFFF  }
0xab: {  	s26 =	simm.s32 $execute0_lowered;
	[smem:$0x3FD2] =	sst s25  }
0xac: {  	s5 =	sshll.u32 s26, $0x1;
	_ =	strace $0x80000052;
	[dreg:$0x1] =	wrdreg $0xFFFFFFFF  }
0xad: {  	s28 =	simm.s32 $_size_execute0_lowered;
	s3 =	sadd.s32 s3, s5;
	[dreg:$0x0] =	wrdreg $0x0  }
0xae: {  	s5 =	sshll.u32 s28, $0x1;
	[dreg:$0x2] =	wrdreg s3  }
0xaf: {  	[dreg:$0x3] =	wrdreg s5  }
0xb0: {  	[dreg:$0x4] =	wrdreg $0xC0  }
0xb1: {  	_ =	task [dreg:s7], $0x5FFFF  }
0xb2: {  	[dreg:$0x1] =	wrdreg $0xFFFFFFFF  }
0xb3: {  	[dreg:$0x0] =	wrdreg $0x60  }
0xb4: {  	[dreg:$0x2] =	wrdreg s16  }
0xb5: {  	[dreg:$0x3] =	wrdreg s24  }
0xb6: {  	[dreg:$0x4] =	wrdreg $0x9  }
0xb7: {  	_ =	task.clear_ibuf [dreg:s7], $0x5FFFF;
	_ =	strace $0x90000052  }
0xb8: {  	s29 =	simm.s32 $0x9;
	_ =	strace $0x80000054  }
0xb9: {  	_ =	swait.ge [sflag:s29], $0x1  }
0xba: {  	[sflag:s29] =	ssyncadd.s32 $0xFFFFFFFF  }
0xbb: {  	_ =	strace $0x90000054  }
0xbc: {  	_ =	sfence  }
0xbd: {  	s30 =	sld [smem:$0x0];
	_ =	sdelay $0x2  }
0xbe: {  	s31 =	sshll.u32 s1, $0xD;
	s1 =	sshrl.u32 s1, $0x2  }
0xbf: {  	s3 =	sand.u32 $0x4000, s31;
	s1 =	sadd.s32 s1, s30  }
0xc0: {  	s0 =	sor.u32 s3, s0;
	s1 =	sshll.u32 s1, $0x11  }
0xc1: {  	s0 =	sor.u32 s1, s0  }
0xc2: {  	s0 =	sadd.s32 $0x8F2B, s0  }
0xc3: {  	[sflag:s0] =	ssyncadd.remote.s32 $0x1  }
0xc4: {  	_ =	sfence.sel $0xFFFF  }
0xc5: {  	[dreg:$0x0] =	wrdreg $0xFFFFFFFF;
	(pc) =	sbr.abs _section_cstart, $3  }
0xc6: {  	[dreg:$0x1] =	wrdreg $0xFFFFFFFF  }
0xc7: {  	_ =	task.clear_ibuf [dreg:s7], $0x2FFFF;
	_ =	strace $0x9FFFFFFF  }
0xc8: {  	(tm) =	ssettm $0x7FFFFFFF  }
0xc9: {  	_ =	shalt  }
tec
execute0_lowered:
.L_overlay_start_1:
0x0: {  	(tag) =	ssettag $0x1  }
0x1: {  	s0 =	srdreg.scid;
	s5 =	rddreg [dreg:$0x0]  }
0x2: {  	s6 =	rddreg [dreg:$0x1];
	s2 =	simm.s32 $0x0;
	s12 =	simm.s32 $0x1A080  }
0x3: {  	s13 =	simm.s32 $0x80;
	s14 =	simm.s32 $0x400;
	s15 =	simm.s32 $0x14000  }
0x4: {  	s16 =	simm.s32 $0x16000;
	s17 =	simm.s32 $0x18000;
	s18 =	simm.s32 $0x1A000  }
0x5: {  	s19 =	simm.s32 $0x10000;
	s20 =	simm.s32 $0x0;
	s4 =	sand.u32 $0x1, s0  }
0x6: {  	s0 =	stileid.u32;
	[smem:$0x7FF] =	sst s2;
	s1 =	sshll.u32 s4, $0x4  }
0x7: {  	s8 =	sshll.u32 s0, $0x7;
	s4 =	ssub.s32 $0x2, s4;
	s7 =	sor.u32 s0, s1  }
0x8: {  	s1 =	rddreg [dreg:$0x2];
	s8 =	sand.u32 $0x380, s8;
	_ =	strace $0x80000053  }
0x9: {  	s31 =	sshrl.u32 s4, $0x1;
	s3 =	sshrl.u32 s7, $0x3;
	s7 =	sshll.u32 s7, $0xB  }
0xa: {  	s11 =	ssub.s32 s4, s31;
	s9 =	sshll.u32 s3, $0x10;
	s3 =	sshll.u32 s3, $0xA  }
0xb: {  	s10 =	sadd.s32 s7, s6;
	s7 =	sand.u32 $0xE000, s7;
	s9 =	sor.u32 s8, s9  }
.Ltmp0:
0xc: {  	s8 =	sor.u32 s8, s3;
	s9 =	sshrl.u32 s9, $0x3;
	(pc) =	sbr.rel .LBB2_1-.Ltmp0, $4  }
0xd: {  	v0 =	vlaneseq.u32;
	s3 =	sadd.s32 $0x7400, s6;
	s8 =	sshrl.u32 s8, $0x3;
	s9 =	sadd.s32 s9, s6  }
0xe: {  	v8 =	vimm.f32 $0.0e+00;
	v1 =	vor.u32 $0x10, v0;
	s4 =	sadd.s32 s5, s7;
	s8 =	sadd.s32 s8, s6;
	s5 =	sadd.s32 $0x47400, s9  }
0xf: {  	v2 =	vor.u32 $0x20, v0;
	v3 =	vor.u32 $0x30, v0;
	v4 =	vor.u32 $0x40, v0;
	s6 =	sadd.s32 $0x4F400, s9;
	s7 =	sadd.s32 $0x57400, s9;
	s8 =	sadd.s32 $0x5F400, s8  }
0x10: {  	v5 =	vor.u32 $0x50, v0;
	v6 =	vor.u32 $0x60, v0;
	v7 =	vor.u32 $0x70, v0;
	s9 =	sadd.s32 $0x7600, s10;
	s10 =	smax.u32 s11, $0x1;
	s11 =	simm.s32 $0x1  }
.LBB2_9:
0x11: {  	s20 =	sadd.s32 $0x1, s20  }
0x12: {  	p0 =	sne.s32 s20, s10  }
.Ltmp1:
0x13: {  	_ = 	snop;
	(pc) =	sbr.rel @!p0 .LBB2_10-.Ltmp1, $4  }
0x14: {  	[hbm4b:s9+s2] =	stream.linear.scatter [tilespmem:s19], [sflag:$0x1], $0x4000, $0x38;
	[tilespmem:$0x1A100] =	vst v63  }
0x15: {  	_ =	swait.ge [sflag:s11], $0x4000  }
0x16: {  	[sflag:s11] =	ssyncset.done $0x0  }
0x17: {  	[sflag:s11] =	ssyncadd.s32 $0xFFFFC000  }
.LBB2_1:
0x18: {  	[tilespmem:s2], [sflag:$0x1] =	stream.linear.gather [hbm4b:s4+s2], $0x10000, $0x38;
	[tilespmem:$0x1A100] =	vst v63  }
0x19: {  	_ =	swait.ge [sflag:s11], $0x10000  }
0x1a: {  	[sflag:s11] =	ssyncset.done $0x0  }
0x1b: {  	[sflag:s11] =	ssyncadd.s32 $0xFFFF0000  }
0x1c: {  	[tilespmem:s12], [sflag:$0x1] =	stream.linear.gather [hbm4b:s3+s2], $0x80, $0x38;
	[tilespmem:$0x1A100] =	vst v63  }
0x1d: {  	_ =	swait.ge [sflag:s11], $0x80  }
0x1e: {  	[sflag:s11] =	ssyncset.done $0x0  }
0x1f: {  	[sflag:s11] =	ssyncadd.s32 $0xFFFFFF80  }
0x20: {  	[tilespmem:s15], [sflag:$0x1] =	stream.strided.gather [hbm4b:s5+s13], $0x2000, s14, s13, $0x38;
	[tilespmem:$0x1A100] =	vst v63  }
0x21: {  	_ =	swait.ge [sflag:s11], $0x2000  }
0x22: {  	[sflag:s11] =	ssyncset.done $0x0  }
0x23: {  	[sflag:s11] =	ssyncadd.s32 $0xFFFFE000  }
0x24: {  	[tilespmem:s16], [sflag:$0x1] =	stream.strided.gather [hbm4b:s6+s13], $0x2000, s14, s13, $0x38;
	[tilespmem:$0x1A100] =	vst v63  }
0x25: {  	_ =	swait.ge [sflag:s11], $0x2000  }
0x26: {  	[sflag:s11] =	ssyncset.done $0x0  }
0x27: {  	[sflag:s11] =	ssyncadd.s32 $0xFFFFE000  }
0x28: {  	[tilespmem:s17], [sflag:$0x1] =	stream.strided.gather [hbm4b:s7+s13], $0x2000, s14, s13, $0x38;
	[tilespmem:$0x1A100] =	vst v63  }
0x29: {  	_ =	swait.ge [sflag:s11], $0x2000  }
0x2a: {  	[sflag:s11] =	ssyncset.done $0x0  }
0x2b: {  	[sflag:s11] =	ssyncadd.s32 $0xFFFFE000  }
0x2c: {  	[tilespmem:s18], [sflag:$0x1] =	stream.linear.gather [hbm4b:s8+s2], $0x80, $0x38;
	[tilespmem:$0x1A100] =	vst v63  }
0x2d: {  	_ =	swait.ge [sflag:s11], $0x80  }
0x2e: {  	[sflag:s11] =	ssyncset.done $0x0  }
0x2f: {  	[sflag:s11] =	ssyncadd.s32 $0xFFFFFF80  }
0x30: {  	v17 =	vld [tilespmem:$0x1A000]  }
0x31: {  	v9 =	vld.idx.msk [tilespmem:v0+s12+$0x0], $0xffff  }
0x32: {  	s21 =	simm.s32 $0x0;
	v10 =	vld.idx.msk [tilespmem:v1+s12+$0x0], $0xffff  }
0x33: {  	v19 =	vor.u32 s21, v0;
	v11 =	vld.idx.msk [tilespmem:v2+s12+$0x0], $0xffff  }
0x34: {  	v12 =	vld.idx.msk [tilespmem:v3+s12+$0x0], $0xffff  }
0x35: {  	v21 =	vor.u32 s21, v1;
	v13 =	vld.idx.msk [tilespmem:v4+s12+$0x0], $0xffff  }
0x36: {  	v22 =	vor.u32 s21, v2;
	v14 =	vld.idx.msk [tilespmem:v5+s12+$0x0], $0xffff  }
0x37: {  	v18 =	vor.u32 s21, v3;
	v15 =	vld.idx.msk [tilespmem:v6+s12+$0x0], $0xffff  }
0x38: {  	v16 =	vld.idx.msk [tilespmem:v7+s12+$0x0], $0xffff;
	[tilespmem:v19+s19+$0x0] =	vst.idx.msk $0xffff, v8;
	v19 =	vor.u32 s21, v4  }
0x39: {  	v20 =	vor.u32 s21, v5  }
0x3a: {  	s22 =	simm.s32 $0x1;
	[tilespmem:v21+s19+$0x0] =	vst.idx.msk $0xffff, v8;
	v21 =	vor.u32 s21, v6  }
.LBB2_2:
0x3b: {  	p0 =	sne.s32 s22, $0x7F;
	[tilespmem:v22+s19+$0x0] =	vst.idx.msk $0xffff, v8;
	v23 =	vor.u32 s21, v7;
	s21 =	sshll.u32 s22, $0x7  }
0x3c: {  	v24 =	vor.u32 s21, v0;
	[tilespmem:v18+s19+$0x0] =	vst.idx.msk $0xffff, v8  }
0x3d: {  	v25 =	vor.u32 s21, v1;
	[tilespmem:v19+s19+$0x0] =	vst.idx.msk $0xffff, v8  }
.Ltmp2:
0x3e: {  	v22 =	vor.u32 s21, v2;
	[tilespmem:v20+s19+$0x0] =	vst.idx.msk $0xffff, v8;
	(pc) =	sbr.rel @p0 .LBB2_2-.Ltmp2, $4  }
0x3f: {  	v18 =	vor.u32 s21, v3;
	[tilespmem:v21+s19+$0x0] =	vst.idx.msk $0xffff, v8  }
0x40: {  	v19 =	vor.u32 s21, v4;
	[tilespmem:v23+s19+$0x0] =	vst.idx.msk $0xffff, v8  }
0x41: {  	v20 =	vor.u32 s21, v5;
	[tilespmem:v24+s19+$0x0] =	vst.idx.msk $0xffff, v8  }
0x42: {  	s22 =	sadd.s32 $0x1, s22;
	v21 =	vor.u32 s21, v6;
	[tilespmem:v25+s19+$0x0] =	vst.idx.msk $0xffff, v8  }
0x43: {  	v17 =	vxor.u32 $0x80000000, v17  }
0x44: {  	(xrf0) =	vmax.scan.msk.u32 $0xffff, v17;
	_ =	sdelay $0x5  }
0x45: {  	v17, _, _ =	vpop (xrf0)  }
0x46: {  	(v2sf) =	vpush v17, $0xF;
	_ =	sdelay $0xe  }
0x47: {  	s22 =	spop (v2sf)  }
0x48: {  	v17 =	vor.u32 s21, v7;
	s21 =	sxor.u32 $0x80000000, s22  }
0x49: {  	s22 =	sshrl.u32 s21, $0x1F  }
0x4a: {  	s22 =	sadd.s32 s22, s21  }
0x4b: {  	s22 =	sand.u32 $0xFFFFFFFE, s22  }
0x4c: {  	[tilespmem:v22+s19+$0x0] =	vst.idx.msk $0xffff, v8;
	p0 =	slt.s32 s22, $0x1  }
.Ltmp3:
0x4d: {  	[tilespmem:v18+s19+$0x0] =	vst.idx.msk $0xffff, v8;
	(pc) =	sbr.rel @p0 .LBB2_6-.Ltmp3, $4  }
0x4e: {  	[tilespmem:v19+s19+$0x0] =	vst.idx.msk $0xffff, v8  }
0x4f: {  	[tilespmem:v20+s19+$0x0] =	vst.idx.msk $0xffff, v8  }
0x50: {  	[tilespmem:v21+s19+$0x0] =	vst.idx.msk $0xffff, v8  }
0x51: {  	[tilespmem:v17+s19+$0x0] =	vst.idx.msk $0xffff, v8  }
0x52: {  	s24 =	simm.s32 $0x1  }
0x53: {  	v17 =	vmov s24;
	_ =	sdelay $0x4  }
0x54: {  	v18 =	vld.idx.msk [tilespmem:v17+s15+$0x0], $0xffff;
	_ =	sdelay $0x4  }
0x55: {  	v31 =	vshll.u32 v18, $0x7  }
0x56: {  	v18 =	vor.u32 v0, v31;
	_ =	sdelay $0x1  }
0x57: {  	s23 =	simm.s32 $0x0;
	v19 =	vld.idx.msk [tilespmem:v17+s16+$0x0], $0xffff  }
0x58: {  	v21 =	vmov s23;
	v20 =	vld.idx.msk [tilespmem:v17+s17+$0x0], $0xffff  }
0x59: {  	v17 =	vand.u32 $0xFFFFFFFE, v21  }
0x5a: {  	v17 =	vbroadcast v17, $0x0;
	v18 =	vld.idx.msk [tilespmem:v18+s2+$0x0], $0xffff;
	_ =	sdelay $0x1  }
0x5b: {  	v21 =	vshll.u32 v19, $0x7  }
0x5c: {  	v19 =	vmul.f32 v20, v9;
	v22 =	vor.u32 v0, v21  }
0x5d: {  	v23 =	vor.u32 v1, v31  }
0x5e: {  	v18 =	vadd.f32 v19, v18  }
0x5f: {  	v24 =	vld.idx.msk [tilespmem:v17+s15+$0x0], $0xffff  }
0x60: {  	v19 =	vld.idx.msk [tilespmem:v17+s16+$0x0], $0xffff;
	v18 =	vmax.f32 v18, $0.0e+00  }
0x61: {  	[tilespmem:v22+s19+$0x0] =	vst.idx.add.f32.msk $0xffff, v18  }
0x62: {  	p2 =	sgt.s32 s22, $0x2;
	v18 =	vld.idx.msk [tilespmem:v23+s2+$0x0], $0xffff  }
.Ltmp4:
0x63: {  	v27 =	vld.idx.msk [tilespmem:v17+s17+$0x0], $0xffff;
	(pc) =	sbr.rel @!p2 .LBB2_5-.Ltmp4, $4  }
0x64: {  	_ = 	snop  }
0x65: {  	v35 =	vor.u32 v5, v31;
	v23 =	vshll.u32 v19, $0x7;
	v19 =	vmul.f32 v20, v10  }
0x66: {  	v47 =	vor.u32 v1, v21;
	v50 =	vor.u32 v2, v31;
	v25 =	vshll.u32 v24, $0x7  }
0x67: {  	p0 =	por $0x0, $0x0;
	p1 =	por $0x0, $0x0;
	s23 =	simm.s32 $0x2;
	v51 =	vor.u32 v0, v25;
	v32 =	vor.u32 v0, v23;
	v52 =	vadd.f32 v18, v19  }
0x68: {  	_ = 	snop  }
0x69: {  	s24 =	simm.s32 $0x3  }
0x6a: {  	v17 =	vmov s24;
	_ =	sdelay $0x1  }
0x6b: {  	v18 =	vld.idx.msk [tilespmem:v51+s2+$0x0], $0xffff;
	_ =	sdelay $0x2  }
0x6c: {  	v22 =	vmul.f32 v27, v9;
	v19 =	vld.idx.msk [tilespmem:v17+s15+$0x0], $0xffff  }
0x6d: {  	v24 =	vor.u32 v1, v25  }
0x6e: {  	v26 =	vmax.f32 v52, $0.0e+00;
	v18 =	vadd.f32 v22, v18  }
0x6f: {  	[tilespmem:v47+s19+$0x0] =	vst.idx.add.f32.msk $0xffff, v26  }
0x70: {  	v26 =	vld.idx.msk [tilespmem:v50+s2+$0x0], $0xffff;
	v22 =	vmov s23;
	v18 =	vmax.f32 v18, $0.0e+00  }
0x71: {  	[tilespmem:v32+s19+$0x0] =	vst.idx.add.f32.msk $0xffff, v18;
	v28 =	vshll.u32 v19, $0x7;
	v19 =	vand.u32 $0xFFFFFFFE, v22  }
0x72: {  	v18 =	vor.u32 v0, v28;
	v29 =	vbroadcast v19, $0x0;
	v19 =	vld.idx.msk [tilespmem:v24+s2+$0x0], $0xffff  }
0x73: {  	v22 =	vmul.f32 v20, v11;
	v24 =	vld.idx.msk [tilespmem:v17+s16+$0x0], $0xffff  }
0x74: {  	v30 =	vor.u32 v2, v21  }
0x75: {  	v17 =	vld.idx.msk [tilespmem:v17+s17+$0x0], $0xffff;
	v22 =	vadd.f32 v26, v22;
	v26 =	vor.u32 v3, v31;
	_ =	sdelay $0x1  }
0x76: {  	v57 =	vmul.f32 v27, v10;
	v33 =	vor.u32 v1, v23;
	v34 =	vld.idx.msk [tilespmem:v18+s2+$0x0], $0xffff  }
0x77: {  	v22 =	vmax.f32 v22, $0.0e+00;
	v18 =	vshll.u32 v24, $0x7;
	v24 =	vor.u32 v2, v25  }
0x78: {  	[tilespmem:v30+s19+$0x0] =	vst.idx.add.f32.msk $0xffff, v22;
	v19 =	vadd.f32 v19, v57  }
0x79: {  	v22 =	vmul.f32 v17, v9;
	v30 =	vor.u32 v0, v18;
	v26 =	vld.idx.msk [tilespmem:v26+s2+$0x0], $0xffff  }
0x7a: {  	v58 =	vor.u32 v1, v28;
	v36 =	vld.idx.msk [tilespmem:v29+s16+$0x0], $0xffff;
	v19 =	vmax.f32 v19, $0.0e+00  }
0x7b: {  	[tilespmem:v33+s19+$0x0] =	vst.idx.add.f32.msk $0xffff, v19;
	v19 =	vadd.f32 v22, v34  }
0x7c: {  	v59 =	vmul.f32 v20, v12;
	v60 =	vor.u32 v3, v21;
	v24 =	vld.idx.msk [tilespmem:v24+s2+$0x0], $0xffff  }
0x7d: {  	v22 =	vld.idx.msk [tilespmem:v29+s15+$0x0], $0xffff;
	v19 =	vmax.f32 v19, $0.0e+00  }
0x7e: {  	v37 =	vor.u32 v4, v31;
	[tilespmem:v30+s19+$0x0] =	vst.idx.add.f32.msk $0xffff, v19;
	v30 =	vadd.f32 v26, v59  }
0x7f: {  	v62 =	vmul.f32 v27, v11;
	v38 =	vor.u32 v2, v23;
	p2 =	sgt.s32 s22, $0x4;
	v49 =	vmul.f32 v20, v13;
	v61 =	vld.idx.msk [tilespmem:v58+s2+$0x0], $0xffff  }
.Ltmp5:
0x80: {  	v48 =	vor.u32 v4, v21;
	v50 =	vor.u32 v2, v28;
	v30 =	vmax.f32 v30, $0.0e+00;
	(pc) =	sbr.rel @!p2 .LBB2_12-.Ltmp5, $4  }
0x81: {  	v63 =	vmul.f32 v17, v10;
	v24 =	vadd.f32 v24, v62;
	[tilespmem:v60+s19+$0x0] =	vst.idx.add.f32.msk $0xffff, v30  }
0x82: {  	v47 =	vor.u32 v1, v18;
	v26 =	vor.u32 v5, v28;
	v19 =	vshll.u32 v36, $0x7;
	v30 =	vld.idx.msk [tilespmem:v29+s17+$0x0], $0xffff  }
0x83: {  	v32 =	vor.u32 v0, v19;
	v22 =	vshll.u32 v22, $0x7;
	v43 =	vld.idx.msk [tilespmem:v37+s2+$0x0], $0xffff;
	v24 =	vmax.f32 v24, $0.0e+00  }
0x84: {  	p0 =	por $0x1, $0x1;
	s23 =	simm.s32 $0x4;
	v51 =	vor.u32 v0, v22;
	[tilespmem:v38+s19+$0x0] =	vst.idx.add.f32.msk $0xffff, v24;
	v52 =	vadd.f32 v61, v63  }
0x85: {  	_ =	sdelay $0x1  }
0x86: {  	s24 =	simm.s32 $0x5;
	v38 =	vor.u32 v3, v25  }
0x87: {  	v29 =	vmov s24  }
0x88: {  	v24 =	vld.idx.msk [tilespmem:v51+s2+$0x0], $0xffff;
	v34 =	vmax.f32 v52, $0.0e+00  }
0x89: {  	[tilespmem:v47+s19+$0x0] =	vst.idx.add.f32.msk $0xffff, v34  }
0x8a: {  	v36 =	vadd.f32 v43, v49;
	v34 =	vld.idx.msk [tilespmem:v50+s2+$0x0], $0xffff  }
0x8b: {  	v33 =	vmov s23;
	v54 =	vmul.f32 v30, v9;
	v38 =	vld.idx.msk [tilespmem:v38+s2+$0x0], $0xffff  }
0x8c: {  	v56 =	vor.u32 v1, v22;
	v33 =	vand.u32 $0xFFFFFFFE, v33;
	v36 =	vmax.f32 v36, $0.0e+00;
	v55 =	vld.idx.msk [tilespmem:v29+s15+$0x0], $0xffff  }
0x8d: {  	v37 =	vbroadcast v33, $0x0;
	v24 =	vadd.f32 v54, v24;
	[tilespmem:v48+s19+$0x0] =	vst.idx.add.f32.msk $0xffff, v36  }
0x8e: {  	v33 =	vld.idx.msk [tilespmem:v29+s17+$0x0], $0xffff  }
0x8f: {  	v57 =	vmul.f32 v17, v11;
	v39 =	vor.u32 v2, v18;
	v35 =	vld.idx.msk [tilespmem:v35+s2+$0x0], $0xffff;
	v24 =	vmax.f32 v24, $0.0e+00  }
0x90: {  	v42 =	vor.u32 v3, v28;
	v61 =	vmul.f32 v27, v12;
	[tilespmem:v32+s19+$0x0] =	vst.idx.add.f32.msk $0xffff, v24  }
0x91: {  	v44 =	vor.u32 v3, v23;
	v32 =	vadd.f32 v34, v57;
	v58 =	vld.idx.msk [tilespmem:v56+s2+$0x0], $0xffff;
	v24 =	vshll.u32 v55, $0x7  }
0x92: {  	v41 =	vmul.f32 v20, v14;
	v29 =	vld.idx.msk [tilespmem:v29+s16+$0x0], $0xffff;
	v59 =	vor.u32 v0, v24  }
0x93: {  	v60 =	vor.u32 v5, v21;
	v40 =	vld.idx.msk [tilespmem:v37+s16+$0x0], $0xffff;
	v32 =	vmax.f32 v32, $0.0e+00;
	v62 =	vadd.f32 v38, v61  }
0x94: {  	v46 =	vor.u32 v1, v19;
	v45 =	vmul.f32 v30, v10;
	[tilespmem:v39+s19+$0x0] =	vst.idx.add.f32.msk $0xffff, v32  }
0x95: {  	v47 =	vor.u32 v6, v31;
	v35 =	vadd.f32 v35, v41;
	v63 =	vld.idx.msk [tilespmem:v42+s2+$0x0], $0xffff;
	v32 =	vmax.f32 v62, $0.0e+00  }
0x96: {  	v48 =	vor.u32 v4, v25;
	[tilespmem:v44+s19+$0x0] =	vst.idx.add.f32.msk $0xffff, v32;
	v34 =	vadd.f32 v58, v45  }
0x97: {  	v35 =	vmax.f32 v35, $0.0e+00;
	v36 =	vld.idx.msk [tilespmem:v59+s2+$0x0], $0xffff  }
0x98: {  	v49 =	vor.u32 v2, v22;
	v39 =	vshll.u32 v29, $0x7;
	[tilespmem:v60+s19+$0x0] =	vst.idx.add.f32.msk $0xffff, v35;
	v29 =	vmax.f32 v34, $0.0e+00  }
0x99: {  	v53 =	vor.u32 v3, v18;
	[tilespmem:v46+s19+$0x0] =	vst.idx.add.f32.msk $0xffff, v29;
	v29 =	vmul.f32 v17, v12  }
0x9a: {  	v50 =	vmul.f32 v33, v9;
	v51 =	vor.u32 v0, v39;
	v41 =	vld.idx.msk [tilespmem:v47+s2+$0x0], $0xffff  }
0x9b: {  	v52 =	vor.u32 v1, v24;
	v43 =	vld.idx.msk [tilespmem:v48+s2+$0x0], $0xffff;
	v29 =	vadd.f32 v63, v29  }
0x9c: {  	v54 =	vld.idx.msk [tilespmem:v37+s15+$0x0], $0xffff;
	v57 =	vor.u32 v6, v21;
	v55 =	vor.u32 v4, v28;
	v34 =	vadd.f32 v50, v36  }
0x9d: {  	v56 =	vmul.f32 v20, v15;
	v61 =	vor.u32 v5, v25;
	v45 =	vld.idx.msk [tilespmem:v49+s2+$0x0], $0xffff;
	v29 =	vmax.f32 v29, $0.0e+00  }
0x9e: {  	v58 =	vmul.f32 v27, v13;
	v59 =	vor.u32 v4, v23;
	[tilespmem:v53+s19+$0x0] =	vst.idx.add.f32.msk $0xffff, v29;
	v34 =	vmax.f32 v34, $0.0e+00  }
0x9f: {  	v42 =	vor.u32 v5, v24;
	v32 =	vadd.f32 v41, v56;
	[tilespmem:v51+s19+$0x0] =	vst.idx.add.f32.msk $0xffff, v34  }
0xa0: {  	v62 =	vmul.f32 v30, v11;
	v48 =	vor.u32 v4, v18;
	v29 =	vadd.f32 v43, v58;
	v60 =	vld.idx.msk [tilespmem:v52+s2+$0x0], $0xffff  }
0xa1: {  	p2 =	sgt.s32 s22, $0x6;
	v63 =	vor.u32 v2, v19;
	v36 =	vor.u32 v7, v31;
	v43 =	vld.idx.msk [tilespmem:v55+s2+$0x0], $0xffff;
	v41 =	vmax.f32 v32, $0.0e+00  }
.Ltmp6:
0xa2: {  	v53 =	vshll.u32 v54, $0x7;
	v31 =	vmul.f32 v33, v10;
	v29 =	vmax.f32 v29, $0.0e+00;
	[tilespmem:v57+s19+$0x0] =	vst.idx.add.f32.msk $0xffff, v41;
	(pc) =	sbr.rel @!p2 .LBB2_14-.Ltmp6, $4  }
0xa3: {  	v35 =	vadd.f32 v45, v62;
	[tilespmem:v59+s19+$0x0] =	vst.idx.add.f32.msk $0xffff, v29;
	v51 =	vor.u32 v0, v53  }
0xa4: {  	v47 =	vor.u32 v1, v39;
	v49 =	vmul.f32 v17, v13;
	v50 =	vor.u32 v2, v24;
	v29 =	vld.idx.msk [tilespmem:v37+s17+$0x0], $0xffff  }
0xa5: {  	v34 =	vshll.u32 v40, $0x7;
	v44 =	vld.idx.msk [tilespmem:v61+s2+$0x0], $0xffff;
	v52 =	vadd.f32 v60, v31;
	v31 =	vmax.f32 v35, $0.0e+00  }
0xa6: {  	s23 =	simm.s32 $0x6;
	p1 =	por $0x1, $0x1;
	v45 =	vor.u32 v5, v23;
	v32 =	vor.u32 v0, v34;
	[tilespmem:v63+s19+$0x0] =	vst.idx.add.f32.msk $0xffff, v31  }
.LBB2_15:
0xa7: {  	v31 =	vmov s23;
	s24 =	sadd.s32 $0x1, s23;
	s23 =	sadd.s32 $0x2, s23;
	v35 =	vadd.f32 v43, v49;
	v37 =	vmul.f32 v27, v14;
	v36 =	vld.idx.msk [tilespmem:v36+s2+$0x0], $0xffff  }
0xa8: {  	v41 =	vmax.f32 v52, $0.0e+00;
	v31 =	vand.u32 $0xFFFFFFFE, v31;
	v38 =	vmov s24;
	p2 =	slt.s32 s23, s22;
	v40 =	vld.idx.msk [tilespmem:v51+s2+$0x0], $0xffff  }
0xa9: {  	v31 =	vbroadcast v31, $0x0;
	[tilespmem:v47+s19+$0x0] =	vst.idx.add.f32.msk $0xffff, v41;
	v41 =	vor.u32 v6, v25  }
0xaa: {  	v35 =	vmax.f32 v35, $0.0e+00;
	v37 =	vadd.f32 v44, v37;
	v43 =	vld.idx.msk [tilespmem:v50+s2+$0x0], $0xffff  }
0xab: {  	v44 =	vor.u32 v7, v21;
	[tilespmem:v48+s19+$0x0] =	vst.idx.add.f32.msk $0xffff, v35;
	v35 =	vmul.f32 v20, v16;
	v20 =	vmov v17  }
0xac: {  	v21 =	vmovc v18;
	v46 =	vmul.f32 v29, v9;
	v37 =	vmax.f32 v37, $0.0e+00;
	v17 =	vmovc v33;
	v47 =	vld.idx.msk [tilespmem:v26+s2+$0x0], $0xffff;
	v26 =	vmov v42  }
0xad: {  	v18 =	vmov v39;
	v33 =	vor.u32 v3, v22;
	[tilespmem:v45+s19+$0x0] =	vst.idx.add.f32.msk $0xffff, v37;
	v35 =	vadd.f32 v36, v35  }
0xae: {  	v39 =	vmul.f32 v17, v11;
	v36 =	vadd.f32 v46, v40;
	v37 =	vor.u32 v1, v53;
	v40 =	vld.idx.msk [tilespmem:v41+s2+$0x0], $0xffff  }
0xaf: {  	v41 =	vld.idx.msk [tilespmem:v38+s15+$0x0], $0xffff;
	v35 =	vmax.f32 v35, $0.0e+00  }
0xb0: {  	v42 =	vmul.f32 v20, v14;
	v36 =	vmax.f32 v36, $0.0e+00;
	v39 =	vadd.f32 v43, v39;
	[tilespmem:v44+s19+$0x0] =	vst.idx.add.f32.msk $0xffff, v35  }
0xb1: {  	[tilespmem:v32+s19+$0x0] =	vst.idx.add.f32.msk $0xffff, v36  }
0xb2: {  	v43 =	vor.u32 v6, v23;
	v35 =	vadd.f32 v47, v42;
	v36 =	vmul.f32 v27, v15;
	v32 =	vld.idx.msk [tilespmem:v31+s16+$0x0], $0xffff  }
0xb3: {  	v45 =	vor.u32 v7, v25;
	v25 =	vmov v22;
	v22 =	vmov v53;
	v44 =	vld.idx.msk [tilespmem:v33+s2+$0x0], $0xffff  }
0xb4: {  	v46 =	vor.u32 v2, v18;
	v36 =	vadd.f32 v40, v36;
	v37 =	vld.idx.msk [tilespmem:v37+s2+$0x0], $0xffff  }
0xb5: {  	v47 =	vor.u32 v5, v21;
	v40 =	vshll.u32 v41, $0x7;
	v41 =	vor.u32 v3, v24;
	v33 =	vld.idx.msk [tilespmem:v38+s17+$0x0], $0xffff  }
0xb6: {  	v49 =	vmul.f32 v29, v10;
	v48 =	vor.u32 v0, v40;
	v36 =	vmax.f32 v36, $0.0e+00;
	v38 =	vld.idx.msk [tilespmem:v38+s16+$0x0], $0xffff  }
0xb7: {  	v50 =	vmul.f32 v30, v12;
	v42 =	vor.u32 v5, v40;
	[tilespmem:v43+s19+$0x0] =	vst.idx.add.f32.msk $0xffff, v36  }
0xb8: {  	v51 =	vor.u32 v7, v23;
	v23 =	vmovc v19;
	v36 =	vmax.f32 v39, $0.0e+00;
	v43 =	vor.u32 v3, v19;
	v45 =	vld.idx.msk [tilespmem:v45+s2+$0x0], $0xffff  }
0xb9: {  	v52 =	vor.u32 v1, v34;
	v19 =	vmov v34;
	[tilespmem:v46+s19+$0x0] =	vst.idx.add.f32.msk $0xffff, v36;
	v36 =	vadd.f32 v44, v50  }
0xba: {  	v34 =	vadd.f32 v37, v49;
	v44 =	vmul.f32 v27, v16;
	v37 =	vld.idx.msk [tilespmem:v41+s2+$0x0], $0xffff;
	v41 =	vor.u32 v6, v28  }
0xbb: {  	v35 =	vmax.f32 v35, $0.0e+00;
	v27 =	vmovc v30;
	v30 =	vmovc v29;
	v46 =	vld.idx.msk [tilespmem:v48+s2+$0x0], $0xffff;
	v36 =	vmax.f32 v36, $0.0e+00;
	v48 =	vor.u32 v4, v25  }
0xbc: {  	v39 =	vshll.u32 v38, $0x7;
	v29 =	vmax.f32 v34, $0.0e+00;
	v38 =	vmul.f32 v17, v12;
	[tilespmem:v47+s19+$0x0] =	vst.idx.add.f32.msk $0xffff, v35  }
0xbd: {  	v35 =	vmul.f32 v33, v9;
	v47 =	vor.u32 v0, v39;
	[tilespmem:v43+s19+$0x0] =	vst.idx.add.f32.msk $0xffff, v36  }
0xbe: {  	v34 =	vshll.u32 v32, $0x7;
	v36 =	vadd.f32 v45, v44;
	[tilespmem:v52+s19+$0x0] =	vst.idx.add.f32.msk $0xffff, v29;
	v29 =	vor.u32 v2, v22  }
0xbf: {  	v32 =	vor.u32 v0, v34;
	v41 =	vld.idx.msk [tilespmem:v41+s2+$0x0], $0xffff  }
0xc0: {  	v43 =	vor.u32 v1, v40;
	v37 =	vadd.f32 v37, v38;
	v36 =	vmax.f32 v36, $0.0e+00;
	v38 =	vld.idx.msk [tilespmem:v48+s2+$0x0], $0xffff  }
0xc1: {  	v44 =	vor.u32 v3, v18;
	v35 =	vadd.f32 v35, v46;
	[tilespmem:v51+s19+$0x0] =	vst.idx.add.f32.msk $0xffff, v36  }
0xc2: {  	v46 =	vor.u32 v4, v24;
	v45 =	vld.idx.msk [tilespmem:v31+s15+$0x0], $0xffff  }
0xc3: {  	v48 =	vor.u32 v6, v21;
	v36 =	vmul.f32 v20, v15;
	v35 =	vmax.f32 v35, $0.0e+00;
	v29 =	vld.idx.msk [tilespmem:v29+s2+$0x0], $0xffff  }
0xc4: {  	[tilespmem:v47+s19+$0x0] =	vst.idx.add.f32.msk $0xffff, v35;
	v35 =	vmul.f32 v27, v13;
	v47 =	vor.u32 v4, v23  }
0xc5: {  	v52 =	vor.u32 v5, v25;
	v37 =	vmax.f32 v37, $0.0e+00;
	v41 =	vadd.f32 v41, v36;
	v50 =	vld.idx.msk [tilespmem:v43+s2+$0x0], $0xffff  }
0xc6: {  	v36 =	vor.u32 v7, v28;
	v28 =	vmov v24;
	[tilespmem:v44+s19+$0x0] =	vst.idx.add.f32.msk $0xffff, v37;
	v35 =	vadd.f32 v38, v35  }
0xc7: {  	v24 =	vmovc v40;
	v37 =	vmul.f32 v30, v11;
	v38 =	vor.u32 v2, v19;
	v41 =	vmax.f32 v41, $0.0e+00;
	v43 =	vld.idx.msk [tilespmem:v46+s2+$0x0], $0xffff  }
.Ltmp7:
0xc8: {  	v40 =	vmul.f32 v33, v10;
	v53 =	vshll.u32 v45, $0x7;
	v35 =	vmax.f32 v35, $0.0e+00;
	[tilespmem:v48+s19+$0x0] =	vst.idx.add.f32.msk $0xffff, v41;
	(pc) =	sbr.rel @p2 .LBB2_15-.Ltmp7, $4  }
0xc9: {  	v51 =	vor.u32 v0, v53;
	v37 =	vadd.f32 v29, v37;
	[tilespmem:v47+s19+$0x0] =	vst.idx.add.f32.msk $0xffff, v35  }
0xca: {  	v49 =	vmul.f32 v17, v13;
	v47 =	vor.u32 v1, v39;
	v44 =	vld.idx.msk [tilespmem:v52+s2+$0x0], $0xffff  }
0xcb: {  	v52 =	vadd.f32 v50, v40;
	v50 =	vor.u32 v2, v24;
	v29 =	vld.idx.msk [tilespmem:v31+s17+$0x0], $0xffff;
	v31 =	vmax.f32 v37, $0.0e+00  }
0xcc: {  	v45 =	vor.u32 v5, v23;
	v48 =	vor.u32 v4, v18;
	[tilespmem:v38+s19+$0x0] =	vst.idx.add.f32.msk $0xffff, v31  }
0xcd: {  	v46 =	vmov v25;
	v41 =	vmov v20  }
0xce: {  	v38 =	vmovc v21;
	v40 =	vmovc v23;
	v37 =	vmov v27;
	v20 =	vmov v17;
	v35 =	vmov v26  }
0xcf: {  	v21 =	vmovc v18;
	v25 =	vmovc v22;
	v23 =	vmov v19;
	v17 =	vmov v33;
	v26 =	vmov v42  }
0xd0: {  	v18 =	vmovc v39;
	v22 =	vmovc v53;
	v27 =	vmov v30;
	v19 =	vmov v34;
	v31 =	vmov v28  }
.LBB2_17:
0xd1: {  	_ =	sdelay $0x3  }
0xd2: {  	v28 =	vld.idx.msk [tilespmem:v51+s2+$0x0], $0xffff;
	_ =	sdelay $0x2  }
0xd3: {  	v30 =	vmul.f32 v29, v9  }
0xd4: {  	v33 =	vor.u32 v1, v22  }
0xd5: {  	v28 =	vadd.f32 v30, v28;
	_ =	sdelay $0x1  }
0xd6: {  	v28 =	vmax.f32 v28, $0.0e+00  }
0xd7: {  	[tilespmem:v32+s19+$0x0] =	vst.idx.add.f32.msk $0xffff, v28  }
0xd8: {  	v59 =	vmax.f32 v52, $0.0e+00;
	v28 =	vld.idx.msk [tilespmem:v33+s2+$0x0], $0xffff  }
0xd9: {  	[tilespmem:v47+s19+$0x0] =	vst.idx.add.f32.msk $0xffff, v59  }
0xda: {  	v34 =	vld.idx.msk [tilespmem:v50+s2+$0x0], $0xffff;
	v32 =	vor.u32 @p0 v3, v25  }
0xdb: {  	v60 =	vmul.f32 v29, v10;
	v61 =	vor.u32 v1, v19  }
0xdc: {  	v62 =	vor.u32 v2, v22  }
0xdd: {  	v39 =	vmul.f32 v17, v11;
	v42 =	vor.u32 v2, v18;
	v28 =	vadd.f32 v28, v60;
	_ =	sdelay $0x1  }
0xde: {  	v63 =	vor.u32 v3, v24;
	v47 =	vadd.f32 v34, v39;
	v32 =	vld.idx.msk @p0 [tilespmem:v32+s2+$0x0], $0xffff;
	v28 =	vmax.f32 v28, $0.0e+00  }
0xdf: {  	[tilespmem:v61+s19+$0x0] =	vst.idx.add.f32.msk $0xffff, v28  }
0xe0: {  	v33 =	vmax.f32 v47, $0.0e+00;
	v30 =	vld.idx.msk [tilespmem:v62+s2+$0x0], $0xffff  }
0xe1: {  	v47 =	vor.u32 @p0 v3, v23;
	[tilespmem:v42+s19+$0x0] =	vst.idx.add.f32.msk $0xffff, v33;
	v42 =	vmul.f32 @p0 v27, v12  }
0xe2: {  	v34 =	vor.u32 @p0 v4, v25  }
0xe3: {  	v51 =	vor.u32 v2, v19;
	v50 =	vmul.f32 v29, v11;
	v28 =	vld.idx.msk [tilespmem:v63+s2+$0x0], $0xffff;
	v32 =	vadd.f32 @p0 v32, v42  }
0xe4: {  	v52 =	vor.u32 v3, v22  }
0xe5: {  	v32 =	vmax.f32 @p0 v32, $0.0e+00;
	v30 =	vadd.f32 v30, v50  }
0xe6: {  	v53 =	vmul.f32 v17, v12;
	v54 =	vor.u32 v3, v18;
	[tilespmem:v47+s19+$0x0] =	vst.idx.add.f32.msk @p0 $0xffff, v32  }
0xe7: {  	v55 =	vor.u32 v4, v24;
	v32 =	vld.idx.msk @p0 [tilespmem:v34+s2+$0x0], $0xffff;
	v30 =	vmax.f32 v30, $0.0e+00  }
0xe8: {  	v28 =	vadd.f32 v28, v53;
	[tilespmem:v51+s19+$0x0] =	vst.idx.add.f32.msk $0xffff, v30  }
0xe9: {  	v42 =	vadd.f32 @p0 v43, v49;
	v33 =	vld.idx.msk [tilespmem:v52+s2+$0x0], $0xffff  }
0xea: {  	v28 =	vmax.f32 v28, $0.0e+00  }
0xeb: {  	v39 =	vmul.f32 @p0 v27, v13;
	[tilespmem:v54+s19+$0x0] =	vst.idx.add.f32.msk $0xffff, v28;
	v30 =	vmax.f32 @p0 v42, $0.0e+00;
	v42 =	vor.u32 @p0 v4, v23  }
0xec: {  	v56 =	vmul.f32 v29, v12;
	v57 =	vor.u32 v3, v19;
	v43 =	vld.idx.msk [tilespmem:v55+s2+$0x0], $0xffff  }
0xed: {  	v58 =	vor.u32 v4, v22;
	[tilespmem:v48+s19+$0x0] =	vst.idx.add.f32.msk @p0 $0xffff, v30;
	v32 =	vadd.f32 @p0 v32, v39  }
0xee: {  	v30 =	vadd.f32 v33, v56;
	v33 =	vld.idx.msk @p0 [tilespmem:v35+s2+$0x0], $0xffff;
	v35 =	vor.u32 @p0 v5, v25  }
0xef: {  	v59 =	vmul.f32 v17, v13;
	v32 =	vmax.f32 @p0 v32, $0.0e+00  }
0xf0: {  	v60 =	vor.u32 v4, v18;
	v39 =	vmul.f32 @p1 v37, v14;
	[tilespmem:v42+s19+$0x0] =	vst.idx.add.f32.msk @p0 $0xffff, v32;
	v30 =	vmax.f32 v30, $0.0e+00  }
0xf1: {  	v27 =	vpsel p0, v27, v0;
	v61 =	vmul.f32 v29, v13;
	[tilespmem:v57+s19+$0x0] =	vst.idx.add.f32.msk $0xffff, v30  }
0xf2: {  	v39 =	vadd.f32 @p1 v44, v39;
	v44 =	vmul.f32 @p0 v20, v14;
	v30 =	vadd.f32 v43, v59;
	v28 =	vld.idx.msk [tilespmem:v58+s2+$0x0], $0xffff  }
0xf3: {  	v63 =	vor.u32 v5, v22;
	v62 =	vor.u32 v4, v19;
	v32 =	vor.u32 @p1 v6, v46;
	v35 =	vld.idx.msk @p0 [tilespmem:v35+s2+$0x0], $0xffff  }
0xf4: {  	v34 =	vld.idx.msk @p1 [tilespmem:v36+s2+$0x0], $0xffff;
	v33 =	vadd.f32 @p0 v33, v44;
	v30 =	vmax.f32 v30, $0.0e+00;
	v44 =	vor.u32 @p0 v5, v21  }
0xf5: {  	v49 =	vor.u32 v5, v18;
	v36 =	vor.u32 @p0 v5, v23;
	[tilespmem:v60+s19+$0x0] =	vst.idx.add.f32.msk $0xffff, v30  }
0xf6: {  	v36 =	vpsel p0, v36, v0;
	v48 =	vmul.f32 v17, v14;
	v39 =	vmax.f32 @p1 v39, $0.0e+00;
	v26 =	vld.idx.msk [tilespmem:v26+s2+$0x0], $0xffff  }
0xf7: {  	[tilespmem:v45+s19+$0x0] =	vst.idx.add.f32.msk @p1 $0xffff, v39;
	v45 =	vmul.f32 @p0 v27, v14;
	v28 =	vadd.f32 v28, v61  }
0xf8: {  	v39 =	vor.u32 @p0 v6, v31;
	v32 =	vld.idx.msk @p1 [tilespmem:v32+s2+$0x0], $0xffff;
	v33 =	vmax.f32 @p0 v33, $0.0e+00;
	v35 =	vpsel p0, v35, v0  }
0xf9: {  	v25 =	vpsel p0, v25, v0;
	[tilespmem:v44+s19+$0x0] =	vst.idx.add.f32.msk @p0 $0xffff, v33;
	v28 =	vmax.f32 v28, $0.0e+00;
	v35 =	vadd.f32 @p0 v35, v45  }
0xfa: {  	v45 =	vor.u32 @p0 v6, v25;
	[tilespmem:v62+s19+$0x0] =	vst.idx.add.f32.msk $0xffff, v28  }
0xfb: {  	v50 =	vor.u32 v6, v24;
	v26 =	vadd.f32 v26, v48;
	v30 =	vld.idx.msk [tilespmem:v63+s2+$0x0], $0xffff;
	v33 =	vmax.f32 @p0 v35, $0.0e+00  }
0xfc: {  	v42 =	vmul.f32 @p1 v37, v15;
	v28 =	vor.u32 @p1 v6, v40;
	[tilespmem:v36+s19+$0x0] =	vst.idx.add.f32.msk @p0 $0xffff, v33  }
0xfd: {  	v51 =	vor.u32 v5, v19;
	v36 =	vld.idx.msk @p0 [tilespmem:v39+s2+$0x0], $0xffff;
	v26 =	vmax.f32 v26, $0.0e+00  }
0xfe: {  	v52 =	vmul.f32 v29, v14;
	v32 =	vadd.f32 @p1 v32, v42;
	[tilespmem:v49+s19+$0x0] =	vst.idx.add.f32.msk $0xffff, v26  }
0xff: {  	v53 =	vor.u32 v6, v22;
	v23 =	vpsel p0, v23, v0;
	v43 =	vor.u32 @p1 v7, v46;
	v45 =	vld.idx.msk @p0 [tilespmem:v45+s2+$0x0], $0xffff  }
0x100: {  	v42 =	vmul.f32 @p0 v20, v15;
	v32 =	vmax.f32 @p1 v32, $0.0e+00;
	v54 =	vld.idx.msk [tilespmem:v50+s2+$0x0], $0xffff;
	v30 =	vadd.f32 v30, v52  }
0x101: {  	[tilespmem:v28+s19+$0x0] =	vst.idx.add.f32.msk @p1 $0xffff, v32;
	v28 =	vor.u32 @p0 v7, v31;
	v31 =	vor.u32 @p0 v6, v21  }
0x102: {  	v26 =	vmul.f32 @p0 v27, v15;
	v28 =	vpsel p0, v28, v0;
	v30 =	vmax.f32 v30, $0.0e+00  }
0x103: {  	v33 =	vadd.f32 @p0 v36, v42;
	v36 =	vor.u32 @p0 v6, v23;
	[tilespmem:v51+s19+$0x0] =	vst.idx.add.f32.msk $0xffff, v30  }
0x104: {  	v55 =	vmul.f32 v17, v15;
	v56 =	vor.u32 v6, v18;
	v30 =	vld.idx.msk [tilespmem:v53+s2+$0x0], $0xffff  }
0x105: {  	v25 =	vor.u32 @p0 v7, v25;
	v35 =	vld.idx.msk @p1 [tilespmem:v43+s2+$0x0], $0xffff;
	v26 =	vadd.f32 @p0 v45, v26;
	v33 =	vmax.f32 @p0 v33, $0.0e+00  }
0x106: {  	v57 =	vor.u32 v7, v24;
	v58 =	vadd.f32 v54, v55;
	[tilespmem:v31+s19+$0x0] =	vst.idx.add.f32.msk @p0 $0xffff, v33  }
0x107: {  	v59 =	vmul.f32 v29, v15;
	v60 =	vor.u32 v6, v19;
	v26 =	vmax.f32 @p0 v26, $0.0e+00;
	v28 =	vld.idx.msk @p0 [tilespmem:v28+s2+$0x0], $0xffff  }
0x108: {  	v61 =	vor.u32 v7, v22;
	v31 =	vmax.f32 v58, $0.0e+00;
	[tilespmem:v36+s19+$0x0] =	vst.idx.add.f32.msk @p0 $0xffff, v26  }
0x109: {  	v41 =	vmul.f32 @p1 v41, v16;
	[tilespmem:v56+s19+$0x0] =	vst.idx.add.f32.msk $0xffff, v31;
	v30 =	vadd.f32 v30, v59  }
0x10a: {  	v38 =	vor.u32 @p1 v7, v38;
	v17 =	vmul.f32 v17, v16;
	v18 =	vor.u32 v7, v18;
	v25 =	vld.idx.msk @p0 [tilespmem:v25+s2+$0x0], $0xffff  }
0x10b: {  	v26 =	vmul.f32 @p1 v37, v16;
	v31 =	vor.u32 @p1 v7, v40;
	v24 =	vld.idx.msk [tilespmem:v57+s2+$0x0], $0xffff;
	v30 =	vmax.f32 v30, $0.0e+00  }
0x10c: {  	v20 =	vpsel p0, v20, v0;
	v21 =	vpsel p0, v21, v0;
	[tilespmem:v60+s19+$0x0] =	vst.idx.add.f32.msk $0xffff, v30  }
0x10d: {  	v20 =	vmul.f32 @p0 v20, v16;
	v21 =	vor.u32 @p0 v7, v21;
	v26 =	vadd.f32 @p1 v35, v26;
	v22 =	vld.idx.msk [tilespmem:v61+s2+$0x0], $0xffff  }
0x10e: {  	v27 =	vmul.f32 @p0 v27, v16;
	v32 =	vadd.f32 @p1 v34, v41;
	v23 =	vor.u32 @p0 v7, v23  }
0x10f: {  	v19 =	vor.u32 v7, v19;
	v26 =	vmax.f32 @p1 v26, $0.0e+00;
	v20 =	vadd.f32 @p0 v28, v20  }
0x110: {  	v62 =	vmul.f32 v29, v16;
	[tilespmem:v31+s19+$0x0] =	vst.idx.add.f32.msk @p1 $0xffff, v26;
	v30 =	vmax.f32 @p1 v32, $0.0e+00;
	v25 =	vadd.f32 @p0 v25, v27  }
0x111: {  	v20 =	vmax.f32 @p0 v20, $0.0e+00;
	v17 =	vadd.f32 v24, v17;
	[tilespmem:v38+s19+$0x0] =	vst.idx.add.f32.msk @p1 $0xffff, v30  }
0x112: {  	[tilespmem:v21+s19+$0x0] =	vst.idx.add.f32.msk @p0 $0xffff, v20;
	v20 =	vmax.f32 @p0 v25, $0.0e+00;
	v63 =	vadd.f32 v22, v62  }
0x113: {  	v17 =	vmax.f32 v17, $0.0e+00;
	[tilespmem:v23+s19+$0x0] =	vst.idx.add.f32.msk @p0 $0xffff, v20  }
0x114: {  	[tilespmem:v18+s19+$0x0] =	vst.idx.add.f32.msk $0xffff, v17;
	v17 =	vmax.f32 v63, $0.0e+00  }
0x115: {  	[tilespmem:v19+s19+$0x0] =	vst.idx.add.f32.msk $0xffff, v17  }
.LBB2_6:
0x116: {  	p0 =	sge.s32 s22, s21  }
.Ltmp8:
0x117: {  	_ = 	snop;
	(pc) =	sbr.rel @p0 .LBB2_9-.Ltmp8, $1  }
0x118: {  	_ =	sdelay $0x3  }
0x119: {  	s22 =	ssub.s32 s21, s22  }
0x11a: {  	s22 =	ssub.s32 $0x0, s22  }
.LBB2_8:
0x11b: {  	s23 =	sadd.s32 s22, s21  }
0x11c: {  	v17 =	vmov s23;
	_ =	sdelay $0x4  }
0x11d: {  	v18 =	vld.idx.msk [tilespmem:v17+s15+$0x0], $0xffff;
	_ =	sdelay $0x4  }
0x11e: {  	v18 =	vshll.u32 v18, $0x7  }
0x11f: {  	v19 =	vor.u32 v0, v18;
	_ =	sdelay $0x1  }
0x120: {  	v20 =	vld.idx.msk [tilespmem:v17+s16+$0x0], $0xffff  }
0x121: {  	v17 =	vld.idx.msk [tilespmem:v17+s17+$0x0], $0xffff;
	_ =	sdelay $0x1  }
0x122: {  	v19 =	vld.idx.msk [tilespmem:v19+s2+$0x0], $0xffff;
	_ =	sdelay $0x1  }
0x123: {  	v20 =	vshll.u32 v20, $0x7  }
0x124: {  	v21 =	vmul.f32 v17, v9;
	v22 =	vor.u32 v0, v20  }
0x125: {  	v23 =	vor.u32 v1, v18  }
0x126: {  	v19 =	vadd.f32 v21, v19;
	_ =	sdelay $0x1  }
0x127: {  	v19 =	vmax.f32 v19, $0.0e+00  }
0x128: {  	[tilespmem:v22+s19+$0x0] =	vst.idx.add.f32.msk $0xffff, v19  }
0x129: {  	v19 =	vld.idx.msk [tilespmem:v23+s2+$0x0], $0xffff;
	_ =	sdelay $0x2  }
0x12a: {  	v47 =	vmul.f32 v17, v10;
	v48 =	vor.u32 v1, v20  }
0x12b: {  	v49 =	vor.u32 v2, v18  }
0x12c: {  	v19 =	vadd.f32 v19, v47;
	_ =	sdelay $0x1  }
0x12d: {  	v19 =	vmax.f32 v19, $0.0e+00  }
0x12e: {  	[tilespmem:v48+s19+$0x0] =	vst.idx.add.f32.msk $0xffff, v19  }
0x12f: {  	v19 =	vld.idx.msk [tilespmem:v49+s2+$0x0], $0xffff;
	_ =	sdelay $0x2  }
0x130: {  	v50 =	vmul.f32 v17, v11;
	v51 =	vor.u32 v2, v20  }
0x131: {  	v52 =	vor.u32 v3, v18  }
0x132: {  	v19 =	vadd.f32 v19, v50;
	_ =	sdelay $0x1  }
0x133: {  	v19 =	vmax.f32 v19, $0.0e+00  }
0x134: {  	[tilespmem:v51+s19+$0x0] =	vst.idx.add.f32.msk $0xffff, v19  }
0x135: {  	v19 =	vld.idx.msk [tilespmem:v52+s2+$0x0], $0xffff;
	_ =	sdelay $0x2  }
0x136: {  	v53 =	vmul.f32 v17, v12;
	v54 =	vor.u32 v3, v20  }
0x137: {  	v55 =	vor.u32 v4, v18  }
0x138: {  	v19 =	vadd.f32 v19, v53;
	_ =	sdelay $0x1  }
0x139: {  	v19 =	vmax.f32 v19, $0.0e+00  }
0x13a: {  	[tilespmem:v54+s19+$0x0] =	vst.idx.add.f32.msk $0xffff, v19  }
0x13b: {  	v19 =	vld.idx.msk [tilespmem:v55+s2+$0x0], $0xffff;
	_ =	sdelay $0x2  }
0x13c: {  	v56 =	vmul.f32 v17, v13;
	v57 =	vor.u32 v4, v20  }
0x13d: {  	v58 =	vor.u32 v5, v18  }
0x13e: {  	v19 =	vadd.f32 v19, v56;
	_ =	sdelay $0x1  }
0x13f: {  	v19 =	vmax.f32 v19, $0.0e+00  }
0x140: {  	[tilespmem:v57+s19+$0x0] =	vst.idx.add.f32.msk $0xffff, v19  }
0x141: {  	v19 =	vld.idx.msk [tilespmem:v58+s2+$0x0], $0xffff;
	_ =	sdelay $0x2  }
0x142: {  	v59 =	vmul.f32 v17, v14;
	v60 =	vor.u32 v5, v20  }
0x143: {  	v61 =	vor.u32 v6, v18  }
0x144: {  	v19 =	vadd.f32 v19, v59;
	_ =	sdelay $0x1  }
0x145: {  	v19 =	vmax.f32 v19, $0.0e+00  }
0x146: {  	[tilespmem:v60+s19+$0x0] =	vst.idx.add.f32.msk $0xffff, v19  }
0x147: {  	v19 =	vld.idx.msk [tilespmem:v61+s2+$0x0], $0xffff;
	_ =	sdelay $0x2  }
0x148: {  	v62 =	vmul.f32 v17, v15;
	v63 =	vor.u32 v6, v20  }
0x149: {  	v18 =	vor.u32 v7, v18  }
0x14a: {  	v19 =	vadd.f32 v19, v62;
	_ =	sdelay $0x1  }
0x14b: {  	v19 =	vmax.f32 v19, $0.0e+00  }
0x14c: {  	[tilespmem:v63+s19+$0x0] =	vst.idx.add.f32.msk $0xffff, v19  }
0x14d: {  	v18 =	vld.idx.msk [tilespmem:v18+s2+$0x0], $0xffff;
	_ =	sdelay $0x1  }
0x14e: {  	s22 =	sadd.s32 $0x1, s22  }
0x14f: {  	p0 =	seq.s32 s22, $0x0;
	v17 =	vmul.f32 v17, v16;
	v19 =	vor.u32 v7, v20  }
.Ltmp9:
0x150: {  	_ = 	snop;
	(pc) =	sbr.rel @!p0 .LBB2_8-.Ltmp9, $3  }
0x151: {  	v17 =	vadd.f32 v18, v17;
	_ =	sdelay $0x1  }
0x152: {  	v17 =	vmax.f32 v17, $0.0e+00  }
0x153: {  	[tilespmem:v19+s19+$0x0] =	vst.idx.add.f32.msk $0xffff, v17  }
.Ltmp10:
0x154: {  	_ = 	snop;
	(pc) =	sbr.rel .LBB2_9-.Ltmp10, $1  }
0x155: {  	_ =	sdelay $0x3  }
.LBB2_5:
.Ltmp11:
0x156: {  	(pc) =	sbr.rel .LBB2_17-.Ltmp11, $3  }
0x157: {  	_ =	sdelay $0x1  }
0x158: {  	v29 =	vmov v27;
	v24 =	vmov v31  }
0x159: {  	v17 =	vmovc v20;
	v26 =	vmovc v35;
	v18 =	vmov v21;
	v22 =	vmov v25;
	v19 =	vmov v23  }
.LBB2_12:
.Ltmp12:
0x15a: {  	(pc) =	sbr.rel .LBB2_17-.Ltmp12, $2  }
0x15b: {  	_ =	sdelay $0x2  }
0x15c: {  	v24 =	vmov v28;
	v29 =	vmov v30  }
.LBB2_14:
.Ltmp13:
0x15d: {  	(pc) =	sbr.rel .LBB2_17-.Ltmp13, $4  }
0x15e: {  	v46 =	vmov v25;
	v41 =	vmov v20  }
0x15f: {  	v38 =	vmovc v21;
	v40 =	vmovc v23;
	v37 =	vmov v27;
	v20 =	vmov v17;
	v35 =	vmov v26  }
0x160: {  	v21 =	vmovc v18;
	v25 =	vmovc v22;
	v23 =	vmov v19;
	v17 =	vmov v33;
	v26 =	vmov v42  }
0x161: {  	v18 =	vmovc v39;
	v22 =	vmovc v53;
	v27 =	vmov v30;
	v19 =	vmov v34;
	v31 =	vmov v28  }
.LBB2_10:
0x162: {  	_ =	sfence.sel $0x180000  }
0x163: {  	[bflag:$0x0] =	sbarrier.arrive $0xFFFF  }
0x164: {  	p0 =	sne.s32 s0, $0x0;
	_ =	strace $0x90000053  }
0x165: {  	s0 =	sadd.s32 @!p0 $0x100000, s1;
	[bflag:$0x2] =	sbarrier.arrive $0xFFFF  }
0x166: {  	[sflag:s0] =	ssyncadd.tile.s32 @!p0 $0x1;
	_ =	shalt  }
.Lfunc_end2:
_tile_overlayer_lowered:
.L_overlay_start_2:
0x167: {  	(tag) =	ssettag $0x2  }
0x168: {  	s0 =	rddreg [dreg:$0x0];
	s2 =	stileid.u32  }
0x169: {  	s1 =	rddreg [dreg:$0x1];
	p0 =	sne.s32 s2, $0x0  }
0x16a: {  	s3 =	rddreg [dreg:$0x2];
	[bflag:$0x3] =	sbarrier.arrive $0xFFFF;
	s2 =	simm.s32 @!p0 $0x1C01  }
0x16b: {  	[timem:s3], [sflag:s2] =	dma.local @!p0 [hbm:s0], s1  }
0x16c: {  	s0 =	simm.s32 @!p0 $0x1  }
0x16d: {  	_ =	swait.ge @!p0 [sflag:s0], s1  }
0x16e: {  	s1 =	ssub.s32 @!p0 $0x0, s1;
	[sflag:s0] =	ssyncset.done @!p0 $0x0  }
0x16f: {  	[sflag:s0] =	ssyncadd.s32 @!p0 s1  }
0x170: {  	[bflag:$0x3] =	sbarrier.arrive $0xFFFF  }
0x171: {  	_ =	shalt  }

</sc_bundles>
